<compile_context>
chip_gen: v7x
topology: tpu7x:2x2x1
jax: 0.10.2.dev20260603
libtpu: 0.0.44.dev20260713+nightly
codegen_flags: <defaults>
</compile_context>

<pallas_src>
import functools

import jax
import jax.numpy as jnp
from jax import lax
from jax.experimental import pallas as pl
from jax.experimental.pallas import tpu as pltpu
from jax.experimental.pallas import tpu_sc as plsc

N = 10000
E = 320000
D = 128
DA = 144
G = 128
C = 2

NC, NS = 2, 16
NW = NC * NS
EPW = E // NW
EC = 80
NCH = EPW // EC

_CB = 48


def _build_sc_aggregate(W, nblk, depth, counts=False):
  mesh = plsc.VectorSubcoreMesh(core_axis_name="c", subcore_axis_name="s")
  ib = NCH // nblk

  scratch = ([pltpu.VMEM((EC, W), jnp.float32) for _ in range(depth)] +
             [pltpu.VMEM((ib, EC), jnp.int32),
              pltpu.VMEM((ib, EC), jnp.int32),
              pltpu.VMEM_SHARED((N, W), jnp.float32)] +
             [pltpu.SemaphoreType.DMA for _ in range(2 * depth)])
  out_type = [jax.ShapeDtypeStruct((NC * N, W), jnp.float32)]
  if counts:
    scratch += [
        pltpu.VMEM_SHARED((N, 16), jnp.float32),
        pltpu.VMEM((EC, 16), jnp.float32),
        pltpu.VMEM((_CB, 16), jnp.float32),
        pltpu.SemaphoreType.DMA,
    ]
    out_type += [jax.ShapeDtypeStruct((NC * N, D), jnp.float32)]

  @functools.partial(
      pl.kernel,
      mesh=mesh,
      compiler_params=pltpu.CompilerParams(use_tc_tiling_on_sc=False),
      out_type=out_type,
      scratch_types=scratch,
  )
  def sc_agg(xa, src2, dst2, zeros, *rest):
    if counts:
      zeros16, ones_h, out, cntout = rest[0], rest[1], rest[2], rest[3]
      scr = rest[4:]
      cnt_sh, ones_v, cb, csem = scr[3 * depth + 3:]
    else:
      out = rest[0]
      scr = rest[1:]
    rows = scr[:depth]
    srcb, dstb, agg_sh = scr[depth:depth + 3]
    gsems = scr[depth + 3:2 * depth + 3]
    ssems = scr[2 * depth + 3:3 * depth + 3]
    cid = lax.axis_index("c")
    sid = lax.axis_index("s")
    wid = sid * NC + cid
    crow0 = wid * NCH

    r0 = sid * 624
    pltpu.sync_copy(zeros.at[pl.ds(0, 624)], agg_sh.at[pl.ds(r0, 624)])

    @pl.when(sid == 15)
    def _():
      pltpu.sync_copy(zeros.at[pl.ds(0, 16)], agg_sh.at[pl.ds(9984, 16)])

    if counts:
      pltpu.sync_copy(zeros16.at[pl.ds(0, 624)], cnt_sh.at[pl.ds(r0, 624)])
      pltpu.sync_copy(ones_h, ones_v)

      @pl.when(sid == 15)
      def _():
        pltpu.sync_copy(zeros16.at[pl.ds(0, 16)], cnt_sh.at[pl.ds(9984, 16)])

    plsc.subcore_barrier()

    def gather_start(b, j):
      pltpu.async_copy(xa.at[srcb.at[j]], rows[b], gsems[b])

    def gather_wait(b, j):
      pltpu.make_async_copy(xa.at[srcb.at[j]], rows[b], gsems[b]).wait()

    def scatter_start(b, j):
      pltpu.async_copy(rows[b], agg_sh.at[dstb.at[j]], ssems[b], add=True)

    def scatter_wait(b, j):
      pltpu.make_async_copy(rows[b], agg_sh.at[dstb.at[j]], ssems[b]).wait()

    for blk in range(nblk):
      base = crow0 + blk * ib
      pltpu.sync_copy(src2.at[pl.ds(base, ib)], srcb)
      pltpu.sync_copy(dst2.at[pl.ds(base, ib)], dstb)

      for k in range(depth - 1):
        gather_start(k, k)

      def body(j, carry):
        for par in range(depth):
          @pl.when((j % depth) == par)
          def _():
            nb = (par + depth - 1) % depth

            @pl.when(j + depth - 1 < ib)
            def _():
              @pl.when(j >= 1)
              def _():
                scatter_wait(nb, j - 1)
              gather_start(nb, j + depth - 1)

            gather_wait(par, j)
            scatter_start(par, j)
            if counts:
              pltpu.async_copy(ones_v, cnt_sh.at[dstb.at[j]], csem, add=True)
        return carry

      lax.fori_loop(0, ib, body, 0)
      for k in range(ib - depth, ib):
        scatter_wait(k % depth, k)

      if counts:
        def cdrain(t, carry):
          pltpu.make_async_copy(ones_v, cnt_sh.at[dstb.at[0]], csem).wait()
          return carry

        lax.fori_loop(0, ib, cdrain, 0)

    plsc.subcore_barrier()

    ob = cid * N + r0
    pltpu.sync_copy(agg_sh.at[pl.ds(r0, 624)], out.at[pl.ds(ob, 624)])

    @pl.when(sid == 15)
    def _():
      pltpu.sync_copy(agg_sh.at[pl.ds(9984, 16)], out.at[pl.ds(cid * N + 9984, 16)])

    if counts:
      def expand(nrows, cr, orow):
        pltpu.sync_copy(cnt_sh.at[pl.ds(cr, nrows)], cb.at[pl.ds(0, nrows)])

        def erow(r, c2):
          v = cb[r, :]
          for kk in range(8):
            rows[0][r, pl.ds(kk * 16, 16)] = v
          return c2

        lax.fori_loop(0, nrows, erow, 0)
        pltpu.sync_copy(rows[0].at[pl.ds(0, nrows)], cntout.at[pl.ds(orow, nrows)])

      def cexp(k, carry):
        expand(_CB, r0 + k * _CB, cid * N + r0 + k * _CB)
        return carry

      lax.fori_loop(0, 624 // _CB, cexp, 0)

      @pl.when(sid == 15)
      def _():
        expand(16, 9984, cid * N + 9984)

  return sc_agg


_sc_aggregate_cnt = _build_sc_aggregate(D, 5, 3, counts=True)
_sc_aggregate = _build_sc_aggregate(D, 1, 3)

_BR = 2000
_GRID = N // _BR
_DOT = dict(preferred_element_type=jnp.float32, precision=lax.Precision.HIGHEST)


def _layer1_body(agg_ref, cnt_ref, x_ref, wl_ref, bl_ref, wr_ref, g_ref,
                 be_ref, h_ref, invc_ref):
  inv = 1.0 / jnp.maximum(cnt_ref[0] + cnt_ref[1], 1.0)
  mean = (agg_ref[0] + agg_ref[1]) * inv
  xs = x_ref[...]
  h = lax.dot_general(mean, wl_ref[...], (((1,), (1,)), ((), ())), **_DOT)
  h = h + lax.dot_general(xs, wr_ref[...], (((1,), (1,)), ((), ())), **_DOT)
  h = jnp.maximum(h + bl_ref[...], 0.0)
  mu = jnp.mean(h, axis=1, keepdims=True)
  var = jnp.mean((h - mu) ** 2, axis=1, keepdims=True)
  h_ref[...] = (h - mu) * lax.rsqrt(var + 1e-5) * g_ref[...] + be_ref[...]
  invc_ref[...] = inv


_tc_layer1 = pl.pallas_call(
    _layer1_body,
    grid=(_GRID,),
    in_specs=[
        pl.BlockSpec((2, _BR, D), lambda i: (0, i, 0)),
        pl.BlockSpec((2, _BR, D), lambda i: (0, i, 0)),
        pl.BlockSpec((_BR, D), lambda i: (i, 0)),
        pl.BlockSpec((D, D), lambda i: (0, 0)),
        pl.BlockSpec((1, D), lambda i: (0, 0)),
        pl.BlockSpec((D, D), lambda i: (0, 0)),
        pl.BlockSpec((1, D), lambda i: (0, 0)),
        pl.BlockSpec((1, D), lambda i: (0, 0)),
    ],
    out_specs=[
        pl.BlockSpec((_BR, D), lambda i: (i, 0)),
        pl.BlockSpec((_BR, D), lambda i: (i, 0)),
    ],
    out_shape=[
        jax.ShapeDtypeStruct((N, D), jnp.float32),
        jax.ShapeDtypeStruct((N, D), jnp.float32),
    ],
)


def _layer2_body(agg_ref, x_ref, invc_ref, wl_ref, bl_ref, wr_ref, g_ref,
                 be_ref, h_ref):
  mean = (agg_ref[0] + agg_ref[1]) * invc_ref[...]
  xs = x_ref[...]
  h = lax.dot_general(mean, wl_ref[...], (((1,), (1,)), ((), ())), **_DOT)
  h = h + lax.dot_general(xs, wr_ref[...], (((1,), (1,)), ((), ())), **_DOT)
  h = jnp.maximum(h + bl_ref[...], 0.0) + xs
  mu = jnp.mean(h, axis=1, keepdims=True)
  var = jnp.mean((h - mu) ** 2, axis=1, keepdims=True)
  h_ref[...] = (h - mu) * lax.rsqrt(var + 1e-5) * g_ref[...] + be_ref[...]


_tc_layer2 = pl.pallas_call(
    _layer2_body,
    grid=(_GRID,),
    in_specs=[
        pl.BlockSpec((2, _BR, D), lambda i: (0, i, 0)),
        pl.BlockSpec((_BR, D), lambda i: (i, 0)),
        pl.BlockSpec((_BR, D), lambda i: (i, 0)),
        pl.BlockSpec((D, D), lambda i: (0, 0)),
        pl.BlockSpec((1, D), lambda i: (0, 0)),
        pl.BlockSpec((D, D), lambda i: (0, 0)),
        pl.BlockSpec((1, D), lambda i: (0, 0)),
        pl.BlockSpec((1, D), lambda i: (0, 0)),
    ],
    out_specs=pl.BlockSpec((_BR, D), lambda i: (i, 0)),
    out_shape=jax.ShapeDtypeStruct((N, D), jnp.float32),
)


def _layer3_pool_body(agg_ref, x_ref, invc_ref, wl_ref, bl_ref, wr_ref,
                      g_ref, be_ref, b_ref, wc_ref, bc_ref, h_ref, out_ref,
                      avg_ref, gsum, gcnt):
  i = pl.program_id(0)

  mean = (agg_ref[0] + agg_ref[1]) * invc_ref[...]
  xs = x_ref[...]
  h = lax.dot_general(mean, wl_ref[...], (((1,), (1,)), ((), ())), **_DOT)
  h = h + lax.dot_general(xs, wr_ref[...], (((1,), (1,)), ((), ())), **_DOT)
  h = jnp.maximum(h + bl_ref[...], 0.0) + xs
  mu = jnp.mean(h, axis=1, keepdims=True)
  var = jnp.mean((h - mu) ** 2, axis=1, keepdims=True)
  y = (h - mu) * lax.rsqrt(var + 1e-5) * g_ref[...] + be_ref[...]
  h_ref[...] = y

  @pl.when(i == 0)
  def _():
    gsum[...] = jnp.zeros_like(gsum)
    gcnt[...] = jnp.zeros_like(gcnt)

  oh = (b_ref[...] == lax.broadcasted_iota(jnp.int32, (_BR, G), 1))
  oh = oh.astype(jnp.float32)
  gsum[...] += lax.dot_general(oh, y, (((0,), (0,)), ((), ())), **_DOT)
  gcnt[...] += lax.dot_general(oh, jnp.ones((_BR, G), jnp.float32),
                               (((0,), (0,)), ((), ())), **_DOT)

  @pl.when(i == _GRID - 1)
  def _():
    avg = gsum[...] / jnp.maximum(gcnt[...], 1.0)
    avg_ref[...] = avg
    out_ref[...] = lax.dot_general(avg, wc_ref[...], (((1,), (1,)), ((), ())),
                                   **_DOT) + bc_ref[...]


_tc_layer3_pool = pl.pallas_call(
    _layer3_pool_body,
    grid=(_GRID,),
    in_specs=[
        pl.BlockSpec((2, _BR, D), lambda i: (0, i, 0)),
        pl.BlockSpec((_BR, D), lambda i: (i, 0)),
        pl.BlockSpec((_BR, D), lambda i: (i, 0)),
        pl.BlockSpec((D, D), lambda i: (0, 0)),
        pl.BlockSpec((1, D), lambda i: (0, 0)),
        pl.BlockSpec((D, D), lambda i: (0, 0)),
        pl.BlockSpec((1, D), lambda i: (0, 0)),
        pl.BlockSpec((1, D), lambda i: (0, 0)),
        pl.BlockSpec((_BR, 1), lambda i: (i, 0)),
        pl.BlockSpec((C, D), lambda i: (0, 0)),
        pl.BlockSpec((1, C), lambda i: (0, 0)),
    ],
    out_specs=[
        pl.BlockSpec((_BR, D), lambda i: (i, 0)),
        pl.BlockSpec((G, C), lambda i: (0, 0)),
        pl.BlockSpec((G, D), lambda i: (0, 0)),
    ],
    out_shape=[
        jax.ShapeDtypeStruct((N, D), jnp.float32),
        jax.ShapeDtypeStruct((G, C), jnp.float32),
        jax.ShapeDtypeStruct((G, D), jnp.float32),
    ],
    scratch_shapes=[
        pltpu.VMEM((G, D), jnp.float32),
        pltpu.VMEM((G, G), jnp.float32),
    ],
)


def kernel(x, edge_index, batch, W1l, b1l, W1r, g1, be1, W2l, b2l, W2r, g2,
           be2, W3l, b3l, W3r, g3, be3, Wc, bc):
  src2 = edge_index[0].reshape(E // EC, EC)
  dst2 = edge_index[1].reshape(E // EC, EC)
  zeros_d = jnp.zeros((624, D), jnp.float32)
  zeros16 = jnp.zeros((624, 16), jnp.float32)
  ones_h = jnp.ones((EC, 16), jnp.float32)

  agg1, cnt1 = _sc_aggregate_cnt(x, src2, dst2, zeros_d, zeros16, ones_h)
  h1, invc = _tc_layer1(agg1.reshape(2, N, D), cnt1.reshape(2, N, D), x,
                        W1l, b1l.reshape(1, D), W1r,
                        g1.reshape(1, D), be1.reshape(1, D))

  agg2 = _sc_aggregate(h1, src2, dst2, zeros_d)[0].reshape(2, N, D)
  h2 = _tc_layer2(agg2, h1, invc, W2l, b2l.reshape(1, D), W2r,
                  g2.reshape(1, D), be2.reshape(1, D))

  agg3 = _sc_aggregate(h2, src2, dst2, zeros_d)[0].reshape(2, N, D)
  h3, out, avg = _tc_layer3_pool(agg3, h2, invc, W3l, b3l.reshape(1, D),
                                 W3r, g3.reshape(1, D), be3.reshape(1, D),
                                 batch.reshape(N, 1), Wc, bc.reshape(1, C))
  return (out, h3, avg)

# --- scband reference (transcript-rebuilt; emitter-appended) ---
"""Pipeline reference for scband-upfdgraph-sage-net-24764781429188 (READ-ONLY COPY).

The authoritative reference and input builder live on the scoring server;
editing this copy changes nothing except your own understanding.
"""

import jax, jax.numpy as jnp
import numpy as np

N = 10000
E = 320000
D = 128
H = 128
C = 2
G = 128


def setup_inputs(seed: int = 0) -> dict:
    key = jax.random.key(seed)
    ks = jax.random.split(key, 24)
    inp = {}
    inp["x"] = jax.random.normal(ks[0], (N, D), dtype=jnp.float32)
    inp["edge_index"] = jax.random.randint(ks[1], (2, E), 0, N, dtype=jnp.int32)
    inp["batch"] = jnp.sort(jax.random.randint(ks[2], (N,), 0, G, dtype=jnp.int32))
    s = 0.05
    # SAGEConv layer 1
    inp["W1l"] = jax.random.normal(ks[3], (H, D), dtype=jnp.float32) * s
    inp["b1l"] = jnp.zeros((H,), dtype=jnp.float32)
    inp["W1r"] = jax.random.normal(ks[4], (H, D), dtype=jnp.float32) * s
    inp["g1"] = jnp.ones((H,), dtype=jnp.float32)
    inp["be1"] = jnp.zeros((H,), dtype=jnp.float32)
    # SAGEConv layer 2
    inp["W2l"] = jax.random.normal(ks[5], (H, H), dtype=jnp.float32) * s
    inp["b2l"] = jnp.zeros((H,), dtype=jnp.float32)
    inp["W2r"] = jax.random.normal(ks[6], (H, H), dtype=jnp.float32) * s
    inp["g2"] = jnp.ones((H,), dtype=jnp.float32)
    inp["be2"] = jnp.zeros((H,), dtype=jnp.float32)
    # SAGEConv layer 3
    inp["W3l"] = jax.random.normal(ks[7], (H, H), dtype=jnp.float32) * s
    inp["b3l"] = jnp.zeros((H,), dtype=jnp.float32)
    inp["W3r"] = jax.random.normal(ks[8], (H, H), dtype=jnp.float32) * s
    inp["g3"] = jnp.ones((H,), dtype=jnp.float32)
    inp["be3"] = jnp.zeros((H,), dtype=jnp.float32)
    # classifier
    inp["Wc"] = jax.random.normal(ks[9], (C, H), dtype=jnp.float32) * s
    inp["bc"] = jnp.zeros((C,), dtype=jnp.float32)
    return inp


def _sage_conv(x, src, dst, Wl, bl, Wr):
    # PyG SAGEConv with mean aggregation: lin_l(mean_{j in N(i)} x_j) + lin_r(x_i)
    msg = x[src]
    agg = jax.ops.segment_sum(msg, dst, num_segments=N)
    cnt = jax.ops.segment_sum(jnp.ones((dst.shape[0], 1), dtype=x.dtype), dst, num_segments=N)
    mean = agg / jnp.clip(cnt, 1.0, None)
    return mean @ Wl.T + bl + x @ Wr.T


def _layer_norm(h, g, b, eps=1e-5):
    mu = jnp.mean(h, axis=-1, keepdims=True)
    var = jnp.var(h, axis=-1, keepdims=True)
    return (h - mu) / jnp.sqrt(var + eps) * g + b


def reference(x, edge_index, batch, W1l, b1l, W1r, g1, be1, W2l, b2l, W2r, g2, be2, W3l, b3l, W3r, g3, be3, Wc, bc):
    src = edge_index[0]
    dst = edge_index[1]
    # layer 1 (dropout is identity in eval mode)
    h1 = jax.nn.relu(_sage_conv(x, src, dst, W1l, b1l, W1r))
    h1 = _layer_norm(h1, g1, be1)
    # layer 2 with residual
    h2 = jax.nn.relu(_sage_conv(h1, src, dst, W2l, b2l, W2r))
    h2 = _layer_norm(h2 + h1, g2, be2)
    # layer 3 with residual
    h3 = jax.nn.relu(_sage_conv(h2, src, dst, W3l, b3l, W3r))
    h3 = _layer_norm(h2 + h3, g3, be3)
    # global mean pool over graphs
    gsum = jax.ops.segment_sum(h3, batch, num_segments=G)
    gcnt = jax.ops.segment_sum(jnp.ones((N, 1), dtype=h3.dtype), batch, num_segments=G)
    avg = gsum / jnp.clip(gcnt, 1.0, None)
    out = avg @ Wc.T + bc
    return (out, h3, avg)

if __name__ == "__main__":
    import jax
    _d = setup_inputs()
    print(jax.jit(kernel)(*tuple(_d.values())))

</pallas_src>

<mosaic_0001>
#map = affine_map<(d0, d1) -> (0, 0)>
module attributes {stable_mosaic.version = 14 : i64} {
  func.func @sc_agg(%arg0: i32, %arg1: i32, %arg2: memref<10000x128xf32, #tpu.memory_space<hbm>>, %arg3: memref<4000x80xi32, #tpu.memory_space<hbm>>, %arg4: memref<4000x80xi32, #tpu.memory_space<hbm>>, %arg5: memref<624x128xf32, #tpu.memory_space<hbm>>, %arg6: memref<20000x128xf32, #tpu.memory_space<hbm>>, %arg7: memref<80x128xf32, #tpu.memory_space<vmem>>, %arg8: memref<80x128xf32, #tpu.memory_space<vmem>>, %arg9: memref<80x128xf32, #tpu.memory_space<vmem>>, %arg10: memref<125x80xi32, #tpu.memory_space<vmem>>, %arg11: memref<125x80xi32, #tpu.memory_space<vmem>>, %arg12: memref<10000x128xf32, #tpu.memory_space<vmem_shared>>, %arg13: memref<!tpu.dma_semaphore, #tpu.memory_space<semaphore_mem>>, %arg14: memref<!tpu.dma_semaphore, #tpu.memory_space<semaphore_mem>>, %arg15: memref<!tpu.dma_semaphore, #tpu.memory_space<semaphore_mem>>, %arg16: memref<!tpu.dma_semaphore, #tpu.memory_space<semaphore_mem>>, %arg17: memref<!tpu.dma_semaphore, #tpu.memory_space<semaphore_mem>>, %arg18: memref<!tpu.dma_semaphore, #tpu.memory_space<semaphore_mem>>) attributes {dimension_semantics = [#tpu.dimension_semantics<core_parallel>, #tpu.dimension_semantics<subcore_parallel>], iteration_bounds = array<i64: 2, 16>, scalar_prefetch = 0 : i64, scratch_operands = 12 : i64, tpu.core_type = #tpu.core_type<sc_vector_subcore>, window_params = [{transform_indices = #map}, {transform_indices = #map}, {transform_indices = #map}, {transform_indices = #map}, {transform_indices = #map}]} {
    %mul3A = arith.constant 2 : i32
    %mul3A_0 = arith.muli %arg1, %mul3A : i32
    %add3A = arith.addi %mul3A_0, %arg0 : i32
    %mul3A_1 = arith.constant 125 : i32
    %mul3A_2 = arith.muli %add3A, %mul3A_1 : i32
    %mul3A_3 = arith.constant 624 : i32
    %mul3A_4 = arith.muli %arg1, %mul3A_3 : i32
    "tpu.region"() ({
      %run_scoped3A = tpu.sem_alloc : memref<!tpu.dma_semaphore, #tpu.memory_space<semaphore_mem>>
      %dma_start3A_56 = arith.constant 0 : i32
      %dma_start3A_57 = tpu.memref_slice %arg12[%mul3A_4, %dma_start3A_56] : memref<10000x128xf32, #tpu.memory_space<vmem_shared>> -> memref<624x128xf32, #tpu.memory_space<vmem_shared>>
      %dma_start3A_58 = arith.constant 0 : i32
      %dma_start3A_59 = arith.constant 0 : i32
      %dma_start3A_60 = tpu.memref_slice %arg5[%dma_start3A_58, %dma_start3A_59] : memref<624x128xf32, #tpu.memory_space<hbm>> -> memref<624x128xf32, #tpu.memory_space<hbm>>
      tpu.enqueue_dma source(%dma_start3A_60 : memref<624x128xf32, #tpu.memory_space<hbm>>) target(%dma_start3A_57 : memref<624x128xf32, #tpu.memory_space<vmem_shared>>) target_semaphore(%run_scoped3A : memref<!tpu.dma_semaphore, #tpu.memory_space<semaphore_mem>>)
      %dma_wait3A_61 = arith.constant 0 : i32
      %dma_wait3A_62 = tpu.memref_slice %arg12[%mul3A_4, %dma_wait3A_61] : memref<10000x128xf32, #tpu.memory_space<vmem_shared>> -> memref<624x128xf32, #tpu.memory_space<vmem_shared>>
      %dma_wait3A_63 = arith.constant 0 : i32
      %dma_wait3A_64 = arith.constant 0 : i32
      %dma_wait3A_65 = tpu.memref_slice %arg5[%dma_wait3A_63, %dma_wait3A_64] : memref<624x128xf32, #tpu.memory_space<hbm>> -> memref<624x128xf32, #tpu.memory_space<hbm>>
      tpu.wait_dma2 semaphore(%run_scoped3A : memref<!tpu.dma_semaphore, #tpu.memory_space<semaphore_mem>>) src(%dma_wait3A_65 : memref<624x128xf32, #tpu.memory_space<hbm>>) dst(%dma_wait3A_62 : memref<624x128xf32, #tpu.memory_space<vmem_shared>>)
      tpu.yield
    }) : () -> ()
    %eq3A = arith.constant 15 : i32
    %eq3A_5 = arith.cmpi eq, %arg1, %eq3A : i32
    %convert_element_type3A = arith.extui %eq3A_5 : i1 to i32
    %cond3A = arith.constant 0 : i32
    %cond3A_6 = arith.cmpi ne, %convert_element_type3A, %cond3A : i32
    scf.if %cond3A_6 {
      "tpu.region"() ({
        %run_scoped3A = tpu.sem_alloc : memref<!tpu.dma_semaphore, #tpu.memory_space<semaphore_mem>>
        %dma_start3A_56 = arith.constant 9984 : i32
        %dma_start3A_57 = arith.constant 0 : i32
        %dma_start3A_58 = tpu.memref_slice %arg12[%dma_start3A_56, %dma_start3A_57] : memref<10000x128xf32, #tpu.memory_space<vmem_shared>> -> memref<16x128xf32, #tpu.memory_space<vmem_shared>>
        %dma_start3A_59 = arith.constant 0 : i32
        %dma_start3A_60 = arith.constant 0 : i32
        %dma_start3A_61 = tpu.memref_slice %arg5[%dma_start3A_59, %dma_start3A_60] : memref<624x128xf32, #tpu.memory_space<hbm>> -> memref<16x128xf32, #tpu.memory_space<hbm>>
        tpu.enqueue_dma source(%dma_start3A_61 : memref<16x128xf32, #tpu.memory_space<hbm>>) target(%dma_start3A_58 : memref<16x128xf32, #tpu.memory_space<vmem_shared>>) target_semaphore(%run_scoped3A : memref<!tpu.dma_semaphore, #tpu.memory_space<semaphore_mem>>)
        %dma_wait3A_62 = arith.constant 9984 : i32
        %dma_wait3A_63 = arith.constant 0 : i32
        %dma_wait3A_64 = tpu.memref_slice %arg12[%dma_wait3A_62, %dma_wait3A_63] : memref<10000x128xf32, #tpu.memory_space<vmem_shared>> -> memref<16x128xf32, #tpu.memory_space<vmem_shared>>
        %dma_wait3A_65 = arith.constant 0 : i32
        %dma_wait3A_66 = arith.constant 0 : i32
        %dma_wait3A_67 = tpu.memref_slice %arg5[%dma_wait3A_65, %dma_wait3A_66] : memref<624x128xf32, #tpu.memory_space<hbm>> -> memref<16x128xf32, #tpu.memory_space<hbm>>
        tpu.wait_dma2 semaphore(%run_scoped3A : memref<!tpu.dma_semaphore, #tpu.memory_space<semaphore_mem>>) src(%dma_wait3A_67 : memref<16x128xf32, #tpu.memory_space<hbm>>) dst(%dma_wait3A_64 : memref<16x128xf32, #tpu.memory_space<vmem_shared>>)
        tpu.yield
      }) : () -> ()
    } else {
    }
    %barrier3A = arith.constant 0 : index
    tpu.barrier barrier_id(%barrier3A)
    %add3A_7 = arith.constant 0 : i32
    %add3A_8 = arith.addi %mul3A_2, %add3A_7 : i32
    "tpu.region"() ({
      %run_scoped3A = tpu.sem_alloc : memref<!tpu.dma_semaphore, #tpu.memory_space<semaphore_mem>>
      %dma_start3A_56 = arith.constant 0 : i32
      %dma_start3A_57 = tpu.memref_slice %arg3[%add3A_8, %dma_start3A_56] : memref<4000x80xi32, #tpu.memory_space<hbm>> -> memref<125x80xi32, #tpu.memory_space<hbm>>
      %dma_start3A_58 = arith.constant 0 : i32
      %dma_start3A_59 = tpu.memref_slice %arg3[%add3A_8, %dma_start3A_58] : memref<4000x80xi32, #tpu.memory_space<hbm>> -> memref<125x80xi32, #tpu.memory_space<hbm>>
      tpu.enqueue_dma source(%dma_start3A_59 : memref<125x80xi32, #tpu.memory_space<hbm>>) target(%arg10 : memref<125x80xi32, #tpu.memory_space<vmem>>) target_semaphore(%run_scoped3A : memref<!tpu.dma_semaphore, #tpu.memory_space<semaphore_mem>>)
      %dma_wait3A_60 = arith.constant 0 : i32
      %dma_wait3A_61 = tpu.memref_slice %arg3[%add3A_8, %dma_wait3A_60] : memref<4000x80xi32, #tpu.memory_space<hbm>> -> memref<125x80xi32, #tpu.memory_space<hbm>>
      %dma_wait3A_62 = arith.constant 0 : i32
      %dma_wait3A_63 = tpu.memref_slice %arg3[%add3A_8, %dma_wait3A_62] : memref<4000x80xi32, #tpu.memory_space<hbm>> -> memref<125x80xi32, #tpu.memory_space<hbm>>
      tpu.wait_dma2 semaphore(%run_scoped3A : memref<!tpu.dma_semaphore, #tpu.memory_space<semaphore_mem>>) src(%dma_wait3A_63 : memref<125x80xi32, #tpu.memory_space<hbm>>) dst(%arg10 : memref<125x80xi32, #tpu.memory_space<vmem>>)
      tpu.yield
    }) : () -> ()
    "tpu.region"() ({
      %run_scoped3A = tpu.sem_alloc : memref<!tpu.dma_semaphore, #tpu.memory_space<semaphore_mem>>
      %dma_start3A_56 = arith.constant 0 : i32
      %dma_start3A_57 = tpu.memref_slice %arg4[%add3A_8, %dma_start3A_56] : memref<4000x80xi32, #tpu.memory_space<hbm>> -> memref<125x80xi32, #tpu.memory_space<hbm>>
      %dma_start3A_58 = arith.constant 0 : i32
      %dma_start3A_59 = tpu.memref_slice %arg4[%add3A_8, %dma_start3A_58] : memref<4000x80xi32, #tpu.memory_space<hbm>> -> memref<125x80xi32, #tpu.memory_space<hbm>>
      tpu.enqueue_dma source(%dma_start3A_59 : memref<125x80xi32, #tpu.memory_space<hbm>>) target(%arg11 : memref<125x80xi32, #tpu.memory_space<vmem>>) target_semaphore(%run_scoped3A : memref<!tpu.dma_semaphore, #tpu.memory_space<semaphore_mem>>)
      %dma_wait3A_60 = arith.constant 0 : i32
      %dma_wait3A_61 = tpu.memref_slice %arg4[%add3A_8, %dma_wait3A_60] : memref<4000x80xi32, #tpu.memory_space<hbm>> -> memref<125x80xi32, #tpu.memory_space<hbm>>
      %dma_wait3A_62 = arith.constant 0 : i32
      %dma_wait3A_63 = tpu.memref_slice %arg4[%add3A_8, %dma_wait3A_62] : memref<4000x80xi32, #tpu.memory_space<hbm>> -> memref<125x80xi32, #tpu.memory_space<hbm>>
      tpu.wait_dma2 semaphore(%run_scoped3A : memref<!tpu.dma_semaphore, #tpu.memory_space<semaphore_mem>>) src(%dma_wait3A_63 : memref<125x80xi32, #tpu.memory_space<hbm>>) dst(%arg11 : memref<125x80xi32, #tpu.memory_space<vmem>>)
      tpu.yield
    }) : () -> ()
    %dma_start3A = arith.constant 0 : i32
    %dma_start3A_9 = arith.constant 0 : i32
    %dma_start3A_10 = tpu.memref_slice %arg10[%dma_start3A, %dma_start3A_9] : memref<125x80xi32, #tpu.memory_space<vmem>> -> memref<1x80xi32, #tpu.memory_space<vmem>>
    %dma_start3A_11 = tpu.memref_squeeze %dma_start3A_10 : memref<1x80xi32, #tpu.memory_space<vmem>> -> memref<80xi32, #tpu.memory_space<vmem>>
    %dma_start3A_12 = arith.constant 0 : i32
    %dma_start3A_13 = arith.constant 0 : i32
    %dma_start3A_14 = tpu.memref_slice %arg2[%dma_start3A_12, %dma_start3A_13] : memref<10000x128xf32, #tpu.memory_space<hbm>> -> memref<10000x128xf32, #tpu.memory_space<hbm>>
    tpu.enqueue_indirect_dma source(%dma_start3A_14 : memref<10000x128xf32, #tpu.memory_space<hbm>>) target(%arg7 : memref<80x128xf32, #tpu.memory_space<vmem>>) offsets(%dma_start3A_11 : memref<80xi32, #tpu.memory_space<vmem>>) semaphore(%arg13 : memref<!tpu.dma_semaphore, #tpu.memory_space<semaphore_mem>>)
    %dma_start3A_15 = arith.constant 1 : i32
    %dma_start3A_16 = arith.constant 0 : i32
    %dma_start3A_17 = tpu.memref_slice %arg10[%dma_start3A_15, %dma_start3A_16] : memref<125x80xi32, #tpu.memory_space<vmem>> -> memref<1x80xi32, #tpu.memory_space<vmem>>
    %dma_start3A_18 = tpu.memref_squeeze %dma_start3A_17 : memref<1x80xi32, #tpu.memory_space<vmem>> -> memref<80xi32, #tpu.memory_space<vmem>>
    %dma_start3A_19 = arith.constant 0 : i32
    %dma_start3A_20 = arith.constant 0 : i32
    %dma_start3A_21 = tpu.memref_slice %arg2[%dma_start3A_19, %dma_start3A_20] : memref<10000x128xf32, #tpu.memory_space<hbm>> -> memref<10000x128xf32, #tpu.memory_space<hbm>>
    tpu.enqueue_indirect_dma source(%dma_start3A_21 : memref<10000x128xf32, #tpu.memory_space<hbm>>) target(%arg8 : memref<80x128xf32, #tpu.memory_space<vmem>>) offsets(%dma_start3A_18 : memref<80xi32, #tpu.memory_space<vmem>>) semaphore(%arg14 : memref<!tpu.dma_semaphore, #tpu.memory_space<semaphore_mem>>)
    %scan3A = arith.constant 0 : i32
    %scan3A_22 = arith.constant 0 : i32
    %scan3A_23 = arith.constant 125 : i32
    %scan3A_24 = arith.addi %scan3A_22, %scan3A_23 : i32
    %scan3A_25 = arith.constant 1 : i32
    scf.for %scan3A_56 = %scan3A_22 to %scan3A_24 step %scan3A_25  : i32 {
      %jit3A = arith.constant 3 : i32
      %eq3A_57 = arith.constant 0 : i32
      %eq3A_58 = arith.cmpi eq, %jit3A, %eq3A_57 : i32
      %jit3A_59 = arith.constant 1 : i32
      %select_n3A = arith.select %eq3A_58, %jit3A_59, %jit3A : i32
      %rem3A = arith.remsi %scan3A_56, %select_n3A : i32
      %ne3A = arith.constant 0 : i32
      %ne3A_60 = arith.cmpi ne, %rem3A, %ne3A : i32
      %lt3A = arith.constant 0 : i32
      %lt3A_61 = arith.cmpi slt, %rem3A, %lt3A : i32
      %lt3A_62 = arith.constant 0 : i32
      %lt3A_63 = arith.cmpi slt, %select_n3A, %lt3A_62 : i32
      %ne3A_64 = arith.xori %lt3A_61, %lt3A_63 : i1
      %and3A = arith.andi %ne3A_64, %ne3A_60 : i1
      %add3A_65 = arith.addi %rem3A, %select_n3A : i32
      %select_n3A_66 = arith.select %and3A, %add3A_65, %rem3A : i32
      %eq3A_67 = arith.constant 0 : i32
      %eq3A_68 = arith.cmpi eq, %select_n3A_66, %eq3A_67 : i32
      %convert_element_type3A_69 = arith.extui %eq3A_68 : i1 to i32
      %cond3A_70 = arith.constant 0 : i32
      %cond3A_71 = arith.cmpi ne, %convert_element_type3A_69, %cond3A_70 : i32
      scf.if %cond3A_71 {
        %add3A_114 = arith.constant 3 : i32
        %add3A_115 = arith.addi %scan3A_56, %add3A_114 : i32
        %sub3A = arith.constant 1 : i32
        %sub3A_116 = arith.subi %add3A_115, %sub3A : i32
        %lt3A_117 = arith.constant 125 : i32
        %lt3A_118 = arith.cmpi slt, %sub3A_116, %lt3A_117 : i32
        %convert_element_type3A_119 = arith.extui %lt3A_118 : i1 to i32
        %cond3A_120 = arith.constant 0 : i32
        %cond3A_121 = arith.cmpi ne, %convert_element_type3A_119, %cond3A_120 : i32
        scf.if %cond3A_121 {
          %ge3A = arith.constant 1 : i32
          %ge3A_134 = arith.cmpi sge, %scan3A_56, %ge3A : i32
          %convert_element_type3A_135 = arith.extui %ge3A_134 : i1 to i32
          %cond3A_136 = arith.constant 0 : i32
          %cond3A_137 = arith.cmpi ne, %convert_element_type3A_135, %cond3A_136 : i32
          scf.if %cond3A_137 {
            %sub3A_148 = arith.constant 1 : i32
            %sub3A_149 = arith.subi %scan3A_56, %sub3A_148 : i32
            %dma_wait3A_150 = arith.constant 0 : i32
            %dma_wait3A_151 = tpu.memref_slice %arg11[%sub3A_149, %dma_wait3A_150] : memref<125x80xi32, #tpu.memory_space<vmem>> -> memref<1x80xi32, #tpu.memory_space<vmem>>
            %dma_wait3A_152 = tpu.memref_squeeze %dma_wait3A_151 : memref<1x80xi32, #tpu.memory_space<vmem>> -> memref<80xi32, #tpu.memory_space<vmem>>
            %dma_wait3A_153 = arith.constant 0 : i32
            %dma_wait3A_154 = arith.constant 0 : i32
            %dma_wait3A_155 = tpu.memref_slice %arg12[%dma_wait3A_153, %dma_wait3A_154] : memref<10000x128xf32, #tpu.memory_space<vmem_shared>> -> memref<10000x128xf32, #tpu.memory_space<vmem_shared>>
            tpu.wait_indirect_dma semaphore(%arg18 : memref<!tpu.dma_semaphore, #tpu.memory_space<semaphore_mem>>) src(%arg9 : memref<80x128xf32, #tpu.memory_space<vmem>>) dst(%dma_wait3A_155 : memref<10000x128xf32, #tpu.memory_space<vmem_shared>>)
          } else {
          }
          %add3A_138 = arith.constant 3 : i32
          %add3A_139 = arith.addi %scan3A_56, %add3A_138 : i32
          %sub3A_140 = arith.constant 1 : i32
          %sub3A_141 = arith.subi %add3A_139, %sub3A_140 : i32
          %dma_start3A_142 = arith.constant 0 : i32
          %dma_start3A_143 = tpu.memref_slice %arg10[%sub3A_141, %dma_start3A_142] : memref<125x80xi32, #tpu.memory_space<vmem>> -> memref<1x80xi32, #tpu.memory_space<vmem>>
          %dma_start3A_144 = tpu.memref_squeeze %dma_start3A_143 : memref<1x80xi32, #tpu.memory_space<vmem>> -> memref<80xi32, #tpu.memory_space<vmem>>
          %dma_start3A_145 = arith.constant 0 : i32
          %dma_start3A_146 = arith.constant 0 : i32
          %dma_start3A_147 = tpu.memref_slice %arg2[%dma_start3A_145, %dma_start3A_146] : memref<10000x128xf32, #tpu.memory_space<hbm>> -> memref<10000x128xf32, #tpu.memory_space<hbm>>
          tpu.enqueue_indirect_dma source(%dma_start3A_147 : memref<10000x128xf32, #tpu.memory_space<hbm>>) target(%arg9 : memref<80x128xf32, #tpu.memory_space<vmem>>) offsets(%dma_start3A_144 : memref<80xi32, #tpu.memory_space<vmem>>) semaphore(%arg15 : memref<!tpu.dma_semaphore, #tpu.memory_space<semaphore_mem>>)
        } else {
        }
        %dma_wait3A_122 = arith.constant 0 : i32
        %dma_wait3A_123 = tpu.memref_slice %arg10[%scan3A_56, %dma_wait3A_122] : memref<125x80xi32, #tpu.memory_space<vmem>> -> memref<1x80xi32, #tpu.memory_space<vmem>>
        %dma_wait3A_124 = tpu.memref_squeeze %dma_wait3A_123 : memref<1x80xi32, #tpu.memory_space<vmem>> -> memref<80xi32, #tpu.memory_space<vmem>>
        %dma_wait3A_125 = arith.constant 0 : i32
        %dma_wait3A_126 = arith.constant 0 : i32
        %dma_wait3A_127 = tpu.memref_slice %arg2[%dma_wait3A_125, %dma_wait3A_126] : memref<10000x128xf32, #tpu.memory_space<hbm>> -> memref<10000x128xf32, #tpu.memory_space<hbm>>
        tpu.wait_indirect_dma semaphore(%arg13 : memref<!tpu.dma_semaphore, #tpu.memory_space<semaphore_mem>>) src(%dma_wait3A_127 : memref<10000x128xf32, #tpu.memory_space<hbm>>) dst(%arg7 : memref<80x128xf32, #tpu.memory_space<vmem>>)
        %dma_start3A_128 = arith.constant 0 : i32
        %dma_start3A_129 = tpu.memref_slice %arg11[%scan3A_56, %dma_start3A_128] : memref<125x80xi32, #tpu.memory_space<vmem>> -> memref<1x80xi32, #tpu.memory_space<vmem>>
        %dma_start3A_130 = tpu.memref_squeeze %dma_start3A_129 : memref<1x80xi32, #tpu.memory_space<vmem>> -> memref<80xi32, #tpu.memory_space<vmem>>
        %dma_start3A_131 = arith.constant 0 : i32
        %dma_start3A_132 = arith.constant 0 : i32
        %dma_start3A_133 = tpu.memref_slice %arg12[%dma_start3A_131, %dma_start3A_132] : memref<10000x128xf32, #tpu.memory_space<vmem_shared>> -> memref<10000x128xf32, #tpu.memory_space<vmem_shared>>
        tpu.enqueue_indirect_dma source(%arg7 : memref<80x128xf32, #tpu.memory_space<vmem>>) target(%dma_start3A_133 : memref<10000x128xf32, #tpu.memory_space<vmem_shared>>) offsets(%dma_start3A_130 : memref<80xi32, #tpu.memory_space<vmem>>) semaphore(%arg16 : memref<!tpu.dma_semaphore, #tpu.memory_space<semaphore_mem>>) {add = true}
      } else {
      }
      %jit3A_72 = arith.constant 3 : i32
      %eq3A_73 = arith.constant 0 : i32
      %eq3A_74 = arith.cmpi eq, %jit3A_72, %eq3A_73 : i32
      %jit3A_75 = arith.constant 1 : i32
      %select_n3A_76 = arith.select %eq3A_74, %jit3A_75, %jit3A_72 : i32
      %rem3A_77 = arith.remsi %scan3A_56, %select_n3A_76 : i32
      %ne3A_78 = arith.constant 0 : i32
      %ne3A_79 = arith.cmpi ne, %rem3A_77, %ne3A_78 : i32
      %lt3A_80 = arith.constant 0 : i32
      %lt3A_81 = arith.cmpi slt, %rem3A_77, %lt3A_80 : i32
      %lt3A_82 = arith.constant 0 : i32
      %lt3A_83 = arith.cmpi slt, %select_n3A_76, %lt3A_82 : i32
      %ne3A_84 = arith.xori %lt3A_81, %lt3A_83 : i1
      %and3A_85 = arith.andi %ne3A_84, %ne3A_79 : i1
      %add3A_86 = arith.addi %rem3A_77, %select_n3A_76 : i32
      %select_n3A_87 = arith.select %and3A_85, %add3A_86, %rem3A_77 : i32
      %eq3A_88 = arith.constant 1 : i32
      %eq3A_89 = arith.cmpi eq, %select_n3A_87, %eq3A_88 : i32
      %convert_element_type3A_90 = arith.extui %eq3A_89 : i1 to i32
      %cond3A_91 = arith.constant 0 : i32
      %cond3A_92 = arith.cmpi ne, %convert_element_type3A_90, %cond3A_91 : i32
      scf.if %cond3A_92 {
        %add3A_114 = arith.constant 3 : i32
        %add3A_115 = arith.addi %scan3A_56, %add3A_114 : i32
        %sub3A = arith.constant 1 : i32
        %sub3A_116 = arith.subi %add3A_115, %sub3A : i32
        %lt3A_117 = arith.constant 125 : i32
        %lt3A_118 = arith.cmpi slt, %sub3A_116, %lt3A_117 : i32
        %convert_element_type3A_119 = arith.extui %lt3A_118 : i1 to i32
        %cond3A_120 = arith.constant 0 : i32
        %cond3A_121 = arith.cmpi ne, %convert_element_type3A_119, %cond3A_120 : i32
        scf.if %cond3A_121 {
          %ge3A = arith.constant 1 : i32
          %ge3A_134 = arith.cmpi sge, %scan3A_56, %ge3A : i32
          %convert_element_type3A_135 = arith.extui %ge3A_134 : i1 to i32
          %cond3A_136 = arith.constant 0 : i32
          %cond3A_137 = arith.cmpi ne, %convert_element_type3A_135, %cond3A_136 : i32
          scf.if %cond3A_137 {
            %sub3A_148 = arith.constant 1 : i32
            %sub3A_149 = arith.subi %scan3A_56, %sub3A_148 : i32
            %dma_wait3A_150 = arith.constant 0 : i32
            %dma_wait3A_151 = tpu.memref_slice %arg11[%sub3A_149, %dma_wait3A_150] : memref<125x80xi32, #tpu.memory_space<vmem>> -> memref<1x80xi32, #tpu.memory_space<vmem>>
            %dma_wait3A_152 = tpu.memref_squeeze %dma_wait3A_151 : memref<1x80xi32, #tpu.memory_space<vmem>> -> memref<80xi32, #tpu.memory_space<vmem>>
            %dma_wait3A_153 = arith.constant 0 : i32
            %dma_wait3A_154 = arith.constant 0 : i32
            %dma_wait3A_155 = tpu.memref_slice %arg12[%dma_wait3A_153, %dma_wait3A_154] : memref<10000x128xf32, #tpu.memory_space<vmem_shared>> -> memref<10000x128xf32, #tpu.memory_space<vmem_shared>>
            tpu.wait_indirect_dma semaphore(%arg16 : memref<!tpu.dma_semaphore, #tpu.memory_space<semaphore_mem>>) src(%arg7 : memref<80x128xf32, #tpu.memory_space<vmem>>) dst(%dma_wait3A_155 : memref<10000x128xf32, #tpu.memory_space<vmem_shared>>)
          } else {
          }
          %add3A_138 = arith.constant 3 : i32
          %add3A_139 = arith.addi %scan3A_56, %add3A_138 : i32
          %sub3A_140 = arith.constant 1 : i32
          %sub3A_141 = arith.subi %add3A_139, %sub3A_140 : i32
          %dma_start3A_142 = arith.constant 0 : i32
          %dma_start3A_143 = tpu.memref_slice %arg10[%sub3A_141, %dma_start3A_142] : memref<125x80xi32, #tpu.memory_space<vmem>> -> memref<1x80xi32, #tpu.memory_space<vmem>>
          %dma_start3A_144 = tpu.memref_squeeze %dma_start3A_143 : memref<1x80xi32, #tpu.memory_space<vmem>> -> memref<80xi32, #tpu.memory_space<vmem>>
          %dma_start3A_145 = arith.constant 0 : i32
          %dma_start3A_146 = arith.constant 0 : i32
          %dma_start3A_147 = tpu.memref_slice %arg2[%dma_start3A_145, %dma_start3A_146] : memref<10000x128xf32, #tpu.memory_space<hbm>> -> memref<10000x128xf32, #tpu.memory_space<hbm>>
          tpu.enqueue_indirect_dma source(%dma_start3A_147 : memref<10000x128xf32, #tpu.memory_space<hbm>>) target(%arg7 : memref<80x128xf32, #tpu.memory_space<vmem>>) offsets(%dma_start3A_144 : memref<80xi32, #tpu.memory_space<vmem>>) semaphore(%arg13 : memref<!tpu.dma_semaphore, #tpu.memory_space<semaphore_mem>>)
        } else {
        }
        %dma_wait3A_122 = arith.constant 0 : i32
        %dma_wait3A_123 = tpu.memref_slice %arg10[%scan3A_56, %dma_wait3A_122] : memref<125x80xi32, #tpu.memory_space<vmem>> -> memref<1x80xi32, #tpu.memory_space<vmem>>
        %dma_wait3A_124 = tpu.memref_squeeze %dma_wait3A_123 : memref<1x80xi32, #tpu.memory_space<vmem>> -> memref<80xi32, #tpu.memory_space<vmem>>
        %dma_wait3A_125 = arith.constant 0 : i32
        %dma_wait3A_126 = arith.constant 0 : i32
        %dma_wait3A_127 = tpu.memref_slice %arg2[%dma_wait3A_125, %dma_wait3A_126] : memref<10000x128xf32, #tpu.memory_space<hbm>> -> memref<10000x128xf32, #tpu.memory_space<hbm>>
        tpu.wait_indirect_dma semaphore(%arg14 : memref<!tpu.dma_semaphore, #tpu.memory_space<semaphore_mem>>) src(%dma_wait3A_127 : memref<10000x128xf32, #tpu.memory_space<hbm>>) dst(%arg8 : memref<80x128xf32, #tpu.memory_space<vmem>>)
        %dma_start3A_128 = arith.constant 0 : i32
        %dma_start3A_129 = tpu.memref_slice %arg11[%scan3A_56, %dma_start3A_128] : memref<125x80xi32, #tpu.memory_space<vmem>> -> memref<1x80xi32, #tpu.memory_space<vmem>>
        %dma_start3A_130 = tpu.memref_squeeze %dma_start3A_129 : memref<1x80xi32, #tpu.memory_space<vmem>> -> memref<80xi32, #tpu.memory_space<vmem>>
        %dma_start3A_131 = arith.constant 0 : i32
        %dma_start3A_132 = arith.constant 0 : i32
        %dma_start3A_133 = tpu.memref_slice %arg12[%dma_start3A_131, %dma_start3A_132] : memref<10000x128xf32, #tpu.memory_space<vmem_shared>> -> memref<10000x128xf32, #tpu.memory_space<vmem_shared>>
        tpu.enqueue_indirect_dma source(%arg8 : memref<80x128xf32, #tpu.memory_space<vmem>>) target(%dma_start3A_133 : memref<10000x128xf32, #tpu.memory_space<vmem_shared>>) offsets(%dma_start3A_130 : memref<80xi32, #tpu.memory_space<vmem>>) semaphore(%arg17 : memref<!tpu.dma_semaphore, #tpu.memory_space<semaphore_mem>>) {add = true}
      } else {
      }
      %jit3A_93 = arith.constant 3 : i32
      %eq3A_94 = arith.constant 0 : i32
      %eq3A_95 = arith.cmpi eq, %jit3A_93, %eq3A_94 : i32
      %jit3A_96 = arith.constant 1 : i32
      %select_n3A_97 = arith.select %eq3A_95, %jit3A_96, %jit3A_93 : i32
      %rem3A_98 = arith.remsi %scan3A_56, %select_n3A_97 : i32
      %ne3A_99 = arith.constant 0 : i32
      %ne3A_100 = arith.cmpi ne, %rem3A_98, %ne3A_99 : i32
      %lt3A_101 = arith.constant 0 : i32
      %lt3A_102 = arith.cmpi slt, %rem3A_98, %lt3A_101 : i32
      %lt3A_103 = arith.constant 0 : i32
      %lt3A_104 = arith.cmpi slt, %select_n3A_97, %lt3A_103 : i32
      %ne3A_105 = arith.xori %lt3A_102, %lt3A_104 : i1
      %and3A_106 = arith.andi %ne3A_105, %ne3A_100 : i1
      %add3A_107 = arith.addi %rem3A_98, %select_n3A_97 : i32
      %select_n3A_108 = arith.select %and3A_106, %add3A_107, %rem3A_98 : i32
      %eq3A_109 = arith.constant 2 : i32
      %eq3A_110 = arith.cmpi eq, %select_n3A_108, %eq3A_109 : i32
      %convert_element_type3A_111 = arith.extui %eq3A_110 : i1 to i32
      %cond3A_112 = arith.constant 0 : i32
      %cond3A_113 = arith.cmpi ne, %convert_element_type3A_111, %cond3A_112 : i32
      scf.if %cond3A_113 {
        %add3A_114 = arith.constant 3 : i32
        %add3A_115 = arith.addi %scan3A_56, %add3A_114 : i32
        %sub3A = arith.constant 1 : i32
        %sub3A_116 = arith.subi %add3A_115, %sub3A : i32
        %lt3A_117 = arith.constant 125 : i32
        %lt3A_118 = arith.cmpi slt, %sub3A_116, %lt3A_117 : i32
        %convert_element_type3A_119 = arith.extui %lt3A_118 : i1 to i32
        %cond3A_120 = arith.constant 0 : i32
        %cond3A_121 = arith.cmpi ne, %convert_element_type3A_119, %cond3A_120 : i32
        scf.if %cond3A_121 {
          %ge3A = arith.constant 1 : i32
          %ge3A_134 = arith.cmpi sge, %scan3A_56, %ge3A : i32
          %convert_element_type3A_135 = arith.extui %ge3A_134 : i1 to i32
          %cond3A_136 = arith.constant 0 : i32
          %cond3A_137 = arith.cmpi ne, %convert_element_type3A_135, %cond3A_136 : i32
          scf.if %cond3A_137 {
            %sub3A_148 = arith.constant 1 : i32
            %sub3A_149 = arith.subi %scan3A_56, %sub3A_148 : i32
            %dma_wait3A_150 = arith.constant 0 : i32
            %dma_wait3A_151 = tpu.memref_slice %arg11[%sub3A_149, %dma_wait3A_150] : memref<125x80xi32, #tpu.memory_space<vmem>> -> memref<1x80xi32, #tpu.memory_space<vmem>>
            %dma_wait3A_152 = tpu.memref_squeeze %dma_wait3A_151 : memref<1x80xi32, #tpu.memory_space<vmem>> -> memref<80xi32, #tpu.memory_space<vmem>>
            %dma_wait3A_153 = arith.constant 0 : i32
            %dma_wait3A_154 = arith.constant 0 : i32
            %dma_wait3A_155 = tpu.memref_slice %arg12[%dma_wait3A_153, %dma_wait3A_154] : memref<10000x128xf32, #tpu.memory_space<vmem_shared>> -> memref<10000x128xf32, #tpu.memory_space<vmem_shared>>
            tpu.wait_indirect_dma semaphore(%arg17 : memref<!tpu.dma_semaphore, #tpu.memory_space<semaphore_mem>>) src(%arg8 : memref<80x128xf32, #tpu.memory_space<vmem>>) dst(%dma_wait3A_155 : memref<10000x128xf32, #tpu.memory_space<vmem_shared>>)
          } else {
          }
          %add3A_138 = arith.constant 3 : i32
          %add3A_139 = arith.addi %scan3A_56, %add3A_138 : i32
          %sub3A_140 = arith.constant 1 : i32
          %sub3A_141 = arith.subi %add3A_139, %sub3A_140 : i32
          %dma_start3A_142 = arith.constant 0 : i32
          %dma_start3A_143 = tpu.memref_slice %arg10[%sub3A_141, %dma_start3A_142] : memref<125x80xi32, #tpu.memory_space<vmem>> -> memref<1x80xi32, #tpu.memory_space<vmem>>
          %dma_start3A_144 = tpu.memref_squeeze %dma_start3A_143 : memref<1x80xi32, #tpu.memory_space<vmem>> -> memref<80xi32, #tpu.memory_space<vmem>>
          %dma_start3A_145 = arith.constant 0 : i32
          %dma_start3A_146 = arith.constant 0 : i32
          %dma_start3A_147 = tpu.memref_slice %arg2[%dma_start3A_145, %dma_start3A_146] : memref<10000x128xf32, #tpu.memory_space<hbm>> -> memref<10000x128xf32, #tpu.memory_space<hbm>>
          tpu.enqueue_indirect_dma source(%dma_start3A_147 : memref<10000x128xf32, #tpu.memory_space<hbm>>) target(%arg8 : memref<80x128xf32, #tpu.memory_space<vmem>>) offsets(%dma_start3A_144 : memref<80xi32, #tpu.memory_space<vmem>>) semaphore(%arg14 : memref<!tpu.dma_semaphore, #tpu.memory_space<semaphore_mem>>)
        } else {
        }
        %dma_wait3A_122 = arith.constant 0 : i32
        %dma_wait3A_123 = tpu.memref_slice %arg10[%scan3A_56, %dma_wait3A_122] : memref<125x80xi32, #tpu.memory_space<vmem>> -> memref<1x80xi32, #tpu.memory_space<vmem>>
        %dma_wait3A_124 = tpu.memref_squeeze %dma_wait3A_123 : memref<1x80xi32, #tpu.memory_space<vmem>> -> memref<80xi32, #tpu.memory_space<vmem>>
        %dma_wait3A_125 = arith.constant 0 : i32
        %dma_wait3A_126 = arith.constant 0 : i32
        %dma_wait3A_127 = tpu.memref_slice %arg2[%dma_wait3A_125, %dma_wait3A_126] : memref<10000x128xf32, #tpu.memory_space<hbm>> -> memref<10000x128xf32, #tpu.memory_space<hbm>>
        tpu.wait_indirect_dma semaphore(%arg15 : memref<!tpu.dma_semaphore, #tpu.memory_space<semaphore_mem>>) src(%dma_wait3A_127 : memref<10000x128xf32, #tpu.memory_space<hbm>>) dst(%arg9 : memref<80x128xf32, #tpu.memory_space<vmem>>)
        %dma_start3A_128 = arith.constant 0 : i32
        %dma_start3A_129 = tpu.memref_slice %arg11[%scan3A_56, %dma_start3A_128] : memref<125x80xi32, #tpu.memory_space<vmem>> -> memref<1x80xi32, #tpu.memory_space<vmem>>
        %dma_start3A_130 = tpu.memref_squeeze %dma_start3A_129 : memref<1x80xi32, #tpu.memory_space<vmem>> -> memref<80xi32, #tpu.memory_space<vmem>>
        %dma_start3A_131 = arith.constant 0 : i32
        %dma_start3A_132 = arith.constant 0 : i32
        %dma_start3A_133 = tpu.memref_slice %arg12[%dma_start3A_131, %dma_start3A_132] : memref<10000x128xf32, #tpu.memory_space<vmem_shared>> -> memref<10000x128xf32, #tpu.memory_space<vmem_shared>>
        tpu.enqueue_indirect_dma source(%arg9 : memref<80x128xf32, #tpu.memory_space<vmem>>) target(%dma_start3A_133 : memref<10000x128xf32, #tpu.memory_space<vmem_shared>>) offsets(%dma_start3A_130 : memref<80xi32, #tpu.memory_space<vmem>>) semaphore(%arg18 : memref<!tpu.dma_semaphore, #tpu.memory_space<semaphore_mem>>) {add = true}
      } else {
      }
    }
    %scan3A_26 = arith.constant 125 : i32
    %dma_wait3A = arith.constant 122 : i32
    %dma_wait3A_27 = arith.constant 0 : i32
    %dma_wait3A_28 = tpu.memref_slice %arg11[%dma_wait3A, %dma_wait3A_27] : memref<125x80xi32, #tpu.memory_space<vmem>> -> memref<1x80xi32, #tpu.memory_space<vmem>>
    %dma_wait3A_29 = tpu.memref_squeeze %dma_wait3A_28 : memref<1x80xi32, #tpu.memory_space<vmem>> -> memref<80xi32, #tpu.memory_space<vmem>>
    %dma_wait3A_30 = arith.constant 0 : i32
    %dma_wait3A_31 = arith.constant 0 : i32
    %dma_wait3A_32 = tpu.memref_slice %arg12[%dma_wait3A_30, %dma_wait3A_31] : memref<10000x128xf32, #tpu.memory_space<vmem_shared>> -> memref<10000x128xf32, #tpu.memory_space<vmem_shared>>
    tpu.wait_indirect_dma semaphore(%arg18 : memref<!tpu.dma_semaphore, #tpu.memory_space<semaphore_mem>>) src(%arg9 : memref<80x128xf32, #tpu.memory_space<vmem>>) dst(%dma_wait3A_32 : memref<10000x128xf32, #tpu.memory_space<vmem_shared>>)
    %dma_wait3A_33 = arith.constant 123 : i32
    %dma_wait3A_34 = arith.constant 0 : i32
    %dma_wait3A_35 = tpu.memref_slice %arg11[%dma_wait3A_33, %dma_wait3A_34] : memref<125x80xi32, #tpu.memory_space<vmem>> -> memref<1x80xi32, #tpu.memory_space<vmem>>
    %dma_wait3A_36 = tpu.memref_squeeze %dma_wait3A_35 : memref<1x80xi32, #tpu.memory_space<vmem>> -> memref<80xi32, #tpu.memory_space<vmem>>
    %dma_wait3A_37 = arith.constant 0 : i32
    %dma_wait3A_38 = arith.constant 0 : i32
    %dma_wait3A_39 = tpu.memref_slice %arg12[%dma_wait3A_37, %dma_wait3A_38] : memref<10000x128xf32, #tpu.memory_space<vmem_shared>> -> memref<10000x128xf32, #tpu.memory_space<vmem_shared>>
    tpu.wait_indirect_dma semaphore(%arg16 : memref<!tpu.dma_semaphore, #tpu.memory_space<semaphore_mem>>) src(%arg7 : memref<80x128xf32, #tpu.memory_space<vmem>>) dst(%dma_wait3A_39 : memref<10000x128xf32, #tpu.memory_space<vmem_shared>>)
    %dma_wait3A_40 = arith.constant 124 : i32
    %dma_wait3A_41 = arith.constant 0 : i32
    %dma_wait3A_42 = tpu.memref_slice %arg11[%dma_wait3A_40, %dma_wait3A_41] : memref<125x80xi32, #tpu.memory_space<vmem>> -> memref<1x80xi32, #tpu.memory_space<vmem>>
    %dma_wait3A_43 = tpu.memref_squeeze %dma_wait3A_42 : memref<1x80xi32, #tpu.memory_space<vmem>> -> memref<80xi32, #tpu.memory_space<vmem>>
    %dma_wait3A_44 = arith.constant 0 : i32
    %dma_wait3A_45 = arith.constant 0 : i32
    %dma_wait3A_46 = tpu.memref_slice %arg12[%dma_wait3A_44, %dma_wait3A_45] : memref<10000x128xf32, #tpu.memory_space<vmem_shared>> -> memref<10000x128xf32, #tpu.memory_space<vmem_shared>>
    tpu.wait_indirect_dma semaphore(%arg17 : memref<!tpu.dma_semaphore, #tpu.memory_space<semaphore_mem>>) src(%arg8 : memref<80x128xf32, #tpu.memory_space<vmem>>) dst(%dma_wait3A_46 : memref<10000x128xf32, #tpu.memory_space<vmem_shared>>)
    %barrier3A_47 = arith.constant 0 : index
    tpu.barrier barrier_id(%barrier3A_47)
    %mul3A_48 = arith.constant 10000 : i32
    %mul3A_49 = arith.muli %arg0, %mul3A_48 : i32
    %add3A_50 = arith.addi %mul3A_49, %mul3A_4 : i32
    "tpu.region"() ({
      %run_scoped3A = tpu.sem_alloc : memref<!tpu.dma_semaphore, #tpu.memory_space<semaphore_mem>>
      %dma_start3A_56 = arith.constant 0 : i32
      %dma_start3A_57 = tpu.memref_slice %arg6[%add3A_50, %dma_start3A_56] : memref<20000x128xf32, #tpu.memory_space<hbm>> -> memref<624x128xf32, #tpu.memory_space<hbm>>
      %dma_start3A_58 = arith.constant 0 : i32
      %dma_start3A_59 = tpu.memref_slice %arg12[%mul3A_4, %dma_start3A_58] : memref<10000x128xf32, #tpu.memory_space<vmem_shared>> -> memref<624x128xf32, #tpu.memory_space<vmem_shared>>
      tpu.enqueue_dma source(%dma_start3A_59 : memref<624x128xf32, #tpu.memory_space<vmem_shared>>) target(%dma_start3A_57 : memref<624x128xf32, #tpu.memory_space<hbm>>) target_semaphore(%run_scoped3A : memref<!tpu.dma_semaphore, #tpu.memory_space<semaphore_mem>>)
      %dma_wait3A_60 = arith.constant 0 : i32
      %dma_wait3A_61 = tpu.memref_slice %arg6[%add3A_50, %dma_wait3A_60] : memref<20000x128xf32, #tpu.memory_space<hbm>> -> memref<624x128xf32, #tpu.memory_space<hbm>>
      %dma_wait3A_62 = arith.constant 0 : i32
      %dma_wait3A_63 = tpu.memref_slice %arg12[%mul3A_4, %dma_wait3A_62] : memref<10000x128xf32, #tpu.memory_space<vmem_shared>> -> memref<624x128xf32, #tpu.memory_space<vmem_shared>>
      tpu.wait_dma2 semaphore(%run_scoped3A : memref<!tpu.dma_semaphore, #tpu.memory_space<semaphore_mem>>) src(%dma_wait3A_63 : memref<624x128xf32, #tpu.memory_space<vmem_shared>>) dst(%dma_wait3A_61 : memref<624x128xf32, #tpu.memory_space<hbm>>)
      tpu.yield
    }) : () -> ()
    %eq3A_51 = arith.constant 15 : i32
    %eq3A_52 = arith.cmpi eq, %arg1, %eq3A_51 : i32
    %convert_element_type3A_53 = arith.extui %eq3A_52 : i1 to i32
    %cond3A_54 = arith.constant 0 : i32
    %cond3A_55 = arith.cmpi ne, %convert_element_type3A_53, %cond3A_54 : i32
    scf.if %cond3A_55 {
      %mul3A_56 = arith.constant 10000 : i32
      %mul3A_57 = arith.muli %arg0, %mul3A_56 : i32
      %add3A_58 = arith.constant 9984 : i32
      %add3A_59 = arith.addi %mul3A_57, %add3A_58 : i32
      "tpu.region"() ({
        %run_scoped3A = tpu.sem_alloc : memref<!tpu.dma_semaphore, #tpu.memory_space<semaphore_mem>>
        %dma_start3A_60 = arith.constant 0 : i32
        %dma_start3A_61 = tpu.memref_slice %arg6[%add3A_59, %dma_start3A_60] : memref<20000x128xf32, #tpu.memory_space<hbm>> -> memref<16x128xf32, #tpu.memory_space<hbm>>
        %dma_start3A_62 = arith.constant 9984 : i32
        %dma_start3A_63 = arith.constant 0 : i32
        %dma_start3A_64 = tpu.memref_slice %arg12[%dma_start3A_62, %dma_start3A_63] : memref<10000x128xf32, #tpu.memory_space<vmem_shared>> -> memref<16x128xf32, #tpu.memory_space<vmem_shared>>
        tpu.enqueue_dma source(%dma_start3A_64 : memref<16x128xf32, #tpu.memory_space<vmem_shared>>) target(%dma_start3A_61 : memref<16x128xf32, #tpu.memory_space<hbm>>) target_semaphore(%run_scoped3A : memref<!tpu.dma_semaphore, #tpu.memory_space<semaphore_mem>>)
        %dma_wait3A_65 = arith.constant 0 : i32
        %dma_wait3A_66 = tpu.memref_slice %arg6[%add3A_59, %dma_wait3A_65] : memref<20000x128xf32, #tpu.memory_space<hbm>> -> memref<16x128xf32, #tpu.memory_space<hbm>>
        %dma_wait3A_67 = arith.constant 9984 : i32
        %dma_wait3A_68 = arith.constant 0 : i32
        %dma_wait3A_69 = tpu.memref_slice %arg12[%dma_wait3A_67, %dma_wait3A_68] : memref<10000x128xf32, #tpu.memory_space<vmem_shared>> -> memref<16x128xf32, #tpu.memory_space<vmem_shared>>
        tpu.wait_dma2 semaphore(%run_scoped3A : memref<!tpu.dma_semaphore, #tpu.memory_space<semaphore_mem>>) src(%dma_wait3A_69 : memref<16x128xf32, #tpu.memory_space<vmem_shared>>) dst(%dma_wait3A_66 : memref<16x128xf32, #tpu.memory_space<hbm>>)
        tpu.yield
      }) : () -> ()
    } else {
    }
    return
  }
}

#map = affine_map<(d0, d1) -> (0, 0)>
module attributes {stable_mosaic.version = 14 : i64} {
  func.func @sc_agg(%arg0: i32, %arg1: i32, %arg2: memref<10000x128xf32, #tpu.memory_space<hbm>>, %arg3: memref<4000x80xi32, #tpu.memory_space<hbm>>, %arg4: memref<4000x80xi32, #tpu.memory_space<hbm>>, %arg5: memref<624x128xf32, #tpu.memory_space<hbm>>, %arg6: memref<624x16xf32, #tpu.memory_space<hbm>>, %arg7: memref<80x16xf32, #tpu.memory_space<hbm>>, %arg8: memref<20000x128xf32, #tpu.memory_space<hbm>>, %arg9: memref<20000x128xf32, #tpu.memory_space<hbm>>, %arg10: memref<80x128xf32, #tpu.memory_space<vmem>>, %arg11: memref<80x128xf32, #tpu.memory_space<vmem>>, %arg12: memref<80x128xf32, #tpu.memory_space<vmem>>, %arg13: memref<25x80xi32, #tpu.memory_space<vmem>>, %arg14: memref<25x80xi32, #tpu.memory_space<vmem>>, %arg15: memref<10000x128xf32, #tpu.memory_space<vmem_shared>>, %arg16: memref<!tpu.dma_semaphore, #tpu.memory_space<semaphore_mem>>, %arg17: memref<!tpu.dma_semaphore, #tpu.memory_space<semaphore_mem>>, %arg18: memref<!tpu.dma_semaphore, #tpu.memory_space<semaphore_mem>>, %arg19: memref<!tpu.dma_semaphore, #tpu.memory_space<semaphore_mem>>, %arg20: memref<!tpu.dma_semaphore, #tpu.memory_space<semaphore_mem>>, %arg21: memref<!tpu.dma_semaphore, #tpu.memory_space<semaphore_mem>>, %arg22: memref<10000x16xf32, #tpu.memory_space<vmem_shared>>, %arg23: memref<80x16xf32, #tpu.memory_space<vmem>>, %arg24: memref<48x16xf32, #tpu.memory_space<vmem>>, %arg25: memref<!tpu.dma_semaphore, #tpu.memory_space<semaphore_mem>>) attributes {dimension_semantics = [#tpu.dimension_semantics<core_parallel>, #tpu.dimension_semantics<subcore_parallel>], iteration_bounds = array<i64: 2, 16>, scalar_prefetch = 0 : i64, scratch_operands = 16 : i64, tpu.core_type = #tpu.core_type<sc_vector_subcore>, window_params = [{transform_indices = #map}, {transform_indices = #map}, {transform_indices = #map}, {transform_indices = #map}, {transform_indices = #map}, {transform_indices = #map}, {transform_indices = #map}, {transform_indices = #map}]} {
    %mul3A = arith.constant 2 : i32
    %mul3A_0 = arith.muli %arg1, %mul3A : i32
    %add3A = arith.addi %mul3A_0, %arg0 : i32
    %mul3A_1 = arith.constant 125 : i32
    %mul3A_2 = arith.muli %add3A, %mul3A_1 : i32
    %mul3A_3 = arith.constant 624 : i32
    %mul3A_4 = arith.muli %arg1, %mul3A_3 : i32
    "tpu.region"() ({
      %run_scoped3A = tpu.sem_alloc : memref<!tpu.dma_semaphore, #tpu.memory_space<semaphore_mem>>
      %dma_start3A_274 = arith.constant 0 : i32
      %dma_start3A_275 = tpu.memref_slice %arg15[%mul3A_4, %dma_start3A_274] : memref<10000x128xf32, #tpu.memory_space<vmem_shared>> -> memref<624x128xf32, #tpu.memory_space<vmem_shared>>
      %dma_start3A_276 = arith.constant 0 : i32
      %dma_start3A_277 = arith.constant 0 : i32
      %dma_start3A_278 = tpu.memref_slice %arg5[%dma_start3A_276, %dma_start3A_277] : memref<624x128xf32, #tpu.memory_space<hbm>> -> memref<624x128xf32, #tpu.memory_space<hbm>>
      tpu.enqueue_dma source(%dma_start3A_278 : memref<624x128xf32, #tpu.memory_space<hbm>>) target(%dma_start3A_275 : memref<624x128xf32, #tpu.memory_space<vmem_shared>>) target_semaphore(%run_scoped3A : memref<!tpu.dma_semaphore, #tpu.memory_space<semaphore_mem>>)
      %dma_wait3A_279 = arith.constant 0 : i32
      %dma_wait3A_280 = tpu.memref_slice %arg15[%mul3A_4, %dma_wait3A_279] : memref<10000x128xf32, #tpu.memory_space<vmem_shared>> -> memref<624x128xf32, #tpu.memory_space<vmem_shared>>
      %dma_wait3A_281 = arith.constant 0 : i32
      %dma_wait3A_282 = arith.constant 0 : i32
      %dma_wait3A_283 = tpu.memref_slice %arg5[%dma_wait3A_281, %dma_wait3A_282] : memref<624x128xf32, #tpu.memory_space<hbm>> -> memref<624x128xf32, #tpu.memory_space<hbm>>
      tpu.wait_dma2 semaphore(%run_scoped3A : memref<!tpu.dma_semaphore, #tpu.memory_space<semaphore_mem>>) src(%dma_wait3A_283 : memref<624x128xf32, #tpu.memory_space<hbm>>) dst(%dma_wait3A_280 : memref<624x128xf32, #tpu.memory_space<vmem_shared>>)
      tpu.yield
    }) : () -> ()
    %eq3A = arith.constant 15 : i32
    %eq3A_5 = arith.cmpi eq, %arg1, %eq3A : i32
    %convert_element_type3A = arith.extui %eq3A_5 : i1 to i32
    %cond3A = arith.constant 0 : i32
    %cond3A_6 = arith.cmpi ne, %convert_element_type3A, %cond3A : i32
    scf.if %cond3A_6 {
      "tpu.region"() ({
        %run_scoped3A = tpu.sem_alloc : memref<!tpu.dma_semaphore, #tpu.memory_space<semaphore_mem>>
        %dma_start3A_274 = arith.constant 9984 : i32
        %dma_start3A_275 = arith.constant 0 : i32
        %dma_start3A_276 = tpu.memref_slice %arg15[%dma_start3A_274, %dma_start3A_275] : memref<10000x128xf32, #tpu.memory_space<vmem_shared>> -> memref<16x128xf32, #tpu.memory_space<vmem_shared>>
        %dma_start3A_277 = arith.constant 0 : i32
        %dma_start3A_278 = arith.constant 0 : i32
        %dma_start3A_279 = tpu.memref_slice %arg5[%dma_start3A_277, %dma_start3A_278] : memref<624x128xf32, #tpu.memory_space<hbm>> -> memref<16x128xf32, #tpu.memory_space<hbm>>
        tpu.enqueue_dma source(%dma_start3A_279 : memref<16x128xf32, #tpu.memory_space<hbm>>) target(%dma_start3A_276 : memref<16x128xf32, #tpu.memory_space<vmem_shared>>) target_semaphore(%run_scoped3A : memref<!tpu.dma_semaphore, #tpu.memory_space<semaphore_mem>>)
        %dma_wait3A_280 = arith.constant 9984 : i32
        %dma_wait3A_281 = arith.constant 0 : i32
        %dma_wait3A_282 = tpu.memref_slice %arg15[%dma_wait3A_280, %dma_wait3A_281] : memref<10000x128xf32, #tpu.memory_space<vmem_shared>> -> memref<16x128xf32, #tpu.memory_space<vmem_shared>>
        %dma_wait3A_283 = arith.constant 0 : i32
        %dma_wait3A_284 = arith.constant 0 : i32
        %dma_wait3A_285 = tpu.memref_slice %arg5[%dma_wait3A_283, %dma_wait3A_284] : memref<624x128xf32, #tpu.memory_space<hbm>> -> memref<16x128xf32, #tpu.memory_space<hbm>>
        tpu.wait_dma2 semaphore(%run_scoped3A : memref<!tpu.dma_semaphore, #tpu.memory_space<semaphore_mem>>) src(%dma_wait3A_285 : memref<16x128xf32, #tpu.memory_space<hbm>>) dst(%dma_wait3A_282 : memref<16x128xf32, #tpu.memory_space<vmem_shared>>)
        tpu.yield
      }) : () -> ()
    } else {
    }
    "tpu.region"() ({
      %run_scoped3A = tpu.sem_alloc : memref<!tpu.dma_semaphore, #tpu.memory_space<semaphore_mem>>
      %dma_start3A_274 = arith.constant 0 : i32
      %dma_start3A_275 = tpu.memref_slice %arg22[%mul3A_4, %dma_start3A_274] : memref<10000x16xf32, #tpu.memory_space<vmem_shared>> -> memref<624x16xf32, #tpu.memory_space<vmem_shared>>
      %dma_start3A_276 = arith.constant 0 : i32
      %dma_start3A_277 = arith.constant 0 : i32
      %dma_start3A_278 = tpu.memref_slice %arg6[%dma_start3A_276, %dma_start3A_277] : memref<624x16xf32, #tpu.memory_space<hbm>> -> memref<624x16xf32, #tpu.memory_space<hbm>>
      tpu.enqueue_dma source(%dma_start3A_278 : memref<624x16xf32, #tpu.memory_space<hbm>>) target(%dma_start3A_275 : memref<624x16xf32, #tpu.memory_space<vmem_shared>>) target_semaphore(%run_scoped3A : memref<!tpu.dma_semaphore, #tpu.memory_space<semaphore_mem>>)
      %dma_wait3A_279 = arith.constant 0 : i32
      %dma_wait3A_280 = tpu.memref_slice %arg22[%mul3A_4, %dma_wait3A_279] : memref<10000x16xf32, #tpu.memory_space<vmem_shared>> -> memref<624x16xf32, #tpu.memory_space<vmem_shared>>
      %dma_wait3A_281 = arith.constant 0 : i32
      %dma_wait3A_282 = arith.constant 0 : i32
      %dma_wait3A_283 = tpu.memref_slice %arg6[%dma_wait3A_281, %dma_wait3A_282] : memref<624x16xf32, #tpu.memory_space<hbm>> -> memref<624x16xf32, #tpu.memory_space<hbm>>
      tpu.wait_dma2 semaphore(%run_scoped3A : memref<!tpu.dma_semaphore, #tpu.memory_space<semaphore_mem>>) src(%dma_wait3A_283 : memref<624x16xf32, #tpu.memory_space<hbm>>) dst(%dma_wait3A_280 : memref<624x16xf32, #tpu.memory_space<vmem_shared>>)
      tpu.yield
    }) : () -> ()
    "tpu.region"() ({
      %run_scoped3A = tpu.sem_alloc : memref<!tpu.dma_semaphore, #tpu.memory_space<semaphore_mem>>
      tpu.enqueue_dma source(%arg7 : memref<80x16xf32, #tpu.memory_space<hbm>>) target(%arg23 : memref<80x16xf32, #tpu.memory_space<vmem>>) target_semaphore(%run_scoped3A : memref<!tpu.dma_semaphore, #tpu.memory_space<semaphore_mem>>)
      tpu.wait_dma2 semaphore(%run_scoped3A : memref<!tpu.dma_semaphore, #tpu.memory_space<semaphore_mem>>) src(%arg7 : memref<80x16xf32, #tpu.memory_space<hbm>>) dst(%arg23 : memref<80x16xf32, #tpu.memory_space<vmem>>)
      tpu.yield
    }) : () -> ()
    %eq3A_7 = arith.constant 15 : i32
    %eq3A_8 = arith.cmpi eq, %arg1, %eq3A_7 : i32
    %convert_element_type3A_9 = arith.extui %eq3A_8 : i1 to i32
    %cond3A_10 = arith.constant 0 : i32
    %cond3A_11 = arith.cmpi ne, %convert_element_type3A_9, %cond3A_10 : i32
    scf.if %cond3A_11 {
      "tpu.region"() ({
        %run_scoped3A = tpu.sem_alloc : memref<!tpu.dma_semaphore, #tpu.memory_space<semaphore_mem>>
        %dma_start3A_274 = arith.constant 9984 : i32
        %dma_start3A_275 = arith.constant 0 : i32
        %dma_start3A_276 = tpu.memref_slice %arg22[%dma_start3A_274, %dma_start3A_275] : memref<10000x16xf32, #tpu.memory_space<vmem_shared>> -> memref<16x16xf32, #tpu.memory_space<vmem_shared>>
        %dma_start3A_277 = arith.constant 0 : i32
        %dma_start3A_278 = arith.constant 0 : i32
        %dma_start3A_279 = tpu.memref_slice %arg6[%dma_start3A_277, %dma_start3A_278] : memref<624x16xf32, #tpu.memory_space<hbm>> -> memref<16x16xf32, #tpu.memory_space<hbm>>
        tpu.enqueue_dma source(%dma_start3A_279 : memref<16x16xf32, #tpu.memory_space<hbm>>) target(%dma_start3A_276 : memref<16x16xf32, #tpu.memory_space<vmem_shared>>) target_semaphore(%run_scoped3A : memref<!tpu.dma_semaphore, #tpu.memory_space<semaphore_mem>>)
        %dma_wait3A_280 = arith.constant 9984 : i32
        %dma_wait3A_281 = arith.constant 0 : i32
        %dma_wait3A_282 = tpu.memref_slice %arg22[%dma_wait3A_280, %dma_wait3A_281] : memref<10000x16xf32, #tpu.memory_space<vmem_shared>> -> memref<16x16xf32, #tpu.memory_space<vmem_shared>>
        %dma_wait3A_283 = arith.constant 0 : i32
        %dma_wait3A_284 = arith.constant 0 : i32
        %dma_wait3A_285 = tpu.memref_slice %arg6[%dma_wait3A_283, %dma_wait3A_284] : memref<624x16xf32, #tpu.memory_space<hbm>> -> memref<16x16xf32, #tpu.memory_space<hbm>>
        tpu.wait_dma2 semaphore(%run_scoped3A : memref<!tpu.dma_semaphore, #tpu.memory_space<semaphore_mem>>) src(%dma_wait3A_285 : memref<16x16xf32, #tpu.memory_space<hbm>>) dst(%dma_wait3A_282 : memref<16x16xf32, #tpu.memory_space<vmem_shared>>)
        tpu.yield
      }) : () -> ()
    } else {
    }
    %barrier3A = arith.constant 0 : index
    tpu.barrier barrier_id(%barrier3A)
    %add3A_12 = arith.constant 0 : i32
    %add3A_13 = arith.addi %mul3A_2, %add3A_12 : i32
    "tpu.region"() ({
      %run_scoped3A = tpu.sem_alloc : memref<!tpu.dma_semaphore, #tpu.memory_space<semaphore_mem>>
      %dma_start3A_274 = arith.constant 0 : i32
      %dma_start3A_275 = tpu.memref_slice %arg3[%add3A_13, %dma_start3A_274] : memref<4000x80xi32, #tpu.memory_space<hbm>> -> memref<25x80xi32, #tpu.memory_space<hbm>>
      %dma_start3A_276 = arith.constant 0 : i32
      %dma_start3A_277 = tpu.memref_slice %arg3[%add3A_13, %dma_start3A_276] : memref<4000x80xi32, #tpu.memory_space<hbm>> -> memref<25x80xi32, #tpu.memory_space<hbm>>
      tpu.enqueue_dma source(%dma_start3A_277 : memref<25x80xi32, #tpu.memory_space<hbm>>) target(%arg13 : memref<25x80xi32, #tpu.memory_space<vmem>>) target_semaphore(%run_scoped3A : memref<!tpu.dma_semaphore, #tpu.memory_space<semaphore_mem>>)
      %dma_wait3A_278 = arith.constant 0 : i32
      %dma_wait3A_279 = tpu.memref_slice %arg3[%add3A_13, %dma_wait3A_278] : memref<4000x80xi32, #tpu.memory_space<hbm>> -> memref<25x80xi32, #tpu.memory_space<hbm>>
      %dma_wait3A_280 = arith.constant 0 : i32
      %dma_wait3A_281 = tpu.memref_slice %arg3[%add3A_13, %dma_wait3A_280] : memref<4000x80xi32, #tpu.memory_space<hbm>> -> memref<25x80xi32, #tpu.memory_space<hbm>>
      tpu.wait_dma2 semaphore(%run_scoped3A : memref<!tpu.dma_semaphore, #tpu.memory_space<semaphore_mem>>) src(%dma_wait3A_281 : memref<25x80xi32, #tpu.memory_space<hbm>>) dst(%arg13 : memref<25x80xi32, #tpu.memory_space<vmem>>)
      tpu.yield
    }) : () -> ()
    "tpu.region"() ({
      %run_scoped3A = tpu.sem_alloc : memref<!tpu.dma_semaphore, #tpu.memory_space<semaphore_mem>>
      %dma_start3A_274 = arith.constant 0 : i32
      %dma_start3A_275 = tpu.memref_slice %arg4[%add3A_13, %dma_start3A_274] : memref<4000x80xi32, #tpu.memory_space<hbm>> -> memref<25x80xi32, #tpu.memory_space<hbm>>
      %dma_start3A_276 = arith.constant 0 : i32
      %dma_start3A_277 = tpu.memref_slice %arg4[%add3A_13, %dma_start3A_276] : memref<4000x80xi32, #tpu.memory_space<hbm>> -> memref<25x80xi32, #tpu.memory_space<hbm>>
      tpu.enqueue_dma source(%dma_start3A_277 : memref<25x80xi32, #tpu.memory_space<hbm>>) target(%arg14 : memref<25x80xi32, #tpu.memory_space<vmem>>) target_semaphore(%run_scoped3A : memref<!tpu.dma_semaphore, #tpu.memory_space<semaphore_mem>>)
      %dma_wait3A_278 = arith.constant 0 : i32
      %dma_wait3A_279 = tpu.memref_slice %arg4[%add3A_13, %dma_wait3A_278] : memref<4000x80xi32, #tpu.memory_space<hbm>> -> memref<25x80xi32, #tpu.memory_space<hbm>>
      %dma_wait3A_280 = arith.constant 0 : i32
      %dma_wait3A_281 = tpu.memref_slice %arg4[%add3A_13, %dma_wait3A_280] : memref<4000x80xi32, #tpu.memory_space<hbm>> -> memref<25x80xi32, #tpu.memory_space<hbm>>
      tpu.wait_dma2 semaphore(%run_scoped3A : memref<!tpu.dma_semaphore, #tpu.memory_space<semaphore_mem>>) src(%dma_wait3A_281 : memref<25x80xi32, #tpu.memory_space<hbm>>) dst(%arg14 : memref<25x80xi32, #tpu.memory_space<vmem>>)
      tpu.yield
    }) : () -> ()
    %dma_start3A = arith.constant 0 : i32
    %dma_start3A_14 = arith.constant 0 : i32
    %dma_start3A_15 = tpu.memref_slice %arg13[%dma_start3A, %dma_start3A_14] : memref<25x80xi32, #tpu.memory_space<vmem>> -> memref<1x80xi32, #tpu.memory_space<vmem>>
    %dma_start3A_16 = tpu.memref_squeeze %dma_start3A_15 : memref<1x80xi32, #tpu.memory_space<vmem>> -> memref<80xi32, #tpu.memory_space<vmem>>
    %dma_start3A_17 = arith.constant 0 : i32
    %dma_start3A_18 = arith.constant 0 : i32
    %dma_start3A_19 = tpu.memref_slice %arg2[%dma_start3A_17, %dma_start3A_18] : memref<10000x128xf32, #tpu.memory_space<hbm>> -> memref<10000x128xf32, #tpu.memory_space<hbm>>
    tpu.enqueue_indirect_dma source(%dma_start3A_19 : memref<10000x128xf32, #tpu.memory_space<hbm>>) target(%arg10 : memref<80x128xf32, #tpu.memory_space<vmem>>) offsets(%dma_start3A_16 : memref<80xi32, #tpu.memory_space<vmem>>) semaphore(%arg16 : memref<!tpu.dma_semaphore, #tpu.memory_space<semaphore_mem>>)
    %dma_start3A_20 = arith.constant 1 : i32
    %dma_start3A_21 = arith.constant 0 : i32
    %dma_start3A_22 = tpu.memref_slice %arg13[%dma_start3A_20, %dma_start3A_21] : memref<25x80xi32, #tpu.memory_space<vmem>> -> memref<1x80xi32, #tpu.memory_space<vmem>>
    %dma_start3A_23 = tpu.memref_squeeze %dma_start3A_22 : memref<1x80xi32, #tpu.memory_space<vmem>> -> memref<80xi32, #tpu.memory_space<vmem>>
    %dma_start3A_24 = arith.constant 0 : i32
    %dma_start3A_25 = arith.constant 0 : i32
    %dma_start3A_26 = tpu.memref_slice %arg2[%dma_start3A_24, %dma_start3A_25] : memref<10000x128xf32, #tpu.memory_space<hbm>> -> memref<10000x128xf32, #tpu.memory_space<hbm>>
    tpu.enqueue_indirect_dma source(%dma_start3A_26 : memref<10000x128xf32, #tpu.memory_space<hbm>>) target(%arg11 : memref<80x128xf32, #tpu.memory_space<vmem>>) offsets(%dma_start3A_23 : memref<80xi32, #tpu.memory_space<vmem>>) semaphore(%arg17 : memref<!tpu.dma_semaphore, #tpu.memory_space<semaphore_mem>>)
    %scan3A = arith.constant 0 : i32
    %scan3A_27 = arith.constant 0 : i32
    %scan3A_28 = arith.constant 25 : i32
    %scan3A_29 = arith.addi %scan3A_27, %scan3A_28 : i32
    %scan3A_30 = arith.constant 1 : i32
    scf.for %scan3A_274 = %scan3A_27 to %scan3A_29 step %scan3A_30  : i32 {
      %jit3A = arith.constant 3 : i32
      %eq3A_275 = arith.constant 0 : i32
      %eq3A_276 = arith.cmpi eq, %jit3A, %eq3A_275 : i32
      %jit3A_277 = arith.constant 1 : i32
      %select_n3A = arith.select %eq3A_276, %jit3A_277, %jit3A : i32
      %rem3A = arith.remsi %scan3A_274, %select_n3A : i32
      %ne3A = arith.constant 0 : i32
      %ne3A_278 = arith.cmpi ne, %rem3A, %ne3A : i32
      %lt3A = arith.constant 0 : i32
      %lt3A_279 = arith.cmpi slt, %rem3A, %lt3A : i32
      %lt3A_280 = arith.constant 0 : i32
      %lt3A_281 = arith.cmpi slt, %select_n3A, %lt3A_280 : i32
      %ne3A_282 = arith.xori %lt3A_279, %lt3A_281 : i1
      %and3A = arith.andi %ne3A_282, %ne3A_278 : i1
      %add3A_283 = arith.addi %rem3A, %select_n3A : i32
      %select_n3A_284 = arith.select %and3A, %add3A_283, %rem3A : i32
      %eq3A_285 = arith.constant 0 : i32
      %eq3A_286 = arith.cmpi eq, %select_n3A_284, %eq3A_285 : i32
      %convert_element_type3A_287 = arith.extui %eq3A_286 : i1 to i32
      %cond3A_288 = arith.constant 0 : i32
      %cond3A_289 = arith.cmpi ne, %convert_element_type3A_287, %cond3A_288 : i32
      scf.if %cond3A_289 {
        %add3A_332 = arith.constant 3 : i32
        %add3A_333 = arith.addi %scan3A_274, %add3A_332 : i32
        %sub3A = arith.constant 1 : i32
        %sub3A_334 = arith.subi %add3A_333, %sub3A : i32
        %lt3A_335 = arith.constant 25 : i32
        %lt3A_336 = arith.cmpi slt, %sub3A_334, %lt3A_335 : i32
        %convert_element_type3A_337 = arith.extui %lt3A_336 : i1 to i32
        %cond3A_338 = arith.constant 0 : i32
        %cond3A_339 = arith.cmpi ne, %convert_element_type3A_337, %cond3A_338 : i32
        scf.if %cond3A_339 {
          %ge3A = arith.constant 1 : i32
          %ge3A_358 = arith.cmpi sge, %scan3A_274, %ge3A : i32
          %convert_element_type3A_359 = arith.extui %ge3A_358 : i1 to i32
          %cond3A_360 = arith.constant 0 : i32
          %cond3A_361 = arith.cmpi ne, %convert_element_type3A_359, %cond3A_360 : i32
          scf.if %cond3A_361 {
            %sub3A_372 = arith.constant 1 : i32
            %sub3A_373 = arith.subi %scan3A_274, %sub3A_372 : i32
            %dma_wait3A_374 = arith.constant 0 : i32
            %dma_wait3A_375 = tpu.memref_slice %arg14[%sub3A_373, %dma_wait3A_374] : memref<25x80xi32, #tpu.memory_space<vmem>> -> memref<1x80xi32, #tpu.memory_space<vmem>>
            %dma_wait3A_376 = tpu.memref_squeeze %dma_wait3A_375 : memref<1x80xi32, #tpu.memory_space<vmem>> -> memref<80xi32, #tpu.memory_space<vmem>>
            %dma_wait3A_377 = arith.constant 0 : i32
            %dma_wait3A_378 = arith.constant 0 : i32
            %dma_wait3A_379 = tpu.memref_slice %arg15[%dma_wait3A_377, %dma_wait3A_378] : memref<10000x128xf32, #tpu.memory_space<vmem_shared>> -> memref<10000x128xf32, #tpu.memory_space<vmem_shared>>
            tpu.wait_indirect_dma semaphore(%arg21 : memref<!tpu.dma_semaphore, #tpu.memory_space<semaphore_mem>>) src(%arg12 : memref<80x128xf32, #tpu.memory_space<vmem>>) dst(%dma_wait3A_379 : memref<10000x128xf32, #tpu.memory_space<vmem_shared>>)
          } else {
          }
          %add3A_362 = arith.constant 3 : i32
          %add3A_363 = arith.addi %scan3A_274, %add3A_362 : i32
          %sub3A_364 = arith.constant 1 : i32
          %sub3A_365 = arith.subi %add3A_363, %sub3A_364 : i32
          %dma_start3A_366 = arith.constant 0 : i32
          %dma_start3A_367 = tpu.memref_slice %arg13[%sub3A_365, %dma_start3A_366] : memref<25x80xi32, #tpu.memory_space<vmem>> -> memref<1x80xi32, #tpu.memory_space<vmem>>
          %dma_start3A_368 = tpu.memref_squeeze %dma_start3A_367 : memref<1x80xi32, #tpu.memory_space<vmem>> -> memref<80xi32, #tpu.memory_space<vmem>>
          %dma_start3A_369 = arith.constant 0 : i32
          %dma_start3A_370 = arith.constant 0 : i32
          %dma_start3A_371 = tpu.memref_slice %arg2[%dma_start3A_369, %dma_start3A_370] : memref<10000x128xf32, #tpu.memory_space<hbm>> -> memref<10000x128xf32, #tpu.memory_space<hbm>>
          tpu.enqueue_indirect_dma source(%dma_start3A_371 : memref<10000x128xf32, #tpu.memory_space<hbm>>) target(%arg12 : memref<80x128xf32, #tpu.memory_space<vmem>>) offsets(%dma_start3A_368 : memref<80xi32, #tpu.memory_space<vmem>>) semaphore(%arg18 : memref<!tpu.dma_semaphore, #tpu.memory_space<semaphore_mem>>)
        } else {
        }
        %dma_wait3A_340 = arith.constant 0 : i32
        %dma_wait3A_341 = tpu.memref_slice %arg13[%scan3A_274, %dma_wait3A_340] : memref<25x80xi32, #tpu.memory_space<vmem>> -> memref<1x80xi32, #tpu.memory_space<vmem>>
        %dma_wait3A_342 = tpu.memref_squeeze %dma_wait3A_341 : memref<1x80xi32, #tpu.memory_space<vmem>> -> memref<80xi32, #tpu.memory_space<vmem>>
        %dma_wait3A_343 = arith.constant 0 : i32
        %dma_wait3A_344 = arith.constant 0 : i32
        %dma_wait3A_345 = tpu.memref_slice %arg2[%dma_wait3A_343, %dma_wait3A_344] : memref<10000x128xf32, #tpu.memory_space<hbm>> -> memref<10000x128xf32, #tpu.memory_space<hbm>>
        tpu.wait_indirect_dma semaphore(%arg16 : memref<!tpu.dma_semaphore, #tpu.memory_space<semaphore_mem>>) src(%dma_wait3A_345 : memref<10000x128xf32, #tpu.memory_space<hbm>>) dst(%arg10 : memref<80x128xf32, #tpu.memory_space<vmem>>)
        %dma_start3A_346 = arith.constant 0 : i32
        %dma_start3A_347 = tpu.memref_slice %arg14[%scan3A_274, %dma_start3A_346] : memref<25x80xi32, #tpu.memory_space<vmem>> -> memref<1x80xi32, #tpu.memory_space<vmem>>
        %dma_start3A_348 = tpu.memref_squeeze %dma_start3A_347 : memref<1x80xi32, #tpu.memory_space<vmem>> -> memref<80xi32, #tpu.memory_space<vmem>>
        %dma_start3A_349 = arith.constant 0 : i32
        %dma_start3A_350 = arith.constant 0 : i32
        %dma_start3A_351 = tpu.memref_slice %arg15[%dma_start3A_349, %dma_start3A_350] : memref<10000x128xf32, #tpu.memory_space<vmem_shared>> -> memref<10000x128xf32, #tpu.memory_space<vmem_shared>>
        tpu.enqueue_indirect_dma source(%arg10 : memref<80x128xf32, #tpu.memory_space<vmem>>) target(%dma_start3A_351 : memref<10000x128xf32, #tpu.memory_space<vmem_shared>>) offsets(%dma_start3A_348 : memref<80xi32, #tpu.memory_space<vmem>>) semaphore(%arg19 : memref<!tpu.dma_semaphore, #tpu.memory_space<semaphore_mem>>) {add = true}
        %dma_start3A_352 = arith.constant 0 : i32
        %dma_start3A_353 = tpu.memref_slice %arg14[%scan3A_274, %dma_start3A_352] : memref<25x80xi32, #tpu.memory_space<vmem>> -> memref<1x80xi32, #tpu.memory_space<vmem>>
        %dma_start3A_354 = tpu.memref_squeeze %dma_start3A_353 : memref<1x80xi32, #tpu.memory_space<vmem>> -> memref<80xi32, #tpu.memory_space<vmem>>
        %dma_start3A_355 = arith.constant 0 : i32
        %dma_start3A_356 = arith.constant 0 : i32
        %dma_start3A_357 = tpu.memref_slice %arg22[%dma_start3A_355, %dma_start3A_356] : memref<10000x16xf32, #tpu.memory_space<vmem_shared>> -> memref<10000x16xf32, #tpu.memory_space<vmem_shared>>
        tpu.enqueue_indirect_dma source(%arg23 : memref<80x16xf32, #tpu.memory_space<vmem>>) target(%dma_start3A_357 : memref<10000x16xf32, #tpu.memory_space<vmem_shared>>) offsets(%dma_start3A_354 : memref<80xi32, #tpu.memory_space<vmem>>) semaphore(%arg25 : memref<!tpu.dma_semaphore, #tpu.memory_space<semaphore_mem>>) {add = true}
      } else {
      }
      %jit3A_290 = arith.constant 3 : i32
      %eq3A_291 = arith.constant 0 : i32
      %eq3A_292 = arith.cmpi eq, %jit3A_290, %eq3A_291 : i32
      %jit3A_293 = arith.constant 1 : i32
      %select_n3A_294 = arith.select %eq3A_292, %jit3A_293, %jit3A_290 : i32
      %rem3A_295 = arith.remsi %scan3A_274, %select_n3A_294 : i32
      %ne3A_296 = arith.constant 0 : i32
      %ne3A_297 = arith.cmpi ne, %rem3A_295, %ne3A_296 : i32
      %lt3A_298 = arith.constant 0 : i32
      %lt3A_299 = arith.cmpi slt, %rem3A_295, %lt3A_298 : i32
      %lt3A_300 = arith.constant 0 : i32
      %lt3A_301 = arith.cmpi slt, %select_n3A_294, %lt3A_300 : i32
      %ne3A_302 = arith.xori %lt3A_299, %lt3A_301 : i1
      %and3A_303 = arith.andi %ne3A_302, %ne3A_297 : i1
      %add3A_304 = arith.addi %rem3A_295, %select_n3A_294 : i32
      %select_n3A_305 = arith.select %and3A_303, %add3A_304, %rem3A_295 : i32
      %eq3A_306 = arith.constant 1 : i32
      %eq3A_307 = arith.cmpi eq, %select_n3A_305, %eq3A_306 : i32
      %convert_element_type3A_308 = arith.extui %eq3A_307 : i1 to i32
      %cond3A_309 = arith.constant 0 : i32
      %cond3A_310 = arith.cmpi ne, %convert_element_type3A_308, %cond3A_309 : i32
      scf.if %cond3A_310 {
        %add3A_332 = arith.constant 3 : i32
        %add3A_333 = arith.addi %scan3A_274, %add3A_332 : i32
        %sub3A = arith.constant 1 : i32
        %sub3A_334 = arith.subi %add3A_333, %sub3A : i32
        %lt3A_335 = arith.constant 25 : i32
        %lt3A_336 = arith.cmpi slt, %sub3A_334, %lt3A_335 : i32
        %convert_element_type3A_337 = arith.extui %lt3A_336 : i1 to i32
        %cond3A_338 = arith.constant 0 : i32
        %cond3A_339 = arith.cmpi ne, %convert_element_type3A_337, %cond3A_338 : i32
        scf.if %cond3A_339 {
          %ge3A = arith.constant 1 : i32
          %ge3A_358 = arith.cmpi sge, %scan3A_274, %ge3A : i32
          %convert_element_type3A_359 = arith.extui %ge3A_358 : i1 to i32
          %cond3A_360 = arith.constant 0 : i32
          %cond3A_361 = arith.cmpi ne, %convert_element_type3A_359, %cond3A_360 : i32
          scf.if %cond3A_361 {
            %sub3A_372 = arith.constant 1 : i32
            %sub3A_373 = arith.subi %scan3A_274, %sub3A_372 : i32
            %dma_wait3A_374 = arith.constant 0 : i32
            %dma_wait3A_375 = tpu.memref_slice %arg14[%sub3A_373, %dma_wait3A_374] : memref<25x80xi32, #tpu.memory_space<vmem>> -> memref<1x80xi32, #tpu.memory_space<vmem>>
            %dma_wait3A_376 = tpu.memref_squeeze %dma_wait3A_375 : memref<1x80xi32, #tpu.memory_space<vmem>> -> memref<80xi32, #tpu.memory_space<vmem>>
            %dma_wait3A_377 = arith.constant 0 : i32
            %dma_wait3A_378 = arith.constant 0 : i32
            %dma_wait3A_379 = tpu.memref_slice %arg15[%dma_wait3A_377, %dma_wait3A_378] : memref<10000x128xf32, #tpu.memory_space<vmem_shared>> -> memref<10000x128xf32, #tpu.memory_space<vmem_shared>>
            tpu.wait_indirect_dma semaphore(%arg19 : memref<!tpu.dma_semaphore, #tpu.memory_space<semaphore_mem>>) src(%arg10 : memref<80x128xf32, #tpu.memory_space<vmem>>) dst(%dma_wait3A_379 : memref<10000x128xf32, #tpu.memory_space<vmem_shared>>)
          } else {
          }
          %add3A_362 = arith.constant 3 : i32
          %add3A_363 = arith.addi %scan3A_274, %add3A_362 : i32
          %sub3A_364 = arith.constant 1 : i32
          %sub3A_365 = arith.subi %add3A_363, %sub3A_364 : i32
          %dma_start3A_366 = arith.constant 0 : i32
          %dma_start3A_367 = tpu.memref_slice %arg13[%sub3A_365, %dma_start3A_366] : memref<25x80xi32, #tpu.memory_space<vmem>> -> memref<1x80xi32, #tpu.memory_space<vmem>>
          %dma_start3A_368 = tpu.memref_squeeze %dma_start3A_367 : memref<1x80xi32, #tpu.memory_space<vmem>> -> memref<80xi32, #tpu.memory_space<vmem>>
          %dma_start3A_369 = arith.constant 0 : i32
          %dma_start3A_370 = arith.constant 0 : i32
          %dma_start3A_371 = tpu.memref_slice %arg2[%dma_start3A_369, %dma_start3A_370] : memref<10000x128xf32, #tpu.memory_space<hbm>> -> memref<10000x128xf32, #tpu.memory_space<hbm>>
          tpu.enqueue_indirect_dma source(%dma_start3A_371 : memref<10000x128xf32, #tpu.memory_space<hbm>>) target(%arg10 : memref<80x128xf32, #tpu.memory_space<vmem>>) offsets(%dma_start3A_368 : memref<80xi32, #tpu.memory_space<vmem>>) semaphore(%arg16 : memref<!tpu.dma_semaphore, #tpu.memory_space<semaphore_mem>>)
        } else {
        }
        %dma_wait3A_340 = arith.constant 0 : i32
        %dma_wait3A_341 = tpu.memref_slice %arg13[%scan3A_274, %dma_wait3A_340] : memref<25x80xi32, #tpu.memory_space<vmem>> -> memref<1x80xi32, #tpu.memory_space<vmem>>
        %dma_wait3A_342 = tpu.memref_squeeze %dma_wait3A_341 : memref<1x80xi32, #tpu.memory_space<vmem>> -> memref<80xi32, #tpu.memory_space<vmem>>
        %dma_wait3A_343 = arith.constant 0 : i32
        %dma_wait3A_344 = arith.constant 0 : i32
        %dma_wait3A_345 = tpu.memref_slice %arg2[%dma_wait3A_343, %dma_wait3A_344] : memref<10000x128xf32, #tpu.memory_space<hbm>> -> memref<10000x128xf32, #tpu.memory_space<hbm>>
        tpu.wait_indirect_dma semaphore(%arg17 : memref<!tpu.dma_semaphore, #tpu.memory_space<semaphore_mem>>) src(%dma_wait3A_345 : memref<10000x128xf32, #tpu.memory_space<hbm>>) dst(%arg11 : memref<80x128xf32, #tpu.memory_space<vmem>>)
        %dma_start3A_346 = arith.constant 0 : i32
        %dma_start3A_347 = tpu.memref_slice %arg14[%scan3A_274, %dma_start3A_346] : memref<25x80xi32, #tpu.memory_space<vmem>> -> memref<1x80xi32, #tpu.memory_space<vmem>>
        %dma_start3A_348 = tpu.memref_squeeze %dma_start3A_347 : memref<1x80xi32, #tpu.memory_space<vmem>> -> memref<80xi32, #tpu.memory_space<vmem>>
        %dma_start3A_349 = arith.constant 0 : i32
        %dma_start3A_350 = arith.constant 0 : i32
        %dma_start3A_351 = tpu.memref_slice %arg15[%dma_start3A_349, %dma_start3A_350] : memref<10000x128xf32, #tpu.memory_space<vmem_shared>> -> memref<10000x128xf32, #tpu.memory_space<vmem_shared>>
        tpu.enqueue_indirect_dma source(%arg11 : memref<80x128xf32, #tpu.memory_space<vmem>>) target(%dma_start3A_351 : memref<10000x128xf32, #tpu.memory_space<vmem_shared>>) offsets(%dma_start3A_348 : memref<80xi32, #tpu.memory_space<vmem>>) semaphore(%arg20 : memref<!tpu.dma_semaphore, #tpu.memory_space<semaphore_mem>>) {add = true}
        %dma_start3A_352 = arith.constant 0 : i32
        %dma_start3A_353 = tpu.memref_slice %arg14[%scan3A_274, %dma_start3A_352] : memref<25x80xi32, #tpu.memory_space<vmem>> -> memref<1x80xi32, #tpu.memory_space<vmem>>
        %dma_start3A_354 = tpu.memref_squeeze %dma_start3A_353 : memref<1x80xi32, #tpu.memory_space<vmem>> -> memref<80xi32, #tpu.memory_space<vmem>>
        %dma_start3A_355 = arith.constant 0 : i32
        %dma_start3A_356 = arith.constant 0 : i32
        %dma_start3A_357 = tpu.memref_slice %arg22[%dma_start3A_355, %dma_start3A_356] : memref<10000x16xf32, #tpu.memory_space<vmem_shared>> -> memref<10000x16xf32, #tpu.memory_space<vmem_shared>>
        tpu.enqueue_indirect_dma source(%arg23 : memref<80x16xf32, #tpu.memory_space<vmem>>) target(%dma_start3A_357 : memref<10000x16xf32, #tpu.memory_space<vmem_shared>>) offsets(%dma_start3A_354 : memref<80xi32, #tpu.memory_space<vmem>>) semaphore(%arg25 : memref<!tpu.dma_semaphore, #tpu.memory_space<semaphore_mem>>) {add = true}
      } else {
      }
      %jit3A_311 = arith.constant 3 : i32
      %eq3A_312 = arith.constant 0 : i32
      %eq3A_313 = arith.cmpi eq, %jit3A_311, %eq3A_312 : i32
      %jit3A_314 = arith.constant 1 : i32
      %select_n3A_315 = arith.select %eq3A_313, %jit3A_314, %jit3A_311 : i32
      %rem3A_316 = arith.remsi %scan3A_274, %select_n3A_315 : i32
      %ne3A_317 = arith.constant 0 : i32
      %ne3A_318 = arith.cmpi ne, %rem3A_316, %ne3A_317 : i32
      %lt3A_319 = arith.constant 0 : i32
      %lt3A_320 = arith.cmpi slt, %rem3A_316, %lt3A_319 : i32
      %lt3A_321 = arith.constant 0 : i32
      %lt3A_322 = arith.cmpi slt, %select_n3A_315, %lt3A_321 : i32
      %ne3A_323 = arith.xori %lt3A_320, %lt3A_322 : i1
      %and3A_324 = arith.andi %ne3A_323, %ne3A_318 : i1
      %add3A_325 = arith.addi %rem3A_316, %select_n3A_315 : i32
      %select_n3A_326 = arith.select %and3A_324, %add3A_325, %rem3A_316 : i32
      %eq3A_327 = arith.constant 2 : i32
      %eq3A_328 = arith.cmpi eq, %select_n3A_326, %eq3A_327 : i32
      %convert_element_type3A_329 = arith.extui %eq3A_328 : i1 to i32
      %cond3A_330 = arith.constant 0 : i32
      %cond3A_331 = arith.cmpi ne, %convert_element_type3A_329, %cond3A_330 : i32
      scf.if %cond3A_331 {
        %add3A_332 = arith.constant 3 : i32
        %add3A_333 = arith.addi %scan3A_274, %add3A_332 : i32
        %sub3A = arith.constant 1 : i32
        %sub3A_334 = arith.subi %add3A_333, %sub3A : i32
        %lt3A_335 = arith.constant 25 : i32
        %lt3A_336 = arith.cmpi slt, %sub3A_334, %lt3A_335 : i32
        %convert_element_type3A_337 = arith.extui %lt3A_336 : i1 to i32
        %cond3A_338 = arith.constant 0 : i32
        %cond3A_339 = arith.cmpi ne, %convert_element_type3A_337, %cond3A_338 : i32
        scf.if %cond3A_339 {
          %ge3A = arith.constant 1 : i32
          %ge3A_358 = arith.cmpi sge, %scan3A_274, %ge3A : i32
          %convert_element_type3A_359 = arith.extui %ge3A_358 : i1 to i32
          %cond3A_360 = arith.constant 0 : i32
          %cond3A_361 = arith.cmpi ne, %convert_element_type3A_359, %cond3A_360 : i32
          scf.if %cond3A_361 {
            %sub3A_372 = arith.constant 1 : i32
            %sub3A_373 = arith.subi %scan3A_274, %sub3A_372 : i32
            %dma_wait3A_374 = arith.constant 0 : i32
            %dma_wait3A_375 = tpu.memref_slice %arg14[%sub3A_373, %dma_wait3A_374] : memref<25x80xi32, #tpu.memory_space<vmem>> -> memref<1x80xi32, #tpu.memory_space<vmem>>
            %dma_wait3A_376 = tpu.memref_squeeze %dma_wait3A_375 : memref<1x80xi32, #tpu.memory_space<vmem>> -> memref<80xi32, #tpu.memory_space<vmem>>
            %dma_wait3A_377 = arith.constant 0 : i32
            %dma_wait3A_378 = arith.constant 0 : i32
            %dma_wait3A_379 = tpu.memref_slice %arg15[%dma_wait3A_377, %dma_wait3A_378] : memref<10000x128xf32, #tpu.memory_space<vmem_shared>> -> memref<10000x128xf32, #tpu.memory_space<vmem_shared>>
            tpu.wait_indirect_dma semaphore(%arg20 : memref<!tpu.dma_semaphore, #tpu.memory_space<semaphore_mem>>) src(%arg11 : memref<80x128xf32, #tpu.memory_space<vmem>>) dst(%dma_wait3A_379 : memref<10000x128xf32, #tpu.memory_space<vmem_shared>>)
          } else {
          }
          %add3A_362 = arith.constant 3 : i32
          %add3A_363 = arith.addi %scan3A_274, %add3A_362 : i32
          %sub3A_364 = arith.constant 1 : i32
          %sub3A_365 = arith.subi %add3A_363, %sub3A_364 : i32
          %dma_start3A_366 = arith.constant 0 : i32
          %dma_start3A_367 = tpu.memref_slice %arg13[%sub3A_365, %dma_start3A_366] : memref<25x80xi32, #tpu.memory_space<vmem>> -> memref<1x80xi32, #tpu.memory_space<vmem>>
          %dma_start3A_368 = tpu.memref_squeeze %dma_start3A_367 : memref<1x80xi32, #tpu.memory_space<vmem>> -> memref<80xi32, #tpu.memory_space<vmem>>
          %dma_start3A_369 = arith.constant 0 : i32
          %dma_start3A_370 = arith.constant 0 : i32
          %dma_start3A_371 = tpu.memref_slice %arg2[%dma_start3A_369, %dma_start3A_370] : memref<10000x128xf32, #tpu.memory_space<hbm>> -> memref<10000x128xf32, #tpu.memory_space<hbm>>
          tpu.enqueue_indirect_dma source(%dma_start3A_371 : memref<10000x128xf32, #tpu.memory_space<hbm>>) target(%arg11 : memref<80x128xf32, #tpu.memory_space<vmem>>) offsets(%dma_start3A_368 : memref<80xi32, #tpu.memory_space<vmem>>) semaphore(%arg17 : memref<!tpu.dma_semaphore, #tpu.memory_space<semaphore_mem>>)
        } else {
        }
        %dma_wait3A_340 = arith.constant 0 : i32
        %dma_wait3A_341 = tpu.memref_slice %arg13[%scan3A_274, %dma_wait3A_340] : memref<25x80xi32, #tpu.memory_space<vmem>> -> memref<1x80xi32, #tpu.memory_space<vmem>>
        %dma_wait3A_342 = tpu.memref_squeeze %dma_wait3A_341 : memref<1x80xi32, #tpu.memory_space<vmem>> -> memref<80xi32, #tpu.memory_space<vmem>>
        %dma_wait3A_343 = arith.constant 0 : i32
        %dma_wait3A_344 = arith.constant 0 : i32
        %dma_wait3A_345 = tpu.memref_slice %arg2[%dma_wait3A_343, %dma_wait3A_344] : memref<10000x128xf32, #tpu.memory_space<hbm>> -> memref<10000x128xf32, #tpu.memory_space<hbm>>
        tpu.wait_indirect_dma semaphore(%arg18 : memref<!tpu.dma_semaphore, #tpu.memory_space<semaphore_mem>>) src(%dma_wait3A_345 : memref<10000x128xf32, #tpu.memory_space<hbm>>) dst(%arg12 : memref<80x128xf32, #tpu.memory_space<vmem>>)
        %dma_start3A_346 = arith.constant 0 : i32
        %dma_start3A_347 = tpu.memref_slice %arg14[%scan3A_274, %dma_start3A_346] : memref<25x80xi32, #tpu.memory_space<vmem>> -> memref<1x80xi32, #tpu.memory_space<vmem>>
        %dma_start3A_348 = tpu.memref_squeeze %dma_start3A_347 : memref<1x80xi32, #tpu.memory_space<vmem>> -> memref<80xi32, #tpu.memory_space<vmem>>
        %dma_start3A_349 = arith.constant 0 : i32
        %dma_start3A_350 = arith.constant 0 : i32
        %dma_start3A_351 = tpu.memref_slice %arg15[%dma_start3A_349, %dma_start3A_350] : memref<10000x128xf32, #tpu.memory_space<vmem_shared>> -> memref<10000x128xf32, #tpu.memory_space<vmem_shared>>
        tpu.enqueue_indirect_dma source(%arg12 : memref<80x128xf32, #tpu.memory_space<vmem>>) target(%dma_start3A_351 : memref<10000x128xf32, #tpu.memory_space<vmem_shared>>) offsets(%dma_start3A_348 : memref<80xi32, #tpu.memory_space<vmem>>) semaphore(%arg21 : memref<!tpu.dma_semaphore, #tpu.memory_space<semaphore_mem>>) {add = true}
        %dma_start3A_352 = arith.constant 0 : i32
        %dma_start3A_353 = tpu.memref_slice %arg14[%scan3A_274, %dma_start3A_352] : memref<25x80xi32, #tpu.memory_space<vmem>> -> memref<1x80xi32, #tpu.memory_space<vmem>>
        %dma_start3A_354 = tpu.memref_squeeze %dma_start3A_353 : memref<1x80xi32, #tpu.memory_space<vmem>> -> memref<80xi32, #tpu.memory_space<vmem>>
        %dma_start3A_355 = arith.constant 0 : i32
        %dma_start3A_356 = arith.constant 0 : i32
        %dma_start3A_357 = tpu.memref_slice %arg22[%dma_start3A_355, %dma_start3A_356] : memref<10000x16xf32, #tpu.memory_space<vmem_shared>> -> memref<10000x16xf32, #tpu.memory_space<vmem_shared>>
        tpu.enqueue_indirect_dma source(%arg23 : memref<80x16xf32, #tpu.memory_space<vmem>>) target(%dma_start3A_357 : memref<10000x16xf32, #tpu.memory_space<vmem_shared>>) offsets(%dma_start3A_354 : memref<80xi32, #tpu.memory_space<vmem>>) semaphore(%arg25 : memref<!tpu.dma_semaphore, #tpu.memory_space<semaphore_mem>>) {add = true}
      } else {
      }
    }
    %scan3A_31 = arith.constant 25 : i32
    %dma_wait3A = arith.constant 22 : i32
    %dma_wait3A_32 = arith.constant 0 : i32
    %dma_wait3A_33 = tpu.memref_slice %arg14[%dma_wait3A, %dma_wait3A_32] : memref<25x80xi32, #tpu.memory_space<vmem>> -> memref<1x80xi32, #tpu.memory_space<vmem>>
    %dma_wait3A_34 = tpu.memref_squeeze %dma_wait3A_33 : memref<1x80xi32, #tpu.memory_space<vmem>> -> memref<80xi32, #tpu.memory_space<vmem>>
    %dma_wait3A_35 = arith.constant 0 : i32
    %dma_wait3A_36 = arith.constant 0 : i32
    %dma_wait3A_37 = tpu.memref_slice %arg15[%dma_wait3A_35, %dma_wait3A_36] : memref<10000x128xf32, #tpu.memory_space<vmem_shared>> -> memref<10000x128xf32, #tpu.memory_space<vmem_shared>>
    tpu.wait_indirect_dma semaphore(%arg20 : memref<!tpu.dma_semaphore, #tpu.memory_space<semaphore_mem>>) src(%arg11 : memref<80x128xf32, #tpu.memory_space<vmem>>) dst(%dma_wait3A_37 : memref<10000x128xf32, #tpu.memory_space<vmem_shared>>)
    %dma_wait3A_38 = arith.constant 23 : i32
    %dma_wait3A_39 = arith.constant 0 : i32
    %dma_wait3A_40 = tpu.memref_slice %arg14[%dma_wait3A_38, %dma_wait3A_39] : memref<25x80xi32, #tpu.memory_space<vmem>> -> memref<1x80xi32, #tpu.memory_space<vmem>>
    %dma_wait3A_41 = tpu.memref_squeeze %dma_wait3A_40 : memref<1x80xi32, #tpu.memory_space<vmem>> -> memref<80xi32, #tpu.memory_space<vmem>>
    %dma_wait3A_42 = arith.constant 0 : i32
    %dma_wait3A_43 = arith.constant 0 : i32
    %dma_wait3A_44 = tpu.memref_slice %arg15[%dma_wait3A_42, %dma_wait3A_43] : memref<10000x128xf32, #tpu.memory_space<vmem_shared>> -> memref<10000x128xf32, #tpu.memory_space<vmem_shared>>
    tpu.wait_indirect_dma semaphore(%arg21 : memref<!tpu.dma_semaphore, #tpu.memory_space<semaphore_mem>>) src(%arg12 : memref<80x128xf32, #tpu.memory_space<vmem>>) dst(%dma_wait3A_44 : memref<10000x128xf32, #tpu.memory_space<vmem_shared>>)
    %dma_wait3A_45 = arith.constant 24 : i32
    %dma_wait3A_46 = arith.constant 0 : i32
    %dma_wait3A_47 = tpu.memref_slice %arg14[%dma_wait3A_45, %dma_wait3A_46] : memref<25x80xi32, #tpu.memory_space<vmem>> -> memref<1x80xi32, #tpu.memory_space<vmem>>
    %dma_wait3A_48 = tpu.memref_squeeze %dma_wait3A_47 : memref<1x80xi32, #tpu.memory_space<vmem>> -> memref<80xi32, #tpu.memory_space<vmem>>
    %dma_wait3A_49 = arith.constant 0 : i32
    %dma_wait3A_50 = arith.constant 0 : i32
    %dma_wait3A_51 = tpu.memref_slice %arg15[%dma_wait3A_49, %dma_wait3A_50] : memref<10000x128xf32, #tpu.memory_space<vmem_shared>> -> memref<10000x128xf32, #tpu.memory_space<vmem_shared>>
    tpu.wait_indirect_dma semaphore(%arg19 : memref<!tpu.dma_semaphore, #tpu.memory_space<semaphore_mem>>) src(%arg10 : memref<80x128xf32, #tpu.memory_space<vmem>>) dst(%dma_wait3A_51 : memref<10000x128xf32, #tpu.memory_space<vmem_shared>>)
    %scan3A_52 = arith.constant 0 : i32
    %scan3A_53 = arith.constant 0 : i32
    %scan3A_54 = arith.constant 25 : i32
    %scan3A_55 = arith.addi %scan3A_53, %scan3A_54 : i32
    %scan3A_56 = arith.constant 1 : i32
    scf.for %scan3A_274 = %scan3A_53 to %scan3A_55 step %scan3A_56  : i32 {
      %dma_wait3A_275 = arith.constant 0 : i32
      %dma_wait3A_276 = arith.constant 0 : i32
      %dma_wait3A_277 = tpu.memref_slice %arg14[%dma_wait3A_275, %dma_wait3A_276] : memref<25x80xi32, #tpu.memory_space<vmem>> -> memref<1x80xi32, #tpu.memory_space<vmem>>
      %dma_wait3A_278 = tpu.memref_squeeze %dma_wait3A_277 : memref<1x80xi32, #tpu.memory_space<vmem>> -> memref<80xi32, #tpu.memory_space<vmem>>
      %dma_wait3A_279 = arith.constant 0 : i32
      %dma_wait3A_280 = arith.constant 0 : i32
      %dma_wait3A_281 = tpu.memref_slice %arg22[%dma_wait3A_279, %dma_wait3A_280] : memref<10000x16xf32, #tpu.memory_space<vmem_shared>> -> memref<10000x16xf32, #tpu.memory_space<vmem_shared>>
      tpu.wait_indirect_dma semaphore(%arg25 : memref<!tpu.dma_semaphore, #tpu.memory_space<semaphore_mem>>) src(%arg23 : memref<80x16xf32, #tpu.memory_space<vmem>>) dst(%dma_wait3A_281 : memref<10000x16xf32, #tpu.memory_space<vmem_shared>>)
    }
    %scan3A_57 = arith.constant 25 : i32
    %add3A_58 = arith.constant 25 : i32
    %add3A_59 = arith.addi %mul3A_2, %add3A_58 : i32
    "tpu.region"() ({
      %run_scoped3A = tpu.sem_alloc : memref<!tpu.dma_semaphore, #tpu.memory_space<semaphore_mem>>
      %dma_start3A_274 = arith.constant 0 : i32
      %dma_start3A_275 = tpu.memref_slice %arg3[%add3A_59, %dma_start3A_274] : memref<4000x80xi32, #tpu.memory_space<hbm>> -> memref<25x80xi32, #tpu.memory_space<hbm>>
      %dma_start3A_276 = arith.constant 0 : i32
      %dma_start3A_277 = tpu.memref_slice %arg3[%add3A_59, %dma_start3A_276] : memref<4000x80xi32, #tpu.memory_space<hbm>> -> memref<25x80xi32, #tpu.memory_space<hbm>>
      tpu.enqueue_dma source(%dma_start3A_277 : memref<25x80xi32, #tpu.memory_space<hbm>>) target(%arg13 : memref<25x80xi32, #tpu.memory_space<vmem>>) target_semaphore(%run_scoped3A : memref<!tpu.dma_semaphore, #tpu.memory_space<semaphore_mem>>)
      %dma_wait3A_278 = arith.constant 0 : i32
      %dma_wait3A_279 = tpu.memref_slice %arg3[%add3A_59, %dma_wait3A_278] : memref<4000x80xi32, #tpu.memory_space<hbm>> -> memref<25x80xi32, #tpu.memory_space<hbm>>
      %dma_wait3A_280 = arith.constant 0 : i32
      %dma_wait3A_281 = tpu.memref_slice %arg3[%add3A_59, %dma_wait3A_280] : memref<4000x80xi32, #tpu.memory_space<hbm>> -> memref<25x80xi32, #tpu.memory_space<hbm>>
      tpu.wait_dma2 semaphore(%run_scoped3A : memref<!tpu.dma_semaphore, #tpu.memory_space<semaphore_mem>>) src(%dma_wait3A_281 : memref<25x80xi32, #tpu.memory_space<hbm>>) dst(%arg13 : memref<25x80xi32, #tpu.memory_space<vmem>>)
      tpu.yield
    }) : () -> ()
    "tpu.region"() ({
      %run_scoped3A = tpu.sem_alloc : memref<!tpu.dma_semaphore, #tpu.memory_space<semaphore_mem>>
      %dma_start3A_274 = arith.constant 0 : i32
      %dma_start3A_275 = tpu.memref_slice %arg4[%add3A_59, %dma_start3A_274] : memref<4000x80xi32, #tpu.memory_space<hbm>> -> memref<25x80xi32, #tpu.memory_space<hbm>>
      %dma_start3A_276 = arith.constant 0 : i32
      %dma_start3A_277 = tpu.memref_slice %arg4[%add3A_59, %dma_start3A_276] : memref<4000x80xi32, #tpu.memory_space<hbm>> -> memref<25x80xi32, #tpu.memory_space<hbm>>
      tpu.enqueue_dma source(%dma_start3A_277 : memref<25x80xi32, #tpu.memory_space<hbm>>) target(%arg14 : memref<25x80xi32, #tpu.memory_space<vmem>>) target_semaphore(%run_scoped3A : memref<!tpu.dma_semaphore, #tpu.memory_space<semaphore_mem>>)
      %dma_wait3A_278 = arith.constant 0 : i32
      %dma_wait3A_279 = tpu.memref_slice %arg4[%add3A_59, %dma_wait3A_278] : memref<4000x80xi32, #tpu.memory_space<hbm>> -> memref<25x80xi32, #tpu.memory_space<hbm>>
      %dma_wait3A_280 = arith.constant 0 : i32
      %dma_wait3A_281 = tpu.memref_slice %arg4[%add3A_59, %dma_wait3A_280] : memref<4000x80xi32, #tpu.memory_space<hbm>> -> memref<25x80xi32, #tpu.memory_space<hbm>>
      tpu.wait_dma2 semaphore(%run_scoped3A : memref<!tpu.dma_semaphore, #tpu.memory_space<semaphore_mem>>) src(%dma_wait3A_281 : memref<25x80xi32, #tpu.memory_space<hbm>>) dst(%arg14 : memref<25x80xi32, #tpu.memory_space<vmem>>)
      tpu.yield
    }) : () -> ()
    %dma_start3A_60 = arith.constant 0 : i32
    %dma_start3A_61 = arith.constant 0 : i32
    %dma_start3A_62 = tpu.memref_slice %arg13[%dma_start3A_60, %dma_start3A_61] : memref<25x80xi32, #tpu.memory_space<vmem>> -> memref<1x80xi32, #tpu.memory_space<vmem>>
    %dma_start3A_63 = tpu.memref_squeeze %dma_start3A_62 : memref<1x80xi32, #tpu.memory_space<vmem>> -> memref<80xi32, #tpu.memory_space<vmem>>
    %dma_start3A_64 = arith.constant 0 : i32
    %dma_start3A_65 = arith.constant 0 : i32
    %dma_start3A_66 = tpu.memref_slice %arg2[%dma_start3A_64, %dma_start3A_65] : memref<10000x128xf32, #tpu.memory_space<hbm>> -> memref<10000x128xf32, #tpu.memory_space<hbm>>
    tpu.enqueue_indirect_dma source(%dma_start3A_66 : memref<10000x128xf32, #tpu.memory_space<hbm>>) target(%arg10 : memref<80x128xf32, #tpu.memory_space<vmem>>) offsets(%dma_start3A_63 : memref<80xi32, #tpu.memory_space<vmem>>) semaphore(%arg16 : memref<!tpu.dma_semaphore, #tpu.memory_space<semaphore_mem>>)
    %dma_start3A_67 = arith.constant 1 : i32
    %dma_start3A_68 = arith.constant 0 : i32
    %dma_start3A_69 = tpu.memref_slice %arg13[%dma_start3A_67, %dma_start3A_68] : memref<25x80xi32, #tpu.memory_space<vmem>> -> memref<1x80xi32, #tpu.memory_space<vmem>>
    %dma_start3A_70 = tpu.memref_squeeze %dma_start3A_69 : memref<1x80xi32, #tpu.memory_space<vmem>> -> memref<80xi32, #tpu.memory_space<vmem>>
    %dma_start3A_71 = arith.constant 0 : i32
    %dma_start3A_72 = arith.constant 0 : i32
    %dma_start3A_73 = tpu.memref_slice %arg2[%dma_start3A_71, %dma_start3A_72] : memref<10000x128xf32, #tpu.memory_space<hbm>> -> memref<10000x128xf32, #tpu.memory_space<hbm>>
    tpu.enqueue_indirect_dma source(%dma_start3A_73 : memref<10000x128xf32, #tpu.memory_space<hbm>>) target(%arg11 : memref<80x128xf32, #tpu.memory_space<vmem>>) offsets(%dma_start3A_70 : memref<80xi32, #tpu.memory_space<vmem>>) semaphore(%arg17 : memref<!tpu.dma_semaphore, #tpu.memory_space<semaphore_mem>>)
    %scan3A_74 = arith.constant 0 : i32
    %scan3A_75 = arith.constant 0 : i32
    %scan3A_76 = arith.constant 25 : i32
    %scan3A_77 = arith.addi %scan3A_75, %scan3A_76 : i32
    %scan3A_78 = arith.constant 1 : i32
    scf.for %scan3A_274 = %scan3A_75 to %scan3A_77 step %scan3A_78  : i32 {
      %jit3A = arith.constant 3 : i32
      %eq3A_275 = arith.constant 0 : i32
      %eq3A_276 = arith.cmpi eq, %jit3A, %eq3A_275 : i32
      %jit3A_277 = arith.constant 1 : i32
      %select_n3A = arith.select %eq3A_276, %jit3A_277, %jit3A : i32
      %rem3A = arith.remsi %scan3A_274, %select_n3A : i32
      %ne3A = arith.constant 0 : i32
      %ne3A_278 = arith.cmpi ne, %rem3A, %ne3A : i32
      %lt3A = arith.constant 0 : i32
      %lt3A_279 = arith.cmpi slt, %rem3A, %lt3A : i32
      %lt3A_280 = arith.constant 0 : i32
      %lt3A_281 = arith.cmpi slt, %select_n3A, %lt3A_280 : i32
      %ne3A_282 = arith.xori %lt3A_279, %lt3A_281 : i1
      %and3A = arith.andi %ne3A_282, %ne3A_278 : i1
      %add3A_283 = arith.addi %rem3A, %select_n3A : i32
      %select_n3A_284 = arith.select %and3A, %add3A_283, %rem3A : i32
      %eq3A_285 = arith.constant 0 : i32
      %eq3A_286 = arith.cmpi eq, %select_n3A_284, %eq3A_285 : i32
      %convert_element_type3A_287 = arith.extui %eq3A_286 : i1 to i32
      %cond3A_288 = arith.constant 0 : i32
      %cond3A_289 = arith.cmpi ne, %convert_element_type3A_287, %cond3A_288 : i32
      scf.if %cond3A_289 {
        %add3A_332 = arith.constant 3 : i32
        %add3A_333 = arith.addi %scan3A_274, %add3A_332 : i32
        %sub3A = arith.constant 1 : i32
        %sub3A_334 = arith.subi %add3A_333, %sub3A : i32
        %lt3A_335 = arith.constant 25 : i32
        %lt3A_336 = arith.cmpi slt, %sub3A_334, %lt3A_335 : i32
        %convert_element_type3A_337 = arith.extui %lt3A_336 : i1 to i32
        %cond3A_338 = arith.constant 0 : i32
        %cond3A_339 = arith.cmpi ne, %convert_element_type3A_337, %cond3A_338 : i32
        scf.if %cond3A_339 {
          %ge3A = arith.constant 1 : i32
          %ge3A_358 = arith.cmpi sge, %scan3A_274, %ge3A : i32
          %convert_element_type3A_359 = arith.extui %ge3A_358 : i1 to i32
          %cond3A_360 = arith.constant 0 : i32
          %cond3A_361 = arith.cmpi ne, %convert_element_type3A_359, %cond3A_360 : i32
          scf.if %cond3A_361 {
            %sub3A_372 = arith.constant 1 : i32
            %sub3A_373 = arith.subi %scan3A_274, %sub3A_372 : i32
            %dma_wait3A_374 = arith.constant 0 : i32
            %dma_wait3A_375 = tpu.memref_slice %arg14[%sub3A_373, %dma_wait3A_374] : memref<25x80xi32, #tpu.memory_space<vmem>> -> memref<1x80xi32, #tpu.memory_space<vmem>>
            %dma_wait3A_376 = tpu.memref_squeeze %dma_wait3A_375 : memref<1x80xi32, #tpu.memory_space<vmem>> -> memref<80xi32, #tpu.memory_space<vmem>>
            %dma_wait3A_377 = arith.constant 0 : i32
            %dma_wait3A_378 = arith.constant 0 : i32
            %dma_wait3A_379 = tpu.memref_slice %arg15[%dma_wait3A_377, %dma_wait3A_378] : memref<10000x128xf32, #tpu.memory_space<vmem_shared>> -> memref<10000x128xf32, #tpu.memory_space<vmem_shared>>
            tpu.wait_indirect_dma semaphore(%arg21 : memref<!tpu.dma_semaphore, #tpu.memory_space<semaphore_mem>>) src(%arg12 : memref<80x128xf32, #tpu.memory_space<vmem>>) dst(%dma_wait3A_379 : memref<10000x128xf32, #tpu.memory_space<vmem_shared>>)
          } else {
          }
          %add3A_362 = arith.constant 3 : i32
          %add3A_363 = arith.addi %scan3A_274, %add3A_362 : i32
          %sub3A_364 = arith.constant 1 : i32
          %sub3A_365 = arith.subi %add3A_363, %sub3A_364 : i32
          %dma_start3A_366 = arith.constant 0 : i32
          %dma_start3A_367 = tpu.memref_slice %arg13[%sub3A_365, %dma_start3A_366] : memref<25x80xi32, #tpu.memory_space<vmem>> -> memref<1x80xi32, #tpu.memory_space<vmem>>
          %dma_start3A_368 = tpu.memref_squeeze %dma_start3A_367 : memref<1x80xi32, #tpu.memory_space<vmem>> -> memref<80xi32, #tpu.memory_space<vmem>>
          %dma_start3A_369 = arith.constant 0 : i32
          %dma_start3A_370 = arith.constant 0 : i32
          %dma_start3A_371 = tpu.memref_slice %arg2[%dma_start3A_369, %dma_start3A_370] : memref<10000x128xf32, #tpu.memory_space<hbm>> -> memref<10000x128xf32, #tpu.memory_space<hbm>>
          tpu.enqueue_indirect_dma source(%dma_start3A_371 : memref<10000x128xf32, #tpu.memory_space<hbm>>) target(%arg12 : memref<80x128xf32, #tpu.memory_space<vmem>>) offsets(%dma_start3A_368 : memref<80xi32, #tpu.memory_space<vmem>>) semaphore(%arg18 : memref<!tpu.dma_semaphore, #tpu.memory_space<semaphore_mem>>)
        } else {
        }
        %dma_wait3A_340 = arith.constant 0 : i32
        %dma_wait3A_341 = tpu.memref_slice %arg13[%scan3A_274, %dma_wait3A_340] : memref<25x80xi32, #tpu.memory_space<vmem>> -> memref<1x80xi32, #tpu.memory_space<vmem>>
        %dma_wait3A_342 = tpu.memref_squeeze %dma_wait3A_341 : memref<1x80xi32, #tpu.memory_space<vmem>> -> memref<80xi32, #tpu.memory_space<vmem>>
        %dma_wait3A_343 = arith.constant 0 : i32
        %dma_wait3A_344 = arith.constant 0 : i32
        %dma_wait3A_345 = tpu.memref_slice %arg2[%dma_wait3A_343, %dma_wait3A_344] : memref<10000x128xf32, #tpu.memory_space<hbm>> -> memref<10000x128xf32, #tpu.memory_space<hbm>>
        tpu.wait_indirect_dma semaphore(%arg16 : memref<!tpu.dma_semaphore, #tpu.memory_space<semaphore_mem>>) src(%dma_wait3A_345 : memref<10000x128xf32, #tpu.memory_space<hbm>>) dst(%arg10 : memref<80x128xf32, #tpu.memory_space<vmem>>)
        %dma_start3A_346 = arith.constant 0 : i32
        %dma_start3A_347 = tpu.memref_slice %arg14[%scan3A_274, %dma_start3A_346] : memref<25x80xi32, #tpu.memory_space<vmem>> -> memref<1x80xi32, #tpu.memory_space<vmem>>
        %dma_start3A_348 = tpu.memref_squeeze %dma_start3A_347 : memref<1x80xi32, #tpu.memory_space<vmem>> -> memref<80xi32, #tpu.memory_space<vmem>>
        %dma_start3A_349 = arith.constant 0 : i32
        %dma_start3A_350 = arith.constant 0 : i32
        %dma_start3A_351 = tpu.memref_slice %arg15[%dma_start3A_349, %dma_start3A_350] : memref<10000x128xf32, #tpu.memory_space<vmem_shared>> -> memref<10000x128xf32, #tpu.memory_space<vmem_shared>>
        tpu.enqueue_indirect_dma source(%arg10 : memref<80x128xf32, #tpu.memory_space<vmem>>) target(%dma_start3A_351 : memref<10000x128xf32, #tpu.memory_space<vmem_shared>>) offsets(%dma_start3A_348 : memref<80xi32, #tpu.memory_space<vmem>>) semaphore(%arg19 : memref<!tpu.dma_semaphore, #tpu.memory_space<semaphore_mem>>) {add = true}
        %dma_start3A_352 = arith.constant 0 : i32
        %dma_start3A_353 = tpu.memref_slice %arg14[%scan3A_274, %dma_start3A_352] : memref<25x80xi32, #tpu.memory_space<vmem>> -> memref<1x80xi32, #tpu.memory_space<vmem>>
        %dma_start3A_354 = tpu.memref_squeeze %dma_start3A_353 : memref<1x80xi32, #tpu.memory_space<vmem>> -> memref<80xi32, #tpu.memory_space<vmem>>
        %dma_start3A_355 = arith.constant 0 : i32
        %dma_start3A_356 = arith.constant 0 : i32
        %dma_start3A_357 = tpu.memref_slice %arg22[%dma_start3A_355, %dma_start3A_356] : memref<10000x16xf32, #tpu.memory_space<vmem_shared>> -> memref<10000x16xf32, #tpu.memory_space<vmem_shared>>
        tpu.enqueue_indirect_dma source(%arg23 : memref<80x16xf32, #tpu.memory_space<vmem>>) target(%dma_start3A_357 : memref<10000x16xf32, #tpu.memory_space<vmem_shared>>) offsets(%dma_start3A_354 : memref<80xi32, #tpu.memory_space<vmem>>) semaphore(%arg25 : memref<!tpu.dma_semaphore, #tpu.memory_space<semaphore_mem>>) {add = true}
      } else {
      }
      %jit3A_290 = arith.constant 3 : i32
      %eq3A_291 = arith.constant 0 : i32
      %eq3A_292 = arith.cmpi eq, %jit3A_290, %eq3A_291 : i32
      %jit3A_293 = arith.constant 1 : i32
      %select_n3A_294 = arith.select %eq3A_292, %jit3A_293, %jit3A_290 : i32
      %rem3A_295 = arith.remsi %scan3A_274, %select_n3A_294 : i32
      %ne3A_296 = arith.constant 0 : i32
      %ne3A_297 = arith.cmpi ne, %rem3A_295, %ne3A_296 : i32
      %lt3A_298 = arith.constant 0 : i32
      %lt3A_299 = arith.cmpi slt, %rem3A_295, %lt3A_298 : i32
      %lt3A_300 = arith.constant 0 : i32
      %lt3A_301 = arith.cmpi slt, %select_n3A_294, %lt3A_300 : i32
      %ne3A_302 = arith.xori %lt3A_299, %lt3A_301 : i1
      %and3A_303 = arith.andi %ne3A_302, %ne3A_297 : i1
      %add3A_304 = arith.addi %rem3A_295, %select_n3A_294 : i32
      %select_n3A_305 = arith.select %and3A_303, %add3A_304, %rem3A_295 : i32
      %eq3A_306 = arith.constant 1 : i32
      %eq3A_307 = arith.cmpi eq, %select_n3A_305, %eq3A_306 : i32
      %convert_element_type3A_308 = arith.extui %eq3A_307 : i1 to i32
      %cond3A_309 = arith.constant 0 : i32
      %cond3A_310 = arith.cmpi ne, %convert_element_type3A_308, %cond3A_309 : i32
      scf.if %cond3A_310 {
        %add3A_332 = arith.constant 3 : i32
        %add3A_333 = arith.addi %scan3A_274, %add3A_332 : i32
        %sub3A = arith.constant 1 : i32
        %sub3A_334 = arith.subi %add3A_333, %sub3A : i32
        %lt3A_335 = arith.constant 25 : i32
        %lt3A_336 = arith.cmpi slt, %sub3A_334, %lt3A_335 : i32
        %convert_element_type3A_337 = arith.extui %lt3A_336 : i1 to i32
        %cond3A_338 = arith.constant 0 : i32
        %cond3A_339 = arith.cmpi ne, %convert_element_type3A_337, %cond3A_338 : i32
        scf.if %cond3A_339 {
          %ge3A = arith.constant 1 : i32
          %ge3A_358 = arith.cmpi sge, %scan3A_274, %ge3A : i32
          %convert_element_type3A_359 = arith.extui %ge3A_358 : i1 to i32
          %cond3A_360 = arith.constant 0 : i32
          %cond3A_361 = arith.cmpi ne, %convert_element_type3A_359, %cond3A_360 : i32
          scf.if %cond3A_361 {
            %sub3A_372 = arith.constant 1 : i32
            %sub3A_373 = arith.subi %scan3A_274, %sub3A_372 : i32
            %dma_wait3A_374 = arith.constant 0 : i32
            %dma_wait3A_375 = tpu.memref_slice %arg14[%sub3A_373, %dma_wait3A_374] : memref<25x80xi32, #tpu.memory_space<vmem>> -> memref<1x80xi32, #tpu.memory_space<vmem>>
            %dma_wait3A_376 = tpu.memref_squeeze %dma_wait3A_375 : memref<1x80xi32, #tpu.memory_space<vmem>> -> memref<80xi32, #tpu.memory_space<vmem>>
            %dma_wait3A_377 = arith.constant 0 : i32
            %dma_wait3A_378 = arith.constant 0 : i32
            %dma_wait3A_379 = tpu.memref_slice %arg15[%dma_wait3A_377, %dma_wait3A_378] : memref<10000x128xf32, #tpu.memory_space<vmem_shared>> -> memref<10000x128xf32, #tpu.memory_space<vmem_shared>>
            tpu.wait_indirect_dma semaphore(%arg19 : memref<!tpu.dma_semaphore, #tpu.memory_space<semaphore_mem>>) src(%arg10 : memref<80x128xf32, #tpu.memory_space<vmem>>) dst(%dma_wait3A_379 : memref<10000x128xf32, #tpu.memory_space<vmem_shared>>)
          } else {
          }
          %add3A_362 = arith.constant 3 : i32
          %add3A_363 = arith.addi %scan3A_274, %add3A_362 : i32
          %sub3A_364 = arith.constant 1 : i32
          %sub3A_365 = arith.subi %add3A_363, %sub3A_364 : i32
          %dma_start3A_366 = arith.constant 0 : i32
          %dma_start3A_367 = tpu.memref_slice %arg13[%sub3A_365, %dma_start3A_366] : memref<25x80xi32, #tpu.memory_space<vmem>> -> memref<1x80xi32, #tpu.memory_space<vmem>>
          %dma_start3A_368 = tpu.memref_squeeze %dma_start3A_367 : memref<1x80xi32, #tpu.memory_space<vmem>> -> memref<80xi32, #tpu.memory_space<vmem>>
          %dma_start3A_369 = arith.constant 0 : i32
          %dma_start3A_370 = arith.constant 0 : i32
          %dma_start3A_371 = tpu.memref_slice %arg2[%dma_start3A_369, %dma_start3A_370] : memref<10000x128xf32, #tpu.memory_space<hbm>> -> memref<10000x128xf32, #tpu.memory_space<hbm>>
          tpu.enqueue_indirect_dma source(%dma_start3A_371 : memref<10000x128xf32, #tpu.memory_space<hbm>>) target(%arg10 : memref<80x128xf32, #tpu.memory_space<vmem>>) offsets(%dma_start3A_368 : memref<80xi32, #tpu.memory_space<vmem>>) semaphore(%arg16 : memref<!tpu.dma_semaphore, #tpu.memory_space<semaphore_mem>>)
        } else {
        }
        %dma_wait3A_340 = arith.constant 0 : i32
        %dma_wait3A_341 = tpu.memref_slice %arg13[%scan3A_274, %dma_wait3A_340] : memref<25x80xi32, #tpu.memory_space<vmem>> -> memref<1x80xi32, #tpu.memory_space<vmem>>
        %dma_wait3A_342 = tpu.memref_squeeze %dma_wait3A_341 : memref<1x80xi32, #tpu.memory_space<vmem>> -> memref<80xi32, #tpu.memory_space<vmem>>
        %dma_wait3A_343 = arith.constant 0 : i32
        %dma_wait3A_344 = arith.constant 0 : i32
        %dma_wait3A_345 = tpu.memref_slice %arg2[%dma_wait3A_343, %dma_wait3A_344] : memref<10000x128xf32, #tpu.memory_space<hbm>> -> memref<10000x128xf32, #tpu.memory_space<hbm>>
        tpu.wait_indirect_dma semaphore(%arg17 : memref<!tpu.dma_semaphore, #tpu.memory_space<semaphore_mem>>) src(%dma_wait3A_345 : memref<10000x128xf32, #tpu.memory_space<hbm>>) dst(%arg11 : memref<80x128xf32, #tpu.memory_space<vmem>>)
        %dma_start3A_346 = arith.constant 0 : i32
        %dma_start3A_347 = tpu.memref_slice %arg14[%scan3A_274, %dma_start3A_346] : memref<25x80xi32, #tpu.memory_space<vmem>> -> memref<1x80xi32, #tpu.memory_space<vmem>>
        %dma_start3A_348 = tpu.memref_squeeze %dma_start3A_347 : memref<1x80xi32, #tpu.memory_space<vmem>> -> memref<80xi32, #tpu.memory_space<vmem>>
        %dma_start3A_349 = arith.constant 0 : i32
        %dma_start3A_350 = arith.constant 0 : i32
        %dma_start3A_351 = tpu.memref_slice %arg15[%dma_start3A_349, %dma_start3A_350] : memref<10000x128xf32, #tpu.memory_space<vmem_shared>> -> memref<10000x128xf32, #tpu.memory_space<vmem_shared>>
        tpu.enqueue_indirect_dma source(%arg11 : memref<80x128xf32, #tpu.memory_space<vmem>>) target(%dma_start3A_351 : memref<10000x128xf32, #tpu.memory_space<vmem_shared>>) offsets(%dma_start3A_348 : memref<80xi32, #tpu.memory_space<vmem>>) semaphore(%arg20 : memref<!tpu.dma_semaphore, #tpu.memory_space<semaphore_mem>>) {add = true}
        %dma_start3A_352 = arith.constant 0 : i32
        %dma_start3A_353 = tpu.memref_slice %arg14[%scan3A_274, %dma_start3A_352] : memref<25x80xi32, #tpu.memory_space<vmem>> -> memref<1x80xi32, #tpu.memory_space<vmem>>
        %dma_start3A_354 = tpu.memref_squeeze %dma_start3A_353 : memref<1x80xi32, #tpu.memory_space<vmem>> -> memref<80xi32, #tpu.memory_space<vmem>>
        %dma_start3A_355 = arith.constant 0 : i32
        %dma_start3A_356 = arith.constant 0 : i32
        %dma_start3A_357 = tpu.memref_slice %arg22[%dma_start3A_355, %dma_start3A_356] : memref<10000x16xf32, #tpu.memory_space<vmem_shared>> -> memref<10000x16xf32, #tpu.memory_space<vmem_shared>>
        tpu.enqueue_indirect_dma source(%arg23 : memref<80x16xf32, #tpu.memory_space<vmem>>) target(%dma_start3A_357 : memref<10000x16xf32, #tpu.memory_space<vmem_shared>>) offsets(%dma_start3A_354 : memref<80xi32, #tpu.memory_space<vmem>>) semaphore(%arg25 : memref<!tpu.dma_semaphore, #tpu.memory_space<semaphore_mem>>) {add = true}
      } else {
      }
      %jit3A_311 = arith.constant 3 : i32
      %eq3A_312 = arith.constant 0 : i32
      %eq3A_313 = arith.cmpi eq, %jit3A_311, %eq3A_312 : i32
      %jit3A_314 = arith.constant 1 : i32
      %select_n3A_315 = arith.select %eq3A_313, %jit3A_314, %jit3A_311 : i32
      %rem3A_316 = arith.remsi %scan3A_274, %select_n3A_315 : i32
      %ne3A_317 = arith.constant 0 : i32
      %ne3A_318 = arith.cmpi ne, %rem3A_316, %ne3A_317 : i32
      %lt3A_319 = arith.constant 0 : i32
      %lt3A_320 = arith.cmpi slt, %rem3A_316, %lt3A_319 : i32
      %lt3A_321 = arith.constant 0 : i32
      %lt3A_322 = arith.cmpi slt, %select_n3A_315, %lt3A_321 : i32
      %ne3A_323 = arith.xori %lt3A_320, %lt3A_322 : i1
      %and3A_324 = arith.andi %ne3A_323, %ne3A_318 : i1
      %add3A_325 = arith.addi %rem3A_316, %select_n3A_315 : i32
      %select_n3A_326 = arith.select %and3A_324, %add3A_325, %rem3A_316 : i32
      %eq3A_327 = arith.constant 2 : i32
      %eq3A_328 = arith.cmpi eq, %select_n3A_326, %eq3A_327 : i32
      %convert_element_type3A_329 = arith.extui %eq3A_328 : i1 to i32
      %cond3A_330 = arith.constant 0 : i32
      %cond3A_331 = arith.cmpi ne, %convert_element_type3A_329, %cond3A_330 : i32
      scf.if %cond3A_331 {
        %add3A_332 = arith.constant 3 : i32
        %add3A_333 = arith.addi %scan3A_274, %add3A_332 : i32
        %sub3A = arith.constant 1 : i32
        %sub3A_334 = arith.subi %add3A_333, %sub3A : i32
        %lt3A_335 = arith.constant 25 : i32
        %lt3A_336 = arith.cmpi slt, %sub3A_334, %lt3A_335 : i32
        %convert_element_type3A_337 = arith.extui %lt3A_336 : i1 to i32
        %cond3A_338 = arith.constant 0 : i32
        %cond3A_339 = arith.cmpi ne, %convert_element_type3A_337, %cond3A_338 : i32
        scf.if %cond3A_339 {
          %ge3A = arith.constant 1 : i32
          %ge3A_358 = arith.cmpi sge, %scan3A_274, %ge3A : i32
          %convert_element_type3A_359 = arith.extui %ge3A_358 : i1 to i32
          %cond3A_360 = arith.constant 0 : i32
          %cond3A_361 = arith.cmpi ne, %convert_element_type3A_359, %cond3A_360 : i32
          scf.if %cond3A_361 {
            %sub3A_372 = arith.constant 1 : i32
            %sub3A_373 = arith.subi %scan3A_274, %sub3A_372 : i32
            %dma_wait3A_374 = arith.constant 0 : i32
            %dma_wait3A_375 = tpu.memref_slice %arg14[%sub3A_373, %dma_wait3A_374] : memref<25x80xi32, #tpu.memory_space<vmem>> -> memref<1x80xi32, #tpu.memory_space<vmem>>
            %dma_wait3A_376 = tpu.memref_squeeze %dma_wait3A_375 : memref<1x80xi32, #tpu.memory_space<vmem>> -> memref<80xi32, #tpu.memory_space<vmem>>
            %dma_wait3A_377 = arith.constant 0 : i32
            %dma_wait3A_378 = arith.constant 0 : i32
            %dma_wait3A_379 = tpu.memref_slice %arg15[%dma_wait3A_377, %dma_wait3A_378] : memref<10000x128xf32, #tpu.memory_space<vmem_shared>> -> memref<10000x128xf32, #tpu.memory_space<vmem_shared>>
            tpu.wait_indirect_dma semaphore(%arg20 : memref<!tpu.dma_semaphore, #tpu.memory_space<semaphore_mem>>) src(%arg11 : memref<80x128xf32, #tpu.memory_space<vmem>>) dst(%dma_wait3A_379 : memref<10000x128xf32, #tpu.memory_space<vmem_shared>>)
          } else {
          }
          %add3A_362 = arith.constant 3 : i32
          %add3A_363 = arith.addi %scan3A_274, %add3A_362 : i32
          %sub3A_364 = arith.constant 1 : i32
          %sub3A_365 = arith.subi %add3A_363, %sub3A_364 : i32
          %dma_start3A_366 = arith.constant 0 : i32
          %dma_start3A_367 = tpu.memref_slice %arg13[%sub3A_365, %dma_start3A_366] : memref<25x80xi32, #tpu.memory_space<vmem>> -> memref<1x80xi32, #tpu.memory_space<vmem>>
          %dma_start3A_368 = tpu.memref_squeeze %dma_start3A_367 : memref<1x80xi32, #tpu.memory_space<vmem>> -> memref<80xi32, #tpu.memory_space<vmem>>
          %dma_start3A_369 = arith.constant 0 : i32
          %dma_start3A_370 = arith.constant 0 : i32
          %dma_start3A_371 = tpu.memref_slice %arg2[%dma_start3A_369, %dma_start3A_370] : memref<10000x128xf32, #tpu.memory_space<hbm>> -> memref<10000x128xf32, #tpu.memory_space<hbm>>
          tpu.enqueue_indirect_dma source(%dma_start3A_371 : memref<10000x128xf32, #tpu.memory_space<hbm>>) target(%arg11 : memref<80x128xf32, #tpu.memory_space<vmem>>) offsets(%dma_start3A_368 : memref<80xi32, #tpu.memory_space<vmem>>) semaphore(%arg17 : memref<!tpu.dma_semaphore, #tpu.memory_space<semaphore_mem>>)
        } else {
        }
        %dma_wait3A_340 = arith.constant 0 : i32
        %dma_wait3A_341 = tpu.memref_slice %arg13[%scan3A_274, %dma_wait3A_340] : memref<25x80xi32, #tpu.memory_space<vmem>> -> memref<1x80xi32, #tpu.memory_space<vmem>>
        %dma_wait3A_342 = tpu.memref_squeeze %dma_wait3A_341 : memref<1x80xi32, #tpu.memory_space<vmem>> -> memref<80xi32, #tpu.memory_space<vmem>>
        %dma_wait3A_343 = arith.constant 0 : i32
        %dma_wait3A_344 = arith.constant 0 : i32
        %dma_wait3A_345 = tpu.memref_slice %arg2[%dma_wait3A_343, %dma_wait3A_344] : memref<10000x128xf32, #tpu.memory_space<hbm>> -> memref<10000x128xf32, #tpu.memory_space<hbm>>
        tpu.wait_indirect_dma semaphore(%arg18 : memref<!tpu.dma_semaphore, #tpu.memory_space<semaphore_mem>>) src(%dma_wait3A_345 : memref<10000x128xf32, #tpu.memory_space<hbm>>) dst(%arg12 : memref<80x128xf32, #tpu.memory_space<vmem>>)
        %dma_start3A_346 = arith.constant 0 : i32
        %dma_start3A_347 = tpu.memref_slice %arg14[%scan3A_274, %dma_start3A_346] : memref<25x80xi32, #tpu.memory_space<vmem>> -> memref<1x80xi32, #tpu.memory_space<vmem>>
        %dma_start3A_348 = tpu.memref_squeeze %dma_start3A_347 : memref<1x80xi32, #tpu.memory_space<vmem>> -> memref<80xi32, #tpu.memory_space<vmem>>
        %dma_start3A_349 = arith.constant 0 : i32
        %dma_start3A_350 = arith.constant 0 : i32
        %dma_start3A_351 = tpu.memref_slice %arg15[%dma_start3A_349, %dma_start3A_350] : memref<10000x128xf32, #tpu.memory_space<vmem_shared>> -> memref<10000x128xf32, #tpu.memory_space<vmem_shared>>
        tpu.enqueue_indirect_dma source(%arg12 : memref<80x128xf32, #tpu.memory_space<vmem>>) target(%dma_start3A_351 : memref<10000x128xf32, #tpu.memory_space<vmem_shared>>) offsets(%dma_start3A_348 : memref<80xi32, #tpu.memory_space<vmem>>) semaphore(%arg21 : memref<!tpu.dma_semaphore, #tpu.memory_space<semaphore_mem>>) {add = true}
        %dma_start3A_352 = arith.constant 0 : i32
        %dma_start3A_353 = tpu.memref_slice %arg14[%scan3A_274, %dma_start3A_352] : memref<25x80xi32, #tpu.memory_space<vmem>> -> memref<1x80xi32, #tpu.memory_space<vmem>>
        %dma_start3A_354 = tpu.memref_squeeze %dma_start3A_353 : memref<1x80xi32, #tpu.memory_space<vmem>> -> memref<80xi32, #tpu.memory_space<vmem>>
        %dma_start3A_355 = arith.constant 0 : i32
        %dma_start3A_356 = arith.constant 0 : i32
        %dma_start3A_357 = tpu.memref_slice %arg22[%dma_start3A_355, %dma_start3A_356] : memref<10000x16xf32, #tpu.memory_space<vmem_shared>> -> memref<10000x16xf32, #tpu.memory_space<vmem_shared>>
        tpu.enqueue_indirect_dma source(%arg23 : memref<80x16xf32, #tpu.memory_space<vmem>>) target(%dma_start3A_357 : memref<10000x16xf32, #tpu.memory_space<vmem_shared>>) offsets(%dma_start3A_354 : memref<80xi32, #tpu.memory_space<vmem>>) semaphore(%arg25 : memref<!tpu.dma_semaphore, #tpu.memory_space<semaphore_mem>>) {add = true}
      } else {
      }
    }
    %scan3A_79 = arith.constant 25 : i32
    %dma_wait3A_80 = arith.constant 22 : i32
    %dma_wait3A_81 = arith.constant 0 : i32
    %dma_wait3A_82 = tpu.memref_slice %arg14[%dma_wait3A_80, %dma_wait3A_81] : memref<25x80xi32, #tpu.memory_space<vmem>> -> memref<1x80xi32, #tpu.memory_space<vmem>>
    %dma_wait3A_83 = tpu.memref_squeeze %dma_wait3A_82 : memref<1x80xi32, #tpu.memory_space<vmem>> -> memref<80xi32, #tpu.memory_space<vmem>>
    %dma_wait3A_84 = arith.constant 0 : i32
    %dma_wait3A_85 = arith.constant 0 : i32
    %dma_wait3A_86 = tpu.memref_slice %arg15[%dma_wait3A_84, %dma_wait3A_85] : memref<10000x128xf32, #tpu.memory_space<vmem_shared>> -> memref<10000x128xf32, #tpu.memory_space<vmem_shared>>
    tpu.wait_indirect_dma semaphore(%arg20 : memref<!tpu.dma_semaphore, #tpu.memory_space<semaphore_mem>>) src(%arg11 : memref<80x128xf32, #tpu.memory_space<vmem>>) dst(%dma_wait3A_86 : memref<10000x128xf32, #tpu.memory_space<vmem_shared>>)
    %dma_wait3A_87 = arith.constant 23 : i32
    %dma_wait3A_88 = arith.constant 0 : i32
    %dma_wait3A_89 = tpu.memref_slice %arg14[%dma_wait3A_87, %dma_wait3A_88] : memref<25x80xi32, #tpu.memory_space<vmem>> -> memref<1x80xi32, #tpu.memory_space<vmem>>
    %dma_wait3A_90 = tpu.memref_squeeze %dma_wait3A_89 : memref<1x80xi32, #tpu.memory_space<vmem>> -> memref<80xi32, #tpu.memory_space<vmem>>
    %dma_wait3A_91 = arith.constant 0 : i32
    %dma_wait3A_92 = arith.constant 0 : i32
    %dma_wait3A_93 = tpu.memref_slice %arg15[%dma_wait3A_91, %dma_wait3A_92] : memref<10000x128xf32, #tpu.memory_space<vmem_shared>> -> memref<10000x128xf32, #tpu.memory_space<vmem_shared>>
    tpu.wait_indirect_dma semaphore(%arg21 : memref<!tpu.dma_semaphore, #tpu.memory_space<semaphore_mem>>) src(%arg12 : memref<80x128xf32, #tpu.memory_space<vmem>>) dst(%dma_wait3A_93 : memref<10000x128xf32, #tpu.memory_space<vmem_shared>>)
    %dma_wait3A_94 = arith.constant 24 : i32
    %dma_wait3A_95 = arith.constant 0 : i32
    %dma_wait3A_96 = tpu.memref_slice %arg14[%dma_wait3A_94, %dma_wait3A_95] : memref<25x80xi32, #tpu.memory_space<vmem>> -> memref<1x80xi32, #tpu.memory_space<vmem>>
    %dma_wait3A_97 = tpu.memref_squeeze %dma_wait3A_96 : memref<1x80xi32, #tpu.memory_space<vmem>> -> memref<80xi32, #tpu.memory_space<vmem>>
    %dma_wait3A_98 = arith.constant 0 : i32
    %dma_wait3A_99 = arith.constant 0 : i32
    %dma_wait3A_100 = tpu.memref_slice %arg15[%dma_wait3A_98, %dma_wait3A_99] : memref<10000x128xf32, #tpu.memory_space<vmem_shared>> -> memref<10000x128xf32, #tpu.memory_space<vmem_shared>>
    tpu.wait_indirect_dma semaphore(%arg19 : memref<!tpu.dma_semaphore, #tpu.memory_space<semaphore_mem>>) src(%arg10 : memref<80x128xf32, #tpu.memory_space<vmem>>) dst(%dma_wait3A_100 : memref<10000x128xf32, #tpu.memory_space<vmem_shared>>)
    %scan3A_101 = arith.constant 0 : i32
    %scan3A_102 = arith.constant 0 : i32
    %scan3A_103 = arith.constant 25 : i32
    %scan3A_104 = arith.addi %scan3A_102, %scan3A_103 : i32
    %scan3A_105 = arith.constant 1 : i32
    scf.for %scan3A_274 = %scan3A_102 to %scan3A_104 step %scan3A_105  : i32 {
      %dma_wait3A_275 = arith.constant 0 : i32
      %dma_wait3A_276 = arith.constant 0 : i32
      %dma_wait3A_277 = tpu.memref_slice %arg14[%dma_wait3A_275, %dma_wait3A_276] : memref<25x80xi32, #tpu.memory_space<vmem>> -> memref<1x80xi32, #tpu.memory_space<vmem>>
      %dma_wait3A_278 = tpu.memref_squeeze %dma_wait3A_277 : memref<1x80xi32, #tpu.memory_space<vmem>> -> memref<80xi32, #tpu.memory_space<vmem>>
      %dma_wait3A_279 = arith.constant 0 : i32
      %dma_wait3A_280 = arith.constant 0 : i32
      %dma_wait3A_281 = tpu.memref_slice %arg22[%dma_wait3A_279, %dma_wait3A_280] : memref<10000x16xf32, #tpu.memory_space<vmem_shared>> -> memref<10000x16xf32, #tpu.memory_space<vmem_shared>>
      tpu.wait_indirect_dma semaphore(%arg25 : memref<!tpu.dma_semaphore, #tpu.memory_space<semaphore_mem>>) src(%arg23 : memref<80x16xf32, #tpu.memory_space<vmem>>) dst(%dma_wait3A_281 : memref<10000x16xf32, #tpu.memory_space<vmem_shared>>)
    }
    %scan3A_106 = arith.constant 25 : i32
    %add3A_107 = arith.constant 50 : i32
    %add3A_108 = arith.addi %mul3A_2, %add3A_107 : i32
    "tpu.region"() ({
      %run_scoped3A = tpu.sem_alloc : memref<!tpu.dma_semaphore, #tpu.memory_space<semaphore_mem>>
      %dma_start3A_274 = arith.constant 0 : i32
      %dma_start3A_275 = tpu.memref_slice %arg3[%add3A_108, %dma_start3A_274] : memref<4000x80xi32, #tpu.memory_space<hbm>> -> memref<25x80xi32, #tpu.memory_space<hbm>>
      %dma_start3A_276 = arith.constant 0 : i32
      %dma_start3A_277 = tpu.memref_slice %arg3[%add3A_108, %dma_start3A_276] : memref<4000x80xi32, #tpu.memory_space<hbm>> -> memref<25x80xi32, #tpu.memory_space<hbm>>
      tpu.enqueue_dma source(%dma_start3A_277 : memref<25x80xi32, #tpu.memory_space<hbm>>) target(%arg13 : memref<25x80xi32, #tpu.memory_space<vmem>>) target_semaphore(%run_scoped3A : memref<!tpu.dma_semaphore, #tpu.memory_space<semaphore_mem>>)
      %dma_wait3A_278 = arith.constant 0 : i32
      %dma_wait3A_279 = tpu.memref_slice %arg3[%add3A_108, %dma_wait3A_278] : memref<4000x80xi32, #tpu.memory_space<hbm>> -> memref<25x80xi32, #tpu.memory_space<hbm>>
      %dma_wait3A_280 = arith.constant 0 : i32
      %dma_wait3A_281 = tpu.memref_slice %arg3[%add3A_108, %dma_wait3A_280] : memref<4000x80xi32, #tpu.memory_space<hbm>> -> memref<25x80xi32, #tpu.memory_space<hbm>>
      tpu.wait_dma2 semaphore(%run_scoped3A : memref<!tpu.dma_semaphore, #tpu.memory_space<semaphore_mem>>) src(%dma_wait3A_281 : memref<25x80xi32, #tpu.memory_space<hbm>>) dst(%arg13 : memref<25x80xi32, #tpu.memory_space<vmem>>)
      tpu.yield
    }) : () -> ()
    "tpu.region"() ({
      %run_scoped3A = tpu.sem_alloc : memref<!tpu.dma_semaphore, #tpu.memory_space<semaphore_mem>>
      %dma_start3A_274 = arith.constant 0 : i32
      %dma_start3A_275 = tpu.memref_slice %arg4[%add3A_108, %dma_start3A_274] : memref<4000x80xi32, #tpu.memory_space<hbm>> -> memref<25x80xi32, #tpu.memory_space<hbm>>
      %dma_start3A_276 = arith.constant 0 : i32
      %dma_start3A_277 = tpu.memref_slice %arg4[%add3A_108, %dma_start3A_276] : memref<4000x80xi32, #tpu.memory_space<hbm>> -> memref<25x80xi32, #tpu.memory_space<hbm>>
      tpu.enqueue_dma source(%dma_start3A_277 : memref<25x80xi32, #tpu.memory_space<hbm>>) target(%arg14 : memref<25x80xi32, #tpu.memory_space<vmem>>) target_semaphore(%run_scoped3A : memref<!tpu.dma_semaphore, #tpu.memory_space<semaphore_mem>>)
      %dma_wait3A_278 = arith.constant 0 : i32
      %dma_wait3A_279 = tpu.memref_slice %arg4[%add3A_108, %dma_wait3A_278] : memref<4000x80xi32, #tpu.memory_space<hbm>> -> memref<25x80xi32, #tpu.memory_space<hbm>>
      %dma_wait3A_280 = arith.constant 0 : i32
      %dma_wait3A_281 = tpu.memref_slice %arg4[%add3A_108, %dma_wait3A_280] : memref<4000x80xi32, #tpu.memory_space<hbm>> -> memref<25x80xi32, #tpu.memory_space<hbm>>
      tpu.wait_dma2 semaphore(%run_scoped3A : memref<!tpu.dma_semaphore, #tpu.memory_space<semaphore_mem>>) src(%dma_wait3A_281 : memref<25x80xi32, #tpu.memory_space<hbm>>) dst(%arg14 : memref<25x80xi32, #tpu.memory_space<vmem>>)
      tpu.yield
    }) : () -> ()
    %dma_start3A_109 = arith.constant 0 : i32
    %dma_start3A_110 = arith.constant 0 : i32
    %dma_start3A_111 = tpu.memref_slice %arg13[%dma_start3A_109, %dma_start3A_110] : memref<25x80xi32, #tpu.memory_space<vmem>> -> memref<1x80xi32, #tpu.memory_space<vmem>>
    %dma_start3A_112 = tpu.memref_squeeze %dma_start3A_111 : memref<1x80xi32, #tpu.memory_space<vmem>> -> memref<80xi32, #tpu.memory_space<vmem>>
    %dma_start3A_113 = arith.constant 0 : i32
    %dma_start3A_114 = arith.constant 0 : i32
    %dma_start3A_115 = tpu.memref_slice %arg2[%dma_start3A_113, %dma_start3A_114] : memref<10000x128xf32, #tpu.memory_space<hbm>> -> memref<10000x128xf32, #tpu.memory_space<hbm>>
    tpu.enqueue_indirect_dma source(%dma_start3A_115 : memref<10000x128xf32, #tpu.memory_space<hbm>>) target(%arg10 : memref<80x128xf32, #tpu.memory_space<vmem>>) offsets(%dma_start3A_112 : memref<80xi32, #tpu.memory_space<vmem>>) semaphore(%arg16 : memref<!tpu.dma_semaphore, #tpu.memory_space<semaphore_mem>>)
    %dma_start3A_116 = arith.constant 1 : i32
    %dma_start3A_117 = arith.constant 0 : i32
    %dma_start3A_118 = tpu.memref_slice %arg13[%dma_start3A_116, %dma_start3A_117] : memref<25x80xi32, #tpu.memory_space<vmem>> -> memref<1x80xi32, #tpu.memory_space<vmem>>
    %dma_start3A_119 = tpu.memref_squeeze %dma_start3A_118 : memref<1x80xi32, #tpu.memory_space<vmem>> -> memref<80xi32, #tpu.memory_space<vmem>>
    %dma_start3A_120 = arith.constant 0 : i32
    %dma_start3A_121 = arith.constant 0 : i32
    %dma_start3A_122 = tpu.memref_slice %arg2[%dma_start3A_120, %dma_start3A_121] : memref<10000x128xf32, #tpu.memory_space<hbm>> -> memref<10000x128xf32, #tpu.memory_space<hbm>>
    tpu.enqueue_indirect_dma source(%dma_start3A_122 : memref<10000x128xf32, #tpu.memory_space<hbm>>) target(%arg11 : memref<80x128xf32, #tpu.memory_space<vmem>>) offsets(%dma_start3A_119 : memref<80xi32, #tpu.memory_space<vmem>>) semaphore(%arg17 : memref<!tpu.dma_semaphore, #tpu.memory_space<semaphore_mem>>)
    %scan3A_123 = arith.constant 0 : i32
    %scan3A_124 = arith.constant 0 : i32
    %scan3A_125 = arith.constant 25 : i32
    %scan3A_126 = arith.addi %scan3A_124, %scan3A_125 : i32
    %scan3A_127 = arith.constant 1 : i32
    scf.for %scan3A_274 = %scan3A_124 to %scan3A_126 step %scan3A_127  : i32 {
      %jit3A = arith.constant 3 : i32
      %eq3A_275 = arith.constant 0 : i32
      %eq3A_276 = arith.cmpi eq, %jit3A, %eq3A_275 : i32
      %jit3A_277 = arith.constant 1 : i32
      %select_n3A = arith.select %eq3A_276, %jit3A_277, %jit3A : i32
      %rem3A = arith.remsi %scan3A_274, %select_n3A : i32
      %ne3A = arith.constant 0 : i32
      %ne3A_278 = arith.cmpi ne, %rem3A, %ne3A : i32
      %lt3A = arith.constant 0 : i32
      %lt3A_279 = arith.cmpi slt, %rem3A, %lt3A : i32
      %lt3A_280 = arith.constant 0 : i32
      %lt3A_281 = arith.cmpi slt, %select_n3A, %lt3A_280 : i32
      %ne3A_282 = arith.xori %lt3A_279, %lt3A_281 : i1
      %and3A = arith.andi %ne3A_282, %ne3A_278 : i1
      %add3A_283 = arith.addi %rem3A, %select_n3A : i32
      %select_n3A_284 = arith.select %and3A, %add3A_283, %rem3A : i32
      %eq3A_285 = arith.constant 0 : i32
      %eq3A_286 = arith.cmpi eq, %select_n3A_284, %eq3A_285 : i32
      %convert_element_type3A_287 = arith.extui %eq3A_286 : i1 to i32
      %cond3A_288 = arith.constant 0 : i32
      %cond3A_289 = arith.cmpi ne, %convert_element_type3A_287, %cond3A_288 : i32
      scf.if %cond3A_289 {
        %add3A_332 = arith.constant 3 : i32
        %add3A_333 = arith.addi %scan3A_274, %add3A_332 : i32
        %sub3A = arith.constant 1 : i32
        %sub3A_334 = arith.subi %add3A_333, %sub3A : i32
        %lt3A_335 = arith.constant 25 : i32
        %lt3A_336 = arith.cmpi slt, %sub3A_334, %lt3A_335 : i32
        %convert_element_type3A_337 = arith.extui %lt3A_336 : i1 to i32
        %cond3A_338 = arith.constant 0 : i32
        %cond3A_339 = arith.cmpi ne, %convert_element_type3A_337, %cond3A_338 : i32
        scf.if %cond3A_339 {
          %ge3A = arith.constant 1 : i32
          %ge3A_358 = arith.cmpi sge, %scan3A_274, %ge3A : i32
          %convert_element_type3A_359 = arith.extui %ge3A_358 : i1 to i32
          %cond3A_360 = arith.constant 0 : i32
          %cond3A_361 = arith.cmpi ne, %convert_element_type3A_359, %cond3A_360 : i32
          scf.if %cond3A_361 {
            %sub3A_372 = arith.constant 1 : i32
            %sub3A_373 = arith.subi %scan3A_274, %sub3A_372 : i32
            %dma_wait3A_374 = arith.constant 0 : i32
            %dma_wait3A_375 = tpu.memref_slice %arg14[%sub3A_373, %dma_wait3A_374] : memref<25x80xi32, #tpu.memory_space<vmem>> -> memref<1x80xi32, #tpu.memory_space<vmem>>
            %dma_wait3A_376 = tpu.memref_squeeze %dma_wait3A_375 : memref<1x80xi32, #tpu.memory_space<vmem>> -> memref<80xi32, #tpu.memory_space<vmem>>
            %dma_wait3A_377 = arith.constant 0 : i32
            %dma_wait3A_378 = arith.constant 0 : i32
            %dma_wait3A_379 = tpu.memref_slice %arg15[%dma_wait3A_377, %dma_wait3A_378] : memref<10000x128xf32, #tpu.memory_space<vmem_shared>> -> memref<10000x128xf32, #tpu.memory_space<vmem_shared>>
            tpu.wait_indirect_dma semaphore(%arg21 : memref<!tpu.dma_semaphore, #tpu.memory_space<semaphore_mem>>) src(%arg12 : memref<80x128xf32, #tpu.memory_space<vmem>>) dst(%dma_wait3A_379 : memref<10000x128xf32, #tpu.memory_space<vmem_shared>>)
          } else {
          }
          %add3A_362 = arith.constant 3 : i32
          %add3A_363 = arith.addi %scan3A_274, %add3A_362 : i32
          %sub3A_364 = arith.constant 1 : i32
          %sub3A_365 = arith.subi %add3A_363, %sub3A_364 : i32
          %dma_start3A_366 = arith.constant 0 : i32
          %dma_start3A_367 = tpu.memref_slice %arg13[%sub3A_365, %dma_start3A_366] : memref<25x80xi32, #tpu.memory_space<vmem>> -> memref<1x80xi32, #tpu.memory_space<vmem>>
          %dma_start3A_368 = tpu.memref_squeeze %dma_start3A_367 : memref<1x80xi32, #tpu.memory_space<vmem>> -> memref<80xi32, #tpu.memory_space<vmem>>
          %dma_start3A_369 = arith.constant 0 : i32
          %dma_start3A_370 = arith.constant 0 : i32
          %dma_start3A_371 = tpu.memref_slice %arg2[%dma_start3A_369, %dma_start3A_370] : memref<10000x128xf32, #tpu.memory_space<hbm>> -> memref<10000x128xf32, #tpu.memory_space<hbm>>
          tpu.enqueue_indirect_dma source(%dma_start3A_371 : memref<10000x128xf32, #tpu.memory_space<hbm>>) target(%arg12 : memref<80x128xf32, #tpu.memory_space<vmem>>) offsets(%dma_start3A_368 : memref<80xi32, #tpu.memory_space<vmem>>) semaphore(%arg18 : memref<!tpu.dma_semaphore, #tpu.memory_space<semaphore_mem>>)
        } else {
        }
        %dma_wait3A_340 = arith.constant 0 : i32
        %dma_wait3A_341 = tpu.memref_slice %arg13[%scan3A_274, %dma_wait3A_340] : memref<25x80xi32, #tpu.memory_space<vmem>> -> memref<1x80xi32, #tpu.memory_space<vmem>>
        %dma_wait3A_342 = tpu.memref_squeeze %dma_wait3A_341 : memref<1x80xi32, #tpu.memory_space<vmem>> -> memref<80xi32, #tpu.memory_space<vmem>>
        %dma_wait3A_343 = arith.constant 0 : i32
        %dma_wait3A_344 = arith.constant 0 : i32
        %dma_wait3A_345 = tpu.memref_slice %arg2[%dma_wait3A_343, %dma_wait3A_344] : memref<10000x128xf32, #tpu.memory_space<hbm>> -> memref<10000x128xf32, #tpu.memory_space<hbm>>
        tpu.wait_indirect_dma semaphore(%arg16 : memref<!tpu.dma_semaphore, #tpu.memory_space<semaphore_mem>>) src(%dma_wait3A_345 : memref<10000x128xf32, #tpu.memory_space<hbm>>) dst(%arg10 : memref<80x128xf32, #tpu.memory_space<vmem>>)
        %dma_start3A_346 = arith.constant 0 : i32
        %dma_start3A_347 = tpu.memref_slice %arg14[%scan3A_274, %dma_start3A_346] : memref<25x80xi32, #tpu.memory_space<vmem>> -> memref<1x80xi32, #tpu.memory_space<vmem>>
        %dma_start3A_348 = tpu.memref_squeeze %dma_start3A_347 : memref<1x80xi32, #tpu.memory_space<vmem>> -> memref<80xi32, #tpu.memory_space<vmem>>
        %dma_start3A_349 = arith.constant 0 : i32
        %dma_start3A_350 = arith.constant 0 : i32
        %dma_start3A_351 = tpu.memref_slice %arg15[%dma_start3A_349, %dma_start3A_350] : memref<10000x128xf32, #tpu.memory_space<vmem_shared>> -> memref<10000x128xf32, #tpu.memory_space<vmem_shared>>
        tpu.enqueue_indirect_dma source(%arg10 : memref<80x128xf32, #tpu.memory_space<vmem>>) target(%dma_start3A_351 : memref<10000x128xf32, #tpu.memory_space<vmem_shared>>) offsets(%dma_start3A_348 : memref<80xi32, #tpu.memory_space<vmem>>) semaphore(%arg19 : memref<!tpu.dma_semaphore, #tpu.memory_space<semaphore_mem>>) {add = true}
        %dma_start3A_352 = arith.constant 0 : i32
        %dma_start3A_353 = tpu.memref_slice %arg14[%scan3A_274, %dma_start3A_352] : memref<25x80xi32, #tpu.memory_space<vmem>> -> memref<1x80xi32, #tpu.memory_space<vmem>>
        %dma_start3A_354 = tpu.memref_squeeze %dma_start3A_353 : memref<1x80xi32, #tpu.memory_space<vmem>> -> memref<80xi32, #tpu.memory_space<vmem>>
        %dma_start3A_355 = arith.constant 0 : i32
        %dma_start3A_356 = arith.constant 0 : i32
        %dma_start3A_357 = tpu.memref_slice %arg22[%dma_start3A_355, %dma_start3A_356] : memref<10000x16xf32, #tpu.memory_space<vmem_shared>> -> memref<10000x16xf32, #tpu.memory_space<vmem_shared>>
        tpu.enqueue_indirect_dma source(%arg23 : memref<80x16xf32, #tpu.memory_space<vmem>>) target(%dma_start3A_357 : memref<10000x16xf32, #tpu.memory_space<vmem_shared>>) offsets(%dma_start3A_354 : memref<80xi32, #tpu.memory_space<vmem>>) semaphore(%arg25 : memref<!tpu.dma_semaphore, #tpu.memory_space<semaphore_mem>>) {add = true}
      } else {
      }
      %jit3A_290 = arith.constant 3 : i32
      %eq3A_291 = arith.constant 0 : i32
      %eq3A_292 = arith.cmpi eq, %jit3A_290, %eq3A_291 : i32
      %jit3A_293 = arith.constant 1 : i32
      %select_n3A_294 = arith.select %eq3A_292, %jit3A_293, %jit3A_290 : i32
      %rem3A_295 = arith.remsi %scan3A_274, %select_n3A_294 : i32
      %ne3A_296 = arith.constant 0 : i32
      %ne3A_297 = arith.cmpi ne, %rem3A_295, %ne3A_296 : i32
      %lt3A_298 = arith.constant 0 : i32
      %lt3A_299 = arith.cmpi slt, %rem3A_295, %lt3A_298 : i32
      %lt3A_300 = arith.constant 0 : i32
      %lt3A_301 = arith.cmpi slt, %select_n3A_294, %lt3A_300 : i32
      %ne3A_302 = arith.xori %lt3A_299, %lt3A_301 : i1
      %and3A_303 = arith.andi %ne3A_302, %ne3A_297 : i1
      %add3A_304 = arith.addi %rem3A_295, %select_n3A_294 : i32
      %select_n3A_305 = arith.select %and3A_303, %add3A_304, %rem3A_295 : i32
      %eq3A_306 = arith.constant 1 : i32
      %eq3A_307 = arith.cmpi eq, %select_n3A_305, %eq3A_306 : i32
      %convert_element_type3A_308 = arith.extui %eq3A_307 : i1 to i32
      %cond3A_309 = arith.constant 0 : i32
      %cond3A_310 = arith.cmpi ne, %convert_element_type3A_308, %cond3A_309 : i32
      scf.if %cond3A_310 {
        %add3A_332 = arith.constant 3 : i32
        %add3A_333 = arith.addi %scan3A_274, %add3A_332 : i32
        %sub3A = arith.constant 1 : i32
        %sub3A_334 = arith.subi %add3A_333, %sub3A : i32
        %lt3A_335 = arith.constant 25 : i32
        %lt3A_336 = arith.cmpi slt, %sub3A_334, %lt3A_335 : i32
        %convert_element_type3A_337 = arith.extui %lt3A_336 : i1 to i32
        %cond3A_338 = arith.constant 0 : i32
        %cond3A_339 = arith.cmpi ne, %convert_element_type3A_337, %cond3A_338 : i32
        scf.if %cond3A_339 {
          %ge3A = arith.constant 1 : i32
          %ge3A_358 = arith.cmpi sge, %scan3A_274, %ge3A : i32
          %convert_element_type3A_359 = arith.extui %ge3A_358 : i1 to i32
          %cond3A_360 = arith.constant 0 : i32
          %cond3A_361 = arith.cmpi ne, %convert_element_type3A_359, %cond3A_360 : i32
          scf.if %cond3A_361 {
            %sub3A_372 = arith.constant 1 : i32
            %sub3A_373 = arith.subi %scan3A_274, %sub3A_372 : i32
            %dma_wait3A_374 = arith.constant 0 : i32
            %dma_wait3A_375 = tpu.memref_slice %arg14[%sub3A_373, %dma_wait3A_374] : memref<25x80xi32, #tpu.memory_space<vmem>> -> memref<1x80xi32, #tpu.memory_space<vmem>>
            %dma_wait3A_376 = tpu.memref_squeeze %dma_wait3A_375 : memref<1x80xi32, #tpu.memory_space<vmem>> -> memref<80xi32, #tpu.memory_space<vmem>>
            %dma_wait3A_377 = arith.constant 0 : i32
            %dma_wait3A_378 = arith.constant 0 : i32
            %dma_wait3A_379 = tpu.memref_slice %arg15[%dma_wait3A_377, %dma_wait3A_378] : memref<10000x128xf32, #tpu.memory_space<vmem_shared>> -> memref<10000x128xf32, #tpu.memory_space<vmem_shared>>
            tpu.wait_indirect_dma semaphore(%arg19 : memref<!tpu.dma_semaphore, #tpu.memory_space<semaphore_mem>>) src(%arg10 : memref<80x128xf32, #tpu.memory_space<vmem>>) dst(%dma_wait3A_379 : memref<10000x128xf32, #tpu.memory_space<vmem_shared>>)
          } else {
          }
          %add3A_362 = arith.constant 3 : i32
          %add3A_363 = arith.addi %scan3A_274, %add3A_362 : i32
          %sub3A_364 = arith.constant 1 : i32
          %sub3A_365 = arith.subi %add3A_363, %sub3A_364 : i32
          %dma_start3A_366 = arith.constant 0 : i32
          %dma_start3A_367 = tpu.memref_slice %arg13[%sub3A_365, %dma_start3A_366] : memref<25x80xi32, #tpu.memory_space<vmem>> -> memref<1x80xi32, #tpu.memory_space<vmem>>
          %dma_start3A_368 = tpu.memref_squeeze %dma_start3A_367 : memref<1x80xi32, #tpu.memory_space<vmem>> -> memref<80xi32, #tpu.memory_space<vmem>>
          %dma_start3A_369 = arith.constant 0 : i32
          %dma_start3A_370 = arith.constant 0 : i32
          %dma_start3A_371 = tpu.memref_slice %arg2[%dma_start3A_369, %dma_start3A_370] : memref<10000x128xf32, #tpu.memory_space<hbm>> -> memref<10000x128xf32, #tpu.memory_space<hbm>>
          tpu.enqueue_indirect_dma source(%dma_start3A_371 : memref<10000x128xf32, #tpu.memory_space<hbm>>) target(%arg10 : memref<80x128xf32, #tpu.memory_space<vmem>>) offsets(%dma_start3A_368 : memref<80xi32, #tpu.memory_space<vmem>>) semaphore(%arg16 : memref<!tpu.dma_semaphore, #tpu.memory_space<semaphore_mem>>)
        } else {
        }
        %dma_wait3A_340 = arith.constant 0 : i32
        %dma_wait3A_341 = tpu.memref_slice %arg13[%scan3A_274, %dma_wait3A_340] : memref<25x80xi32, #tpu.memory_space<vmem>> -> memref<1x80xi32, #tpu.memory_space<vmem>>
        %dma_wait3A_342 = tpu.memref_squeeze %dma_wait3A_341 : memref<1x80xi32, #tpu.memory_space<vmem>> -> memref<80xi32, #tpu.memory_space<vmem>>
        %dma_wait3A_343 = arith.constant 0 : i32
        %dma_wait3A_344 = arith.constant 0 : i32
        %dma_wait3A_345 = tpu.memref_slice %arg2[%dma_wait3A_343, %dma_wait3A_344] : memref<10000x128xf32, #tpu.memory_space<hbm>> -> memref<10000x128xf32, #tpu.memory_space<hbm>>
        tpu.wait_indirect_dma semaphore(%arg17 : memref<!tpu.dma_semaphore, #tpu.memory_space<semaphore_mem>>) src(%dma_wait3A_345 : memref<10000x128xf32, #tpu.memory_space<hbm>>) dst(%arg11 : memref<80x128xf32, #tpu.memory_space<vmem>>)
        %dma_start3A_346 = arith.constant 0 : i32
        %dma_start3A_347 = tpu.memref_slice %arg14[%scan3A_274, %dma_start3A_346] : memref<25x80xi32, #tpu.memory_space<vmem>> -> memref<1x80xi32, #tpu.memory_space<vmem>>
        %dma_start3A_348 = tpu.memref_squeeze %dma_start3A_347 : memref<1x80xi32, #tpu.memory_space<vmem>> -> memref<80xi32, #tpu.memory_space<vmem>>
        %dma_start3A_349 = arith.constant 0 : i32
        %dma_start3A_350 = arith.constant 0 : i32
        %dma_start3A_351 = tpu.memref_slice %arg15[%dma_start3A_349, %dma_start3A_350] : memref<10000x128xf32, #tpu.memory_space<vmem_shared>> -> memref<10000x128xf32, #tpu.memory_space<vmem_shared>>
        tpu.enqueue_indirect_dma source(%arg11 : memref<80x128xf32, #tpu.memory_space<vmem>>) target(%dma_start3A_351 : memref<10000x128xf32, #tpu.memory_space<vmem_shared>>) offsets(%dma_start3A_348 : memref<80xi32, #tpu.memory_space<vmem>>) semaphore(%arg20 : memref<!tpu.dma_semaphore, #tpu.memory_space<semaphore_mem>>) {add = true}
        %dma_start3A_352 = arith.constant 0 : i32
        %dma_start3A_353 = tpu.memref_slice %arg14[%scan3A_274, %dma_start3A_352] : memref<25x80xi32, #tpu.memory_space<vmem>> -> memref<1x80xi32, #tpu.memory_space<vmem>>
        %dma_start3A_354 = tpu.memref_squeeze %dma_start3A_353 : memref<1x80xi32, #tpu.memory_space<vmem>> -> memref<80xi32, #tpu.memory_space<vmem>>
        %dma_start3A_355 = arith.constant 0 : i32
        %dma_start3A_356 = arith.constant 0 : i32
        %dma_start3A_357 = tpu.memref_slice %arg22[%dma_start3A_355, %dma_start3A_356] : memref<10000x16xf32, #tpu.memory_space<vmem_shared>> -> memref<10000x16xf32, #tpu.memory_space<vmem_shared>>
        tpu.enqueue_indirect_dma source(%arg23 : memref<80x16xf32, #tpu.memory_space<vmem>>) target(%dma_start3A_357 : memref<10000x16xf32, #tpu.memory_space<vmem_shared>>) offsets(%dma_start3A_354 : memref<80xi32, #tpu.memory_space<vmem>>) semaphore(%arg25 : memref<!tpu.dma_semaphore, #tpu.memory_space<semaphore_mem>>) {add = true}
      } else {
      }
      %jit3A_311 = arith.constant 3 : i32
      %eq3A_312 = arith.constant 0 : i32
      %eq3A_313 = arith.cmpi eq, %jit3A_311, %eq3A_312 : i32
      %jit3A_314 = arith.constant 1 : i32
      %select_n3A_315 = arith.select %eq3A_313, %jit3A_314, %jit3A_311 : i32
      %rem3A_316 = arith.remsi %scan3A_274, %select_n3A_315 : i32
      %ne3A_317 = arith.constant 0 : i32
      %ne3A_318 = arith.cmpi ne, %rem3A_316, %ne3A_317 : i32
      %lt3A_319 = arith.constant 0 : i32
      %lt3A_320 = arith.cmpi slt, %rem3A_316, %lt3A_319 : i32
      %lt3A_321 = arith.constant 0 : i32
      %lt3A_322 = arith.cmpi slt, %select_n3A_315, %lt3A_321 : i32
      %ne3A_323 = arith.xori %lt3A_320, %lt3A_322 : i1
      %and3A_324 = arith.andi %ne3A_323, %ne3A_318 : i1
      %add3A_325 = arith.addi %rem3A_316, %select_n3A_315 : i32
      %select_n3A_326 = arith.select %and3A_324, %add3A_325, %rem3A_316 : i32
      %eq3A_327 = arith.constant 2 : i32
      %eq3A_328 = arith.cmpi eq, %select_n3A_326, %eq3A_327 : i32
      %convert_element_type3A_329 = arith.extui %eq3A_328 : i1 to i32
      %cond3A_330 = arith.constant 0 : i32
      %cond3A_331 = arith.cmpi ne, %convert_element_type3A_329, %cond3A_330 : i32
      scf.if %cond3A_331 {
        %add3A_332 = arith.constant 3 : i32
        %add3A_333 = arith.addi %scan3A_274, %add3A_332 : i32
        %sub3A = arith.constant 1 : i32
        %sub3A_334 = arith.subi %add3A_333, %sub3A : i32
        %lt3A_335 = arith.constant 25 : i32
        %lt3A_336 = arith.cmpi slt, %sub3A_334, %lt3A_335 : i32
        %convert_element_type3A_337 = arith.extui %lt3A_336 : i1 to i32
        %cond3A_338 = arith.constant 0 : i32
        %cond3A_339 = arith.cmpi ne, %convert_element_type3A_337, %cond3A_338 : i32
        scf.if %cond3A_339 {
          %ge3A = arith.constant 1 : i32
          %ge3A_358 = arith.cmpi sge, %scan3A_274, %ge3A : i32
          %convert_element_type3A_359 = arith.extui %ge3A_358 : i1 to i32
          %cond3A_360 = arith.constant 0 : i32
          %cond3A_361 = arith.cmpi ne, %convert_element_type3A_359, %cond3A_360 : i32
          scf.if %cond3A_361 {
            %sub3A_372 = arith.constant 1 : i32
            %sub3A_373 = arith.subi %scan3A_274, %sub3A_372 : i32
            %dma_wait3A_374 = arith.constant 0 : i32
            %dma_wait3A_375 = tpu.memref_slice %arg14[%sub3A_373, %dma_wait3A_374] : memref<25x80xi32, #tpu.memory_space<vmem>> -> memref<1x80xi32, #tpu.memory_space<vmem>>
            %dma_wait3A_376 = tpu.memref_squeeze %dma_wait3A_375 : memref<1x80xi32, #tpu.memory_space<vmem>> -> memref<80xi32, #tpu.memory_space<vmem>>
            %dma_wait3A_377 = arith.constant 0 : i32
            %dma_wait3A_378 = arith.constant 0 : i32
            %dma_wait3A_379 = tpu.memref_slice %arg15[%dma_wait3A_377, %dma_wait3A_378] : memref<10000x128xf32, #tpu.memory_space<vmem_shared>> -> memref<10000x128xf32, #tpu.memory_space<vmem_shared>>
            tpu.wait_indirect_dma semaphore(%arg20 : memref<!tpu.dma_semaphore, #tpu.memory_space<semaphore_mem>>) src(%arg11 : memref<80x128xf32, #tpu.memory_space<vmem>>) dst(%dma_wait3A_379 : memref<10000x128xf32, #tpu.memory_space<vmem_shared>>)
          } else {
          }
          %add3A_362 = arith.constant 3 : i32
          %add3A_363 = arith.addi %scan3A_274, %add3A_362 : i32
          %sub3A_364 = arith.constant 1 : i32
          %sub3A_365 = arith.subi %add3A_363, %sub3A_364 : i32
          %dma_start3A_366 = arith.constant 0 : i32
          %dma_start3A_367 = tpu.memref_slice %arg13[%sub3A_365, %dma_start3A_366] : memref<25x80xi32, #tpu.memory_space<vmem>> -> memref<1x80xi32, #tpu.memory_space<vmem>>
          %dma_start3A_368 = tpu.memref_squeeze %dma_start3A_367 : memref<1x80xi32, #tpu.memory_space<vmem>> -> memref<80xi32, #tpu.memory_space<vmem>>
          %dma_start3A_369 = arith.constant 0 : i32
          %dma_start3A_370 = arith.constant 0 : i32
          %dma_start3A_371 = tpu.memref_slice %arg2[%dma_start3A_369, %dma_start3A_370] : memref<10000x128xf32, #tpu.memory_space<hbm>> -> memref<10000x128xf32, #tpu.memory_space<hbm>>
          tpu.enqueue_indirect_dma source(%dma_start3A_371 : memref<10000x128xf32, #tpu.memory_space<hbm>>) target(%arg11 : memref<80x128xf32, #tpu.memory_space<vmem>>) offsets(%dma_start3A_368 : memref<80xi32, #tpu.memory_space<vmem>>) semaphore(%arg17 : memref<!tpu.dma_semaphore, #tpu.memory_space<semaphore_mem>>)
        } else {
        }
        %dma_wait3A_340 = arith.constant 0 : i32
        %dma_wait3A_341 = tpu.memref_slice %arg13[%scan3A_274, %dma_wait3A_340] : memref<25x80xi32, #tpu.memory_space<vmem>> -> memref<1x80xi32, #tpu.memory_space<vmem>>
        %dma_wait3A_342 = tpu.memref_squeeze %dma_wait3A_341 : memref<1x80xi32, #tpu.memory_space<vmem>> -> memref<80xi32, #tpu.memory_space<vmem>>
        %dma_wait3A_343 = arith.constant 0 : i32
        %dma_wait3A_344 = arith.constant 0 : i32
        %dma_wait3A_345 = tpu.memref_slice %arg2[%dma_wait3A_343, %dma_wait3A_344] : memref<10000x128xf32, #tpu.memory_space<hbm>> -> memref<10000x128xf32, #tpu.memory_space<hbm>>
        tpu.wait_indirect_dma semaphore(%arg18 : memref<!tpu.dma_semaphore, #tpu.memory_space<semaphore_mem>>) src(%dma_wait3A_345 : memref<10000x128xf32, #tpu.memory_space<hbm>>) dst(%arg12 : memref<80x128xf32, #tpu.memory_space<vmem>>)
        %dma_start3A_346 = arith.constant 0 : i32
        %dma_start3A_347 = tpu.memref_slice %arg14[%scan3A_274, %dma_start3A_346] : memref<25x80xi32, #tpu.memory_space<vmem>> -> memref<1x80xi32, #tpu.memory_space<vmem>>
        %dma_start3A_348 = tpu.memref_squeeze %dma_start3A_347 : memref<1x80xi32, #tpu.memory_space<vmem>> -> memref<80xi32, #tpu.memory_space<vmem>>
        %dma_start3A_349 = arith.constant 0 : i32
        %dma_start3A_350 = arith.constant 0 : i32
        %dma_start3A_351 = tpu.memref_slice %arg15[%dma_start3A_349, %dma_start3A_350] : memref<10000x128xf32, #tpu.memory_space<vmem_shared>> -> memref<10000x128xf32, #tpu.memory_space<vmem_shared>>
        tpu.enqueue_indirect_dma source(%arg12 : memref<80x128xf32, #tpu.memory_space<vmem>>) target(%dma_start3A_351 : memref<10000x128xf32, #tpu.memory_space<vmem_shared>>) offsets(%dma_start3A_348 : memref<80xi32, #tpu.memory_space<vmem>>) semaphore(%arg21 : memref<!tpu.dma_semaphore, #tpu.memory_space<semaphore_mem>>) {add = true}
        %dma_start3A_352 = arith.constant 0 : i32
        %dma_start3A_353 = tpu.memref_slice %arg14[%scan3A_274, %dma_start3A_352] : memref<25x80xi32, #tpu.memory_space<vmem>> -> memref<1x80xi32, #tpu.memory_space<vmem>>
        %dma_start3A_354 = tpu.memref_squeeze %dma_start3A_353 : memref<1x80xi32, #tpu.memory_space<vmem>> -> memref<80xi32, #tpu.memory_space<vmem>>
        %dma_start3A_355 = arith.constant 0 : i32
        %dma_start3A_356 = arith.constant 0 : i32
        %dma_start3A_357 = tpu.memref_slice %arg22[%dma_start3A_355, %dma_start3A_356] : memref<10000x16xf32, #tpu.memory_space<vmem_shared>> -> memref<10000x16xf32, #tpu.memory_space<vmem_shared>>
        tpu.enqueue_indirect_dma source(%arg23 : memref<80x16xf32, #tpu.memory_space<vmem>>) target(%dma_start3A_357 : memref<10000x16xf32, #tpu.memory_space<vmem_shared>>) offsets(%dma_start3A_354 : memref<80xi32, #tpu.memory_space<vmem>>) semaphore(%arg25 : memref<!tpu.dma_semaphore, #tpu.memory_space<semaphore_mem>>) {add = true}
      } else {
      }
    }
    %scan3A_128 = arith.constant 25 : i32
    %dma_wait3A_129 = arith.constant 22 : i32
    %dma_wait3A_130 = arith.constant 0 : i32
    %dma_wait3A_131 = tpu.memref_slice %arg14[%dma_wait3A_129, %dma_wait3A_130] : memref<25x80xi32, #tpu.memory_space<vmem>> -> memref<1x80xi32, #tpu.memory_space<vmem>>
    %dma_wait3A_132 = tpu.memref_squeeze %dma_wait3A_131 : memref<1x80xi32, #tpu.memory_space<vmem>> -> memref<80xi32, #tpu.memory_space<vmem>>
    %dma_wait3A_133 = arith.constant 0 : i32
    %dma_wait3A_134 = arith.constant 0 : i32
    %dma_wait3A_135 = tpu.memref_slice %arg15[%dma_wait3A_133, %dma_wait3A_134] : memref<10000x128xf32, #tpu.memory_space<vmem_shared>> -> memref<10000x128xf32, #tpu.memory_space<vmem_shared>>
    tpu.wait_indirect_dma semaphore(%arg20 : memref<!tpu.dma_semaphore, #tpu.memory_space<semaphore_mem>>) src(%arg11 : memref<80x128xf32, #tpu.memory_space<vmem>>) dst(%dma_wait3A_135 : memref<10000x128xf32, #tpu.memory_space<vmem_shared>>)
    %dma_wait3A_136 = arith.constant 23 : i32
    %dma_wait3A_137 = arith.constant 0 : i32
    %dma_wait3A_138 = tpu.memref_slice %arg14[%dma_wait3A_136, %dma_wait3A_137] : memref<25x80xi32, #tpu.memory_space<vmem>> -> memref<1x80xi32, #tpu.memory_space<vmem>>
    %dma_wait3A_139 = tpu.memref_squeeze %dma_wait3A_138 : memref<1x80xi32, #tpu.memory_space<vmem>> -> memref<80xi32, #tpu.memory_space<vmem>>
    %dma_wait3A_140 = arith.constant 0 : i32
    %dma_wait3A_141 = arith.constant 0 : i32
    %dma_wait3A_142 = tpu.memref_slice %arg15[%dma_wait3A_140, %dma_wait3A_141] : memref<10000x128xf32, #tpu.memory_space<vmem_shared>> -> memref<10000x128xf32, #tpu.memory_space<vmem_shared>>
    tpu.wait_indirect_dma semaphore(%arg21 : memref<!tpu.dma_semaphore, #tpu.memory_space<semaphore_mem>>) src(%arg12 : memref<80x128xf32, #tpu.memory_space<vmem>>) dst(%dma_wait3A_142 : memref<10000x128xf32, #tpu.memory_space<vmem_shared>>)
    %dma_wait3A_143 = arith.constant 24 : i32
    %dma_wait3A_144 = arith.constant 0 : i32
    %dma_wait3A_145 = tpu.memref_slice %arg14[%dma_wait3A_143, %dma_wait3A_144] : memref<25x80xi32, #tpu.memory_space<vmem>> -> memref<1x80xi32, #tpu.memory_space<vmem>>
    %dma_wait3A_146 = tpu.memref_squeeze %dma_wait3A_145 : memref<1x80xi32, #tpu.memory_space<vmem>> -> memref<80xi32, #tpu.memory_space<vmem>>
    %dma_wait3A_147 = arith.constant 0 : i32
    %dma_wait3A_148 = arith.constant 0 : i32
    %dma_wait3A_149 = tpu.memref_slice %arg15[%dma_wait3A_147, %dma_wait3A_148] : memref<10000x128xf32, #tpu.memory_space<vmem_shared>> -> memref<10000x128xf32, #tpu.memory_space<vmem_shared>>
    tpu.wait_indirect_dma semaphore(%arg19 : memref<!tpu.dma_semaphore, #tpu.memory_space<semaphore_mem>>) src(%arg10 : memref<80x128xf32, #tpu.memory_space<vmem>>) dst(%dma_wait3A_149 : memref<10000x128xf32, #tpu.memory_space<vmem_shared>>)
    %scan3A_150 = arith.constant 0 : i32
    %scan3A_151 = arith.constant 0 : i32
    %scan3A_152 = arith.constant 25 : i32
    %scan3A_153 = arith.addi %scan3A_151, %scan3A_152 : i32
    %scan3A_154 = arith.constant 1 : i32
    scf.for %scan3A_274 = %scan3A_151 to %scan3A_153 step %scan3A_154  : i32 {
      %dma_wait3A_275 = arith.constant 0 : i32
      %dma_wait3A_276 = arith.constant 0 : i32
      %dma_wait3A_277 = tpu.memref_slice %arg14[%dma_wait3A_275, %dma_wait3A_276] : memref<25x80xi32, #tpu.memory_space<vmem>> -> memref<1x80xi32, #tpu.memory_space<vmem>>
      %dma_wait3A_278 = tpu.memref_squeeze %dma_wait3A_277 : memref<1x80xi32, #tpu.memory_space<vmem>> -> memref<80xi32, #tpu.memory_space<vmem>>
      %dma_wait3A_279 = arith.constant 0 : i32
      %dma_wait3A_280 = arith.constant 0 : i32
      %dma_wait3A_281 = tpu.memref_slice %arg22[%dma_wait3A_279, %dma_wait3A_280] : memref<10000x16xf32, #tpu.memory_space<vmem_shared>> -> memref<10000x16xf32, #tpu.memory_space<vmem_shared>>
      tpu.wait_indirect_dma semaphore(%arg25 : memref<!tpu.dma_semaphore, #tpu.memory_space<semaphore_mem>>) src(%arg23 : memref<80x16xf32, #tpu.memory_space<vmem>>) dst(%dma_wait3A_281 : memref<10000x16xf32, #tpu.memory_space<vmem_shared>>)
    }
    %scan3A_155 = arith.constant 25 : i32
    %add3A_156 = arith.constant 75 : i32
    %add3A_157 = arith.addi %mul3A_2, %add3A_156 : i32
    "tpu.region"() ({
      %run_scoped3A = tpu.sem_alloc : memref<!tpu.dma_semaphore, #tpu.memory_space<semaphore_mem>>
      %dma_start3A_274 = arith.constant 0 : i32
      %dma_start3A_275 = tpu.memref_slice %arg3[%add3A_157, %dma_start3A_274] : memref<4000x80xi32, #tpu.memory_space<hbm>> -> memref<25x80xi32, #tpu.memory_space<hbm>>
      %dma_start3A_276 = arith.constant 0 : i32
      %dma_start3A_277 = tpu.memref_slice %arg3[%add3A_157, %dma_start3A_276] : memref<4000x80xi32, #tpu.memory_space<hbm>> -> memref<25x80xi32, #tpu.memory_space<hbm>>
      tpu.enqueue_dma source(%dma_start3A_277 : memref<25x80xi32, #tpu.memory_space<hbm>>) target(%arg13 : memref<25x80xi32, #tpu.memory_space<vmem>>) target_semaphore(%run_scoped3A : memref<!tpu.dma_semaphore, #tpu.memory_space<semaphore_mem>>)
      %dma_wait3A_278 = arith.constant 0 : i32
      %dma_wait3A_279 = tpu.memref_slice %arg3[%add3A_157, %dma_wait3A_278] : memref<4000x80xi32, #tpu.memory_space<hbm>> -> memref<25x80xi32, #tpu.memory_space<hbm>>
      %dma_wait3A_280 = arith.constant 0 : i32
      %dma_wait3A_281 = tpu.memref_slice %arg3[%add3A_157, %dma_wait3A_280] : memref<4000x80xi32, #tpu.memory_space<hbm>> -> memref<25x80xi32, #tpu.memory_space<hbm>>
      tpu.wait_dma2 semaphore(%run_scoped3A : memref<!tpu.dma_semaphore, #tpu.memory_space<semaphore_mem>>) src(%dma_wait3A_281 : memref<25x80xi32, #tpu.memory_space<hbm>>) dst(%arg13 : memref<25x80xi32, #tpu.memory_space<vmem>>)
      tpu.yield
    }) : () -> ()
    "tpu.region"() ({
      %run_scoped3A = tpu.sem_alloc : memref<!tpu.dma_semaphore, #tpu.memory_space<semaphore_mem>>
      %dma_start3A_274 = arith.constant 0 : i32
      %dma_start3A_275 = tpu.memref_slice %arg4[%add3A_157, %dma_start3A_274] : memref<4000x80xi32, #tpu.memory_space<hbm>> -> memref<25x80xi32, #tpu.memory_space<hbm>>
      %dma_start3A_276 = arith.constant 0 : i32
      %dma_start3A_277 = tpu.memref_slice %arg4[%add3A_157, %dma_start3A_276] : memref<4000x80xi32, #tpu.memory_space<hbm>> -> memref<25x80xi32, #tpu.memory_space<hbm>>
      tpu.enqueue_dma source(%dma_start3A_277 : memref<25x80xi32, #tpu.memory_space<hbm>>) target(%arg14 : memref<25x80xi32, #tpu.memory_space<vmem>>) target_semaphore(%run_scoped3A : memref<!tpu.dma_semaphore, #tpu.memory_space<semaphore_mem>>)
      %dma_wait3A_278 = arith.constant 0 : i32
      %dma_wait3A_279 = tpu.memref_slice %arg4[%add3A_157, %dma_wait3A_278] : memref<4000x80xi32, #tpu.memory_space<hbm>> -> memref<25x80xi32, #tpu.memory_space<hbm>>
      %dma_wait3A_280 = arith.constant 0 : i32
      %dma_wait3A_281 = tpu.memref_slice %arg4[%add3A_157, %dma_wait3A_280] : memref<4000x80xi32, #tpu.memory_space<hbm>> -> memref<25x80xi32, #tpu.memory_space<hbm>>
      tpu.wait_dma2 semaphore(%run_scoped3A : memref<!tpu.dma_semaphore, #tpu.memory_space<semaphore_mem>>) src(%dma_wait3A_281 : memref<25x80xi32, #tpu.memory_space<hbm>>) dst(%arg14 : memref<25x80xi32, #tpu.memory_space<vmem>>)
      tpu.yield
    }) : () -> ()
    %dma_start3A_158 = arith.constant 0 : i32
    %dma_start3A_159 = arith.constant 0 : i32
    %dma_start3A_160 = tpu.memref_slice %arg13[%dma_start3A_158, %dma_start3A_159] : memref<25x80xi32, #tpu.memory_space<vmem>> -> memref<1x80xi32, #tpu.memory_space<vmem>>
    %dma_start3A_161 = tpu.memref_squeeze %dma_start3A_160 : memref<1x80xi32, #tpu.memory_space<vmem>> -> memref<80xi32, #tpu.memory_space<vmem>>
    %dma_start3A_162 = arith.constant 0 : i32
    %dma_start3A_163 = arith.constant 0 : i32
    %dma_start3A_164 = tpu.memref_slice %arg2[%dma_start3A_162, %dma_start3A_163] : memref<10000x128xf32, #tpu.memory_space<hbm>> -> memref<10000x128xf32, #tpu.memory_space<hbm>>
    tpu.enqueue_indirect_dma source(%dma_start3A_164 : memref<10000x128xf32, #tpu.memory_space<hbm>>) target(%arg10 : memref<80x128xf32, #tpu.memory_space<vmem>>) offsets(%dma_start3A_161 : memref<80xi32, #tpu.memory_space<vmem>>) semaphore(%arg16 : memref<!tpu.dma_semaphore, #tpu.memory_space<semaphore_mem>>)
    %dma_start3A_165 = arith.constant 1 : i32
    %dma_start3A_166 = arith.constant 0 : i32
    %dma_start3A_167 = tpu.memref_slice %arg13[%dma_start3A_165, %dma_start3A_166] : memref<25x80xi32, #tpu.memory_space<vmem>> -> memref<1x80xi32, #tpu.memory_space<vmem>>
    %dma_start3A_168 = tpu.memref_squeeze %dma_start3A_167 : memref<1x80xi32, #tpu.memory_space<vmem>> -> memref<80xi32, #tpu.memory_space<vmem>>
    %dma_start3A_169 = arith.constant 0 : i32
    %dma_start3A_170 = arith.constant 0 : i32
    %dma_start3A_171 = tpu.memref_slice %arg2[%dma_start3A_169, %dma_start3A_170] : memref<10000x128xf32, #tpu.memory_space<hbm>> -> memref<10000x128xf32, #tpu.memory_space<hbm>>
    tpu.enqueue_indirect_dma source(%dma_start3A_171 : memref<10000x128xf32, #tpu.memory_space<hbm>>) target(%arg11 : memref<80x128xf32, #tpu.memory_space<vmem>>) offsets(%dma_start3A_168 : memref<80xi32, #tpu.memory_space<vmem>>) semaphore(%arg17 : memref<!tpu.dma_semaphore, #tpu.memory_space<semaphore_mem>>)
    %scan3A_172 = arith.constant 0 : i32
    %scan3A_173 = arith.constant 0 : i32
    %scan3A_174 = arith.constant 25 : i32
    %scan3A_175 = arith.addi %scan3A_173, %scan3A_174 : i32
    %scan3A_176 = arith.constant 1 : i32
    scf.for %scan3A_274 = %scan3A_173 to %scan3A_175 step %scan3A_176  : i32 {
      %jit3A = arith.constant 3 : i32
      %eq3A_275 = arith.constant 0 : i32
      %eq3A_276 = arith.cmpi eq, %jit3A, %eq3A_275 : i32
      %jit3A_277 = arith.constant 1 : i32
      %select_n3A = arith.select %eq3A_276, %jit3A_277, %jit3A : i32
      %rem3A = arith.remsi %scan3A_274, %select_n3A : i32
      %ne3A = arith.constant 0 : i32
      %ne3A_278 = arith.cmpi ne, %rem3A, %ne3A : i32
      %lt3A = arith.constant 0 : i32
      %lt3A_279 = arith.cmpi slt, %rem3A, %lt3A : i32
      %lt3A_280 = arith.constant 0 : i32
      %lt3A_281 = arith.cmpi slt, %select_n3A, %lt3A_280 : i32
      %ne3A_282 = arith.xori %lt3A_279, %lt3A_281 : i1
      %and3A = arith.andi %ne3A_282, %ne3A_278 : i1
      %add3A_283 = arith.addi %rem3A, %select_n3A : i32
      %select_n3A_284 = arith.select %and3A, %add3A_283, %rem3A : i32
      %eq3A_285 = arith.constant 0 : i32
      %eq3A_286 = arith.cmpi eq, %select_n3A_284, %eq3A_285 : i32
      %convert_element_type3A_287 = arith.extui %eq3A_286 : i1 to i32
      %cond3A_288 = arith.constant 0 : i32
      %cond3A_289 = arith.cmpi ne, %convert_element_type3A_287, %cond3A_288 : i32
      scf.if %cond3A_289 {
        %add3A_332 = arith.constant 3 : i32
        %add3A_333 = arith.addi %scan3A_274, %add3A_332 : i32
        %sub3A = arith.constant 1 : i32
        %sub3A_334 = arith.subi %add3A_333, %sub3A : i32
        %lt3A_335 = arith.constant 25 : i32
        %lt3A_336 = arith.cmpi slt, %sub3A_334, %lt3A_335 : i32
        %convert_element_type3A_337 = arith.extui %lt3A_336 : i1 to i32
        %cond3A_338 = arith.constant 0 : i32
        %cond3A_339 = arith.cmpi ne, %convert_element_type3A_337, %cond3A_338 : i32
        scf.if %cond3A_339 {
          %ge3A = arith.constant 1 : i32
          %ge3A_358 = arith.cmpi sge, %scan3A_274, %ge3A : i32
          %convert_element_type3A_359 = arith.extui %ge3A_358 : i1 to i32
          %cond3A_360 = arith.constant 0 : i32
          %cond3A_361 = arith.cmpi ne, %convert_element_type3A_359, %cond3A_360 : i32
          scf.if %cond3A_361 {
            %sub3A_372 = arith.constant 1 : i32
            %sub3A_373 = arith.subi %scan3A_274, %sub3A_372 : i32
            %dma_wait3A_374 = arith.constant 0 : i32
            %dma_wait3A_375 = tpu.memref_slice %arg14[%sub3A_373, %dma_wait3A_374] : memref<25x80xi32, #tpu.memory_space<vmem>> -> memref<1x80xi32, #tpu.memory_space<vmem>>
            %dma_wait3A_376 = tpu.memref_squeeze %dma_wait3A_375 : memref<1x80xi32, #tpu.memory_space<vmem>> -> memref<80xi32, #tpu.memory_space<vmem>>
            %dma_wait3A_377 = arith.constant 0 : i32
            %dma_wait3A_378 = arith.constant 0 : i32
            %dma_wait3A_379 = tpu.memref_slice %arg15[%dma_wait3A_377, %dma_wait3A_378] : memref<10000x128xf32, #tpu.memory_space<vmem_shared>> -> memref<10000x128xf32, #tpu.memory_space<vmem_shared>>
            tpu.wait_indirect_dma semaphore(%arg21 : memref<!tpu.dma_semaphore, #tpu.memory_space<semaphore_mem>>) src(%arg12 : memref<80x128xf32, #tpu.memory_space<vmem>>) dst(%dma_wait3A_379 : memref<10000x128xf32, #tpu.memory_space<vmem_shared>>)
          } else {
          }
          %add3A_362 = arith.constant 3 : i32
          %add3A_363 = arith.addi %scan3A_274, %add3A_362 : i32
          %sub3A_364 = arith.constant 1 : i32
          %sub3A_365 = arith.subi %add3A_363, %sub3A_364 : i32
          %dma_start3A_366 = arith.constant 0 : i32
          %dma_start3A_367 = tpu.memref_slice %arg13[%sub3A_365, %dma_start3A_366] : memref<25x80xi32, #tpu.memory_space<vmem>> -> memref<1x80xi32, #tpu.memory_space<vmem>>
          %dma_start3A_368 = tpu.memref_squeeze %dma_start3A_367 : memref<1x80xi32, #tpu.memory_space<vmem>> -> memref<80xi32, #tpu.memory_space<vmem>>
          %dma_start3A_369 = arith.constant 0 : i32
          %dma_start3A_370 = arith.constant 0 : i32
          %dma_start3A_371 = tpu.memref_slice %arg2[%dma_start3A_369, %dma_start3A_370] : memref<10000x128xf32, #tpu.memory_space<hbm>> -> memref<10000x128xf32, #tpu.memory_space<hbm>>
          tpu.enqueue_indirect_dma source(%dma_start3A_371 : memref<10000x128xf32, #tpu.memory_space<hbm>>) target(%arg12 : memref<80x128xf32, #tpu.memory_space<vmem>>) offsets(%dma_start3A_368 : memref<80xi32, #tpu.memory_space<vmem>>) semaphore(%arg18 : memref<!tpu.dma_semaphore, #tpu.memory_space<semaphore_mem>>)
        } else {
        }
        %dma_wait3A_340 = arith.constant 0 : i32
        %dma_wait3A_341 = tpu.memref_slice %arg13[%scan3A_274, %dma_wait3A_340] : memref<25x80xi32, #tpu.memory_space<vmem>> -> memref<1x80xi32, #tpu.memory_space<vmem>>
        %dma_wait3A_342 = tpu.memref_squeeze %dma_wait3A_341 : memref<1x80xi32, #tpu.memory_space<vmem>> -> memref<80xi32, #tpu.memory_space<vmem>>
        %dma_wait3A_343 = arith.constant 0 : i32
        %dma_wait3A_344 = arith.constant 0 : i32
        %dma_wait3A_345 = tpu.memref_slice %arg2[%dma_wait3A_343, %dma_wait3A_344] : memref<10000x128xf32, #tpu.memory_space<hbm>> -> memref<10000x128xf32, #tpu.memory_space<hbm>>
        tpu.wait_indirect_dma semaphore(%arg16 : memref<!tpu.dma_semaphore, #tpu.memory_space<semaphore_mem>>) src(%dma_wait3A_345 : memref<10000x128xf32, #tpu.memory_space<hbm>>) dst(%arg10 : memref<80x128xf32, #tpu.memory_space<vmem>>)
        %dma_start3A_346 = arith.constant 0 : i32
        %dma_start3A_347 = tpu.memref_slice %arg14[%scan3A_274, %dma_start3A_346] : memref<25x80xi32, #tpu.memory_space<vmem>> -> memref<1x80xi32, #tpu.memory_space<vmem>>
        %dma_start3A_348 = tpu.memref_squeeze %dma_start3A_347 : memref<1x80xi32, #tpu.memory_space<vmem>> -> memref<80xi32, #tpu.memory_space<vmem>>
        %dma_start3A_349 = arith.constant 0 : i32
        %dma_start3A_350 = arith.constant 0 : i32
        %dma_start3A_351 = tpu.memref_slice %arg15[%dma_start3A_349, %dma_start3A_350] : memref<10000x128xf32, #tpu.memory_space<vmem_shared>> -> memref<10000x128xf32, #tpu.memory_space<vmem_shared>>
        tpu.enqueue_indirect_dma source(%arg10 : memref<80x128xf32, #tpu.memory_space<vmem>>) target(%dma_start3A_351 : memref<10000x128xf32, #tpu.memory_space<vmem_shared>>) offsets(%dma_start3A_348 : memref<80xi32, #tpu.memory_space<vmem>>) semaphore(%arg19 : memref<!tpu.dma_semaphore, #tpu.memory_space<semaphore_mem>>) {add = true}
        %dma_start3A_352 = arith.constant 0 : i32
        %dma_start3A_353 = tpu.memref_slice %arg14[%scan3A_274, %dma_start3A_352] : memref<25x80xi32, #tpu.memory_space<vmem>> -> memref<1x80xi32, #tpu.memory_space<vmem>>
        %dma_start3A_354 = tpu.memref_squeeze %dma_start3A_353 : memref<1x80xi32, #tpu.memory_space<vmem>> -> memref<80xi32, #tpu.memory_space<vmem>>
        %dma_start3A_355 = arith.constant 0 : i32
        %dma_start3A_356 = arith.constant 0 : i32
        %dma_start3A_357 = tpu.memref_slice %arg22[%dma_start3A_355, %dma_start3A_356] : memref<10000x16xf32, #tpu.memory_space<vmem_shared>> -> memref<10000x16xf32, #tpu.memory_space<vmem_shared>>
        tpu.enqueue_indirect_dma source(%arg23 : memref<80x16xf32, #tpu.memory_space<vmem>>) target(%dma_start3A_357 : memref<10000x16xf32, #tpu.memory_space<vmem_shared>>) offsets(%dma_start3A_354 : memref<80xi32, #tpu.memory_space<vmem>>) semaphore(%arg25 : memref<!tpu.dma_semaphore, #tpu.memory_space<semaphore_mem>>) {add = true}
      } else {
      }
      %jit3A_290 = arith.constant 3 : i32
      %eq3A_291 = arith.constant 0 : i32
      %eq3A_292 = arith.cmpi eq, %jit3A_290, %eq3A_291 : i32
      %jit3A_293 = arith.constant 1 : i32
      %select_n3A_294 = arith.select %eq3A_292, %jit3A_293, %jit3A_290 : i32
      %rem3A_295 = arith.remsi %scan3A_274, %select_n3A_294 : i32
      %ne3A_296 = arith.constant 0 : i32
      %ne3A_297 = arith.cmpi ne, %rem3A_295, %ne3A_296 : i32
      %lt3A_298 = arith.constant 0 : i32
      %lt3A_299 = arith.cmpi slt, %rem3A_295, %lt3A_298 : i32
      %lt3A_300 = arith.constant 0 : i32
      %lt3A_301 = arith.cmpi slt, %select_n3A_294, %lt3A_300 : i32
      %ne3A_302 = arith.xori %lt3A_299, %lt3A_301 : i1
      %and3A_303 = arith.andi %ne3A_302, %ne3A_297 : i1
      %add3A_304 = arith.addi %rem3A_295, %select_n3A_294 : i32
      %select_n3A_305 = arith.select %and3A_303, %add3A_304, %rem3A_295 : i32
      %eq3A_306 = arith.constant 1 : i32
      %eq3A_307 = arith.cmpi eq, %select_n3A_305, %eq3A_306 : i32
      %convert_element_type3A_308 = arith.extui %eq3A_307 : i1 to i32
      %cond3A_309 = arith.constant 0 : i32
      %cond3A_310 = arith.cmpi ne, %convert_element_type3A_308, %cond3A_309 : i32
      scf.if %cond3A_310 {
        %add3A_332 = arith.constant 3 : i32
        %add3A_333 = arith.addi %scan3A_274, %add3A_332 : i32
        %sub3A = arith.constant 1 : i32
        %sub3A_334 = arith.subi %add3A_333, %sub3A : i32
        %lt3A_335 = arith.constant 25 : i32
        %lt3A_336 = arith.cmpi slt, %sub3A_334, %lt3A_335 : i32
        %convert_element_type3A_337 = arith.extui %lt3A_336 : i1 to i32
        %cond3A_338 = arith.constant 0 : i32
        %cond3A_339 = arith.cmpi ne, %convert_element_type3A_337, %cond3A_338 : i32
        scf.if %cond3A_339 {
          %ge3A = arith.constant 1 : i32
          %ge3A_358 = arith.cmpi sge, %scan3A_274, %ge3A : i32
          %convert_element_type3A_359 = arith.extui %ge3A_358 : i1 to i32
          %cond3A_360 = arith.constant 0 : i32
          %cond3A_361 = arith.cmpi ne, %convert_element_type3A_359, %cond3A_360 : i32
          scf.if %cond3A_361 {
            %sub3A_372 = arith.constant 1 : i32
            %sub3A_373 = arith.subi %scan3A_274, %sub3A_372 : i32
            %dma_wait3A_374 = arith.constant 0 : i32
            %dma_wait3A_375 = tpu.memref_slice %arg14[%sub3A_373, %dma_wait3A_374] : memref<25x80xi32, #tpu.memory_space<vmem>> -> memref<1x80xi32, #tpu.memory_space<vmem>>
            %dma_wait3A_376 = tpu.memref_squeeze %dma_wait3A_375 : memref<1x80xi32, #tpu.memory_space<vmem>> -> memref<80xi32, #tpu.memory_space<vmem>>
            %dma_wait3A_377 = arith.constant 0 : i32
            %dma_wait3A_378 = arith.constant 0 : i32
            %dma_wait3A_379 = tpu.memref_slice %arg15[%dma_wait3A_377, %dma_wait3A_378] : memref<10000x128xf32, #tpu.memory_space<vmem_shared>> -> memref<10000x128xf32, #tpu.memory_space<vmem_shared>>
            tpu.wait_indirect_dma semaphore(%arg19 : memref<!tpu.dma_semaphore, #tpu.memory_space<semaphore_mem>>) src(%arg10 : memref<80x128xf32, #tpu.memory_space<vmem>>) dst(%dma_wait3A_379 : memref<10000x128xf32, #tpu.memory_space<vmem_shared>>)
          } else {
          }
          %add3A_362 = arith.constant 3 : i32
          %add3A_363 = arith.addi %scan3A_274, %add3A_362 : i32
          %sub3A_364 = arith.constant 1 : i32
          %sub3A_365 = arith.subi %add3A_363, %sub3A_364 : i32
          %dma_start3A_366 = arith.constant 0 : i32
          %dma_start3A_367 = tpu.memref_slice %arg13[%sub3A_365, %dma_start3A_366] : memref<25x80xi32, #tpu.memory_space<vmem>> -> memref<1x80xi32, #tpu.memory_space<vmem>>
          %dma_start3A_368 = tpu.memref_squeeze %dma_start3A_367 : memref<1x80xi32, #tpu.memory_space<vmem>> -> memref<80xi32, #tpu.memory_space<vmem>>
          %dma_start3A_369 = arith.constant 0 : i32
          %dma_start3A_370 = arith.constant 0 : i32
          %dma_start3A_371 = tpu.memref_slice %arg2[%dma_start3A_369, %dma_start3A_370] : memref<10000x128xf32, #tpu.memory_space<hbm>> -> memref<10000x128xf32, #tpu.memory_space<hbm>>
          tpu.enqueue_indirect_dma source(%dma_start3A_371 : memref<10000x128xf32, #tpu.memory_space<hbm>>) target(%arg10 : memref<80x128xf32, #tpu.memory_space<vmem>>) offsets(%dma_start3A_368 : memref<80xi32, #tpu.memory_space<vmem>>) semaphore(%arg16 : memref<!tpu.dma_semaphore, #tpu.memory_space<semaphore_mem>>)
        } else {
        }
        %dma_wait3A_340 = arith.constant 0 : i32
        %dma_wait3A_341 = tpu.memref_slice %arg13[%scan3A_274, %dma_wait3A_340] : memref<25x80xi32, #tpu.memory_space<vmem>> -> memref<1x80xi32, #tpu.memory_space<vmem>>
        %dma_wait3A_342 = tpu.memref_squeeze %dma_wait3A_341 : memref<1x80xi32, #tpu.memory_space<vmem>> -> memref<80xi32, #tpu.memory_space<vmem>>
        %dma_wait3A_343 = arith.constant 0 : i32
        %dma_wait3A_344 = arith.constant 0 : i32
        %dma_wait3A_345 = tpu.memref_slice %arg2[%dma_wait3A_343, %dma_wait3A_344] : memref<10000x128xf32, #tpu.memory_space<hbm>> -> memref<10000x128xf32, #tpu.memory_space<hbm>>
        tpu.wait_indirect_dma semaphore(%arg17 : memref<!tpu.dma_semaphore, #tpu.memory_space<semaphore_mem>>) src(%dma_wait3A_345 : memref<10000x128xf32, #tpu.memory_space<hbm>>) dst(%arg11 : memref<80x128xf32, #tpu.memory_space<vmem>>)
        %dma_start3A_346 = arith.constant 0 : i32
        %dma_start3A_347 = tpu.memref_slice %arg14[%scan3A_274, %dma_start3A_346] : memref<25x80xi32, #tpu.memory_space<vmem>> -> memref<1x80xi32, #tpu.memory_space<vmem>>
        %dma_start3A_348 = tpu.memref_squeeze %dma_start3A_347 : memref<1x80xi32, #tpu.memory_space<vmem>> -> memref<80xi32, #tpu.memory_space<vmem>>
        %dma_start3A_349 = arith.constant 0 : i32
        %dma_start3A_350 = arith.constant 0 : i32
        %dma_start3A_351 = tpu.memref_slice %arg15[%dma_start3A_349, %dma_start3A_350] : memref<10000x128xf32, #tpu.memory_space<vmem_shared>> -> memref<10000x128xf32, #tpu.memory_space<vmem_shared>>
        tpu.enqueue_indirect_dma source(%arg11 : memref<80x128xf32, #tpu.memory_space<vmem>>) target(%dma_start3A_351 : memref<10000x128xf32, #tpu.memory_space<vmem_shared>>) offsets(%dma_start3A_348 : memref<80xi32, #tpu.memory_space<vmem>>) semaphore(%arg20 : memref<!tpu.dma_semaphore, #tpu.memory_space<semaphore_mem>>) {add = true}
        %dma_start3A_352 = arith.constant 0 : i32
        %dma_start3A_353 = tpu.memref_slice %arg14[%scan3A_274, %dma_start3A_352] : memref<25x80xi32, #tpu.memory_space<vmem>> -> memref<1x80xi32, #tpu.memory_space<vmem>>
        %dma_start3A_354 = tpu.memref_squeeze %dma_start3A_353 : memref<1x80xi32, #tpu.memory_space<vmem>> -> memref<80xi32, #tpu.memory_space<vmem>>
        %dma_start3A_355 = arith.constant 0 : i32
        %dma_start3A_356 = arith.constant 0 : i32
        %dma_start3A_357 = tpu.memref_slice %arg22[%dma_start3A_355, %dma_start3A_356] : memref<10000x16xf32, #tpu.memory_space<vmem_shared>> -> memref<10000x16xf32, #tpu.memory_space<vmem_shared>>
        tpu.enqueue_indirect_dma source(%arg23 : memref<80x16xf32, #tpu.memory_space<vmem>>) target(%dma_start3A_357 : memref<10000x16xf32, #tpu.memory_space<vmem_shared>>) offsets(%dma_start3A_354 : memref<80xi32, #tpu.memory_space<vmem>>) semaphore(%arg25 : memref<!tpu.dma_semaphore, #tpu.memory_space<semaphore_mem>>) {add = true}
      } else {
      }
      %jit3A_311 = arith.constant 3 : i32
      %eq3A_312 = arith.constant 0 : i32
      %eq3A_313 = arith.cmpi eq, %jit3A_311, %eq3A_312 : i32
      %jit3A_314 = arith.constant 1 : i32
      %select_n3A_315 = arith.select %eq3A_313, %jit3A_314, %jit3A_311 : i32
      %rem3A_316 = arith.remsi %scan3A_274, %select_n3A_315 : i32
      %ne3A_317 = arith.constant 0 : i32
      %ne3A_318 = arith.cmpi ne, %rem3A_316, %ne3A_317 : i32
      %lt3A_319 = arith.constant 0 : i32
      %lt3A_320 = arith.cmpi slt, %rem3A_316, %lt3A_319 : i32
      %lt3A_321 = arith.constant 0 : i32
      %lt3A_322 = arith.cmpi slt, %select_n3A_315, %lt3A_321 : i32
      %ne3A_323 = arith.xori %lt3A_320, %lt3A_322 : i1
      %and3A_324 = arith.andi %ne3A_323, %ne3A_318 : i1
      %add3A_325 = arith.addi %rem3A_316, %select_n3A_315 : i32
      %select_n3A_326 = arith.select %and3A_324, %add3A_325, %rem3A_316 : i32
      %eq3A_327 = arith.constant 2 : i32
      %eq3A_328 = arith.cmpi eq, %select_n3A_326, %eq3A_327 : i32
      %convert_element_type3A_329 = arith.extui %eq3A_328 : i1 to i32
      %cond3A_330 = arith.constant 0 : i32
      %cond3A_331 = arith.cmpi ne, %convert_element_type3A_329, %cond3A_330 : i32
      scf.if %cond3A_331 {
        %add3A_332 = arith.constant 3 : i32
        %add3A_333 = arith.addi %scan3A_274, %add3A_332 : i32
        %sub3A = arith.constant 1 : i32
        %sub3A_334 = arith.subi %add3A_333, %sub3A : i32
        %lt3A_335 = arith.constant 25 : i32
        %lt3A_336 = arith.cmpi slt, %sub3A_334, %lt3A_335 : i32
        %convert_element_type3A_337 = arith.extui %lt3A_336 : i1 to i32
        %cond3A_338 = arith.constant 0 : i32
        %cond3A_339 = arith.cmpi ne, %convert_element_type3A_337, %cond3A_338 : i32
        scf.if %cond3A_339 {
          %ge3A = arith.constant 1 : i32
          %ge3A_358 = arith.cmpi sge, %scan3A_274, %ge3A : i32
          %convert_element_type3A_359 = arith.extui %ge3A_358 : i1 to i32
          %cond3A_360 = arith.constant 0 : i32
          %cond3A_361 = arith.cmpi ne, %convert_element_type3A_359, %cond3A_360 : i32
          scf.if %cond3A_361 {
            %sub3A_372 = arith.constant 1 : i32
            %sub3A_373 = arith.subi %scan3A_274, %sub3A_372 : i32
            %dma_wait3A_374 = arith.constant 0 : i32
            %dma_wait3A_375 = tpu.memref_slice %arg14[%sub3A_373, %dma_wait3A_374] : memref<25x80xi32, #tpu.memory_space<vmem>> -> memref<1x80xi32, #tpu.memory_space<vmem>>
            %dma_wait3A_376 = tpu.memref_squeeze %dma_wait3A_375 : memref<1x80xi32, #tpu.memory_space<vmem>> -> memref<80xi32, #tpu.memory_space<vmem>>
            %dma_wait3A_377 = arith.constant 0 : i32
            %dma_wait3A_378 = arith.constant 0 : i32
            %dma_wait3A_379 = tpu.memref_slice %arg15[%dma_wait3A_377, %dma_wait3A_378] : memref<10000x128xf32, #tpu.memory_space<vmem_shared>> -> memref<10000x128xf32, #tpu.memory_space<vmem_shared>>
            tpu.wait_indirect_dma semaphore(%arg20 : memref<!tpu.dma_semaphore, #tpu.memory_space<semaphore_mem>>) src(%arg11 : memref<80x128xf32, #tpu.memory_space<vmem>>) dst(%dma_wait3A_379 : memref<10000x128xf32, #tpu.memory_space<vmem_shared>>)
          } else {
          }
          %add3A_362 = arith.constant 3 : i32
          %add3A_363 = arith.addi %scan3A_274, %add3A_362 : i32
          %sub3A_364 = arith.constant 1 : i32
          %sub3A_365 = arith.subi %add3A_363, %sub3A_364 : i32
          %dma_start3A_366 = arith.constant 0 : i32
          %dma_start3A_367 = tpu.memref_slice %arg13[%sub3A_365, %dma_start3A_366] : memref<25x80xi32, #tpu.memory_space<vmem>> -> memref<1x80xi32, #tpu.memory_space<vmem>>
          %dma_start3A_368 = tpu.memref_squeeze %dma_start3A_367 : memref<1x80xi32, #tpu.memory_space<vmem>> -> memref<80xi32, #tpu.memory_space<vmem>>
          %dma_start3A_369 = arith.constant 0 : i32
          %dma_start3A_370 = arith.constant 0 : i32
          %dma_start3A_371 = tpu.memref_slice %arg2[%dma_start3A_369, %dma_start3A_370] : memref<10000x128xf32, #tpu.memory_space<hbm>> -> memref<10000x128xf32, #tpu.memory_space<hbm>>
          tpu.enqueue_indirect_dma source(%dma_start3A_371 : memref<10000x128xf32, #tpu.memory_space<hbm>>) target(%arg11 : memref<80x128xf32, #tpu.memory_space<vmem>>) offsets(%dma_start3A_368 : memref<80xi32, #tpu.memory_space<vmem>>) semaphore(%arg17 : memref<!tpu.dma_semaphore, #tpu.memory_space<semaphore_mem>>)
        } else {
        }
        %dma_wait3A_340 = arith.constant 0 : i32
        %dma_wait3A_341 = tpu.memref_slice %arg13[%scan3A_274, %dma_wait3A_340] : memref<25x80xi32, #tpu.memory_space<vmem>> -> memref<1x80xi32, #tpu.memory_space<vmem>>
        %dma_wait3A_342 = tpu.memref_squeeze %dma_wait3A_341 : memref<1x80xi32, #tpu.memory_space<vmem>> -> memref<80xi32, #tpu.memory_space<vmem>>
        %dma_wait3A_343 = arith.constant 0 : i32
        %dma_wait3A_344 = arith.constant 0 : i32
        %dma_wait3A_345 = tpu.memref_slice %arg2[%dma_wait3A_343, %dma_wait3A_344] : memref<10000x128xf32, #tpu.memory_space<hbm>> -> memref<10000x128xf32, #tpu.memory_space<hbm>>
        tpu.wait_indirect_dma semaphore(%arg18 : memref<!tpu.dma_semaphore, #tpu.memory_space<semaphore_mem>>) src(%dma_wait3A_345 : memref<10000x128xf32, #tpu.memory_space<hbm>>) dst(%arg12 : memref<80x128xf32, #tpu.memory_space<vmem>>)
        %dma_start3A_346 = arith.constant 0 : i32
        %dma_start3A_347 = tpu.memref_slice %arg14[%scan3A_274, %dma_start3A_346] : memref<25x80xi32, #tpu.memory_space<vmem>> -> memref<1x80xi32, #tpu.memory_space<vmem>>
        %dma_start3A_348 = tpu.memref_squeeze %dma_start3A_347 : memref<1x80xi32, #tpu.memory_space<vmem>> -> memref<80xi32, #tpu.memory_space<vmem>>
        %dma_start3A_349 = arith.constant 0 : i32
        %dma_start3A_350 = arith.constant 0 : i32
        %dma_start3A_351 = tpu.memref_slice %arg15[%dma_start3A_349, %dma_start3A_350] : memref<10000x128xf32, #tpu.memory_space<vmem_shared>> -> memref<10000x128xf32, #tpu.memory_space<vmem_shared>>
        tpu.enqueue_indirect_dma source(%arg12 : memref<80x128xf32, #tpu.memory_space<vmem>>) target(%dma_start3A_351 : memref<10000x128xf32, #tpu.memory_space<vmem_shared>>) offsets(%dma_start3A_348 : memref<80xi32, #tpu.memory_space<vmem>>) semaphore(%arg21 : memref<!tpu.dma_semaphore, #tpu.memory_space<semaphore_mem>>) {add = true}
        %dma_start3A_352 = arith.constant 0 : i32
        %dma_start3A_353 = tpu.memref_slice %arg14[%scan3A_274, %dma_start3A_352] : memref<25x80xi32, #tpu.memory_space<vmem>> -> memref<1x80xi32, #tpu.memory_space<vmem>>
        %dma_start3A_354 = tpu.memref_squeeze %dma_start3A_353 : memref<1x80xi32, #tpu.memory_space<vmem>> -> memref<80xi32, #tpu.memory_space<vmem>>
        %dma_start3A_355 = arith.constant 0 : i32
        %dma_start3A_356 = arith.constant 0 : i32
        %dma_start3A_357 = tpu.memref_slice %arg22[%dma_start3A_355, %dma_start3A_356] : memref<10000x16xf32, #tpu.memory_space<vmem_shared>> -> memref<10000x16xf32, #tpu.memory_space<vmem_shared>>
        tpu.enqueue_indirect_dma source(%arg23 : memref<80x16xf32, #tpu.memory_space<vmem>>) target(%dma_start3A_357 : memref<10000x16xf32, #tpu.memory_space<vmem_shared>>) offsets(%dma_start3A_354 : memref<80xi32, #tpu.memory_space<vmem>>) semaphore(%arg25 : memref<!tpu.dma_semaphore, #tpu.memory_space<semaphore_mem>>) {add = true}
      } else {
      }
    }
    %scan3A_177 = arith.constant 25 : i32
    %dma_wait3A_178 = arith.constant 22 : i32
    %dma_wait3A_179 = arith.constant 0 : i32
    %dma_wait3A_180 = tpu.memref_slice %arg14[%dma_wait3A_178, %dma_wait3A_179] : memref<25x80xi32, #tpu.memory_space<vmem>> -> memref<1x80xi32, #tpu.memory_space<vmem>>
    %dma_wait3A_181 = tpu.memref_squeeze %dma_wait3A_180 : memref<1x80xi32, #tpu.memory_space<vmem>> -> memref<80xi32, #tpu.memory_space<vmem>>
    %dma_wait3A_182 = arith.constant 0 : i32
    %dma_wait3A_183 = arith.constant 0 : i32
    %dma_wait3A_184 = tpu.memref_slice %arg15[%dma_wait3A_182, %dma_wait3A_183] : memref<10000x128xf32, #tpu.memory_space<vmem_shared>> -> memref<10000x128xf32, #tpu.memory_space<vmem_shared>>
    tpu.wait_indirect_dma semaphore(%arg20 : memref<!tpu.dma_semaphore, #tpu.memory_space<semaphore_mem>>) src(%arg11 : memref<80x128xf32, #tpu.memory_space<vmem>>) dst(%dma_wait3A_184 : memref<10000x128xf32, #tpu.memory_space<vmem_shared>>)
    %dma_wait3A_185 = arith.constant 23 : i32
    %dma_wait3A_186 = arith.constant 0 : i32
    %dma_wait3A_187 = tpu.memref_slice %arg14[%dma_wait3A_185, %dma_wait3A_186] : memref<25x80xi32, #tpu.memory_space<vmem>> -> memref<1x80xi32, #tpu.memory_space<vmem>>
    %dma_wait3A_188 = tpu.memref_squeeze %dma_wait3A_187 : memref<1x80xi32, #tpu.memory_space<vmem>> -> memref<80xi32, #tpu.memory_space<vmem>>
    %dma_wait3A_189 = arith.constant 0 : i32
    %dma_wait3A_190 = arith.constant 0 : i32
    %dma_wait3A_191 = tpu.memref_slice %arg15[%dma_wait3A_189, %dma_wait3A_190] : memref<10000x128xf32, #tpu.memory_space<vmem_shared>> -> memref<10000x128xf32, #tpu.memory_space<vmem_shared>>
    tpu.wait_indirect_dma semaphore(%arg21 : memref<!tpu.dma_semaphore, #tpu.memory_space<semaphore_mem>>) src(%arg12 : memref<80x128xf32, #tpu.memory_space<vmem>>) dst(%dma_wait3A_191 : memref<10000x128xf32, #tpu.memory_space<vmem_shared>>)
    %dma_wait3A_192 = arith.constant 24 : i32
    %dma_wait3A_193 = arith.constant 0 : i32
    %dma_wait3A_194 = tpu.memref_slice %arg14[%dma_wait3A_192, %dma_wait3A_193] : memref<25x80xi32, #tpu.memory_space<vmem>> -> memref<1x80xi32, #tpu.memory_space<vmem>>
    %dma_wait3A_195 = tpu.memref_squeeze %dma_wait3A_194 : memref<1x80xi32, #tpu.memory_space<vmem>> -> memref<80xi32, #tpu.memory_space<vmem>>
    %dma_wait3A_196 = arith.constant 0 : i32
    %dma_wait3A_197 = arith.constant 0 : i32
    %dma_wait3A_198 = tpu.memref_slice %arg15[%dma_wait3A_196, %dma_wait3A_197] : memref<10000x128xf32, #tpu.memory_space<vmem_shared>> -> memref<10000x128xf32, #tpu.memory_space<vmem_shared>>
    tpu.wait_indirect_dma semaphore(%arg19 : memref<!tpu.dma_semaphore, #tpu.memory_space<semaphore_mem>>) src(%arg10 : memref<80x128xf32, #tpu.memory_space<vmem>>) dst(%dma_wait3A_198 : memref<10000x128xf32, #tpu.memory_space<vmem_shared>>)
    %scan3A_199 = arith.constant 0 : i32
    %scan3A_200 = arith.constant 0 : i32
    %scan3A_201 = arith.constant 25 : i32
    %scan3A_202 = arith.addi %scan3A_200, %scan3A_201 : i32
    %scan3A_203 = arith.constant 1 : i32
    scf.for %scan3A_274 = %scan3A_200 to %scan3A_202 step %scan3A_203  : i32 {
      %dma_wait3A_275 = arith.constant 0 : i32
      %dma_wait3A_276 = arith.constant 0 : i32
      %dma_wait3A_277 = tpu.memref_slice %arg14[%dma_wait3A_275, %dma_wait3A_276] : memref<25x80xi32, #tpu.memory_space<vmem>> -> memref<1x80xi32, #tpu.memory_space<vmem>>
      %dma_wait3A_278 = tpu.memref_squeeze %dma_wait3A_277 : memref<1x80xi32, #tpu.memory_space<vmem>> -> memref<80xi32, #tpu.memory_space<vmem>>
      %dma_wait3A_279 = arith.constant 0 : i32
      %dma_wait3A_280 = arith.constant 0 : i32
      %dma_wait3A_281 = tpu.memref_slice %arg22[%dma_wait3A_279, %dma_wait3A_280] : memref<10000x16xf32, #tpu.memory_space<vmem_shared>> -> memref<10000x16xf32, #tpu.memory_space<vmem_shared>>
      tpu.wait_indirect_dma semaphore(%arg25 : memref<!tpu.dma_semaphore, #tpu.memory_space<semaphore_mem>>) src(%arg23 : memref<80x16xf32, #tpu.memory_space<vmem>>) dst(%dma_wait3A_281 : memref<10000x16xf32, #tpu.memory_space<vmem_shared>>)
    }
    %scan3A_204 = arith.constant 25 : i32
    %add3A_205 = arith.constant 100 : i32
    %add3A_206 = arith.addi %mul3A_2, %add3A_205 : i32
    "tpu.region"() ({
      %run_scoped3A = tpu.sem_alloc : memref<!tpu.dma_semaphore, #tpu.memory_space<semaphore_mem>>
      %dma_start3A_274 = arith.constant 0 : i32
      %dma_start3A_275 = tpu.memref_slice %arg3[%add3A_206, %dma_start3A_274] : memref<4000x80xi32, #tpu.memory_space<hbm>> -> memref<25x80xi32, #tpu.memory_space<hbm>>
      %dma_start3A_276 = arith.constant 0 : i32
      %dma_start3A_277 = tpu.memref_slice %arg3[%add3A_206, %dma_start3A_276] : memref<4000x80xi32, #tpu.memory_space<hbm>> -> memref<25x80xi32, #tpu.memory_space<hbm>>
      tpu.enqueue_dma source(%dma_start3A_277 : memref<25x80xi32, #tpu.memory_space<hbm>>) target(%arg13 : memref<25x80xi32, #tpu.memory_space<vmem>>) target_semaphore(%run_scoped3A : memref<!tpu.dma_semaphore, #tpu.memory_space<semaphore_mem>>)
      %dma_wait3A_278 = arith.constant 0 : i32
      %dma_wait3A_279 = tpu.memref_slice %arg3[%add3A_206, %dma_wait3A_278] : memref<4000x80xi32, #tpu.memory_space<hbm>> -> memref<25x80xi32, #tpu.memory_space<hbm>>
      %dma_wait3A_280 = arith.constant 0 : i32
      %dma_wait3A_281 = tpu.memref_slice %arg3[%add3A_206, %dma_wait3A_280] : memref<4000x80xi32, #tpu.memory_space<hbm>> -> memref<25x80xi32, #tpu.memory_space<hbm>>
      tpu.wait_dma2 semaphore(%run_scoped3A : memref<!tpu.dma_semaphore, #tpu.memory_space<semaphore_mem>>) src(%dma_wait3A_281 : memref<25x80xi32, #tpu.memory_space<hbm>>) dst(%arg13 : memref<25x80xi32, #tpu.memory_space<vmem>>)
      tpu.yield
    }) : () -> ()
    "tpu.region"() ({
      %run_scoped3A = tpu.sem_alloc : memref<!tpu.dma_semaphore, #tpu.memory_space<semaphore_mem>>
      %dma_start3A_274 = arith.constant 0 : i32
      %dma_start3A_275 = tpu.memref_slice %arg4[%add3A_206, %dma_start3A_274] : memref<4000x80xi32, #tpu.memory_space<hbm>> -> memref<25x80xi32, #tpu.memory_space<hbm>>
      %dma_start3A_276 = arith.constant 0 : i32
      %dma_start3A_277 = tpu.memref_slice %arg4[%add3A_206, %dma_start3A_276] : memref<4000x80xi32, #tpu.memory_space<hbm>> -> memref<25x80xi32, #tpu.memory_space<hbm>>
      tpu.enqueue_dma source(%dma_start3A_277 : memref<25x80xi32, #tpu.memory_space<hbm>>) target(%arg14 : memref<25x80xi32, #tpu.memory_space<vmem>>) target_semaphore(%run_scoped3A : memref<!tpu.dma_semaphore, #tpu.memory_space<semaphore_mem>>)
      %dma_wait3A_278 = arith.constant 0 : i32
      %dma_wait3A_279 = tpu.memref_slice %arg4[%add3A_206, %dma_wait3A_278] : memref<4000x80xi32, #tpu.memory_space<hbm>> -> memref<25x80xi32, #tpu.memory_space<hbm>>
      %dma_wait3A_280 = arith.constant 0 : i32
      %dma_wait3A_281 = tpu.memref_slice %arg4[%add3A_206, %dma_wait3A_280] : memref<4000x80xi32, #tpu.memory_space<hbm>> -> memref<25x80xi32, #tpu.memory_space<hbm>>
      tpu.wait_dma2 semaphore(%run_scoped3A : memref<!tpu.dma_semaphore, #tpu.memory_space<semaphore_mem>>) src(%dma_wait3A_281 : memref<25x80xi32, #tpu.memory_space<hbm>>) dst(%arg14 : memref<25x80xi32, #tpu.memory_space<vmem>>)
      tpu.yield
    }) : () -> ()
    %dma_start3A_207 = arith.constant 0 : i32
    %dma_start3A_208 = arith.constant 0 : i32
    %dma_start3A_209 = tpu.memref_slice %arg13[%dma_start3A_207, %dma_start3A_208] : memref<25x80xi32, #tpu.memory_space<vmem>> -> memref<1x80xi32, #tpu.memory_space<vmem>>
    %dma_start3A_210 = tpu.memref_squeeze %dma_start3A_209 : memref<1x80xi32, #tpu.memory_space<vmem>> -> memref<80xi32, #tpu.memory_space<vmem>>
    %dma_start3A_211 = arith.constant 0 : i32
    %dma_start3A_212 = arith.constant 0 : i32
    %dma_start3A_213 = tpu.memref_slice %arg2[%dma_start3A_211, %dma_start3A_212] : memref<10000x128xf32, #tpu.memory_space<hbm>> -> memref<10000x128xf32, #tpu.memory_space<hbm>>
    tpu.enqueue_indirect_dma source(%dma_start3A_213 : memref<10000x128xf32, #tpu.memory_space<hbm>>) target(%arg10 : memref<80x128xf32, #tpu.memory_space<vmem>>) offsets(%dma_start3A_210 : memref<80xi32, #tpu.memory_space<vmem>>) semaphore(%arg16 : memref<!tpu.dma_semaphore, #tpu.memory_space<semaphore_mem>>)
    %dma_start3A_214 = arith.constant 1 : i32
    %dma_start3A_215 = arith.constant 0 : i32
    %dma_start3A_216 = tpu.memref_slice %arg13[%dma_start3A_214, %dma_start3A_215] : memref<25x80xi32, #tpu.memory_space<vmem>> -> memref<1x80xi32, #tpu.memory_space<vmem>>
    %dma_start3A_217 = tpu.memref_squeeze %dma_start3A_216 : memref<1x80xi32, #tpu.memory_space<vmem>> -> memref<80xi32, #tpu.memory_space<vmem>>
    %dma_start3A_218 = arith.constant 0 : i32
    %dma_start3A_219 = arith.constant 0 : i32
    %dma_start3A_220 = tpu.memref_slice %arg2[%dma_start3A_218, %dma_start3A_219] : memref<10000x128xf32, #tpu.memory_space<hbm>> -> memref<10000x128xf32, #tpu.memory_space<hbm>>
    tpu.enqueue_indirect_dma source(%dma_start3A_220 : memref<10000x128xf32, #tpu.memory_space<hbm>>) target(%arg11 : memref<80x128xf32, #tpu.memory_space<vmem>>) offsets(%dma_start3A_217 : memref<80xi32, #tpu.memory_space<vmem>>) semaphore(%arg17 : memref<!tpu.dma_semaphore, #tpu.memory_space<semaphore_mem>>)
    %scan3A_221 = arith.constant 0 : i32
    %scan3A_222 = arith.constant 0 : i32
    %scan3A_223 = arith.constant 25 : i32
    %scan3A_224 = arith.addi %scan3A_222, %scan3A_223 : i32
    %scan3A_225 = arith.constant 1 : i32
    scf.for %scan3A_274 = %scan3A_222 to %scan3A_224 step %scan3A_225  : i32 {
      %jit3A = arith.constant 3 : i32
      %eq3A_275 = arith.constant 0 : i32
      %eq3A_276 = arith.cmpi eq, %jit3A, %eq3A_275 : i32
      %jit3A_277 = arith.constant 1 : i32
      %select_n3A = arith.select %eq3A_276, %jit3A_277, %jit3A : i32
      %rem3A = arith.remsi %scan3A_274, %select_n3A : i32
      %ne3A = arith.constant 0 : i32
      %ne3A_278 = arith.cmpi ne, %rem3A, %ne3A : i32
      %lt3A = arith.constant 0 : i32
      %lt3A_279 = arith.cmpi slt, %rem3A, %lt3A : i32
      %lt3A_280 = arith.constant 0 : i32
      %lt3A_281 = arith.cmpi slt, %select_n3A, %lt3A_280 : i32
      %ne3A_282 = arith.xori %lt3A_279, %lt3A_281 : i1
      %and3A = arith.andi %ne3A_282, %ne3A_278 : i1
      %add3A_283 = arith.addi %rem3A, %select_n3A : i32
      %select_n3A_284 = arith.select %and3A, %add3A_283, %rem3A : i32
      %eq3A_285 = arith.constant 0 : i32
      %eq3A_286 = arith.cmpi eq, %select_n3A_284, %eq3A_285 : i32
      %convert_element_type3A_287 = arith.extui %eq3A_286 : i1 to i32
      %cond3A_288 = arith.constant 0 : i32
      %cond3A_289 = arith.cmpi ne, %convert_element_type3A_287, %cond3A_288 : i32
      scf.if %cond3A_289 {
        %add3A_332 = arith.constant 3 : i32
        %add3A_333 = arith.addi %scan3A_274, %add3A_332 : i32
        %sub3A = arith.constant 1 : i32
        %sub3A_334 = arith.subi %add3A_333, %sub3A : i32
        %lt3A_335 = arith.constant 25 : i32
        %lt3A_336 = arith.cmpi slt, %sub3A_334, %lt3A_335 : i32
        %convert_element_type3A_337 = arith.extui %lt3A_336 : i1 to i32
        %cond3A_338 = arith.constant 0 : i32
        %cond3A_339 = arith.cmpi ne, %convert_element_type3A_337, %cond3A_338 : i32
        scf.if %cond3A_339 {
          %ge3A = arith.constant 1 : i32
          %ge3A_358 = arith.cmpi sge, %scan3A_274, %ge3A : i32
          %convert_element_type3A_359 = arith.extui %ge3A_358 : i1 to i32
          %cond3A_360 = arith.constant 0 : i32
          %cond3A_361 = arith.cmpi ne, %convert_element_type3A_359, %cond3A_360 : i32
          scf.if %cond3A_361 {
            %sub3A_372 = arith.constant 1 : i32
            %sub3A_373 = arith.subi %scan3A_274, %sub3A_372 : i32
            %dma_wait3A_374 = arith.constant 0 : i32
            %dma_wait3A_375 = tpu.memref_slice %arg14[%sub3A_373, %dma_wait3A_374] : memref<25x80xi32, #tpu.memory_space<vmem>> -> memref<1x80xi32, #tpu.memory_space<vmem>>
            %dma_wait3A_376 = tpu.memref_squeeze %dma_wait3A_375 : memref<1x80xi32, #tpu.memory_space<vmem>> -> memref<80xi32, #tpu.memory_space<vmem>>
            %dma_wait3A_377 = arith.constant 0 : i32
            %dma_wait3A_378 = arith.constant 0 : i32
            %dma_wait3A_379 = tpu.memref_slice %arg15[%dma_wait3A_377, %dma_wait3A_378] : memref<10000x128xf32, #tpu.memory_space<vmem_shared>> -> memref<10000x128xf32, #tpu.memory_space<vmem_shared>>
            tpu.wait_indirect_dma semaphore(%arg21 : memref<!tpu.dma_semaphore, #tpu.memory_space<semaphore_mem>>) src(%arg12 : memref<80x128xf32, #tpu.memory_space<vmem>>) dst(%dma_wait3A_379 : memref<10000x128xf32, #tpu.memory_space<vmem_shared>>)
          } else {
          }
          %add3A_362 = arith.constant 3 : i32
          %add3A_363 = arith.addi %scan3A_274, %add3A_362 : i32
          %sub3A_364 = arith.constant 1 : i32
          %sub3A_365 = arith.subi %add3A_363, %sub3A_364 : i32
          %dma_start3A_366 = arith.constant 0 : i32
          %dma_start3A_367 = tpu.memref_slice %arg13[%sub3A_365, %dma_start3A_366] : memref<25x80xi32, #tpu.memory_space<vmem>> -> memref<1x80xi32, #tpu.memory_space<vmem>>
          %dma_start3A_368 = tpu.memref_squeeze %dma_start3A_367 : memref<1x80xi32, #tpu.memory_space<vmem>> -> memref<80xi32, #tpu.memory_space<vmem>>
          %dma_start3A_369 = arith.constant 0 : i32
          %dma_start3A_370 = arith.constant 0 : i32
          %dma_start3A_371 = tpu.memref_slice %arg2[%dma_start3A_369, %dma_start3A_370] : memref<10000x128xf32, #tpu.memory_space<hbm>> -> memref<10000x128xf32, #tpu.memory_space<hbm>>
          tpu.enqueue_indirect_dma source(%dma_start3A_371 : memref<10000x128xf32, #tpu.memory_space<hbm>>) target(%arg12 : memref<80x128xf32, #tpu.memory_space<vmem>>) offsets(%dma_start3A_368 : memref<80xi32, #tpu.memory_space<vmem>>) semaphore(%arg18 : memref<!tpu.dma_semaphore, #tpu.memory_space<semaphore_mem>>)
        } else {
        }
        %dma_wait3A_340 = arith.constant 0 : i32
        %dma_wait3A_341 = tpu.memref_slice %arg13[%scan3A_274, %dma_wait3A_340] : memref<25x80xi32, #tpu.memory_space<vmem>> -> memref<1x80xi32, #tpu.memory_space<vmem>>
        %dma_wait3A_342 = tpu.memref_squeeze %dma_wait3A_341 : memref<1x80xi32, #tpu.memory_space<vmem>> -> memref<80xi32, #tpu.memory_space<vmem>>
        %dma_wait3A_343 = arith.constant 0 : i32
        %dma_wait3A_344 = arith.constant 0 : i32
        %dma_wait3A_345 = tpu.memref_slice %arg2[%dma_wait3A_343, %dma_wait3A_344] : memref<10000x128xf32, #tpu.memory_space<hbm>> -> memref<10000x128xf32, #tpu.memory_space<hbm>>
        tpu.wait_indirect_dma semaphore(%arg16 : memref<!tpu.dma_semaphore, #tpu.memory_space<semaphore_mem>>) src(%dma_wait3A_345 : memref<10000x128xf32, #tpu.memory_space<hbm>>) dst(%arg10 : memref<80x128xf32, #tpu.memory_space<vmem>>)
        %dma_start3A_346 = arith.constant 0 : i32
        %dma_start3A_347 = tpu.memref_slice %arg14[%scan3A_274, %dma_start3A_346] : memref<25x80xi32, #tpu.memory_space<vmem>> -> memref<1x80xi32, #tpu.memory_space<vmem>>
        %dma_start3A_348 = tpu.memref_squeeze %dma_start3A_347 : memref<1x80xi32, #tpu.memory_space<vmem>> -> memref<80xi32, #tpu.memory_space<vmem>>
        %dma_start3A_349 = arith.constant 0 : i32
        %dma_start3A_350 = arith.constant 0 : i32
        %dma_start3A_351 = tpu.memref_slice %arg15[%dma_start3A_349, %dma_start3A_350] : memref<10000x128xf32, #tpu.memory_space<vmem_shared>> -> memref<10000x128xf32, #tpu.memory_space<vmem_shared>>
        tpu.enqueue_indirect_dma source(%arg10 : memref<80x128xf32, #tpu.memory_space<vmem>>) target(%dma_start3A_351 : memref<10000x128xf32, #tpu.memory_space<vmem_shared>>) offsets(%dma_start3A_348 : memref<80xi32, #tpu.memory_space<vmem>>) semaphore(%arg19 : memref<!tpu.dma_semaphore, #tpu.memory_space<semaphore_mem>>) {add = true}
        %dma_start3A_352 = arith.constant 0 : i32
        %dma_start3A_353 = tpu.memref_slice %arg14[%scan3A_274, %dma_start3A_352] : memref<25x80xi32, #tpu.memory_space<vmem>> -> memref<1x80xi32, #tpu.memory_space<vmem>>
        %dma_start3A_354 = tpu.memref_squeeze %dma_start3A_353 : memref<1x80xi32, #tpu.memory_space<vmem>> -> memref<80xi32, #tpu.memory_space<vmem>>
        %dma_start3A_355 = arith.constant 0 : i32
        %dma_start3A_356 = arith.constant 0 : i32
        %dma_start3A_357 = tpu.memref_slice %arg22[%dma_start3A_355, %dma_start3A_356] : memref<10000x16xf32, #tpu.memory_space<vmem_shared>> -> memref<10000x16xf32, #tpu.memory_space<vmem_shared>>
        tpu.enqueue_indirect_dma source(%arg23 : memref<80x16xf32, #tpu.memory_space<vmem>>) target(%dma_start3A_357 : memref<10000x16xf32, #tpu.memory_space<vmem_shared>>) offsets(%dma_start3A_354 : memref<80xi32, #tpu.memory_space<vmem>>) semaphore(%arg25 : memref<!tpu.dma_semaphore, #tpu.memory_space<semaphore_mem>>) {add = true}
      } else {
      }
      %jit3A_290 = arith.constant 3 : i32
      %eq3A_291 = arith.constant 0 : i32
      %eq3A_292 = arith.cmpi eq, %jit3A_290, %eq3A_291 : i32
      %jit3A_293 = arith.constant 1 : i32
      %select_n3A_294 = arith.select %eq3A_292, %jit3A_293, %jit3A_290 : i32
      %rem3A_295 = arith.remsi %scan3A_274, %select_n3A_294 : i32
      %ne3A_296 = arith.constant 0 : i32
      %ne3A_297 = arith.cmpi ne, %rem3A_295, %ne3A_296 : i32
      %lt3A_298 = arith.constant 0 : i32
      %lt3A_299 = arith.cmpi slt, %rem3A_295, %lt3A_298 : i32
      %lt3A_300 = arith.constant 0 : i32
      %lt3A_301 = arith.cmpi slt, %select_n3A_294, %lt3A_300 : i32
      %ne3A_302 = arith.xori %lt3A_299, %lt3A_301 : i1
      %and3A_303 = arith.andi %ne3A_302, %ne3A_297 : i1
      %add3A_304 = arith.addi %rem3A_295, %select_n3A_294 : i32
      %select_n3A_305 = arith.select %and3A_303, %add3A_304, %rem3A_295 : i32
      %eq3A_306 = arith.constant 1 : i32
      %eq3A_307 = arith.cmpi eq, %select_n3A_305, %eq3A_306 : i32
      %convert_element_type3A_308 = arith.extui %eq3A_307 : i1 to i32
      %cond3A_309 = arith.constant 0 : i32
      %cond3A_310 = arith.cmpi ne, %convert_element_type3A_308, %cond3A_309 : i32
      scf.if %cond3A_310 {
        %add3A_332 = arith.constant 3 : i32
        %add3A_333 = arith.addi %scan3A_274, %add3A_332 : i32
        %sub3A = arith.constant 1 : i32
        %sub3A_334 = arith.subi %add3A_333, %sub3A : i32
        %lt3A_335 = arith.constant 25 : i32
        %lt3A_336 = arith.cmpi slt, %sub3A_334, %lt3A_335 : i32
        %convert_element_type3A_337 = arith.extui %lt3A_336 : i1 to i32
        %cond3A_338 = arith.constant 0 : i32
        %cond3A_339 = arith.cmpi ne, %convert_element_type3A_337, %cond3A_338 : i32
        scf.if %cond3A_339 {
          %ge3A = arith.constant 1 : i32
          %ge3A_358 = arith.cmpi sge, %scan3A_274, %ge3A : i32
          %convert_element_type3A_359 = arith.extui %ge3A_358 : i1 to i32
          %cond3A_360 = arith.constant 0 : i32
          %cond3A_361 = arith.cmpi ne, %convert_element_type3A_359, %cond3A_360 : i32
          scf.if %cond3A_361 {
            %sub3A_372 = arith.constant 1 : i32
            %sub3A_373 = arith.subi %scan3A_274, %sub3A_372 : i32
            %dma_wait3A_374 = arith.constant 0 : i32
            %dma_wait3A_375 = tpu.memref_slice %arg14[%sub3A_373, %dma_wait3A_374] : memref<25x80xi32, #tpu.memory_space<vmem>> -> memref<1x80xi32, #tpu.memory_space<vmem>>
            %dma_wait3A_376 = tpu.memref_squeeze %dma_wait3A_375 : memref<1x80xi32, #tpu.memory_space<vmem>> -> memref<80xi32, #tpu.memory_space<vmem>>
            %dma_wait3A_377 = arith.constant 0 : i32
            %dma_wait3A_378 = arith.constant 0 : i32
            %dma_wait3A_379 = tpu.memref_slice %arg15[%dma_wait3A_377, %dma_wait3A_378] : memref<10000x128xf32, #tpu.memory_space<vmem_shared>> -> memref<10000x128xf32, #tpu.memory_space<vmem_shared>>
            tpu.wait_indirect_dma semaphore(%arg19 : memref<!tpu.dma_semaphore, #tpu.memory_space<semaphore_mem>>) src(%arg10 : memref<80x128xf32, #tpu.memory_space<vmem>>) dst(%dma_wait3A_379 : memref<10000x128xf32, #tpu.memory_space<vmem_shared>>)
          } else {
          }
          %add3A_362 = arith.constant 3 : i32
          %add3A_363 = arith.addi %scan3A_274, %add3A_362 : i32
          %sub3A_364 = arith.constant 1 : i32
          %sub3A_365 = arith.subi %add3A_363, %sub3A_364 : i32
          %dma_start3A_366 = arith.constant 0 : i32
          %dma_start3A_367 = tpu.memref_slice %arg13[%sub3A_365, %dma_start3A_366] : memref<25x80xi32, #tpu.memory_space<vmem>> -> memref<1x80xi32, #tpu.memory_space<vmem>>
          %dma_start3A_368 = tpu.memref_squeeze %dma_start3A_367 : memref<1x80xi32, #tpu.memory_space<vmem>> -> memref<80xi32, #tpu.memory_space<vmem>>
          %dma_start3A_369 = arith.constant 0 : i32
          %dma_start3A_370 = arith.constant 0 : i32
          %dma_start3A_371 = tpu.memref_slice %arg2[%dma_start3A_369, %dma_start3A_370] : memref<10000x128xf32, #tpu.memory_space<hbm>> -> memref<10000x128xf32, #tpu.memory_space<hbm>>
          tpu.enqueue_indirect_dma source(%dma_start3A_371 : memref<10000x128xf32, #tpu.memory_space<hbm>>) target(%arg10 : memref<80x128xf32, #tpu.memory_space<vmem>>) offsets(%dma_start3A_368 : memref<80xi32, #tpu.memory_space<vmem>>) semaphore(%arg16 : memref<!tpu.dma_semaphore, #tpu.memory_space<semaphore_mem>>)
        } else {
        }
        %dma_wait3A_340 = arith.constant 0 : i32
        %dma_wait3A_341 = tpu.memref_slice %arg13[%scan3A_274, %dma_wait3A_340] : memref<25x80xi32, #tpu.memory_space<vmem>> -> memref<1x80xi32, #tpu.memory_space<vmem>>
        %dma_wait3A_342 = tpu.memref_squeeze %dma_wait3A_341 : memref<1x80xi32, #tpu.memory_space<vmem>> -> memref<80xi32, #tpu.memory_space<vmem>>
        %dma_wait3A_343 = arith.constant 0 : i32
        %dma_wait3A_344 = arith.constant 0 : i32
        %dma_wait3A_345 = tpu.memref_slice %arg2[%dma_wait3A_343, %dma_wait3A_344] : memref<10000x128xf32, #tpu.memory_space<hbm>> -> memref<10000x128xf32, #tpu.memory_space<hbm>>
        tpu.wait_indirect_dma semaphore(%arg17 : memref<!tpu.dma_semaphore, #tpu.memory_space<semaphore_mem>>) src(%dma_wait3A_345 : memref<10000x128xf32, #tpu.memory_space<hbm>>) dst(%arg11 : memref<80x128xf32, #tpu.memory_space<vmem>>)
        %dma_start3A_346 = arith.constant 0 : i32
        %dma_start3A_347 = tpu.memref_slice %arg14[%scan3A_274, %dma_start3A_346] : memref<25x80xi32, #tpu.memory_space<vmem>> -> memref<1x80xi32, #tpu.memory_space<vmem>>
        %dma_start3A_348 = tpu.memref_squeeze %dma_start3A_347 : memref<1x80xi32, #tpu.memory_space<vmem>> -> memref<80xi32, #tpu.memory_space<vmem>>
        %dma_start3A_349 = arith.constant 0 : i32
        %dma_start3A_350 = arith.constant 0 : i32
        %dma_start3A_351 = tpu.memref_slice %arg15[%dma_start3A_349, %dma_start3A_350] : memref<10000x128xf32, #tpu.memory_space<vmem_shared>> -> memref<10000x128xf32, #tpu.memory_space<vmem_shared>>
        tpu.enqueue_indirect_dma source(%arg11 : memref<80x128xf32, #tpu.memory_space<vmem>>) target(%dma_start3A_351 : memref<10000x128xf32, #tpu.memory_space<vmem_shared>>) offsets(%dma_start3A_348 : memref<80xi32, #tpu.memory_space<vmem>>) semaphore(%arg20 : memref<!tpu.dma_semaphore, #tpu.memory_space<semaphore_mem>>) {add = true}
        %dma_start3A_352 = arith.constant 0 : i32
        %dma_start3A_353 = tpu.memref_slice %arg14[%scan3A_274, %dma_start3A_352] : memref<25x80xi32, #tpu.memory_space<vmem>> -> memref<1x80xi32, #tpu.memory_space<vmem>>
        %dma_start3A_354 = tpu.memref_squeeze %dma_start3A_353 : memref<1x80xi32, #tpu.memory_space<vmem>> -> memref<80xi32, #tpu.memory_space<vmem>>
        %dma_start3A_355 = arith.constant 0 : i32
        %dma_start3A_356 = arith.constant 0 : i32
        %dma_start3A_357 = tpu.memref_slice %arg22[%dma_start3A_355, %dma_start3A_356] : memref<10000x16xf32, #tpu.memory_space<vmem_shared>> -> memref<10000x16xf32, #tpu.memory_space<vmem_shared>>
        tpu.enqueue_indirect_dma source(%arg23 : memref<80x16xf32, #tpu.memory_space<vmem>>) target(%dma_start3A_357 : memref<10000x16xf32, #tpu.memory_space<vmem_shared>>) offsets(%dma_start3A_354 : memref<80xi32, #tpu.memory_space<vmem>>) semaphore(%arg25 : memref<!tpu.dma_semaphore, #tpu.memory_space<semaphore_mem>>) {add = true}
      } else {
      }
      %jit3A_311 = arith.constant 3 : i32
      %eq3A_312 = arith.constant 0 : i32
      %eq3A_313 = arith.cmpi eq, %jit3A_311, %eq3A_312 : i32
      %jit3A_314 = arith.constant 1 : i32
      %select_n3A_315 = arith.select %eq3A_313, %jit3A_314, %jit3A_311 : i32
      %rem3A_316 = arith.remsi %scan3A_274, %select_n3A_315 : i32
      %ne3A_317 = arith.constant 0 : i32
      %ne3A_318 = arith.cmpi ne, %rem3A_316, %ne3A_317 : i32
      %lt3A_319 = arith.constant 0 : i32
      %lt3A_320 = arith.cmpi slt, %rem3A_316, %lt3A_319 : i32
      %lt3A_321 = arith.constant 0 : i32
      %lt3A_322 = arith.cmpi slt, %select_n3A_315, %lt3A_321 : i32
      %ne3A_323 = arith.xori %lt3A_320, %lt3A_322 : i1
      %and3A_324 = arith.andi %ne3A_323, %ne3A_318 : i1
      %add3A_325 = arith.addi %rem3A_316, %select_n3A_315 : i32
      %select_n3A_326 = arith.select %and3A_324, %add3A_325, %rem3A_316 : i32
      %eq3A_327 = arith.constant 2 : i32
      %eq3A_328 = arith.cmpi eq, %select_n3A_326, %eq3A_327 : i32
      %convert_element_type3A_329 = arith.extui %eq3A_328 : i1 to i32
      %cond3A_330 = arith.constant 0 : i32
      %cond3A_331 = arith.cmpi ne, %convert_element_type3A_329, %cond3A_330 : i32
      scf.if %cond3A_331 {
        %add3A_332 = arith.constant 3 : i32
        %add3A_333 = arith.addi %scan3A_274, %add3A_332 : i32
        %sub3A = arith.constant 1 : i32
        %sub3A_334 = arith.subi %add3A_333, %sub3A : i32
        %lt3A_335 = arith.constant 25 : i32
        %lt3A_336 = arith.cmpi slt, %sub3A_334, %lt3A_335 : i32
        %convert_element_type3A_337 = arith.extui %lt3A_336 : i1 to i32
        %cond3A_338 = arith.constant 0 : i32
        %cond3A_339 = arith.cmpi ne, %convert_element_type3A_337, %cond3A_338 : i32
        scf.if %cond3A_339 {
          %ge3A = arith.constant 1 : i32
          %ge3A_358 = arith.cmpi sge, %scan3A_274, %ge3A : i32
          %convert_element_type3A_359 = arith.extui %ge3A_358 : i1 to i32
          %cond3A_360 = arith.constant 0 : i32
          %cond3A_361 = arith.cmpi ne, %convert_element_type3A_359, %cond3A_360 : i32
          scf.if %cond3A_361 {
            %sub3A_372 = arith.constant 1 : i32
            %sub3A_373 = arith.subi %scan3A_274, %sub3A_372 : i32
            %dma_wait3A_374 = arith.constant 0 : i32
            %dma_wait3A_375 = tpu.memref_slice %arg14[%sub3A_373, %dma_wait3A_374] : memref<25x80xi32, #tpu.memory_space<vmem>> -> memref<1x80xi32, #tpu.memory_space<vmem>>
            %dma_wait3A_376 = tpu.memref_squeeze %dma_wait3A_375 : memref<1x80xi32, #tpu.memory_space<vmem>> -> memref<80xi32, #tpu.memory_space<vmem>>
            %dma_wait3A_377 = arith.constant 0 : i32
            %dma_wait3A_378 = arith.constant 0 : i32
            %dma_wait3A_379 = tpu.memref_slice %arg15[%dma_wait3A_377, %dma_wait3A_378] : memref<10000x128xf32, #tpu.memory_space<vmem_shared>> -> memref<10000x128xf32, #tpu.memory_space<vmem_shared>>
            tpu.wait_indirect_dma semaphore(%arg20 : memref<!tpu.dma_semaphore, #tpu.memory_space<semaphore_mem>>) src(%arg11 : memref<80x128xf32, #tpu.memory_space<vmem>>) dst(%dma_wait3A_379 : memref<10000x128xf32, #tpu.memory_space<vmem_shared>>)
          } else {
          }
          %add3A_362 = arith.constant 3 : i32
          %add3A_363 = arith.addi %scan3A_274, %add3A_362 : i32
          %sub3A_364 = arith.constant 1 : i32
          %sub3A_365 = arith.subi %add3A_363, %sub3A_364 : i32
          %dma_start3A_366 = arith.constant 0 : i32
          %dma_start3A_367 = tpu.memref_slice %arg13[%sub3A_365, %dma_start3A_366] : memref<25x80xi32, #tpu.memory_space<vmem>> -> memref<1x80xi32, #tpu.memory_space<vmem>>
          %dma_start3A_368 = tpu.memref_squeeze %dma_start3A_367 : memref<1x80xi32, #tpu.memory_space<vmem>> -> memref<80xi32, #tpu.memory_space<vmem>>
          %dma_start3A_369 = arith.constant 0 : i32
          %dma_start3A_370 = arith.constant 0 : i32
          %dma_start3A_371 = tpu.memref_slice %arg2[%dma_start3A_369, %dma_start3A_370] : memref<10000x128xf32, #tpu.memory_space<hbm>> -> memref<10000x128xf32, #tpu.memory_space<hbm>>
          tpu.enqueue_indirect_dma source(%dma_start3A_371 : memref<10000x128xf32, #tpu.memory_space<hbm>>) target(%arg11 : memref<80x128xf32, #tpu.memory_space<vmem>>) offsets(%dma_start3A_368 : memref<80xi32, #tpu.memory_space<vmem>>) semaphore(%arg17 : memref<!tpu.dma_semaphore, #tpu.memory_space<semaphore_mem>>)
        } else {
        }
        %dma_wait3A_340 = arith.constant 0 : i32
        %dma_wait3A_341 = tpu.memref_slice %arg13[%scan3A_274, %dma_wait3A_340] : memref<25x80xi32, #tpu.memory_space<vmem>> -> memref<1x80xi32, #tpu.memory_space<vmem>>
        %dma_wait3A_342 = tpu.memref_squeeze %dma_wait3A_341 : memref<1x80xi32, #tpu.memory_space<vmem>> -> memref<80xi32, #tpu.memory_space<vmem>>
        %dma_wait3A_343 = arith.constant 0 : i32
        %dma_wait3A_344 = arith.constant 0 : i32
        %dma_wait3A_345 = tpu.memref_slice %arg2[%dma_wait3A_343, %dma_wait3A_344] : memref<10000x128xf32, #tpu.memory_space<hbm>> -> memref<10000x128xf32, #tpu.memory_space<hbm>>
        tpu.wait_indirect_dma semaphore(%arg18 : memref<!tpu.dma_semaphore, #tpu.memory_space<semaphore_mem>>) src(%dma_wait3A_345 : memref<10000x128xf32, #tpu.memory_space<hbm>>) dst(%arg12 : memref<80x128xf32, #tpu.memory_space<vmem>>)
        %dma_start3A_346 = arith.constant 0 : i32
        %dma_start3A_347 = tpu.memref_slice %arg14[%scan3A_274, %dma_start3A_346] : memref<25x80xi32, #tpu.memory_space<vmem>> -> memref<1x80xi32, #tpu.memory_space<vmem>>
        %dma_start3A_348 = tpu.memref_squeeze %dma_start3A_347 : memref<1x80xi32, #tpu.memory_space<vmem>> -> memref<80xi32, #tpu.memory_space<vmem>>
        %dma_start3A_349 = arith.constant 0 : i32
        %dma_start3A_350 = arith.constant 0 : i32
        %dma_start3A_351 = tpu.memref_slice %arg15[%dma_start3A_349, %dma_start3A_350] : memref<10000x128xf32, #tpu.memory_space<vmem_shared>> -> memref<10000x128xf32, #tpu.memory_space<vmem_shared>>
        tpu.enqueue_indirect_dma source(%arg12 : memref<80x128xf32, #tpu.memory_space<vmem>>) target(%dma_start3A_351 : memref<10000x128xf32, #tpu.memory_space<vmem_shared>>) offsets(%dma_start3A_348 : memref<80xi32, #tpu.memory_space<vmem>>) semaphore(%arg21 : memref<!tpu.dma_semaphore, #tpu.memory_space<semaphore_mem>>) {add = true}
        %dma_start3A_352 = arith.constant 0 : i32
        %dma_start3A_353 = tpu.memref_slice %arg14[%scan3A_274, %dma_start3A_352] : memref<25x80xi32, #tpu.memory_space<vmem>> -> memref<1x80xi32, #tpu.memory_space<vmem>>
        %dma_start3A_354 = tpu.memref_squeeze %dma_start3A_353 : memref<1x80xi32, #tpu.memory_space<vmem>> -> memref<80xi32, #tpu.memory_space<vmem>>
        %dma_start3A_355 = arith.constant 0 : i32
        %dma_start3A_356 = arith.constant 0 : i32
        %dma_start3A_357 = tpu.memref_slice %arg22[%dma_start3A_355, %dma_start3A_356] : memref<10000x16xf32, #tpu.memory_space<vmem_shared>> -> memref<10000x16xf32, #tpu.memory_space<vmem_shared>>
        tpu.enqueue_indirect_dma source(%arg23 : memref<80x16xf32, #tpu.memory_space<vmem>>) target(%dma_start3A_357 : memref<10000x16xf32, #tpu.memory_space<vmem_shared>>) offsets(%dma_start3A_354 : memref<80xi32, #tpu.memory_space<vmem>>) semaphore(%arg25 : memref<!tpu.dma_semaphore, #tpu.memory_space<semaphore_mem>>) {add = true}
      } else {
      }
    }
    %scan3A_226 = arith.constant 25 : i32
    %dma_wait3A_227 = arith.constant 22 : i32
    %dma_wait3A_228 = arith.constant 0 : i32
    %dma_wait3A_229 = tpu.memref_slice %arg14[%dma_wait3A_227, %dma_wait3A_228] : memref<25x80xi32, #tpu.memory_space<vmem>> -> memref<1x80xi32, #tpu.memory_space<vmem>>
    %dma_wait3A_230 = tpu.memref_squeeze %dma_wait3A_229 : memref<1x80xi32, #tpu.memory_space<vmem>> -> memref<80xi32, #tpu.memory_space<vmem>>
    %dma_wait3A_231 = arith.constant 0 : i32
    %dma_wait3A_232 = arith.constant 0 : i32
    %dma_wait3A_233 = tpu.memref_slice %arg15[%dma_wait3A_231, %dma_wait3A_232] : memref<10000x128xf32, #tpu.memory_space<vmem_shared>> -> memref<10000x128xf32, #tpu.memory_space<vmem_shared>>
    tpu.wait_indirect_dma semaphore(%arg20 : memref<!tpu.dma_semaphore, #tpu.memory_space<semaphore_mem>>) src(%arg11 : memref<80x128xf32, #tpu.memory_space<vmem>>) dst(%dma_wait3A_233 : memref<10000x128xf32, #tpu.memory_space<vmem_shared>>)
    %dma_wait3A_234 = arith.constant 23 : i32
    %dma_wait3A_235 = arith.constant 0 : i32
    %dma_wait3A_236 = tpu.memref_slice %arg14[%dma_wait3A_234, %dma_wait3A_235] : memref<25x80xi32, #tpu.memory_space<vmem>> -> memref<1x80xi32, #tpu.memory_space<vmem>>
    %dma_wait3A_237 = tpu.memref_squeeze %dma_wait3A_236 : memref<1x80xi32, #tpu.memory_space<vmem>> -> memref<80xi32, #tpu.memory_space<vmem>>
    %dma_wait3A_238 = arith.constant 0 : i32
    %dma_wait3A_239 = arith.constant 0 : i32
    %dma_wait3A_240 = tpu.memref_slice %arg15[%dma_wait3A_238, %dma_wait3A_239] : memref<10000x128xf32, #tpu.memory_space<vmem_shared>> -> memref<10000x128xf32, #tpu.memory_space<vmem_shared>>
    tpu.wait_indirect_dma semaphore(%arg21 : memref<!tpu.dma_semaphore, #tpu.memory_space<semaphore_mem>>) src(%arg12 : memref<80x128xf32, #tpu.memory_space<vmem>>) dst(%dma_wait3A_240 : memref<10000x128xf32, #tpu.memory_space<vmem_shared>>)
    %dma_wait3A_241 = arith.constant 24 : i32
    %dma_wait3A_242 = arith.constant 0 : i32
    %dma_wait3A_243 = tpu.memref_slice %arg14[%dma_wait3A_241, %dma_wait3A_242] : memref<25x80xi32, #tpu.memory_space<vmem>> -> memref<1x80xi32, #tpu.memory_space<vmem>>
    %dma_wait3A_244 = tpu.memref_squeeze %dma_wait3A_243 : memref<1x80xi32, #tpu.memory_space<vmem>> -> memref<80xi32, #tpu.memory_space<vmem>>
    %dma_wait3A_245 = arith.constant 0 : i32
    %dma_wait3A_246 = arith.constant 0 : i32
    %dma_wait3A_247 = tpu.memref_slice %arg15[%dma_wait3A_245, %dma_wait3A_246] : memref<10000x128xf32, #tpu.memory_space<vmem_shared>> -> memref<10000x128xf32, #tpu.memory_space<vmem_shared>>
    tpu.wait_indirect_dma semaphore(%arg19 : memref<!tpu.dma_semaphore, #tpu.memory_space<semaphore_mem>>) src(%arg10 : memref<80x128xf32, #tpu.memory_space<vmem>>) dst(%dma_wait3A_247 : memref<10000x128xf32, #tpu.memory_space<vmem_shared>>)
    %scan3A_248 = arith.constant 0 : i32
    %scan3A_249 = arith.constant 0 : i32
    %scan3A_250 = arith.constant 25 : i32
    %scan3A_251 = arith.addi %scan3A_249, %scan3A_250 : i32
    %scan3A_252 = arith.constant 1 : i32
    scf.for %scan3A_274 = %scan3A_249 to %scan3A_251 step %scan3A_252  : i32 {
      %dma_wait3A_275 = arith.constant 0 : i32
      %dma_wait3A_276 = arith.constant 0 : i32
      %dma_wait3A_277 = tpu.memref_slice %arg14[%dma_wait3A_275, %dma_wait3A_276] : memref<25x80xi32, #tpu.memory_space<vmem>> -> memref<1x80xi32, #tpu.memory_space<vmem>>
      %dma_wait3A_278 = tpu.memref_squeeze %dma_wait3A_277 : memref<1x80xi32, #tpu.memory_space<vmem>> -> memref<80xi32, #tpu.memory_space<vmem>>
      %dma_wait3A_279 = arith.constant 0 : i32
      %dma_wait3A_280 = arith.constant 0 : i32
      %dma_wait3A_281 = tpu.memref_slice %arg22[%dma_wait3A_279, %dma_wait3A_280] : memref<10000x16xf32, #tpu.memory_space<vmem_shared>> -> memref<10000x16xf32, #tpu.memory_space<vmem_shared>>
      tpu.wait_indirect_dma semaphore(%arg25 : memref<!tpu.dma_semaphore, #tpu.memory_space<semaphore_mem>>) src(%arg23 : memref<80x16xf32, #tpu.memory_space<vmem>>) dst(%dma_wait3A_281 : memref<10000x16xf32, #tpu.memory_space<vmem_shared>>)
    }
    %scan3A_253 = arith.constant 25 : i32
    %barrier3A_254 = arith.constant 0 : index
    tpu.barrier barrier_id(%barrier3A_254)
    %mul3A_255 = arith.constant 10000 : i32
    %mul3A_256 = arith.muli %arg0, %mul3A_255 : i32
    %add3A_257 = arith.addi %mul3A_256, %mul3A_4 : i32
    "tpu.region"() ({
      %run_scoped3A = tpu.sem_alloc : memref<!tpu.dma_semaphore, #tpu.memory_space<semaphore_mem>>
      %dma_start3A_274 = arith.constant 0 : i32
      %dma_start3A_275 = tpu.memref_slice %arg8[%add3A_257, %dma_start3A_274] : memref<20000x128xf32, #tpu.memory_space<hbm>> -> memref<624x128xf32, #tpu.memory_space<hbm>>
      %dma_start3A_276 = arith.constant 0 : i32
      %dma_start3A_277 = tpu.memref_slice %arg15[%mul3A_4, %dma_start3A_276] : memref<10000x128xf32, #tpu.memory_space<vmem_shared>> -> memref<624x128xf32, #tpu.memory_space<vmem_shared>>
      tpu.enqueue_dma source(%dma_start3A_277 : memref<624x128xf32, #tpu.memory_space<vmem_shared>>) target(%dma_start3A_275 : memref<624x128xf32, #tpu.memory_space<hbm>>) target_semaphore(%run_scoped3A : memref<!tpu.dma_semaphore, #tpu.memory_space<semaphore_mem>>)
      %dma_wait3A_278 = arith.constant 0 : i32
      %dma_wait3A_279 = tpu.memref_slice %arg8[%add3A_257, %dma_wait3A_278] : memref<20000x128xf32, #tpu.memory_space<hbm>> -> memref<624x128xf32, #tpu.memory_space<hbm>>
      %dma_wait3A_280 = arith.constant 0 : i32
      %dma_wait3A_281 = tpu.memref_slice %arg15[%mul3A_4, %dma_wait3A_280] : memref<10000x128xf32, #tpu.memory_space<vmem_shared>> -> memref<624x128xf32, #tpu.memory_space<vmem_shared>>
      tpu.wait_dma2 semaphore(%run_scoped3A : memref<!tpu.dma_semaphore, #tpu.memory_space<semaphore_mem>>) src(%dma_wait3A_281 : memref<624x128xf32, #tpu.memory_space<vmem_shared>>) dst(%dma_wait3A_279 : memref<624x128xf32, #tpu.memory_space<hbm>>)
      tpu.yield
    }) : () -> ()
    %eq3A_258 = arith.constant 15 : i32
    %eq3A_259 = arith.cmpi eq, %arg1, %eq3A_258 : i32
    %convert_element_type3A_260 = arith.extui %eq3A_259 : i1 to i32
    %cond3A_261 = arith.constant 0 : i32
    %cond3A_262 = arith.cmpi ne, %convert_element_type3A_260, %cond3A_261 : i32
    scf.if %cond3A_262 {
      %mul3A_274 = arith.constant 10000 : i32
      %mul3A_275 = arith.muli %arg0, %mul3A_274 : i32
      %add3A_276 = arith.constant 9984 : i32
      %add3A_277 = arith.addi %mul3A_275, %add3A_276 : i32
      "tpu.region"() ({
        %run_scoped3A = tpu.sem_alloc : memref<!tpu.dma_semaphore, #tpu.memory_space<semaphore_mem>>
        %dma_start3A_278 = arith.constant 0 : i32
        %dma_start3A_279 = tpu.memref_slice %arg8[%add3A_277, %dma_start3A_278] : memref<20000x128xf32, #tpu.memory_space<hbm>> -> memref<16x128xf32, #tpu.memory_space<hbm>>
        %dma_start3A_280 = arith.constant 9984 : i32
        %dma_start3A_281 = arith.constant 0 : i32
        %dma_start3A_282 = tpu.memref_slice %arg15[%dma_start3A_280, %dma_start3A_281] : memref<10000x128xf32, #tpu.memory_space<vmem_shared>> -> memref<16x128xf32, #tpu.memory_space<vmem_shared>>
        tpu.enqueue_dma source(%dma_start3A_282 : memref<16x128xf32, #tpu.memory_space<vmem_shared>>) target(%dma_start3A_279 : memref<16x128xf32, #tpu.memory_space<hbm>>) target_semaphore(%run_scoped3A : memref<!tpu.dma_semaphore, #tpu.memory_space<semaphore_mem>>)
        %dma_wait3A_283 = arith.constant 0 : i32
        %dma_wait3A_284 = tpu.memref_slice %arg8[%add3A_277, %dma_wait3A_283] : memref<20000x128xf32, #tpu.memory_space<hbm>> -> memref<16x128xf32, #tpu.memory_space<hbm>>
        %dma_wait3A_285 = arith.constant 9984 : i32
        %dma_wait3A_286 = arith.constant 0 : i32
        %dma_wait3A_287 = tpu.memref_slice %arg15[%dma_wait3A_285, %dma_wait3A_286] : memref<10000x128xf32, #tpu.memory_space<vmem_shared>> -> memref<16x128xf32, #tpu.memory_space<vmem_shared>>
        tpu.wait_dma2 semaphore(%run_scoped3A : memref<!tpu.dma_semaphore, #tpu.memory_space<semaphore_mem>>) src(%dma_wait3A_287 : memref<16x128xf32, #tpu.memory_space<vmem_shared>>) dst(%dma_wait3A_284 : memref<16x128xf32, #tpu.memory_space<hbm>>)
        tpu.yield
      }) : () -> ()
    } else {
    }
    %scan3A_263 = arith.constant 0 : i32
    %scan3A_264 = arith.constant 0 : i32
    %scan3A_265 = arith.constant 13 : i32
    %scan3A_266 = arith.addi %scan3A_264, %scan3A_265 : i32
    %scan3A_267 = arith.constant 1 : i32
    scf.for %scan3A_274 = %scan3A_264 to %scan3A_266 step %scan3A_267  : i32 {
      %mul3A_275 = arith.constant 48 : i32
      %mul3A_276 = arith.muli %scan3A_274, %mul3A_275 : i32
      %add3A_277 = arith.addi %mul3A_4, %mul3A_276 : i32
      %mul3A_278 = arith.constant 10000 : i32
      %mul3A_279 = arith.muli %arg0, %mul3A_278 : i32
      %add3A_280 = arith.addi %mul3A_279, %mul3A_4 : i32
      %mul3A_281 = arith.constant 48 : i32
      %mul3A_282 = arith.muli %scan3A_274, %mul3A_281 : i32
      %add3A_283 = arith.addi %add3A_280, %mul3A_282 : i32
      "tpu.region"() ({
        %run_scoped3A = tpu.sem_alloc : memref<!tpu.dma_semaphore, #tpu.memory_space<semaphore_mem>>
        %dma_start3A_290 = arith.constant 0 : i32
        %dma_start3A_291 = arith.constant 0 : i32
        %dma_start3A_292 = tpu.memref_slice %arg24[%dma_start3A_290, %dma_start3A_291] : memref<48x16xf32, #tpu.memory_space<vmem>> -> memref<48x16xf32, #tpu.memory_space<vmem>>
        %dma_start3A_293 = arith.constant 0 : i32
        %dma_start3A_294 = tpu.memref_slice %arg22[%add3A_277, %dma_start3A_293] : memref<10000x16xf32, #tpu.memory_space<vmem_shared>> -> memref<48x16xf32, #tpu.memory_space<vmem_shared>>
        %dma_start3A_295 = arith.constant 0 : i32
        %dma_start3A_296 = arith.constant 0 : i32
        %dma_start3A_297 = tpu.memref_slice %arg24[%dma_start3A_295, %dma_start3A_296] : memref<48x16xf32, #tpu.memory_space<vmem>> -> memref<48x16xf32, #tpu.memory_space<vmem>>
        %dma_start3A_298 = arith.constant 0 : i32
        %dma_start3A_299 = tpu.memref_slice %arg22[%add3A_277, %dma_start3A_298] : memref<10000x16xf32, #tpu.memory_space<vmem_shared>> -> memref<48x16xf32, #tpu.memory_space<vmem_shared>>
        tpu.enqueue_dma source(%dma_start3A_299 : memref<48x16xf32, #tpu.memory_space<vmem_shared>>) target(%dma_start3A_297 : memref<48x16xf32, #tpu.memory_space<vmem>>) target_semaphore(%run_scoped3A : memref<!tpu.dma_semaphore, #tpu.memory_space<semaphore_mem>>)
        %dma_wait3A_300 = arith.constant 0 : i32
        %dma_wait3A_301 = arith.constant 0 : i32
        %dma_wait3A_302 = tpu.memref_slice %arg24[%dma_wait3A_300, %dma_wait3A_301] : memref<48x16xf32, #tpu.memory_space<vmem>> -> memref<48x16xf32, #tpu.memory_space<vmem>>
        %dma_wait3A_303 = arith.constant 0 : i32
        %dma_wait3A_304 = tpu.memref_slice %arg22[%add3A_277, %dma_wait3A_303] : memref<10000x16xf32, #tpu.memory_space<vmem_shared>> -> memref<48x16xf32, #tpu.memory_space<vmem_shared>>
        %dma_wait3A_305 = arith.constant 0 : i32
        %dma_wait3A_306 = arith.constant 0 : i32
        %dma_wait3A_307 = tpu.memref_slice %arg24[%dma_wait3A_305, %dma_wait3A_306] : memref<48x16xf32, #tpu.memory_space<vmem>> -> memref<48x16xf32, #tpu.memory_space<vmem>>
        %dma_wait3A_308 = arith.constant 0 : i32
        %dma_wait3A_309 = tpu.memref_slice %arg22[%add3A_277, %dma_wait3A_308] : memref<10000x16xf32, #tpu.memory_space<vmem_shared>> -> memref<48x16xf32, #tpu.memory_space<vmem_shared>>
        tpu.wait_dma2 semaphore(%run_scoped3A : memref<!tpu.dma_semaphore, #tpu.memory_space<semaphore_mem>>) src(%dma_wait3A_309 : memref<48x16xf32, #tpu.memory_space<vmem_shared>>) dst(%dma_wait3A_307 : memref<48x16xf32, #tpu.memory_space<vmem>>)
        tpu.yield
      }) : () -> ()
      %scan3A_284 = arith.constant 0 : i32
      %scan3A_285 = arith.constant 0 : i32
      %scan3A_286 = arith.constant 48 : i32
      %scan3A_287 = arith.addi %scan3A_285, %scan3A_286 : i32
      %scan3A_288 = arith.constant 1 : i32
      scf.for %scan3A_290 = %scan3A_285 to %scan3A_287 step %scan3A_288  : i32 {
        %get3A = arith.index_cast %scan3A_290 : i32 to index
        %get3A_291 = arith.constant 0 : index
        %get3A_292 = tpu.vector_load %arg24[%get3A, %get3A_291] {strides = array<i32>} : memref<48x16xf32, #tpu.memory_space<vmem>>, vector<1x16xf32>,
        %get3A_293 = vector.shape_cast %get3A_292 : vector<1x16xf32> to vector<16xf32>
        %swap3A = arith.index_cast %scan3A_290 : i32 to index
        %swap3A_294 = arith.constant 0 : index
        %swap3A_295 = tpu.vector_load %arg10[%swap3A, %swap3A_294] {strides = array<i32>} : memref<80x128xf32, #tpu.memory_space<vmem>>, vector<1x16xf32>,
        %swap3A_296 = vector.shape_cast %swap3A_295 : vector<1x16xf32> to vector<16xf32>
        %swap3A_297 = vector.shape_cast %get3A_293 : vector<16xf32> to vector<1x16xf32>
        tpu.vector_store %arg10[%swap3A, %swap3A_294], %swap3A_297 {strides = array<i32>} : memref<80x128xf32, #tpu.memory_space<vmem>>, vector<1x16xf32>,
        %swap3A_298 = arith.index_cast %scan3A_290 : i32 to index
        %swap3A_299 = arith.constant 16 : index
        %swap3A_300 = tpu.vector_load %arg10[%swap3A_298, %swap3A_299] {strides = array<i32>} : memref<80x128xf32, #tpu.memory_space<vmem>>, vector<1x16xf32>,
        %swap3A_301 = vector.shape_cast %swap3A_300 : vector<1x16xf32> to vector<16xf32>
        %swap3A_302 = vector.shape_cast %get3A_293 : vector<16xf32> to vector<1x16xf32>
        tpu.vector_store %arg10[%swap3A_298, %swap3A_299], %swap3A_302 {strides = array<i32>} : memref<80x128xf32, #tpu.memory_space<vmem>>, vector<1x16xf32>,
        %swap3A_303 = arith.index_cast %scan3A_290 : i32 to index
        %swap3A_304 = arith.constant 32 : index
        %swap3A_305 = tpu.vector_load %arg10[%swap3A_303, %swap3A_304] {strides = array<i32>} : memref<80x128xf32, #tpu.memory_space<vmem>>, vector<1x16xf32>,
        %swap3A_306 = vector.shape_cast %swap3A_305 : vector<1x16xf32> to vector<16xf32>
        %swap3A_307 = vector.shape_cast %get3A_293 : vector<16xf32> to vector<1x16xf32>
        tpu.vector_store %arg10[%swap3A_303, %swap3A_304], %swap3A_307 {strides = array<i32>} : memref<80x128xf32, #tpu.memory_space<vmem>>, vector<1x16xf32>,
        %swap3A_308 = arith.index_cast %scan3A_290 : i32 to index
        %swap3A_309 = arith.constant 48 : index
        %swap3A_310 = tpu.vector_load %arg10[%swap3A_308, %swap3A_309] {strides = array<i32>} : memref<80x128xf32, #tpu.memory_space<vmem>>, vector<1x16xf32>,
        %swap3A_311 = vector.shape_cast %swap3A_310 : vector<1x16xf32> to vector<16xf32>
        %swap3A_312 = vector.shape_cast %get3A_293 : vector<16xf32> to vector<1x16xf32>
        tpu.vector_store %arg10[%swap3A_308, %swap3A_309], %swap3A_312 {strides = array<i32>} : memref<80x128xf32, #tpu.memory_space<vmem>>, vector<1x16xf32>,
        %swap3A_313 = arith.index_cast %scan3A_290 : i32 to index
        %swap3A_314 = arith.constant 64 : index
        %swap3A_315 = tpu.vector_load %arg10[%swap3A_313, %swap3A_314] {strides = array<i32>} : memref<80x128xf32, #tpu.memory_space<vmem>>, vector<1x16xf32>,
        %swap3A_316 = vector.shape_cast %swap3A_315 : vector<1x16xf32> to vector<16xf32>
        %swap3A_317 = vector.shape_cast %get3A_293 : vector<16xf32> to vector<1x16xf32>
        tpu.vector_store %arg10[%swap3A_313, %swap3A_314], %swap3A_317 {strides = array<i32>} : memref<80x128xf32, #tpu.memory_space<vmem>>, vector<1x16xf32>,
        %swap3A_318 = arith.index_cast %scan3A_290 : i32 to index
        %swap3A_319 = arith.constant 80 : index
        %swap3A_320 = tpu.vector_load %arg10[%swap3A_318, %swap3A_319] {strides = array<i32>} : memref<80x128xf32, #tpu.memory_space<vmem>>, vector<1x16xf32>,
        %swap3A_321 = vector.shape_cast %swap3A_320 : vector<1x16xf32> to vector<16xf32>
        %swap3A_322 = vector.shape_cast %get3A_293 : vector<16xf32> to vector<1x16xf32>
        tpu.vector_store %arg10[%swap3A_318, %swap3A_319], %swap3A_322 {strides = array<i32>} : memref<80x128xf32, #tpu.memory_space<vmem>>, vector<1x16xf32>,
        %swap3A_323 = arith.index_cast %scan3A_290 : i32 to index
        %swap3A_324 = arith.constant 96 : index
        %swap3A_325 = tpu.vector_load %arg10[%swap3A_323, %swap3A_324] {strides = array<i32>} : memref<80x128xf32, #tpu.memory_space<vmem>>, vector<1x16xf32>,
        %swap3A_326 = vector.shape_cast %swap3A_325 : vector<1x16xf32> to vector<16xf32>
        %swap3A_327 = vector.shape_cast %get3A_293 : vector<16xf32> to vector<1x16xf32>
        tpu.vector_store %arg10[%swap3A_323, %swap3A_324], %swap3A_327 {strides = array<i32>} : memref<80x128xf32, #tpu.memory_space<vmem>>, vector<1x16xf32>,
        %swap3A_328 = arith.index_cast %scan3A_290 : i32 to index
        %swap3A_329 = arith.constant 112 : index
        %swap3A_330 = tpu.vector_load %arg10[%swap3A_328, %swap3A_329] {strides = array<i32>} : memref<80x128xf32, #tpu.memory_space<vmem>>, vector<1x16xf32>,
        %swap3A_331 = vector.shape_cast %swap3A_330 : vector<1x16xf32> to vector<16xf32>
        %swap3A_332 = vector.shape_cast %get3A_293 : vector<16xf32> to vector<1x16xf32>
        tpu.vector_store %arg10[%swap3A_328, %swap3A_329], %swap3A_332 {strides = array<i32>} : memref<80x128xf32, #tpu.memory_space<vmem>>, vector<1x16xf32>,
      }
      %scan3A_289 = arith.constant 48 : i32
      "tpu.region"() ({
        %run_scoped3A = tpu.sem_alloc : memref<!tpu.dma_semaphore, #tpu.memory_space<semaphore_mem>>
        %dma_start3A_290 = arith.constant 0 : i32
        %dma_start3A_291 = arith.constant 0 : i32
        %dma_start3A_292 = tpu.memref_slice %arg10[%dma_start3A_290, %dma_start3A_291] : memref<80x128xf32, #tpu.memory_space<vmem>> -> memref<48x128xf32, #tpu.memory_space<vmem>>
        %dma_start3A_293 = arith.constant 0 : i32
        %dma_start3A_294 = tpu.memref_slice %arg9[%add3A_283, %dma_start3A_293] : memref<20000x128xf32, #tpu.memory_space<hbm>> -> memref<48x128xf32, #tpu.memory_space<hbm>>
        %dma_start3A_295 = arith.constant 0 : i32
        %dma_start3A_296 = tpu.memref_slice %arg9[%add3A_283, %dma_start3A_295] : memref<20000x128xf32, #tpu.memory_space<hbm>> -> memref<48x128xf32, #tpu.memory_space<hbm>>
        %dma_start3A_297 = arith.constant 0 : i32
        %dma_start3A_298 = arith.constant 0 : i32
        %dma_start3A_299 = tpu.memref_slice %arg10[%dma_start3A_297, %dma_start3A_298] : memref<80x128xf32, #tpu.memory_space<vmem>> -> memref<48x128xf32, #tpu.memory_space<vmem>>
        tpu.enqueue_dma source(%dma_start3A_299 : memref<48x128xf32, #tpu.memory_space<vmem>>) target(%dma_start3A_296 : memref<48x128xf32, #tpu.memory_space<hbm>>) target_semaphore(%run_scoped3A : memref<!tpu.dma_semaphore, #tpu.memory_space<semaphore_mem>>)
        %dma_wait3A_300 = arith.constant 0 : i32
        %dma_wait3A_301 = arith.constant 0 : i32
        %dma_wait3A_302 = tpu.memref_slice %arg10[%dma_wait3A_300, %dma_wait3A_301] : memref<80x128xf32, #tpu.memory_space<vmem>> -> memref<48x128xf32, #tpu.memory_space<vmem>>
        %dma_wait3A_303 = arith.constant 0 : i32
        %dma_wait3A_304 = tpu.memref_slice %arg9[%add3A_283, %dma_wait3A_303] : memref<20000x128xf32, #tpu.memory_space<hbm>> -> memref<48x128xf32, #tpu.memory_space<hbm>>
        %dma_wait3A_305 = arith.constant 0 : i32
        %dma_wait3A_306 = tpu.memref_slice %arg9[%add3A_283, %dma_wait3A_305] : memref<20000x128xf32, #tpu.memory_space<hbm>> -> memref<48x128xf32, #tpu.memory_space<hbm>>
        %dma_wait3A_307 = arith.constant 0 : i32
        %dma_wait3A_308 = arith.constant 0 : i32
        %dma_wait3A_309 = tpu.memref_slice %arg10[%dma_wait3A_307, %dma_wait3A_308] : memref<80x128xf32, #tpu.memory_space<vmem>> -> memref<48x128xf32, #tpu.memory_space<vmem>>
        tpu.wait_dma2 semaphore(%run_scoped3A : memref<!tpu.dma_semaphore, #tpu.memory_space<semaphore_mem>>) src(%dma_wait3A_309 : memref<48x128xf32, #tpu.memory_space<vmem>>) dst(%dma_wait3A_306 : memref<48x128xf32, #tpu.memory_space<hbm>>)
        tpu.yield
      }) : () -> ()
    }
    %scan3A_268 = arith.constant 13 : i32
    %eq3A_269 = arith.constant 15 : i32
    %eq3A_270 = arith.cmpi eq, %arg1, %eq3A_269 : i32
    %convert_element_type3A_271 = arith.extui %eq3A_270 : i1 to i32
    %cond3A_272 = arith.constant 0 : i32
    %cond3A_273 = arith.cmpi ne, %convert_element_type3A_271, %cond3A_272 : i32
    scf.if %cond3A_273 {
      %mul3A_274 = arith.constant 10000 : i32
      %mul3A_275 = arith.muli %arg0, %mul3A_274 : i32
      %add3A_276 = arith.constant 9984 : i32
      %add3A_277 = arith.addi %mul3A_275, %add3A_276 : i32
      "tpu.region"() ({
        %run_scoped3A = tpu.sem_alloc : memref<!tpu.dma_semaphore, #tpu.memory_space<semaphore_mem>>
        %dma_start3A_284 = arith.constant 0 : i32
        %dma_start3A_285 = arith.constant 0 : i32
        %dma_start3A_286 = tpu.memref_slice %arg24[%dma_start3A_284, %dma_start3A_285] : memref<48x16xf32, #tpu.memory_space<vmem>> -> memref<16x16xf32, #tpu.memory_space<vmem>>
        %dma_start3A_287 = arith.constant 9984 : i32
        %dma_start3A_288 = arith.constant 0 : i32
        %dma_start3A_289 = tpu.memref_slice %arg22[%dma_start3A_287, %dma_start3A_288] : memref<10000x16xf32, #tpu.memory_space<vmem_shared>> -> memref<16x16xf32, #tpu.memory_space<vmem_shared>>
        %dma_start3A_290 = arith.constant 0 : i32
        %dma_start3A_291 = arith.constant 0 : i32
        %dma_start3A_292 = tpu.memref_slice %arg24[%dma_start3A_290, %dma_start3A_291] : memref<48x16xf32, #tpu.memory_space<vmem>> -> memref<16x16xf32, #tpu.memory_space<vmem>>
        %dma_start3A_293 = arith.constant 9984 : i32
        %dma_start3A_294 = arith.constant 0 : i32
        %dma_start3A_295 = tpu.memref_slice %arg22[%dma_start3A_293, %dma_start3A_294] : memref<10000x16xf32, #tpu.memory_space<vmem_shared>> -> memref<16x16xf32, #tpu.memory_space<vmem_shared>>
        tpu.enqueue_dma source(%dma_start3A_295 : memref<16x16xf32, #tpu.memory_space<vmem_shared>>) target(%dma_start3A_292 : memref<16x16xf32, #tpu.memory_space<vmem>>) target_semaphore(%run_scoped3A : memref<!tpu.dma_semaphore, #tpu.memory_space<semaphore_mem>>)
        %dma_wait3A_296 = arith.constant 0 : i32
        %dma_wait3A_297 = arith.constant 0 : i32
        %dma_wait3A_298 = tpu.memref_slice %arg24[%dma_wait3A_296, %dma_wait3A_297] : memref<48x16xf32, #tpu.memory_space<vmem>> -> memref<16x16xf32, #tpu.memory_space<vmem>>
        %dma_wait3A_299 = arith.constant 9984 : i32
        %dma_wait3A_300 = arith.constant 0 : i32
        %dma_wait3A_301 = tpu.memref_slice %arg22[%dma_wait3A_299, %dma_wait3A_300] : memref<10000x16xf32, #tpu.memory_space<vmem_shared>> -> memref<16x16xf32, #tpu.memory_space<vmem_shared>>
        %dma_wait3A_302 = arith.constant 0 : i32
        %dma_wait3A_303 = arith.constant 0 : i32
        %dma_wait3A_304 = tpu.memref_slice %arg24[%dma_wait3A_302, %dma_wait3A_303] : memref<48x16xf32, #tpu.memory_space<vmem>> -> memref<16x16xf32, #tpu.memory_space<vmem>>
        %dma_wait3A_305 = arith.constant 9984 : i32
        %dma_wait3A_306 = arith.constant 0 : i32
        %dma_wait3A_307 = tpu.memref_slice %arg22[%dma_wait3A_305, %dma_wait3A_306] : memref<10000x16xf32, #tpu.memory_space<vmem_shared>> -> memref<16x16xf32, #tpu.memory_space<vmem_shared>>
        tpu.wait_dma2 semaphore(%run_scoped3A : memref<!tpu.dma_semaphore, #tpu.memory_space<semaphore_mem>>) src(%dma_wait3A_307 : memref<16x16xf32, #tpu.memory_space<vmem_shared>>) dst(%dma_wait3A_304 : memref<16x16xf32, #tpu.memory_space<vmem>>)
        tpu.yield
      }) : () -> ()
      %scan3A_278 = arith.constant 0 : i32
      %scan3A_279 = arith.constant 0 : i32
      %scan3A_280 = arith.constant 16 : i32
      %scan3A_281 = arith.addi %scan3A_279, %scan3A_280 : i32
      %scan3A_282 = arith.constant 1 : i32
      scf.for %scan3A_284 = %scan3A_279 to %scan3A_281 step %scan3A_282  : i32 {
        %get3A = arith.index_cast %scan3A_284 : i32 to index
        %get3A_285 = arith.constant 0 : index
        %get3A_286 = tpu.vector_load %arg24[%get3A, %get3A_285] {strides = array<i32>} : memref<48x16xf32, #tpu.memory_space<vmem>>, vector<1x16xf32>,
        %get3A_287 = vector.shape_cast %get3A_286 : vector<1x16xf32> to vector<16xf32>
        %swap3A = arith.index_cast %scan3A_284 : i32 to index
        %swap3A_288 = arith.constant 0 : index
        %swap3A_289 = tpu.vector_load %arg10[%swap3A, %swap3A_288] {strides = array<i32>} : memref<80x128xf32, #tpu.memory_space<vmem>>, vector<1x16xf32>,
        %swap3A_290 = vector.shape_cast %swap3A_289 : vector<1x16xf32> to vector<16xf32>
        %swap3A_291 = vector.shape_cast %get3A_287 : vector<16xf32> to vector<1x16xf32>
        tpu.vector_store %arg10[%swap3A, %swap3A_288], %swap3A_291 {strides = array<i32>} : memref<80x128xf32, #tpu.memory_space<vmem>>, vector<1x16xf32>,
        %swap3A_292 = arith.index_cast %scan3A_284 : i32 to index
        %swap3A_293 = arith.constant 16 : index
        %swap3A_294 = tpu.vector_load %arg10[%swap3A_292, %swap3A_293] {strides = array<i32>} : memref<80x128xf32, #tpu.memory_space<vmem>>, vector<1x16xf32>,
        %swap3A_295 = vector.shape_cast %swap3A_294 : vector<1x16xf32> to vector<16xf32>
        %swap3A_296 = vector.shape_cast %get3A_287 : vector<16xf32> to vector<1x16xf32>
        tpu.vector_store %arg10[%swap3A_292, %swap3A_293], %swap3A_296 {strides = array<i32>} : memref<80x128xf32, #tpu.memory_space<vmem>>, vector<1x16xf32>,
        %swap3A_297 = arith.index_cast %scan3A_284 : i32 to index
        %swap3A_298 = arith.constant 32 : index
        %swap3A_299 = tpu.vector_load %arg10[%swap3A_297, %swap3A_298] {strides = array<i32>} : memref<80x128xf32, #tpu.memory_space<vmem>>, vector<1x16xf32>,
        %swap3A_300 = vector.shape_cast %swap3A_299 : vector<1x16xf32> to vector<16xf32>
        %swap3A_301 = vector.shape_cast %get3A_287 : vector<16xf32> to vector<1x16xf32>
        tpu.vector_store %arg10[%swap3A_297, %swap3A_298], %swap3A_301 {strides = array<i32>} : memref<80x128xf32, #tpu.memory_space<vmem>>, vector<1x16xf32>,
        %swap3A_302 = arith.index_cast %scan3A_284 : i32 to index
        %swap3A_303 = arith.constant 48 : index
        %swap3A_304 = tpu.vector_load %arg10[%swap3A_302, %swap3A_303] {strides = array<i32>} : memref<80x128xf32, #tpu.memory_space<vmem>>, vector<1x16xf32>,
        %swap3A_305 = vector.shape_cast %swap3A_304 : vector<1x16xf32> to vector<16xf32>
        %swap3A_306 = vector.shape_cast %get3A_287 : vector<16xf32> to vector<1x16xf32>
        tpu.vector_store %arg10[%swap3A_302, %swap3A_303], %swap3A_306 {strides = array<i32>} : memref<80x128xf32, #tpu.memory_space<vmem>>, vector<1x16xf32>,
        %swap3A_307 = arith.index_cast %scan3A_284 : i32 to index
        %swap3A_308 = arith.constant 64 : index
        %swap3A_309 = tpu.vector_load %arg10[%swap3A_307, %swap3A_308] {strides = array<i32>} : memref<80x128xf32, #tpu.memory_space<vmem>>, vector<1x16xf32>,
        %swap3A_310 = vector.shape_cast %swap3A_309 : vector<1x16xf32> to vector<16xf32>
        %swap3A_311 = vector.shape_cast %get3A_287 : vector<16xf32> to vector<1x16xf32>
        tpu.vector_store %arg10[%swap3A_307, %swap3A_308], %swap3A_311 {strides = array<i32>} : memref<80x128xf32, #tpu.memory_space<vmem>>, vector<1x16xf32>,
        %swap3A_312 = arith.index_cast %scan3A_284 : i32 to index
        %swap3A_313 = arith.constant 80 : index
        %swap3A_314 = tpu.vector_load %arg10[%swap3A_312, %swap3A_313] {strides = array<i32>} : memref<80x128xf32, #tpu.memory_space<vmem>>, vector<1x16xf32>,
        %swap3A_315 = vector.shape_cast %swap3A_314 : vector<1x16xf32> to vector<16xf32>
        %swap3A_316 = vector.shape_cast %get3A_287 : vector<16xf32> to vector<1x16xf32>
        tpu.vector_store %arg10[%swap3A_312, %swap3A_313], %swap3A_316 {strides = array<i32>} : memref<80x128xf32, #tpu.memory_space<vmem>>, vector<1x16xf32>,
        %swap3A_317 = arith.index_cast %scan3A_284 : i32 to index
        %swap3A_318 = arith.constant 96 : index
        %swap3A_319 = tpu.vector_load %arg10[%swap3A_317, %swap3A_318] {strides = array<i32>} : memref<80x128xf32, #tpu.memory_space<vmem>>, vector<1x16xf32>,
        %swap3A_320 = vector.shape_cast %swap3A_319 : vector<1x16xf32> to vector<16xf32>
        %swap3A_321 = vector.shape_cast %get3A_287 : vector<16xf32> to vector<1x16xf32>
        tpu.vector_store %arg10[%swap3A_317, %swap3A_318], %swap3A_321 {strides = array<i32>} : memref<80x128xf32, #tpu.memory_space<vmem>>, vector<1x16xf32>,
        %swap3A_322 = arith.index_cast %scan3A_284 : i32 to index
        %swap3A_323 = arith.constant 112 : index
        %swap3A_324 = tpu.vector_load %arg10[%swap3A_322, %swap3A_323] {strides = array<i32>} : memref<80x128xf32, #tpu.memory_space<vmem>>, vector<1x16xf32>,
        %swap3A_325 = vector.shape_cast %swap3A_324 : vector<1x16xf32> to vector<16xf32>
        %swap3A_326 = vector.shape_cast %get3A_287 : vector<16xf32> to vector<1x16xf32>
        tpu.vector_store %arg10[%swap3A_322, %swap3A_323], %swap3A_326 {strides = array<i32>} : memref<80x128xf32, #tpu.memory_space<vmem>>, vector<1x16xf32>,
      }
      %scan3A_283 = arith.constant 16 : i32
      "tpu.region"() ({
        %run_scoped3A = tpu.sem_alloc : memref<!tpu.dma_semaphore, #tpu.memory_space<semaphore_mem>>
        %dma_start3A_284 = arith.constant 0 : i32
        %dma_start3A_285 = arith.constant 0 : i32
        %dma_start3A_286 = tpu.memref_slice %arg10[%dma_start3A_284, %dma_start3A_285] : memref<80x128xf32, #tpu.memory_space<vmem>> -> memref<16x128xf32, #tpu.memory_space<vmem>>
        %dma_start3A_287 = arith.constant 0 : i32
        %dma_start3A_288 = tpu.memref_slice %arg9[%add3A_277, %dma_start3A_287] : memref<20000x128xf32, #tpu.memory_space<hbm>> -> memref<16x128xf32, #tpu.memory_space<hbm>>
        %dma_start3A_289 = arith.constant 0 : i32
        %dma_start3A_290 = tpu.memref_slice %arg9[%add3A_277, %dma_start3A_289] : memref<20000x128xf32, #tpu.memory_space<hbm>> -> memref<16x128xf32, #tpu.memory_space<hbm>>
        %dma_start3A_291 = arith.constant 0 : i32
        %dma_start3A_292 = arith.constant 0 : i32
        %dma_start3A_293 = tpu.memref_slice %arg10[%dma_start3A_291, %dma_start3A_292] : memref<80x128xf32, #tpu.memory_space<vmem>> -> memref<16x128xf32, #tpu.memory_space<vmem>>
        tpu.enqueue_dma source(%dma_start3A_293 : memref<16x128xf32, #tpu.memory_space<vmem>>) target(%dma_start3A_290 : memref<16x128xf32, #tpu.memory_space<hbm>>) target_semaphore(%run_scoped3A : memref<!tpu.dma_semaphore, #tpu.memory_space<semaphore_mem>>)
        %dma_wait3A_294 = arith.constant 0 : i32
        %dma_wait3A_295 = arith.constant 0 : i32
        %dma_wait3A_296 = tpu.memref_slice %arg10[%dma_wait3A_294, %dma_wait3A_295] : memref<80x128xf32, #tpu.memory_space<vmem>> -> memref<16x128xf32, #tpu.memory_space<vmem>>
        %dma_wait3A_297 = arith.constant 0 : i32
        %dma_wait3A_298 = tpu.memref_slice %arg9[%add3A_277, %dma_wait3A_297] : memref<20000x128xf32, #tpu.memory_space<hbm>> -> memref<16x128xf32, #tpu.memory_space<hbm>>
        %dma_wait3A_299 = arith.constant 0 : i32
        %dma_wait3A_300 = tpu.memref_slice %arg9[%add3A_277, %dma_wait3A_299] : memref<20000x128xf32, #tpu.memory_space<hbm>> -> memref<16x128xf32, #tpu.memory_space<hbm>>
        %dma_wait3A_301 = arith.constant 0 : i32
        %dma_wait3A_302 = arith.constant 0 : i32
        %dma_wait3A_303 = tpu.memref_slice %arg10[%dma_wait3A_301, %dma_wait3A_302] : memref<80x128xf32, #tpu.memory_space<vmem>> -> memref<16x128xf32, #tpu.memory_space<vmem>>
        tpu.wait_dma2 semaphore(%run_scoped3A : memref<!tpu.dma_semaphore, #tpu.memory_space<semaphore_mem>>) src(%dma_wait3A_303 : memref<16x128xf32, #tpu.memory_space<vmem>>) dst(%dma_wait3A_300 : memref<16x128xf32, #tpu.memory_space<hbm>>)
        tpu.yield
      }) : () -> ()
    } else {
    }
    return
  }
}

#map = affine_map<(d0, d1) -> (0, 0)>
module attributes {stable_mosaic.version = 14 : i64} {
  func.func @sc_agg(%arg0: i32, %arg1: i32, %arg2: memref<10000x128xf32, #tpu.memory_space<hbm>>, %arg3: memref<4000x80xi32, #tpu.memory_space<hbm>>, %arg4: memref<4000x80xi32, #tpu.memory_space<hbm>>, %arg5: memref<624x128xf32, #tpu.memory_space<hbm>>, %arg6: memref<20000x128xf32, #tpu.memory_space<hbm>>, %arg7: memref<80x128xf32, #tpu.memory_space<vmem>>, %arg8: memref<80x128xf32, #tpu.memory_space<vmem>>, %arg9: memref<80x128xf32, #tpu.memory_space<vmem>>, %arg10: memref<125x80xi32, #tpu.memory_space<vmem>>, %arg11: memref<125x80xi32, #tpu.memory_space<vmem>>, %arg12: memref<10000x128xf32, #tpu.memory_space<vmem_shared>>, %arg13: memref<!tpu.dma_semaphore, #tpu.memory_space<semaphore_mem>>, %arg14: memref<!tpu.dma_semaphore, #tpu.memory_space<semaphore_mem>>, %arg15: memref<!tpu.dma_semaphore, #tpu.memory_space<semaphore_mem>>, %arg16: memref<!tpu.dma_semaphore, #tpu.memory_space<semaphore_mem>>, %arg17: memref<!tpu.dma_semaphore, #tpu.memory_space<semaphore_mem>>, %arg18: memref<!tpu.dma_semaphore, #tpu.memory_space<semaphore_mem>>) attributes {dimension_semantics = [#tpu.dimension_semantics<core_parallel>, #tpu.dimension_semantics<subcore_parallel>], iteration_bounds = array<i64: 2, 16>, scalar_prefetch = 0 : i64, scratch_operands = 12 : i64, tpu.core_type = #tpu.core_type<sc_vector_subcore>, window_params = [{transform_indices = #map}, {transform_indices = #map}, {transform_indices = #map}, {transform_indices = #map}, {transform_indices = #map}]} {
    %mul3A = arith.constant 2 : i32
    %mul3A_0 = arith.muli %arg1, %mul3A : i32
    %add3A = arith.addi %mul3A_0, %arg0 : i32
    %mul3A_1 = arith.constant 125 : i32
    %mul3A_2 = arith.muli %add3A, %mul3A_1 : i32
    %mul3A_3 = arith.constant 624 : i32
    %mul3A_4 = arith.muli %arg1, %mul3A_3 : i32
    "tpu.region"() ({
      %run_scoped3A = tpu.sem_alloc : memref<!tpu.dma_semaphore, #tpu.memory_space<semaphore_mem>>
      %dma_start3A_56 = arith.constant 0 : i32
      %dma_start3A_57 = tpu.memref_slice %arg12[%mul3A_4, %dma_start3A_56] : memref<10000x128xf32, #tpu.memory_space<vmem_shared>> -> memref<624x128xf32, #tpu.memory_space<vmem_shared>>
      %dma_start3A_58 = arith.constant 0 : i32
      %dma_start3A_59 = arith.constant 0 : i32
      %dma_start3A_60 = tpu.memref_slice %arg5[%dma_start3A_58, %dma_start3A_59] : memref<624x128xf32, #tpu.memory_space<hbm>> -> memref<624x128xf32, #tpu.memory_space<hbm>>
      tpu.enqueue_dma source(%dma_start3A_60 : memref<624x128xf32, #tpu.memory_space<hbm>>) target(%dma_start3A_57 : memref<624x128xf32, #tpu.memory_space<vmem_shared>>) target_semaphore(%run_scoped3A : memref<!tpu.dma_semaphore, #tpu.memory_space<semaphore_mem>>)
      %dma_wait3A_61 = arith.constant 0 : i32
      %dma_wait3A_62 = tpu.memref_slice %arg12[%mul3A_4, %dma_wait3A_61] : memref<10000x128xf32, #tpu.memory_space<vmem_shared>> -> memref<624x128xf32, #tpu.memory_space<vmem_shared>>
      %dma_wait3A_63 = arith.constant 0 : i32
      %dma_wait3A_64 = arith.constant 0 : i32
      %dma_wait3A_65 = tpu.memref_slice %arg5[%dma_wait3A_63, %dma_wait3A_64] : memref<624x128xf32, #tpu.memory_space<hbm>> -> memref<624x128xf32, #tpu.memory_space<hbm>>
      tpu.wait_dma2 semaphore(%run_scoped3A : memref<!tpu.dma_semaphore, #tpu.memory_space<semaphore_mem>>) src(%dma_wait3A_65 : memref<624x128xf32, #tpu.memory_space<hbm>>) dst(%dma_wait3A_62 : memref<624x128xf32, #tpu.memory_space<vmem_shared>>)
      tpu.yield
    }) : () -> ()
    %eq3A = arith.constant 15 : i32
    %eq3A_5 = arith.cmpi eq, %arg1, %eq3A : i32
    %convert_element_type3A = arith.extui %eq3A_5 : i1 to i32
    %cond3A = arith.constant 0 : i32
    %cond3A_6 = arith.cmpi ne, %convert_element_type3A, %cond3A : i32
    scf.if %cond3A_6 {
      "tpu.region"() ({
        %run_scoped3A = tpu.sem_alloc : memref<!tpu.dma_semaphore, #tpu.memory_space<semaphore_mem>>
        %dma_start3A_56 = arith.constant 9984 : i32
        %dma_start3A_57 = arith.constant 0 : i32
        %dma_start3A_58 = tpu.memref_slice %arg12[%dma_start3A_56, %dma_start3A_57] : memref<10000x128xf32, #tpu.memory_space<vmem_shared>> -> memref<16x128xf32, #tpu.memory_space<vmem_shared>>
        %dma_start3A_59 = arith.constant 0 : i32
        %dma_start3A_60 = arith.constant 0 : i32
        %dma_start3A_61 = tpu.memref_slice %arg5[%dma_start3A_59, %dma_start3A_60] : memref<624x128xf32, #tpu.memory_space<hbm>> -> memref<16x128xf32, #tpu.memory_space<hbm>>
        tpu.enqueue_dma source(%dma_start3A_61 : memref<16x128xf32, #tpu.memory_space<hbm>>) target(%dma_start3A_58 : memref<16x128xf32, #tpu.memory_space<vmem_shared>>) target_semaphore(%run_scoped3A : memref<!tpu.dma_semaphore, #tpu.memory_space<semaphore_mem>>)
        %dma_wait3A_62 = arith.constant 9984 : i32
        %dma_wait3A_63 = arith.constant 0 : i32
        %dma_wait3A_64 = tpu.memref_slice %arg12[%dma_wait3A_62, %dma_wait3A_63] : memref<10000x128xf32, #tpu.memory_space<vmem_shared>> -> memref<16x128xf32, #tpu.memory_space<vmem_shared>>
        %dma_wait3A_65 = arith.constant 0 : i32
        %dma_wait3A_66 = arith.constant 0 : i32
        %dma_wait3A_67 = tpu.memref_slice %arg5[%dma_wait3A_65, %dma_wait3A_66] : memref<624x128xf32, #tpu.memory_space<hbm>> -> memref<16x128xf32, #tpu.memory_space<hbm>>
        tpu.wait_dma2 semaphore(%run_scoped3A : memref<!tpu.dma_semaphore, #tpu.memory_space<semaphore_mem>>) src(%dma_wait3A_67 : memref<16x128xf32, #tpu.memory_space<hbm>>) dst(%dma_wait3A_64 : memref<16x128xf32, #tpu.memory_space<vmem_shared>>)
        tpu.yield
      }) : () -> ()
    } else {
    }
    %barrier3A = arith.constant 0 : index
    tpu.barrier barrier_id(%barrier3A)
    %add3A_7 = arith.constant 0 : i32
    %add3A_8 = arith.addi %mul3A_2, %add3A_7 : i32
    "tpu.region"() ({
      %run_scoped3A = tpu.sem_alloc : memref<!tpu.dma_semaphore, #tpu.memory_space<semaphore_mem>>
      %dma_start3A_56 = arith.constant 0 : i32
      %dma_start3A_57 = tpu.memref_slice %arg3[%add3A_8, %dma_start3A_56] : memref<4000x80xi32, #tpu.memory_space<hbm>> -> memref<125x80xi32, #tpu.memory_space<hbm>>
      %dma_start3A_58 = arith.constant 0 : i32
      %dma_start3A_59 = tpu.memref_slice %arg3[%add3A_8, %dma_start3A_58] : memref<4000x80xi32, #tpu.memory_space<hbm>> -> memref<125x80xi32, #tpu.memory_space<hbm>>
      tpu.enqueue_dma source(%dma_start3A_59 : memref<125x80xi32, #tpu.memory_space<hbm>>) target(%arg10 : memref<125x80xi32, #tpu.memory_space<vmem>>) target_semaphore(%run_scoped3A : memref<!tpu.dma_semaphore, #tpu.memory_space<semaphore_mem>>)
      %dma_wait3A_60 = arith.constant 0 : i32
      %dma_wait3A_61 = tpu.memref_slice %arg3[%add3A_8, %dma_wait3A_60] : memref<4000x80xi32, #tpu.memory_space<hbm>> -> memref<125x80xi32, #tpu.memory_space<hbm>>
      %dma_wait3A_62 = arith.constant 0 : i32
      %dma_wait3A_63 = tpu.memref_slice %arg3[%add3A_8, %dma_wait3A_62] : memref<4000x80xi32, #tpu.memory_space<hbm>> -> memref<125x80xi32, #tpu.memory_space<hbm>>
      tpu.wait_dma2 semaphore(%run_scoped3A : memref<!tpu.dma_semaphore, #tpu.memory_space<semaphore_mem>>) src(%dma_wait3A_63 : memref<125x80xi32, #tpu.memory_space<hbm>>) dst(%arg10 : memref<125x80xi32, #tpu.memory_space<vmem>>)
      tpu.yield
    }) : () -> ()
    "tpu.region"() ({
      %run_scoped3A = tpu.sem_alloc : memref<!tpu.dma_semaphore, #tpu.memory_space<semaphore_mem>>
      %dma_start3A_56 = arith.constant 0 : i32
      %dma_start3A_57 = tpu.memref_slice %arg4[%add3A_8, %dma_start3A_56] : memref<4000x80xi32, #tpu.memory_space<hbm>> -> memref<125x80xi32, #tpu.memory_space<hbm>>
      %dma_start3A_58 = arith.constant 0 : i32
      %dma_start3A_59 = tpu.memref_slice %arg4[%add3A_8, %dma_start3A_58] : memref<4000x80xi32, #tpu.memory_space<hbm>> -> memref<125x80xi32, #tpu.memory_space<hbm>>
      tpu.enqueue_dma source(%dma_start3A_59 : memref<125x80xi32, #tpu.memory_space<hbm>>) target(%arg11 : memref<125x80xi32, #tpu.memory_space<vmem>>) target_semaphore(%run_scoped3A : memref<!tpu.dma_semaphore, #tpu.memory_space<semaphore_mem>>)
      %dma_wait3A_60 = arith.constant 0 : i32
      %dma_wait3A_61 = tpu.memref_slice %arg4[%add3A_8, %dma_wait3A_60] : memref<4000x80xi32, #tpu.memory_space<hbm>> -> memref<125x80xi32, #tpu.memory_space<hbm>>
      %dma_wait3A_62 = arith.constant 0 : i32
      %dma_wait3A_63 = tpu.memref_slice %arg4[%add3A_8, %dma_wait3A_62] : memref<4000x80xi32, #tpu.memory_space<hbm>> -> memref<125x80xi32, #tpu.memory_space<hbm>>
      tpu.wait_dma2 semaphore(%run_scoped3A : memref<!tpu.dma_semaphore, #tpu.memory_space<semaphore_mem>>) src(%dma_wait3A_63 : memref<125x80xi32, #tpu.memory_space<hbm>>) dst(%arg11 : memref<125x80xi32, #tpu.memory_space<vmem>>)
      tpu.yield
    }) : () -> ()
    %dma_start3A = arith.constant 0 : i32
    %dma_start3A_9 = arith.constant 0 : i32
    %dma_start3A_10 = tpu.memref_slice %arg10[%dma_start3A, %dma_start3A_9] : memref<125x80xi32, #tpu.memory_space<vmem>> -> memref<1x80xi32, #tpu.memory_space<vmem>>
    %dma_start3A_11 = tpu.memref_squeeze %dma_start3A_10 : memref<1x80xi32, #tpu.memory_space<vmem>> -> memref<80xi32, #tpu.memory_space<vmem>>
    %dma_start3A_12 = arith.constant 0 : i32
    %dma_start3A_13 = arith.constant 0 : i32
    %dma_start3A_14 = tpu.memref_slice %arg2[%dma_start3A_12, %dma_start3A_13] : memref<10000x128xf32, #tpu.memory_space<hbm>> -> memref<10000x128xf32, #tpu.memory_space<hbm>>
    tpu.enqueue_indirect_dma source(%dma_start3A_14 : memref<10000x128xf32, #tpu.memory_space<hbm>>) target(%arg7 : memref<80x128xf32, #tpu.memory_space<vmem>>) offsets(%dma_start3A_11 : memref<80xi32, #tpu.memory_space<vmem>>) semaphore(%arg13 : memref<!tpu.dma_semaphore, #tpu.memory_space<semaphore_mem>>)
    %dma_start3A_15 = arith.constant 1 : i32
    %dma_start3A_16 = arith.constant 0 : i32
    %dma_start3A_17 = tpu.memref_slice %arg10[%dma_start3A_15, %dma_start3A_16] : memref<125x80xi32, #tpu.memory_space<vmem>> -> memref<1x80xi32, #tpu.memory_space<vmem>>
    %dma_start3A_18 = tpu.memref_squeeze %dma_start3A_17 : memref<1x80xi32, #tpu.memory_space<vmem>> -> memref<80xi32, #tpu.memory_space<vmem>>
    %dma_start3A_19 = arith.constant 0 : i32
    %dma_start3A_20 = arith.constant 0 : i32
    %dma_start3A_21 = tpu.memref_slice %arg2[%dma_start3A_19, %dma_start3A_20] : memref<10000x128xf32, #tpu.memory_space<hbm>> -> memref<10000x128xf32, #tpu.memory_space<hbm>>
    tpu.enqueue_indirect_dma source(%dma_start3A_21 : memref<10000x128xf32, #tpu.memory_space<hbm>>) target(%arg8 : memref<80x128xf32, #tpu.memory_space<vmem>>) offsets(%dma_start3A_18 : memref<80xi32, #tpu.memory_space<vmem>>) semaphore(%arg14 : memref<!tpu.dma_semaphore, #tpu.memory_space<semaphore_mem>>)
    %scan3A = arith.constant 0 : i32
    %scan3A_22 = arith.constant 0 : i32
    %scan3A_23 = arith.constant 125 : i32
    %scan3A_24 = arith.addi %scan3A_22, %scan3A_23 : i32
    %scan3A_25 = arith.constant 1 : i32
    scf.for %scan3A_56 = %scan3A_22 to %scan3A_24 step %scan3A_25  : i32 {
      %jit3A = arith.constant 3 : i32
      %eq3A_57 = arith.constant 0 : i32
      %eq3A_58 = arith.cmpi eq, %jit3A, %eq3A_57 : i32
      %jit3A_59 = arith.constant 1 : i32
      %select_n3A = arith.select %eq3A_58, %jit3A_59, %jit3A : i32
      %rem3A = arith.remsi %scan3A_56, %select_n3A : i32
      %ne3A = arith.constant 0 : i32
      %ne3A_60 = arith.cmpi ne, %rem3A, %ne3A : i32
      %lt3A = arith.constant 0 : i32
      %lt3A_61 = arith.cmpi slt, %rem3A, %lt3A : i32
      %lt3A_62 = arith.constant 0 : i32
      %lt3A_63 = arith.cmpi slt, %select_n3A, %lt3A_62 : i32
      %ne3A_64 = arith.xori %lt3A_61, %lt3A_63 : i1
      %and3A = arith.andi %ne3A_64, %ne3A_60 : i1
      %add3A_65 = arith.addi %rem3A, %select_n3A : i32
      %select_n3A_66 = arith.select %and3A, %add3A_65, %rem3A : i32
      %eq3A_67 = arith.constant 0 : i32
      %eq3A_68 = arith.cmpi eq, %select_n3A_66, %eq3A_67 : i32
      %convert_element_type3A_69 = arith.extui %eq3A_68 : i1 to i32
      %cond3A_70 = arith.constant 0 : i32
      %cond3A_71 = arith.cmpi ne, %convert_element_type3A_69, %cond3A_70 : i32
      scf.if %cond3A_71 {
        %add3A_114 = arith.constant 3 : i32
        %add3A_115 = arith.addi %scan3A_56, %add3A_114 : i32
        %sub3A = arith.constant 1 : i32
        %sub3A_116 = arith.subi %add3A_115, %sub3A : i32
        %lt3A_117 = arith.constant 125 : i32
        %lt3A_118 = arith.cmpi slt, %sub3A_116, %lt3A_117 : i32
        %convert_element_type3A_119 = arith.extui %lt3A_118 : i1 to i32
        %cond3A_120 = arith.constant 0 : i32
        %cond3A_121 = arith.cmpi ne, %convert_element_type3A_119, %cond3A_120 : i32
        scf.if %cond3A_121 {
          %ge3A = arith.constant 1 : i32
          %ge3A_134 = arith.cmpi sge, %scan3A_56, %ge3A : i32
          %convert_element_type3A_135 = arith.extui %ge3A_134 : i1 to i32
          %cond3A_136 = arith.constant 0 : i32
          %cond3A_137 = arith.cmpi ne, %convert_element_type3A_135, %cond3A_136 : i32
          scf.if %cond3A_137 {
            %sub3A_148 = arith.constant 1 : i32
            %sub3A_149 = arith.subi %scan3A_56, %sub3A_148 : i32
            %dma_wait3A_150 = arith.constant 0 : i32
            %dma_wait3A_151 = tpu.memref_slice %arg11[%sub3A_149, %dma_wait3A_150] : memref<125x80xi32, #tpu.memory_space<vmem>> -> memref<1x80xi32, #tpu.memory_space<vmem>>
            %dma_wait3A_152 = tpu.memref_squeeze %dma_wait3A_151 : memref<1x80xi32, #tpu.memory_space<vmem>> -> memref<80xi32, #tpu.memory_space<vmem>>
            %dma_wait3A_153 = arith.constant 0 : i32
            %dma_wait3A_154 = arith.constant 0 : i32
            %dma_wait3A_155 = tpu.memref_slice %arg12[%dma_wait3A_153, %dma_wait3A_154] : memref<10000x128xf32, #tpu.memory_space<vmem_shared>> -> memref<10000x128xf32, #tpu.memory_space<vmem_shared>>
            tpu.wait_indirect_dma semaphore(%arg18 : memref<!tpu.dma_semaphore, #tpu.memory_space<semaphore_mem>>) src(%arg9 : memref<80x128xf32, #tpu.memory_space<vmem>>) dst(%dma_wait3A_155 : memref<10000x128xf32, #tpu.memory_space<vmem_shared>>)
          } else {
          }
          %add3A_138 = arith.constant 3 : i32
          %add3A_139 = arith.addi %scan3A_56, %add3A_138 : i32
          %sub3A_140 = arith.constant 1 : i32
          %sub3A_141 = arith.subi %add3A_139, %sub3A_140 : i32
          %dma_start3A_142 = arith.constant 0 : i32
          %dma_start3A_143 = tpu.memref_slice %arg10[%sub3A_141, %dma_start3A_142] : memref<125x80xi32, #tpu.memory_space<vmem>> -> memref<1x80xi32, #tpu.memory_space<vmem>>
          %dma_start3A_144 = tpu.memref_squeeze %dma_start3A_143 : memref<1x80xi32, #tpu.memory_space<vmem>> -> memref<80xi32, #tpu.memory_space<vmem>>
          %dma_start3A_145 = arith.constant 0 : i32
          %dma_start3A_146 = arith.constant 0 : i32
          %dma_start3A_147 = tpu.memref_slice %arg2[%dma_start3A_145, %dma_start3A_146] : memref<10000x128xf32, #tpu.memory_space<hbm>> -> memref<10000x128xf32, #tpu.memory_space<hbm>>
          tpu.enqueue_indirect_dma source(%dma_start3A_147 : memref<10000x128xf32, #tpu.memory_space<hbm>>) target(%arg9 : memref<80x128xf32, #tpu.memory_space<vmem>>) offsets(%dma_start3A_144 : memref<80xi32, #tpu.memory_space<vmem>>) semaphore(%arg15 : memref<!tpu.dma_semaphore, #tpu.memory_space<semaphore_mem>>)
        } else {
        }
        %dma_wait3A_122 = arith.constant 0 : i32
        %dma_wait3A_123 = tpu.memref_slice %arg10[%scan3A_56, %dma_wait3A_122] : memref<125x80xi32, #tpu.memory_space<vmem>> -> memref<1x80xi32, #tpu.memory_space<vmem>>
        %dma_wait3A_124 = tpu.memref_squeeze %dma_wait3A_123 : memref<1x80xi32, #tpu.memory_space<vmem>> -> memref<80xi32, #tpu.memory_space<vmem>>
        %dma_wait3A_125 = arith.constant 0 : i32
        %dma_wait3A_126 = arith.constant 0 : i32
        %dma_wait3A_127 = tpu.memref_slice %arg2[%dma_wait3A_125, %dma_wait3A_126] : memref<10000x128xf32, #tpu.memory_space<hbm>> -> memref<10000x128xf32, #tpu.memory_space<hbm>>
        tpu.wait_indirect_dma semaphore(%arg13 : memref<!tpu.dma_semaphore, #tpu.memory_space<semaphore_mem>>) src(%dma_wait3A_127 : memref<10000x128xf32, #tpu.memory_space<hbm>>) dst(%arg7 : memref<80x128xf32, #tpu.memory_space<vmem>>)
        %dma_start3A_128 = arith.constant 0 : i32
        %dma_start3A_129 = tpu.memref_slice %arg11[%scan3A_56, %dma_start3A_128] : memref<125x80xi32, #tpu.memory_space<vmem>> -> memref<1x80xi32, #tpu.memory_space<vmem>>
        %dma_start3A_130 = tpu.memref_squeeze %dma_start3A_129 : memref<1x80xi32, #tpu.memory_space<vmem>> -> memref<80xi32, #tpu.memory_space<vmem>>
        %dma_start3A_131 = arith.constant 0 : i32
        %dma_start3A_132 = arith.constant 0 : i32
        %dma_start3A_133 = tpu.memref_slice %arg12[%dma_start3A_131, %dma_start3A_132] : memref<10000x128xf32, #tpu.memory_space<vmem_shared>> -> memref<10000x128xf32, #tpu.memory_space<vmem_shared>>
        tpu.enqueue_indirect_dma source(%arg7 : memref<80x128xf32, #tpu.memory_space<vmem>>) target(%dma_start3A_133 : memref<10000x128xf32, #tpu.memory_space<vmem_shared>>) offsets(%dma_start3A_130 : memref<80xi32, #tpu.memory_space<vmem>>) semaphore(%arg16 : memref<!tpu.dma_semaphore, #tpu.memory_space<semaphore_mem>>) {add = true}
      } else {
      }
      %jit3A_72 = arith.constant 3 : i32
      %eq3A_73 = arith.constant 0 : i32
      %eq3A_74 = arith.cmpi eq, %jit3A_72, %eq3A_73 : i32
      %jit3A_75 = arith.constant 1 : i32
      %select_n3A_76 = arith.select %eq3A_74, %jit3A_75, %jit3A_72 : i32
      %rem3A_77 = arith.remsi %scan3A_56, %select_n3A_76 : i32
      %ne3A_78 = arith.constant 0 : i32
      %ne3A_79 = arith.cmpi ne, %rem3A_77, %ne3A_78 : i32
      %lt3A_80 = arith.constant 0 : i32
      %lt3A_81 = arith.cmpi slt, %rem3A_77, %lt3A_80 : i32
      %lt3A_82 = arith.constant 0 : i32
      %lt3A_83 = arith.cmpi slt, %select_n3A_76, %lt3A_82 : i32
      %ne3A_84 = arith.xori %lt3A_81, %lt3A_83 : i1
      %and3A_85 = arith.andi %ne3A_84, %ne3A_79 : i1
      %add3A_86 = arith.addi %rem3A_77, %select_n3A_76 : i32
      %select_n3A_87 = arith.select %and3A_85, %add3A_86, %rem3A_77 : i32
      %eq3A_88 = arith.constant 1 : i32
      %eq3A_89 = arith.cmpi eq, %select_n3A_87, %eq3A_88 : i32
      %convert_element_type3A_90 = arith.extui %eq3A_89 : i1 to i32
      %cond3A_91 = arith.constant 0 : i32
      %cond3A_92 = arith.cmpi ne, %convert_element_type3A_90, %cond3A_91 : i32
      scf.if %cond3A_92 {
        %add3A_114 = arith.constant 3 : i32
        %add3A_115 = arith.addi %scan3A_56, %add3A_114 : i32
        %sub3A = arith.constant 1 : i32
        %sub3A_116 = arith.subi %add3A_115, %sub3A : i32
        %lt3A_117 = arith.constant 125 : i32
        %lt3A_118 = arith.cmpi slt, %sub3A_116, %lt3A_117 : i32
        %convert_element_type3A_119 = arith.extui %lt3A_118 : i1 to i32
        %cond3A_120 = arith.constant 0 : i32
        %cond3A_121 = arith.cmpi ne, %convert_element_type3A_119, %cond3A_120 : i32
        scf.if %cond3A_121 {
          %ge3A = arith.constant 1 : i32
          %ge3A_134 = arith.cmpi sge, %scan3A_56, %ge3A : i32
          %convert_element_type3A_135 = arith.extui %ge3A_134 : i1 to i32
          %cond3A_136 = arith.constant 0 : i32
          %cond3A_137 = arith.cmpi ne, %convert_element_type3A_135, %cond3A_136 : i32
          scf.if %cond3A_137 {
            %sub3A_148 = arith.constant 1 : i32
            %sub3A_149 = arith.subi %scan3A_56, %sub3A_148 : i32
            %dma_wait3A_150 = arith.constant 0 : i32
            %dma_wait3A_151 = tpu.memref_slice %arg11[%sub3A_149, %dma_wait3A_150] : memref<125x80xi32, #tpu.memory_space<vmem>> -> memref<1x80xi32, #tpu.memory_space<vmem>>
            %dma_wait3A_152 = tpu.memref_squeeze %dma_wait3A_151 : memref<1x80xi32, #tpu.memory_space<vmem>> -> memref<80xi32, #tpu.memory_space<vmem>>
            %dma_wait3A_153 = arith.constant 0 : i32
            %dma_wait3A_154 = arith.constant 0 : i32
            %dma_wait3A_155 = tpu.memref_slice %arg12[%dma_wait3A_153, %dma_wait3A_154] : memref<10000x128xf32, #tpu.memory_space<vmem_shared>> -> memref<10000x128xf32, #tpu.memory_space<vmem_shared>>
            tpu.wait_indirect_dma semaphore(%arg16 : memref<!tpu.dma_semaphore, #tpu.memory_space<semaphore_mem>>) src(%arg7 : memref<80x128xf32, #tpu.memory_space<vmem>>) dst(%dma_wait3A_155 : memref<10000x128xf32, #tpu.memory_space<vmem_shared>>)
          } else {
          }
          %add3A_138 = arith.constant 3 : i32
          %add3A_139 = arith.addi %scan3A_56, %add3A_138 : i32
          %sub3A_140 = arith.constant 1 : i32
          %sub3A_141 = arith.subi %add3A_139, %sub3A_140 : i32
          %dma_start3A_142 = arith.constant 0 : i32
          %dma_start3A_143 = tpu.memref_slice %arg10[%sub3A_141, %dma_start3A_142] : memref<125x80xi32, #tpu.memory_space<vmem>> -> memref<1x80xi32, #tpu.memory_space<vmem>>
          %dma_start3A_144 = tpu.memref_squeeze %dma_start3A_143 : memref<1x80xi32, #tpu.memory_space<vmem>> -> memref<80xi32, #tpu.memory_space<vmem>>
          %dma_start3A_145 = arith.constant 0 : i32
          %dma_start3A_146 = arith.constant 0 : i32
          %dma_start3A_147 = tpu.memref_slice %arg2[%dma_start3A_145, %dma_start3A_146] : memref<10000x128xf32, #tpu.memory_space<hbm>> -> memref<10000x128xf32, #tpu.memory_space<hbm>>
          tpu.enqueue_indirect_dma source(%dma_start3A_147 : memref<10000x128xf32, #tpu.memory_space<hbm>>) target(%arg7 : memref<80x128xf32, #tpu.memory_space<vmem>>) offsets(%dma_start3A_144 : memref<80xi32, #tpu.memory_space<vmem>>) semaphore(%arg13 : memref<!tpu.dma_semaphore, #tpu.memory_space<semaphore_mem>>)
        } else {
        }
        %dma_wait3A_122 = arith.constant 0 : i32
        %dma_wait3A_123 = tpu.memref_slice %arg10[%scan3A_56, %dma_wait3A_122] : memref<125x80xi32, #tpu.memory_space<vmem>> -> memref<1x80xi32, #tpu.memory_space<vmem>>
        %dma_wait3A_124 = tpu.memref_squeeze %dma_wait3A_123 : memref<1x80xi32, #tpu.memory_space<vmem>> -> memref<80xi32, #tpu.memory_space<vmem>>
        %dma_wait3A_125 = arith.constant 0 : i32
        %dma_wait3A_126 = arith.constant 0 : i32
        %dma_wait3A_127 = tpu.memref_slice %arg2[%dma_wait3A_125, %dma_wait3A_126] : memref<10000x128xf32, #tpu.memory_space<hbm>> -> memref<10000x128xf32, #tpu.memory_space<hbm>>
        tpu.wait_indirect_dma semaphore(%arg14 : memref<!tpu.dma_semaphore, #tpu.memory_space<semaphore_mem>>) src(%dma_wait3A_127 : memref<10000x128xf32, #tpu.memory_space<hbm>>) dst(%arg8 : memref<80x128xf32, #tpu.memory_space<vmem>>)
        %dma_start3A_128 = arith.constant 0 : i32
        %dma_start3A_129 = tpu.memref_slice %arg11[%scan3A_56, %dma_start3A_128] : memref<125x80xi32, #tpu.memory_space<vmem>> -> memref<1x80xi32, #tpu.memory_space<vmem>>
        %dma_start3A_130 = tpu.memref_squeeze %dma_start3A_129 : memref<1x80xi32, #tpu.memory_space<vmem>> -> memref<80xi32, #tpu.memory_space<vmem>>
        %dma_start3A_131 = arith.constant 0 : i32
        %dma_start3A_132 = arith.constant 0 : i32
        %dma_start3A_133 = tpu.memref_slice %arg12[%dma_start3A_131, %dma_start3A_132] : memref<10000x128xf32, #tpu.memory_space<vmem_shared>> -> memref<10000x128xf32, #tpu.memory_space<vmem_shared>>
        tpu.enqueue_indirect_dma source(%arg8 : memref<80x128xf32, #tpu.memory_space<vmem>>) target(%dma_start3A_133 : memref<10000x128xf32, #tpu.memory_space<vmem_shared>>) offsets(%dma_start3A_130 : memref<80xi32, #tpu.memory_space<vmem>>) semaphore(%arg17 : memref<!tpu.dma_semaphore, #tpu.memory_space<semaphore_mem>>) {add = true}
      } else {
      }
      %jit3A_93 = arith.constant 3 : i32
      %eq3A_94 = arith.constant 0 : i32
      %eq3A_95 = arith.cmpi eq, %jit3A_93, %eq3A_94 : i32
      %jit3A_96 = arith.constant 1 : i32
      %select_n3A_97 = arith.select %eq3A_95, %jit3A_96, %jit3A_93 : i32
      %rem3A_98 = arith.remsi %scan3A_56, %select_n3A_97 : i32
      %ne3A_99 = arith.constant 0 : i32
      %ne3A_100 = arith.cmpi ne, %rem3A_98, %ne3A_99 : i32
      %lt3A_101 = arith.constant 0 : i32
      %lt3A_102 = arith.cmpi slt, %rem3A_98, %lt3A_101 : i32
      %lt3A_103 = arith.constant 0 : i32
      %lt3A_104 = arith.cmpi slt, %select_n3A_97, %lt3A_103 : i32
      %ne3A_105 = arith.xori %lt3A_102, %lt3A_104 : i1
      %and3A_106 = arith.andi %ne3A_105, %ne3A_100 : i1
      %add3A_107 = arith.addi %rem3A_98, %select_n3A_97 : i32
      %select_n3A_108 = arith.select %and3A_106, %add3A_107, %rem3A_98 : i32
      %eq3A_109 = arith.constant 2 : i32
      %eq3A_110 = arith.cmpi eq, %select_n3A_108, %eq3A_109 : i32
      %convert_element_type3A_111 = arith.extui %eq3A_110 : i1 to i32
      %cond3A_112 = arith.constant 0 : i32
      %cond3A_113 = arith.cmpi ne, %convert_element_type3A_111, %cond3A_112 : i32
      scf.if %cond3A_113 {
        %add3A_114 = arith.constant 3 : i32
        %add3A_115 = arith.addi %scan3A_56, %add3A_114 : i32
        %sub3A = arith.constant 1 : i32
        %sub3A_116 = arith.subi %add3A_115, %sub3A : i32
        %lt3A_117 = arith.constant 125 : i32
        %lt3A_118 = arith.cmpi slt, %sub3A_116, %lt3A_117 : i32
        %convert_element_type3A_119 = arith.extui %lt3A_118 : i1 to i32
        %cond3A_120 = arith.constant 0 : i32
        %cond3A_121 = arith.cmpi ne, %convert_element_type3A_119, %cond3A_120 : i32
        scf.if %cond3A_121 {
          %ge3A = arith.constant 1 : i32
          %ge3A_134 = arith.cmpi sge, %scan3A_56, %ge3A : i32
          %convert_element_type3A_135 = arith.extui %ge3A_134 : i1 to i32
          %cond3A_136 = arith.constant 0 : i32
          %cond3A_137 = arith.cmpi ne, %convert_element_type3A_135, %cond3A_136 : i32
          scf.if %cond3A_137 {
            %sub3A_148 = arith.constant 1 : i32
            %sub3A_149 = arith.subi %scan3A_56, %sub3A_148 : i32
            %dma_wait3A_150 = arith.constant 0 : i32
            %dma_wait3A_151 = tpu.memref_slice %arg11[%sub3A_149, %dma_wait3A_150] : memref<125x80xi32, #tpu.memory_space<vmem>> -> memref<1x80xi32, #tpu.memory_space<vmem>>
            %dma_wait3A_152 = tpu.memref_squeeze %dma_wait3A_151 : memref<1x80xi32, #tpu.memory_space<vmem>> -> memref<80xi32, #tpu.memory_space<vmem>>
            %dma_wait3A_153 = arith.constant 0 : i32
            %dma_wait3A_154 = arith.constant 0 : i32
            %dma_wait3A_155 = tpu.memref_slice %arg12[%dma_wait3A_153, %dma_wait3A_154] : memref<10000x128xf32, #tpu.memory_space<vmem_shared>> -> memref<10000x128xf32, #tpu.memory_space<vmem_shared>>
            tpu.wait_indirect_dma semaphore(%arg17 : memref<!tpu.dma_semaphore, #tpu.memory_space<semaphore_mem>>) src(%arg8 : memref<80x128xf32, #tpu.memory_space<vmem>>) dst(%dma_wait3A_155 : memref<10000x128xf32, #tpu.memory_space<vmem_shared>>)
          } else {
          }
          %add3A_138 = arith.constant 3 : i32
          %add3A_139 = arith.addi %scan3A_56, %add3A_138 : i32
          %sub3A_140 = arith.constant 1 : i32
          %sub3A_141 = arith.subi %add3A_139, %sub3A_140 : i32
          %dma_start3A_142 = arith.constant 0 : i32
          %dma_start3A_143 = tpu.memref_slice %arg10[%sub3A_141, %dma_start3A_142] : memref<125x80xi32, #tpu.memory_space<vmem>> -> memref<1x80xi32, #tpu.memory_space<vmem>>
          %dma_start3A_144 = tpu.memref_squeeze %dma_start3A_143 : memref<1x80xi32, #tpu.memory_space<vmem>> -> memref<80xi32, #tpu.memory_space<vmem>>
          %dma_start3A_145 = arith.constant 0 : i32
          %dma_start3A_146 = arith.constant 0 : i32
          %dma_start3A_147 = tpu.memref_slice %arg2[%dma_start3A_145, %dma_start3A_146] : memref<10000x128xf32, #tpu.memory_space<hbm>> -> memref<10000x128xf32, #tpu.memory_space<hbm>>
          tpu.enqueue_indirect_dma source(%dma_start3A_147 : memref<10000x128xf32, #tpu.memory_space<hbm>>) target(%arg8 : memref<80x128xf32, #tpu.memory_space<vmem>>) offsets(%dma_start3A_144 : memref<80xi32, #tpu.memory_space<vmem>>) semaphore(%arg14 : memref<!tpu.dma_semaphore, #tpu.memory_space<semaphore_mem>>)
        } else {
        }
        %dma_wait3A_122 = arith.constant 0 : i32
        %dma_wait3A_123 = tpu.memref_slice %arg10[%scan3A_56, %dma_wait3A_122] : memref<125x80xi32, #tpu.memory_space<vmem>> -> memref<1x80xi32, #tpu.memory_space<vmem>>
        %dma_wait3A_124 = tpu.memref_squeeze %dma_wait3A_123 : memref<1x80xi32, #tpu.memory_space<vmem>> -> memref<80xi32, #tpu.memory_space<vmem>>
        %dma_wait3A_125 = arith.constant 0 : i32
        %dma_wait3A_126 = arith.constant 0 : i32
        %dma_wait3A_127 = tpu.memref_slice %arg2[%dma_wait3A_125, %dma_wait3A_126] : memref<10000x128xf32, #tpu.memory_space<hbm>> -> memref<10000x128xf32, #tpu.memory_space<hbm>>
        tpu.wait_indirect_dma semaphore(%arg15 : memref<!tpu.dma_semaphore, #tpu.memory_space<semaphore_mem>>) src(%dma_wait3A_127 : memref<10000x128xf32, #tpu.memory_space<hbm>>) dst(%arg9 : memref<80x128xf32, #tpu.memory_space<vmem>>)
        %dma_start3A_128 = arith.constant 0 : i32
        %dma_start3A_129 = tpu.memref_slice %arg11[%scan3A_56, %dma_start3A_128] : memref<125x80xi32, #tpu.memory_space<vmem>> -> memref<1x80xi32, #tpu.memory_space<vmem>>
        %dma_start3A_130 = tpu.memref_squeeze %dma_start3A_129 : memref<1x80xi32, #tpu.memory_space<vmem>> -> memref<80xi32, #tpu.memory_space<vmem>>
        %dma_start3A_131 = arith.constant 0 : i32
        %dma_start3A_132 = arith.constant 0 : i32
        %dma_start3A_133 = tpu.memref_slice %arg12[%dma_start3A_131, %dma_start3A_132] : memref<10000x128xf32, #tpu.memory_space<vmem_shared>> -> memref<10000x128xf32, #tpu.memory_space<vmem_shared>>
        tpu.enqueue_indirect_dma source(%arg9 : memref<80x128xf32, #tpu.memory_space<vmem>>) target(%dma_start3A_133 : memref<10000x128xf32, #tpu.memory_space<vmem_shared>>) offsets(%dma_start3A_130 : memref<80xi32, #tpu.memory_space<vmem>>) semaphore(%arg18 : memref<!tpu.dma_semaphore, #tpu.memory_space<semaphore_mem>>) {add = true}
      } else {
      }
    }
    %scan3A_26 = arith.constant 125 : i32
    %dma_wait3A = arith.constant 122 : i32
    %dma_wait3A_27 = arith.constant 0 : i32
    %dma_wait3A_28 = tpu.memref_slice %arg11[%dma_wait3A, %dma_wait3A_27] : memref<125x80xi32, #tpu.memory_space<vmem>> -> memref<1x80xi32, #tpu.memory_space<vmem>>
    %dma_wait3A_29 = tpu.memref_squeeze %dma_wait3A_28 : memref<1x80xi32, #tpu.memory_space<vmem>> -> memref<80xi32, #tpu.memory_space<vmem>>
    %dma_wait3A_30 = arith.constant 0 : i32
    %dma_wait3A_31 = arith.constant 0 : i32
    %dma_wait3A_32 = tpu.memref_slice %arg12[%dma_wait3A_30, %dma_wait3A_31] : memref<10000x128xf32, #tpu.memory_space<vmem_shared>> -> memref<10000x128xf32, #tpu.memory_space<vmem_shared>>
    tpu.wait_indirect_dma semaphore(%arg18 : memref<!tpu.dma_semaphore, #tpu.memory_space<semaphore_mem>>) src(%arg9 : memref<80x128xf32, #tpu.memory_space<vmem>>) dst(%dma_wait3A_32 : memref<10000x128xf32, #tpu.memory_space<vmem_shared>>)
    %dma_wait3A_33 = arith.constant 123 : i32
    %dma_wait3A_34 = arith.constant 0 : i32
    %dma_wait3A_35 = tpu.memref_slice %arg11[%dma_wait3A_33, %dma_wait3A_34] : memref<125x80xi32, #tpu.memory_space<vmem>> -> memref<1x80xi32, #tpu.memory_space<vmem>>
    %dma_wait3A_36 = tpu.memref_squeeze %dma_wait3A_35 : memref<1x80xi32, #tpu.memory_space<vmem>> -> memref<80xi32, #tpu.memory_space<vmem>>
    %dma_wait3A_37 = arith.constant 0 : i32
    %dma_wait3A_38 = arith.constant 0 : i32
    %dma_wait3A_39 = tpu.memref_slice %arg12[%dma_wait3A_37, %dma_wait3A_38] : memref<10000x128xf32, #tpu.memory_space<vmem_shared>> -> memref<10000x128xf32, #tpu.memory_space<vmem_shared>>
    tpu.wait_indirect_dma semaphore(%arg16 : memref<!tpu.dma_semaphore, #tpu.memory_space<semaphore_mem>>) src(%arg7 : memref<80x128xf32, #tpu.memory_space<vmem>>) dst(%dma_wait3A_39 : memref<10000x128xf32, #tpu.memory_space<vmem_shared>>)
    %dma_wait3A_40 = arith.constant 124 : i32
    %dma_wait3A_41 = arith.constant 0 : i32
    %dma_wait3A_42 = tpu.memref_slice %arg11[%dma_wait3A_40, %dma_wait3A_41] : memref<125x80xi32, #tpu.memory_space<vmem>> -> memref<1x80xi32, #tpu.memory_space<vmem>>
    %dma_wait3A_43 = tpu.memref_squeeze %dma_wait3A_42 : memref<1x80xi32, #tpu.memory_space<vmem>> -> memref<80xi32, #tpu.memory_space<vmem>>
    %dma_wait3A_44 = arith.constant 0 : i32
    %dma_wait3A_45 = arith.constant 0 : i32
    %dma_wait3A_46 = tpu.memref_slice %arg12[%dma_wait3A_44, %dma_wait3A_45] : memref<10000x128xf32, #tpu.memory_space<vmem_shared>> -> memref<10000x128xf32, #tpu.memory_space<vmem_shared>>
    tpu.wait_indirect_dma semaphore(%arg17 : memref<!tpu.dma_semaphore, #tpu.memory_space<semaphore_mem>>) src(%arg8 : memref<80x128xf32, #tpu.memory_space<vmem>>) dst(%dma_wait3A_46 : memref<10000x128xf32, #tpu.memory_space<vmem_shared>>)
    %barrier3A_47 = arith.constant 0 : index
    tpu.barrier barrier_id(%barrier3A_47)
    %mul3A_48 = arith.constant 10000 : i32
    %mul3A_49 = arith.muli %arg0, %mul3A_48 : i32
    %add3A_50 = arith.addi %mul3A_49, %mul3A_4 : i32
    "tpu.region"() ({
      %run_scoped3A = tpu.sem_alloc : memref<!tpu.dma_semaphore, #tpu.memory_space<semaphore_mem>>
      %dma_start3A_56 = arith.constant 0 : i32
      %dma_start3A_57 = tpu.memref_slice %arg6[%add3A_50, %dma_start3A_56] : memref<20000x128xf32, #tpu.memory_space<hbm>> -> memref<624x128xf32, #tpu.memory_space<hbm>>
      %dma_start3A_58 = arith.constant 0 : i32
      %dma_start3A_59 = tpu.memref_slice %arg12[%mul3A_4, %dma_start3A_58] : memref<10000x128xf32, #tpu.memory_space<vmem_shared>> -> memref<624x128xf32, #tpu.memory_space<vmem_shared>>
      tpu.enqueue_dma source(%dma_start3A_59 : memref<624x128xf32, #tpu.memory_space<vmem_shared>>) target(%dma_start3A_57 : memref<624x128xf32, #tpu.memory_space<hbm>>) target_semaphore(%run_scoped3A : memref<!tpu.dma_semaphore, #tpu.memory_space<semaphore_mem>>)
      %dma_wait3A_60 = arith.constant 0 : i32
      %dma_wait3A_61 = tpu.memref_slice %arg6[%add3A_50, %dma_wait3A_60] : memref<20000x128xf32, #tpu.memory_space<hbm>> -> memref<624x128xf32, #tpu.memory_space<hbm>>
      %dma_wait3A_62 = arith.constant 0 : i32
      %dma_wait3A_63 = tpu.memref_slice %arg12[%mul3A_4, %dma_wait3A_62] : memref<10000x128xf32, #tpu.memory_space<vmem_shared>> -> memref<624x128xf32, #tpu.memory_space<vmem_shared>>
      tpu.wait_dma2 semaphore(%run_scoped3A : memref<!tpu.dma_semaphore, #tpu.memory_space<semaphore_mem>>) src(%dma_wait3A_63 : memref<624x128xf32, #tpu.memory_space<vmem_shared>>) dst(%dma_wait3A_61 : memref<624x128xf32, #tpu.memory_space<hbm>>)
      tpu.yield
    }) : () -> ()
    %eq3A_51 = arith.constant 15 : i32
    %eq3A_52 = arith.cmpi eq, %arg1, %eq3A_51 : i32
    %convert_element_type3A_53 = arith.extui %eq3A_52 : i1 to i32
    %cond3A_54 = arith.constant 0 : i32
    %cond3A_55 = arith.cmpi ne, %convert_element_type3A_53, %cond3A_54 : i32
    scf.if %cond3A_55 {
      %mul3A_56 = arith.constant 10000 : i32
      %mul3A_57 = arith.muli %arg0, %mul3A_56 : i32
      %add3A_58 = arith.constant 9984 : i32
      %add3A_59 = arith.addi %mul3A_57, %add3A_58 : i32
      "tpu.region"() ({
        %run_scoped3A = tpu.sem_alloc : memref<!tpu.dma_semaphore, #tpu.memory_space<semaphore_mem>>
        %dma_start3A_60 = arith.constant 0 : i32
        %dma_start3A_61 = tpu.memref_slice %arg6[%add3A_59, %dma_start3A_60] : memref<20000x128xf32, #tpu.memory_space<hbm>> -> memref<16x128xf32, #tpu.memory_space<hbm>>
        %dma_start3A_62 = arith.constant 9984 : i32
        %dma_start3A_63 = arith.constant 0 : i32
        %dma_start3A_64 = tpu.memref_slice %arg12[%dma_start3A_62, %dma_start3A_63] : memref<10000x128xf32, #tpu.memory_space<vmem_shared>> -> memref<16x128xf32, #tpu.memory_space<vmem_shared>>
        tpu.enqueue_dma source(%dma_start3A_64 : memref<16x128xf32, #tpu.memory_space<vmem_shared>>) target(%dma_start3A_61 : memref<16x128xf32, #tpu.memory_space<hbm>>) target_semaphore(%run_scoped3A : memref<!tpu.dma_semaphore, #tpu.memory_space<semaphore_mem>>)
        %dma_wait3A_65 = arith.constant 0 : i32
        %dma_wait3A_66 = tpu.memref_slice %arg6[%add3A_59, %dma_wait3A_65] : memref<20000x128xf32, #tpu.memory_space<hbm>> -> memref<16x128xf32, #tpu.memory_space<hbm>>
        %dma_wait3A_67 = arith.constant 9984 : i32
        %dma_wait3A_68 = arith.constant 0 : i32
        %dma_wait3A_69 = tpu.memref_slice %arg12[%dma_wait3A_67, %dma_wait3A_68] : memref<10000x128xf32, #tpu.memory_space<vmem_shared>> -> memref<16x128xf32, #tpu.memory_space<vmem_shared>>
        tpu.wait_dma2 semaphore(%run_scoped3A : memref<!tpu.dma_semaphore, #tpu.memory_space<semaphore_mem>>) src(%dma_wait3A_69 : memref<16x128xf32, #tpu.memory_space<vmem_shared>>) dst(%dma_wait3A_66 : memref<16x128xf32, #tpu.memory_space<hbm>>)
        tpu.yield
      }) : () -> ()
    } else {
    }
    return
  }
}

module attributes {stable_mosaic.version = 14 : i64} {
  func.func @_layer1_body(%arg0: i32, %arg1: memref<2x2000x128xf32, #tpu.memory_space<vmem>>, %arg2: memref<2x2000x128xf32, #tpu.memory_space<vmem>>, %arg3: memref<2000x128xf32, #tpu.memory_space<vmem>>, %arg4: memref<128x128xf32, #tpu.memory_space<vmem>>, %arg5: memref<1x128xf32, #tpu.memory_space<vmem>>, %arg6: memref<128x128xf32, #tpu.memory_space<vmem>>, %arg7: memref<1x128xf32, #tpu.memory_space<vmem>>, %arg8: memref<1x128xf32, #tpu.memory_space<vmem>>, %arg9: memref<2000x128xf32, #tpu.memory_space<vmem>>, %arg10: memref<2000x128xf32, #tpu.memory_space<vmem>>) attributes {dimension_semantics = [#tpu.dimension_semantics<arbitrary>], iteration_bounds = array<i64: 5>, scalar_prefetch = 0 : i64, scratch_operands = 0 : i64, tpu.core_type = #tpu.core_type<tc>, window_params = [{transform_indices = @transform_0, window_bounds = array<i64: 2, 2000, 128>}, {transform_indices = @transform_1, window_bounds = array<i64: 2, 2000, 128>}, {transform_indices = @transform_2, window_bounds = array<i64: 2000, 128>}, {pipeline_mode = #tpu.pipeline_mode<synchronous>, transform_indices = @transform_3, window_bounds = array<i64: 128, 128>}, {pipeline_mode = #tpu.pipeline_mode<synchronous>, transform_indices = @transform_4, window_bounds = array<i64: 1, 128>}, {pipeline_mode = #tpu.pipeline_mode<synchronous>, transform_indices = @transform_5, window_bounds = array<i64: 128, 128>}, {pipeline_mode = #tpu.pipeline_mode<synchronous>, transform_indices = @transform_6, window_bounds = array<i64: 1, 128>}, {pipeline_mode = #tpu.pipeline_mode<synchronous>, transform_indices = @transform_7, window_bounds = array<i64: 1, 128>}, {transform_indices = @transform_8, window_bounds = array<i64: 2000, 128>}, {transform_indices = @transform_9, window_bounds = array<i64: 2000, 128>}]} {
    %get3A = arith.constant 0 : index
    %get3A_0 = arith.constant 0 : index
    %get3A_1 = arith.constant 0 : index
    %get3A_2 = vector.load %arg2[%get3A, %get3A_0, %get3A_1] : memref<2x2000x128xf32, #tpu.memory_space<vmem>>, vector<1x2000x128xf32>
    %get3A_3 = vector.shape_cast %get3A_2 : vector<1x2000x128xf32> to vector<2000x128xf32>
    %get3A_4 = arith.constant 1 : index
    %get3A_5 = arith.constant 0 : index
    %get3A_6 = arith.constant 0 : index
    %get3A_7 = vector.load %arg2[%get3A_4, %get3A_5, %get3A_6] : memref<2x2000x128xf32, #tpu.memory_space<vmem>>, vector<1x2000x128xf32>
    %get3A_8 = vector.shape_cast %get3A_7 : vector<1x2000x128xf32> to vector<2000x128xf32>
    %add3A = arith.addf %get3A_3, %get3A_8 : vector<2000x128xf32>
    %max3A = arith.constant 1.000000e+00 : f32
    %max3A_9 = vector.broadcast %max3A : f32 to vector<2000x128xf32>
    %max3A_10 = arith.maximumf %add3A, %max3A_9 : vector<2000x128xf32>
    %div3A = arith.constant 1.000000e+00 : f32
    %div3A_11 = vector.broadcast %div3A : f32 to vector<2000x128xf32>
    %div3A_12 = arith.divf %div3A_11, %max3A_10 : vector<2000x128xf32>
    %get3A_13 = arith.constant 0 : index
    %get3A_14 = arith.constant 0 : index
    %get3A_15 = arith.constant 0 : index
    %get3A_16 = vector.load %arg1[%get3A_13, %get3A_14, %get3A_15] : memref<2x2000x128xf32, #tpu.memory_space<vmem>>, vector<1x2000x128xf32>
    %get3A_17 = vector.shape_cast %get3A_16 : vector<1x2000x128xf32> to vector<2000x128xf32>
    %get3A_18 = arith.constant 1 : index
    %get3A_19 = arith.constant 0 : index
    %get3A_20 = arith.constant 0 : index
    %get3A_21 = vector.load %arg1[%get3A_18, %get3A_19, %get3A_20] : memref<2x2000x128xf32, #tpu.memory_space<vmem>>, vector<1x2000x128xf32>
    %get3A_22 = vector.shape_cast %get3A_21 : vector<1x2000x128xf32> to vector<2000x128xf32>
    %add3A_23 = arith.addf %get3A_17, %get3A_22 : vector<2000x128xf32>
    %mul3A = arith.mulf %add3A_23, %div3A_12 : vector<2000x128xf32>
    %get3A_24 = arith.constant 0 : index
    %get3A_25 = arith.constant 0 : index
    %get3A_26 = vector.load %arg3[%get3A_24, %get3A_25] : memref<2000x128xf32, #tpu.memory_space<vmem>>, vector<2000x128xf32>
    %get3A_27 = arith.constant 0 : index
    %get3A_28 = arith.constant 0 : index
    %get3A_29 = vector.load %arg4[%get3A_27, %get3A_28] : memref<128x128xf32, #tpu.memory_space<vmem>>, vector<128x128xf32>
    %dot_general3A = arith.constant dense<0.000000e+00> : vector<2000x128xf32>
    %dot_general3A_30 = tpu.matmul %mul3A, %get3A_29, %dot_general3A {dimension_numbers = #tpu.dot_dimension_numbers<[1], [1], [0], [0], [0, 0, 1, 0], [], []>, precision = #tpu.contract_precision<fp32>, transpose_lhs_hint = false} : vector<2000x128xf32>, vector<128x128xf32>, vector<2000x128xf32> -> vector<2000x128xf32>
    %get3A_31 = arith.constant 0 : index
    %get3A_32 = arith.constant 0 : index
    %get3A_33 = vector.load %arg6[%get3A_31, %get3A_32] : memref<128x128xf32, #tpu.memory_space<vmem>>, vector<128x128xf32>
    %dot_general3A_34 = arith.constant dense<0.000000e+00> : vector<2000x128xf32>
    %dot_general3A_35 = tpu.matmul %get3A_26, %get3A_33, %dot_general3A_34 {dimension_numbers = #tpu.dot_dimension_numbers<[1], [1], [0], [0], [0, 0, 1, 0], [], []>, precision = #tpu.contract_precision<fp32>, transpose_lhs_hint = false} : vector<2000x128xf32>, vector<128x128xf32>, vector<2000x128xf32> -> vector<2000x128xf32>
    %add3A_36 = arith.addf %dot_general3A_30, %dot_general3A_35 : vector<2000x128xf32>
    %get3A_37 = arith.constant 0 : index
    %get3A_38 = arith.constant 0 : index
    %get3A_39 = vector.load %arg5[%get3A_37, %get3A_38] : memref<1x128xf32, #tpu.memory_space<vmem>>, vector<1x128xf32>
    %add3A_40 = vector.broadcast %get3A_39 : vector<1x128xf32> to vector<2000x128xf32>
    %add3A_41 = arith.addf %add3A_36, %add3A_40 : vector<2000x128xf32>
    %max3A_42 = arith.constant 0.000000e+00 : f32
    %max3A_43 = vector.broadcast %max3A_42 : f32 to vector<2000x128xf32>
    %max3A_44 = arith.maximumf %add3A_41, %max3A_43 : vector<2000x128xf32>
    %reduce_sum3A = arith.constant dense<0.000000e+00> : vector<2000xf32>
    %reduce_sum3A_45 = vector.multi_reduction <add>, %max3A_44, %reduce_sum3A [1] : vector<2000x128xf32> to vector<2000xf32>
    %broadcast_in_dim3A = vector.shape_cast %reduce_sum3A_45 : vector<2000xf32> to vector<2000x1xf32>
    %div3A_46 = arith.constant 1.280000e+02 : f32
    %div3A_47 = vector.broadcast %div3A_46 : f32 to vector<2000x1xf32>
    %div3A_48 = arith.divf %broadcast_in_dim3A, %div3A_47 : vector<2000x1xf32>
    %sub3A = vector.broadcast %div3A_48 : vector<2000x1xf32> to vector<2000x128xf32>
    %sub3A_49 = arith.subf %max3A_44, %sub3A : vector<2000x128xf32>
    %integer_pow3A = arith.mulf %sub3A_49, %sub3A_49 : vector<2000x128xf32>
    %reduce_sum3A_50 = arith.constant dense<0.000000e+00> : vector<2000xf32>
    %reduce_sum3A_51 = vector.multi_reduction <add>, %integer_pow3A, %reduce_sum3A_50 [1] : vector<2000x128xf32> to vector<2000xf32>
    %broadcast_in_dim3A_52 = vector.shape_cast %reduce_sum3A_51 : vector<2000xf32> to vector<2000x1xf32>
    %div3A_53 = arith.constant 1.280000e+02 : f32
    %div3A_54 = vector.broadcast %div3A_53 : f32 to vector<2000x1xf32>
    %div3A_55 = arith.divf %broadcast_in_dim3A_52, %div3A_54 : vector<2000x1xf32>
    %sub3A_56 = vector.broadcast %div3A_48 : vector<2000x1xf32> to vector<2000x128xf32>
    %sub3A_57 = arith.subf %max3A_44, %sub3A_56 : vector<2000x128xf32>
    %add3A_58 = arith.constant 9.99999974E-6 : f32
    %add3A_59 = vector.broadcast %add3A_58 : f32 to vector<2000x1xf32>
    %add3A_60 = arith.addf %div3A_55, %add3A_59 : vector<2000x1xf32>
    %rsqrt3A = math.rsqrt %add3A_60 : vector<2000x1xf32>
    %mul3A_61 = vector.broadcast %rsqrt3A : vector<2000x1xf32> to vector<2000x128xf32>
    %mul3A_62 = arith.mulf %sub3A_57, %mul3A_61 : vector<2000x128xf32>
    %get3A_63 = arith.constant 0 : index
    %get3A_64 = arith.constant 0 : index
    %get3A_65 = vector.load %arg7[%get3A_63, %get3A_64] : memref<1x128xf32, #tpu.memory_space<vmem>>, vector<1x128xf32>
    %mul3A_66 = vector.broadcast %get3A_65 : vector<1x128xf32> to vector<2000x128xf32>
    %mul3A_67 = arith.mulf %mul3A_62, %mul3A_66 : vector<2000x128xf32>
    %get3A_68 = arith.constant 0 : index
    %get3A_69 = arith.constant 0 : index
    %get3A_70 = vector.load %arg8[%get3A_68, %get3A_69] : memref<1x128xf32, #tpu.memory_space<vmem>>, vector<1x128xf32>
    %add3A_71 = vector.broadcast %get3A_70 : vector<1x128xf32> to vector<2000x128xf32>
    %add3A_72 = arith.addf %mul3A_67, %add3A_71 : vector<2000x128xf32>
    %swap3A = arith.constant 0 : index
    %swap3A_73 = arith.constant 0 : index
    %swap3A_74 = vector.load %arg9[%swap3A, %swap3A_73] : memref<2000x128xf32, #tpu.memory_space<vmem>>, vector<2000x128xf32>
    tpu.vector_store %arg9[%swap3A, %swap3A_73], %add3A_72 {strides = array<i32>} : memref<2000x128xf32, #tpu.memory_space<vmem>>, vector<2000x128xf32>,
    %swap3A_75 = arith.constant 0 : index
    %swap3A_76 = arith.constant 0 : index
    %swap3A_77 = vector.load %arg10[%swap3A_75, %swap3A_76] : memref<2000x128xf32, #tpu.memory_space<vmem>>, vector<2000x128xf32>
    tpu.vector_store %arg10[%swap3A_75, %swap3A_76], %div3A_12 {strides = array<i32>} : memref<2000x128xf32, #tpu.memory_space<vmem>>, vector<2000x128xf32>,
    return
  }
  func.func @transform_0(%arg0: i32) -> (i32, i32, i32) {
    %c0_i32 = arith.constant 0 : i32
    %c0_i32_0 = arith.constant 0 : i32
    %c0_i32_1 = arith.constant 0 : i32
    return %c0_i32, %arg0, %c0_i32_0 : i32, i32, i32
  }
  func.func @transform_1(%arg0: i32) -> (i32, i32, i32) {
    %c0_i32 = arith.constant 0 : i32
    %c0_i32_0 = arith.constant 0 : i32
    %c0_i32_1 = arith.constant 0 : i32
    return %c0_i32, %arg0, %c0_i32_0 : i32, i32, i32
  }
  func.func @transform_2(%arg0: i32) -> (i32, i32) {
    %c0_i32 = arith.constant 0 : i32
    %c0_i32_0 = arith.constant 0 : i32
    return %arg0, %c0_i32 : i32, i32
  }
  func.func @transform_3(%arg0: i32) -> (i32, i32) {
    %c0_i32 = arith.constant 0 : i32
    %c0_i32_0 = arith.constant 0 : i32
    %c0_i32_1 = arith.constant 0 : i32
    return %c0_i32, %c0_i32_0 : i32, i32
  }
  func.func @transform_4(%arg0: i32) -> (i32, i32) {
    %c0_i32 = arith.constant 0 : i32
    %c0_i32_0 = arith.constant 0 : i32
    %c0_i32_1 = arith.constant 0 : i32
    return %c0_i32, %c0_i32_0 : i32, i32
  }
  func.func @transform_5(%arg0: i32) -> (i32, i32) {
    %c0_i32 = arith.constant 0 : i32
    %c0_i32_0 = arith.constant 0 : i32
    %c0_i32_1 = arith.constant 0 : i32
    return %c0_i32, %c0_i32_0 : i32, i32
  }
  func.func @transform_6(%arg0: i32) -> (i32, i32) {
    %c0_i32 = arith.constant 0 : i32
    %c0_i32_0 = arith.constant 0 : i32
    %c0_i32_1 = arith.constant 0 : i32
    return %c0_i32, %c0_i32_0 : i32, i32
  }
  func.func @transform_7(%arg0: i32) -> (i32, i32) {
    %c0_i32 = arith.constant 0 : i32
    %c0_i32_0 = arith.constant 0 : i32
    %c0_i32_1 = arith.constant 0 : i32
    return %c0_i32, %c0_i32_0 : i32, i32
  }
  func.func @transform_8(%arg0: i32) -> (i32, i32) {
    %c0_i32 = arith.constant 0 : i32
    %c0_i32_0 = arith.constant 0 : i32
    return %arg0, %c0_i32 : i32, i32
  }
  func.func @transform_9(%arg0: i32) -> (i32, i32) {
    %c0_i32 = arith.constant 0 : i32
    %c0_i32_0 = arith.constant 0 : i32
    return %arg0, %c0_i32 : i32, i32
  }
}

module attributes {stable_mosaic.version = 14 : i64} {
  func.func @_layer2_body(%arg0: i32, %arg1: memref<2x2000x128xf32, #tpu.memory_space<vmem>>, %arg2: memref<2000x128xf32, #tpu.memory_space<vmem>>, %arg3: memref<2000x128xf32, #tpu.memory_space<vmem>>, %arg4: memref<128x128xf32, #tpu.memory_space<vmem>>, %arg5: memref<1x128xf32, #tpu.memory_space<vmem>>, %arg6: memref<128x128xf32, #tpu.memory_space<vmem>>, %arg7: memref<1x128xf32, #tpu.memory_space<vmem>>, %arg8: memref<1x128xf32, #tpu.memory_space<vmem>>, %arg9: memref<2000x128xf32, #tpu.memory_space<vmem>>) attributes {dimension_semantics = [#tpu.dimension_semantics<arbitrary>], iteration_bounds = array<i64: 5>, scalar_prefetch = 0 : i64, scratch_operands = 0 : i64, tpu.core_type = #tpu.core_type<tc>, window_params = [{transform_indices = @transform_0, window_bounds = array<i64: 2, 2000, 128>}, {transform_indices = @transform_1, window_bounds = array<i64: 2000, 128>}, {transform_indices = @transform_2, window_bounds = array<i64: 2000, 128>}, {pipeline_mode = #tpu.pipeline_mode<synchronous>, transform_indices = @transform_3, window_bounds = array<i64: 128, 128>}, {pipeline_mode = #tpu.pipeline_mode<synchronous>, transform_indices = @transform_4, window_bounds = array<i64: 1, 128>}, {pipeline_mode = #tpu.pipeline_mode<synchronous>, transform_indices = @transform_5, window_bounds = array<i64: 128, 128>}, {pipeline_mode = #tpu.pipeline_mode<synchronous>, transform_indices = @transform_6, window_bounds = array<i64: 1, 128>}, {pipeline_mode = #tpu.pipeline_mode<synchronous>, transform_indices = @transform_7, window_bounds = array<i64: 1, 128>}, {transform_indices = @transform_8, window_bounds = array<i64: 2000, 128>}]} {
    %get3A = arith.constant 0 : index
    %get3A_0 = arith.constant 0 : index
    %get3A_1 = arith.constant 0 : index
    %get3A_2 = vector.load %arg1[%get3A, %get3A_0, %get3A_1] : memref<2x2000x128xf32, #tpu.memory_space<vmem>>, vector<1x2000x128xf32>
    %get3A_3 = vector.shape_cast %get3A_2 : vector<1x2000x128xf32> to vector<2000x128xf32>
    %get3A_4 = arith.constant 1 : index
    %get3A_5 = arith.constant 0 : index
    %get3A_6 = arith.constant 0 : index
    %get3A_7 = vector.load %arg1[%get3A_4, %get3A_5, %get3A_6] : memref<2x2000x128xf32, #tpu.memory_space<vmem>>, vector<1x2000x128xf32>
    %get3A_8 = vector.shape_cast %get3A_7 : vector<1x2000x128xf32> to vector<2000x128xf32>
    %add3A = arith.addf %get3A_3, %get3A_8 : vector<2000x128xf32>
    %get3A_9 = arith.constant 0 : index
    %get3A_10 = arith.constant 0 : index
    %get3A_11 = vector.load %arg3[%get3A_9, %get3A_10] : memref<2000x128xf32, #tpu.memory_space<vmem>>, vector<2000x128xf32>
    %mul3A = arith.mulf %add3A, %get3A_11 : vector<2000x128xf32>
    %get3A_12 = arith.constant 0 : index
    %get3A_13 = arith.constant 0 : index
    %get3A_14 = vector.load %arg2[%get3A_12, %get3A_13] : memref<2000x128xf32, #tpu.memory_space<vmem>>, vector<2000x128xf32>
    %get3A_15 = arith.constant 0 : index
    %get3A_16 = arith.constant 0 : index
    %get3A_17 = vector.load %arg4[%get3A_15, %get3A_16] : memref<128x128xf32, #tpu.memory_space<vmem>>, vector<128x128xf32>
    %dot_general3A = arith.constant dense<0.000000e+00> : vector<2000x128xf32>
    %dot_general3A_18 = tpu.matmul %mul3A, %get3A_17, %dot_general3A {dimension_numbers = #tpu.dot_dimension_numbers<[1], [1], [0], [0], [0, 0, 1, 0], [], []>, precision = #tpu.contract_precision<fp32>, transpose_lhs_hint = false} : vector<2000x128xf32>, vector<128x128xf32>, vector<2000x128xf32> -> vector<2000x128xf32>
    %get3A_19 = arith.constant 0 : index
    %get3A_20 = arith.constant 0 : index
    %get3A_21 = vector.load %arg6[%get3A_19, %get3A_20] : memref<128x128xf32, #tpu.memory_space<vmem>>, vector<128x128xf32>
    %dot_general3A_22 = arith.constant dense<0.000000e+00> : vector<2000x128xf32>
    %dot_general3A_23 = tpu.matmul %get3A_14, %get3A_21, %dot_general3A_22 {dimension_numbers = #tpu.dot_dimension_numbers<[1], [1], [0], [0], [0, 0, 1, 0], [], []>, precision = #tpu.contract_precision<fp32>, transpose_lhs_hint = false} : vector<2000x128xf32>, vector<128x128xf32>, vector<2000x128xf32> -> vector<2000x128xf32>
    %add3A_24 = arith.addf %dot_general3A_18, %dot_general3A_23 : vector<2000x128xf32>
    %get3A_25 = arith.constant 0 : index
    %get3A_26 = arith.constant 0 : index
    %get3A_27 = vector.load %arg5[%get3A_25, %get3A_26] : memref<1x128xf32, #tpu.memory_space<vmem>>, vector<1x128xf32>
    %add3A_28 = vector.broadcast %get3A_27 : vector<1x128xf32> to vector<2000x128xf32>
    %add3A_29 = arith.addf %add3A_24, %add3A_28 : vector<2000x128xf32>
    %max3A = arith.constant 0.000000e+00 : f32
    %max3A_30 = vector.broadcast %max3A : f32 to vector<2000x128xf32>
    %max3A_31 = arith.maximumf %add3A_29, %max3A_30 : vector<2000x128xf32>
    %add3A_32 = arith.addf %max3A_31, %get3A_14 : vector<2000x128xf32>
    %reduce_sum3A = arith.constant dense<0.000000e+00> : vector<2000xf32>
    %reduce_sum3A_33 = vector.multi_reduction <add>, %add3A_32, %reduce_sum3A [1] : vector<2000x128xf32> to vector<2000xf32>
    %broadcast_in_dim3A = vector.shape_cast %reduce_sum3A_33 : vector<2000xf32> to vector<2000x1xf32>
    %div3A = arith.constant 1.280000e+02 : f32
    %div3A_34 = vector.broadcast %div3A : f32 to vector<2000x1xf32>
    %div3A_35 = arith.divf %broadcast_in_dim3A, %div3A_34 : vector<2000x1xf32>
    %sub3A = vector.broadcast %div3A_35 : vector<2000x1xf32> to vector<2000x128xf32>
    %sub3A_36 = arith.subf %add3A_32, %sub3A : vector<2000x128xf32>
    %integer_pow3A = arith.mulf %sub3A_36, %sub3A_36 : vector<2000x128xf32>
    %reduce_sum3A_37 = arith.constant dense<0.000000e+00> : vector<2000xf32>
    %reduce_sum3A_38 = vector.multi_reduction <add>, %integer_pow3A, %reduce_sum3A_37 [1] : vector<2000x128xf32> to vector<2000xf32>
    %broadcast_in_dim3A_39 = vector.shape_cast %reduce_sum3A_38 : vector<2000xf32> to vector<2000x1xf32>
    %div3A_40 = arith.constant 1.280000e+02 : f32
    %div3A_41 = vector.broadcast %div3A_40 : f32 to vector<2000x1xf32>
    %div3A_42 = arith.divf %broadcast_in_dim3A_39, %div3A_41 : vector<2000x1xf32>
    %sub3A_43 = vector.broadcast %div3A_35 : vector<2000x1xf32> to vector<2000x128xf32>
    %sub3A_44 = arith.subf %add3A_32, %sub3A_43 : vector<2000x128xf32>
    %add3A_45 = arith.constant 9.99999974E-6 : f32
    %add3A_46 = vector.broadcast %add3A_45 : f32 to vector<2000x1xf32>
    %add3A_47 = arith.addf %div3A_42, %add3A_46 : vector<2000x1xf32>
    %rsqrt3A = math.rsqrt %add3A_47 : vector<2000x1xf32>
    %mul3A_48 = vector.broadcast %rsqrt3A : vector<2000x1xf32> to vector<2000x128xf32>
    %mul3A_49 = arith.mulf %sub3A_44, %mul3A_48 : vector<2000x128xf32>
    %get3A_50 = arith.constant 0 : index
    %get3A_51 = arith.constant 0 : index
    %get3A_52 = vector.load %arg7[%get3A_50, %get3A_51] : memref<1x128xf32, #tpu.memory_space<vmem>>, vector<1x128xf32>
    %mul3A_53 = vector.broadcast %get3A_52 : vector<1x128xf32> to vector<2000x128xf32>
    %mul3A_54 = arith.mulf %mul3A_49, %mul3A_53 : vector<2000x128xf32>
    %get3A_55 = arith.constant 0 : index
    %get3A_56 = arith.constant 0 : index
    %get3A_57 = vector.load %arg8[%get3A_55, %get3A_56] : memref<1x128xf32, #tpu.memory_space<vmem>>, vector<1x128xf32>
    %add3A_58 = vector.broadcast %get3A_57 : vector<1x128xf32> to vector<2000x128xf32>
    %add3A_59 = arith.addf %mul3A_54, %add3A_58 : vector<2000x128xf32>
    %swap3A = arith.constant 0 : index
    %swap3A_60 = arith.constant 0 : index
    %swap3A_61 = vector.load %arg9[%swap3A, %swap3A_60] : memref<2000x128xf32, #tpu.memory_space<vmem>>, vector<2000x128xf32>
    tpu.vector_store %arg9[%swap3A, %swap3A_60], %add3A_59 {strides = array<i32>} : memref<2000x128xf32, #tpu.memory_space<vmem>>, vector<2000x128xf32>,
    return
  }
  func.func @transform_0(%arg0: i32) -> (i32, i32, i32) {
    %c0_i32 = arith.constant 0 : i32
    %c0_i32_0 = arith.constant 0 : i32
    %c0_i32_1 = arith.constant 0 : i32
    return %c0_i32, %arg0, %c0_i32_0 : i32, i32, i32
  }
  func.func @transform_1(%arg0: i32) -> (i32, i32) {
    %c0_i32 = arith.constant 0 : i32
    %c0_i32_0 = arith.constant 0 : i32
    return %arg0, %c0_i32 : i32, i32
  }
  func.func @transform_2(%arg0: i32) -> (i32, i32) {
    %c0_i32 = arith.constant 0 : i32
    %c0_i32_0 = arith.constant 0 : i32
    return %arg0, %c0_i32 : i32, i32
  }
  func.func @transform_3(%arg0: i32) -> (i32, i32) {
    %c0_i32 = arith.constant 0 : i32
    %c0_i32_0 = arith.constant 0 : i32
    %c0_i32_1 = arith.constant 0 : i32
    return %c0_i32, %c0_i32_0 : i32, i32
  }
  func.func @transform_4(%arg0: i32) -> (i32, i32) {
    %c0_i32 = arith.constant 0 : i32
    %c0_i32_0 = arith.constant 0 : i32
    %c0_i32_1 = arith.constant 0 : i32
    return %c0_i32, %c0_i32_0 : i32, i32
  }
  func.func @transform_5(%arg0: i32) -> (i32, i32) {
    %c0_i32 = arith.constant 0 : i32
    %c0_i32_0 = arith.constant 0 : i32
    %c0_i32_1 = arith.constant 0 : i32
    return %c0_i32, %c0_i32_0 : i32, i32
  }
  func.func @transform_6(%arg0: i32) -> (i32, i32) {
    %c0_i32 = arith.constant 0 : i32
    %c0_i32_0 = arith.constant 0 : i32
    %c0_i32_1 = arith.constant 0 : i32
    return %c0_i32, %c0_i32_0 : i32, i32
  }
  func.func @transform_7(%arg0: i32) -> (i32, i32) {
    %c0_i32 = arith.constant 0 : i32
    %c0_i32_0 = arith.constant 0 : i32
    %c0_i32_1 = arith.constant 0 : i32
    return %c0_i32, %c0_i32_0 : i32, i32
  }
  func.func @transform_8(%arg0: i32) -> (i32, i32) {
    %c0_i32 = arith.constant 0 : i32
    %c0_i32_0 = arith.constant 0 : i32
    return %arg0, %c0_i32 : i32, i32
  }
}

module attributes {stable_mosaic.version = 14 : i64} {
  func.func @_layer3_pool_body(%arg0: i32, %arg1: memref<2x2000x128xf32, #tpu.memory_space<vmem>>, %arg2: memref<2000x128xf32, #tpu.memory_space<vmem>>, %arg3: memref<2000x128xf32, #tpu.memory_space<vmem>>, %arg4: memref<128x128xf32, #tpu.memory_space<vmem>>, %arg5: memref<1x128xf32, #tpu.memory_space<vmem>>, %arg6: memref<128x128xf32, #tpu.memory_space<vmem>>, %arg7: memref<1x128xf32, #tpu.memory_space<vmem>>, %arg8: memref<1x128xf32, #tpu.memory_space<vmem>>, %arg9: memref<2000x1xi32, #tpu.memory_space<vmem>>, %arg10: memref<2x128xf32, #tpu.memory_space<vmem>>, %arg11: memref<1x2xf32, #tpu.memory_space<vmem>>, %arg12: memref<2000x128xf32, #tpu.memory_space<vmem>>, %arg13: memref<128x2xf32, #tpu.memory_space<vmem>>, %arg14: memref<128x128xf32, #tpu.memory_space<vmem>>, %arg15: memref<128x128xf32, #tpu.memory_space<vmem>>, %arg16: memref<128x128xf32, #tpu.memory_space<vmem>>) attributes {dimension_semantics = [#tpu.dimension_semantics<arbitrary>], iteration_bounds = array<i64: 5>, scalar_prefetch = 0 : i64, scratch_operands = 2 : i64, tpu.core_type = #tpu.core_type<tc>, window_params = [{transform_indices = @transform_0, window_bounds = array<i64: 2, 2000, 128>}, {transform_indices = @transform_1, window_bounds = array<i64: 2000, 128>}, {transform_indices = @transform_2, window_bounds = array<i64: 2000, 128>}, {pipeline_mode = #tpu.pipeline_mode<synchronous>, transform_indices = @transform_3, window_bounds = array<i64: 128, 128>}, {pipeline_mode = #tpu.pipeline_mode<synchronous>, transform_indices = @transform_4, window_bounds = array<i64: 1, 128>}, {pipeline_mode = #tpu.pipeline_mode<synchronous>, transform_indices = @transform_5, window_bounds = array<i64: 128, 128>}, {pipeline_mode = #tpu.pipeline_mode<synchronous>, transform_indices = @transform_6, window_bounds = array<i64: 1, 128>}, {pipeline_mode = #tpu.pipeline_mode<synchronous>, transform_indices = @transform_7, window_bounds = array<i64: 1, 128>}, {transform_indices = @transform_8, window_bounds = array<i64: 2000, 1>}, {pipeline_mode = #tpu.pipeline_mode<synchronous>, transform_indices = @transform_9, window_bounds = array<i64: 2, 128>}, {pipeline_mode = #tpu.pipeline_mode<synchronous>, transform_indices = @transform_10, window_bounds = array<i64: 1, 2>}, {transform_indices = @transform_11, window_bounds = array<i64: 2000, 128>}, {pipeline_mode = #tpu.pipeline_mode<synchronous>, transform_indices = @transform_12, window_bounds = array<i64: 128, 2>}, {pipeline_mode = #tpu.pipeline_mode<synchronous>, transform_indices = @transform_13, window_bounds = array<i64: 128, 128>}]} {
    %get3A = arith.constant 0 : index
    %get3A_0 = arith.constant 0 : index
    %get3A_1 = arith.constant 0 : index
    %get3A_2 = vector.load %arg1[%get3A, %get3A_0, %get3A_1] : memref<2x2000x128xf32, #tpu.memory_space<vmem>>, vector<1x2000x128xf32>
    %get3A_3 = vector.shape_cast %get3A_2 : vector<1x2000x128xf32> to vector<2000x128xf32>
    %get3A_4 = arith.constant 1 : index
    %get3A_5 = arith.constant 0 : index
    %get3A_6 = arith.constant 0 : index
    %get3A_7 = vector.load %arg1[%get3A_4, %get3A_5, %get3A_6] : memref<2x2000x128xf32, #tpu.memory_space<vmem>>, vector<1x2000x128xf32>
    %get3A_8 = vector.shape_cast %get3A_7 : vector<1x2000x128xf32> to vector<2000x128xf32>
    %add3A = arith.addf %get3A_3, %get3A_8 : vector<2000x128xf32>
    %get3A_9 = arith.constant 0 : index
    %get3A_10 = arith.constant 0 : index
    %get3A_11 = vector.load %arg3[%get3A_9, %get3A_10] : memref<2000x128xf32, #tpu.memory_space<vmem>>, vector<2000x128xf32>
    %mul3A = arith.mulf %add3A, %get3A_11 : vector<2000x128xf32>
    %get3A_12 = arith.constant 0 : index
    %get3A_13 = arith.constant 0 : index
    %get3A_14 = vector.load %arg2[%get3A_12, %get3A_13] : memref<2000x128xf32, #tpu.memory_space<vmem>>, vector<2000x128xf32>
    %get3A_15 = arith.constant 0 : index
    %get3A_16 = arith.constant 0 : index
    %get3A_17 = vector.load %arg4[%get3A_15, %get3A_16] : memref<128x128xf32, #tpu.memory_space<vmem>>, vector<128x128xf32>
    %dot_general3A = arith.constant dense<0.000000e+00> : vector<2000x128xf32>
    %dot_general3A_18 = tpu.matmul %mul3A, %get3A_17, %dot_general3A {dimension_numbers = #tpu.dot_dimension_numbers<[1], [1], [0], [0], [0, 0, 1, 0], [], []>, precision = #tpu.contract_precision<fp32>, transpose_lhs_hint = false} : vector<2000x128xf32>, vector<128x128xf32>, vector<2000x128xf32> -> vector<2000x128xf32>
    %get3A_19 = arith.constant 0 : index
    %get3A_20 = arith.constant 0 : index
    %get3A_21 = vector.load %arg6[%get3A_19, %get3A_20] : memref<128x128xf32, #tpu.memory_space<vmem>>, vector<128x128xf32>
    %dot_general3A_22 = arith.constant dense<0.000000e+00> : vector<2000x128xf32>
    %dot_general3A_23 = tpu.matmul %get3A_14, %get3A_21, %dot_general3A_22 {dimension_numbers = #tpu.dot_dimension_numbers<[1], [1], [0], [0], [0, 0, 1, 0], [], []>, precision = #tpu.contract_precision<fp32>, transpose_lhs_hint = false} : vector<2000x128xf32>, vector<128x128xf32>, vector<2000x128xf32> -> vector<2000x128xf32>
    %add3A_24 = arith.addf %dot_general3A_18, %dot_general3A_23 : vector<2000x128xf32>
    %get3A_25 = arith.constant 0 : index
    %get3A_26 = arith.constant 0 : index
    %get3A_27 = vector.load %arg5[%get3A_25, %get3A_26] : memref<1x128xf32, #tpu.memory_space<vmem>>, vector<1x128xf32>
    %add3A_28 = vector.broadcast %get3A_27 : vector<1x128xf32> to vector<2000x128xf32>
    %add3A_29 = arith.addf %add3A_24, %add3A_28 : vector<2000x128xf32>
    %max3A = arith.constant 0.000000e+00 : f32
    %max3A_30 = vector.broadcast %max3A : f32 to vector<2000x128xf32>
    %max3A_31 = arith.maximumf %add3A_29, %max3A_30 : vector<2000x128xf32>
    %add3A_32 = arith.addf %max3A_31, %get3A_14 : vector<2000x128xf32>
    %reduce_sum3A = arith.constant dense<0.000000e+00> : vector<2000xf32>
    %reduce_sum3A_33 = vector.multi_reduction <add>, %add3A_32, %reduce_sum3A [1] : vector<2000x128xf32> to vector<2000xf32>
    %broadcast_in_dim3A = vector.shape_cast %reduce_sum3A_33 : vector<2000xf32> to vector<2000x1xf32>
    %div3A = arith.constant 1.280000e+02 : f32
    %div3A_34 = vector.broadcast %div3A : f32 to vector<2000x1xf32>
    %div3A_35 = arith.divf %broadcast_in_dim3A, %div3A_34 : vector<2000x1xf32>
    %sub3A = vector.broadcast %div3A_35 : vector<2000x1xf32> to vector<2000x128xf32>
    %sub3A_36 = arith.subf %add3A_32, %sub3A : vector<2000x128xf32>
    %integer_pow3A = arith.mulf %sub3A_36, %sub3A_36 : vector<2000x128xf32>
    %reduce_sum3A_37 = arith.constant dense<0.000000e+00> : vector<2000xf32>
    %reduce_sum3A_38 = vector.multi_reduction <add>, %integer_pow3A, %reduce_sum3A_37 [1] : vector<2000x128xf32> to vector<2000xf32>
    %broadcast_in_dim3A_39 = vector.shape_cast %reduce_sum3A_38 : vector<2000xf32> to vector<2000x1xf32>
    %div3A_40 = arith.constant 1.280000e+02 : f32
    %div3A_41 = vector.broadcast %div3A_40 : f32 to vector<2000x1xf32>
    %div3A_42 = arith.divf %broadcast_in_dim3A_39, %div3A_41 : vector<2000x1xf32>
    %sub3A_43 = vector.broadcast %div3A_35 : vector<2000x1xf32> to vector<2000x128xf32>
    %sub3A_44 = arith.subf %add3A_32, %sub3A_43 : vector<2000x128xf32>
    %add3A_45 = arith.constant 9.99999974E-6 : f32
    %add3A_46 = vector.broadcast %add3A_45 : f32 to vector<2000x1xf32>
    %add3A_47 = arith.addf %div3A_42, %add3A_46 : vector<2000x1xf32>
    %rsqrt3A = math.rsqrt %add3A_47 : vector<2000x1xf32>
    %mul3A_48 = vector.broadcast %rsqrt3A : vector<2000x1xf32> to vector<2000x128xf32>
    %mul3A_49 = arith.mulf %sub3A_44, %mul3A_48 : vector<2000x128xf32>
    %get3A_50 = arith.constant 0 : index
    %get3A_51 = arith.constant 0 : index
    %get3A_52 = vector.load %arg7[%get3A_50, %get3A_51] : memref<1x128xf32, #tpu.memory_space<vmem>>, vector<1x128xf32>
    %mul3A_53 = vector.broadcast %get3A_52 : vector<1x128xf32> to vector<2000x128xf32>
    %mul3A_54 = arith.mulf %mul3A_49, %mul3A_53 : vector<2000x128xf32>
    %get3A_55 = arith.constant 0 : index
    %get3A_56 = arith.constant 0 : index
    %get3A_57 = vector.load %arg8[%get3A_55, %get3A_56] : memref<1x128xf32, #tpu.memory_space<vmem>>, vector<1x128xf32>
    %add3A_58 = vector.broadcast %get3A_57 : vector<1x128xf32> to vector<2000x128xf32>
    %add3A_59 = arith.addf %mul3A_54, %add3A_58 : vector<2000x128xf32>
    %swap3A = arith.constant 0 : index
    %swap3A_60 = arith.constant 0 : index
    %swap3A_61 = vector.load %arg12[%swap3A, %swap3A_60] : memref<2000x128xf32, #tpu.memory_space<vmem>>, vector<2000x128xf32>
    tpu.vector_store %arg12[%swap3A, %swap3A_60], %add3A_59 {strides = array<i32>} : memref<2000x128xf32, #tpu.memory_space<vmem>>, vector<2000x128xf32>,
    %eq3A = arith.constant 0 : i32
    %eq3A_62 = arith.cmpi eq, %arg0, %eq3A : i32
    %convert_element_type3A = arith.extui %eq3A_62 : i1 to i32
    %cond3A = arith.constant 0 : i32
    %cond3A_63 = arith.cmpi ne, %convert_element_type3A, %cond3A : i32
    scf.if %cond3A_63 {
      %broadcast_in_dim3A_96 = arith.constant 0.000000e+00 : f32
      %broadcast_in_dim3A_97 = vector.broadcast %broadcast_in_dim3A_96 : f32 to vector<128x128xf32>
      %swap3A_98 = arith.constant 0 : index
      %swap3A_99 = arith.constant 0 : index
      %swap3A_100 = vector.load %arg15[%swap3A_98, %swap3A_99] : memref<128x128xf32, #tpu.memory_space<vmem>>, vector<128x128xf32>
      tpu.vector_store %arg15[%swap3A_98, %swap3A_99], %broadcast_in_dim3A_97 {strides = array<i32>} : memref<128x128xf32, #tpu.memory_space<vmem>>, vector<128x128xf32>,
      %broadcast_in_dim3A_101 = arith.constant 0.000000e+00 : f32
      %broadcast_in_dim3A_102 = vector.broadcast %broadcast_in_dim3A_101 : f32 to vector<128x128xf32>
      %swap3A_103 = arith.constant 0 : index
      %swap3A_104 = arith.constant 0 : index
      %swap3A_105 = vector.load %arg16[%swap3A_103, %swap3A_104] : memref<128x128xf32, #tpu.memory_space<vmem>>, vector<128x128xf32>
      tpu.vector_store %arg16[%swap3A_103, %swap3A_104], %broadcast_in_dim3A_102 {strides = array<i32>} : memref<128x128xf32, #tpu.memory_space<vmem>>, vector<128x128xf32>,
    } else {
    }
    %get3A_64 = arith.constant 0 : index
    %get3A_65 = arith.constant 0 : index
    %get3A_66 = vector.load %arg9[%get3A_64, %get3A_65] : memref<2000x1xi32, #tpu.memory_space<vmem>>, vector<2000x1xi32>
    %iota3A = tpu.iota {dimensions = array<i32: 1>} : vector<2000x128xi32>
    %eq3A_67 = vector.broadcast %get3A_66 : vector<2000x1xi32> to vector<2000x128xi32>
    %eq3A_68 = arith.cmpi eq, %eq3A_67, %iota3A : vector<2000x128xi32>
    %convert_element_type3A_69 = arith.extui %eq3A_68 : vector<2000x128xi1> to vector<2000x128xi32>
    %convert_element_type3A_70 = arith.sitofp %convert_element_type3A_69 : vector<2000x128xi32> to vector<2000x128xf32>
    %get3A_71 = arith.constant 0 : index
    %get3A_72 = arith.constant 0 : index
    %get3A_73 = vector.load %arg15[%get3A_71, %get3A_72] : memref<128x128xf32, #tpu.memory_space<vmem>>, vector<128x128xf32>
    %dot_general3A_74 = arith.constant dense<0.000000e+00> : vector<128x128xf32>
    %dot_general3A_75 = tpu.matmul %convert_element_type3A_70, %add3A_59, %dot_general3A_74 {dimension_numbers = #tpu.dot_dimension_numbers<[0], [0], [1], [1], [0, 1, 1, 1], [], []>, precision = #tpu.contract_precision<fp32>, transpose_lhs_hint = false} : vector<2000x128xf32>, vector<2000x128xf32>, vector<128x128xf32> -> vector<128x128xf32>
    %add3A_76 = arith.addf %get3A_73, %dot_general3A_75 : vector<128x128xf32>
    %swap3A_77 = arith.constant 0 : index
    %swap3A_78 = arith.constant 0 : index
    %swap3A_79 = vector.load %arg15[%swap3A_77, %swap3A_78] : memref<128x128xf32, #tpu.memory_space<vmem>>, vector<128x128xf32>
    tpu.vector_store %arg15[%swap3A_77, %swap3A_78], %add3A_76 {strides = array<i32>} : memref<128x128xf32, #tpu.memory_space<vmem>>, vector<128x128xf32>,
    %get3A_80 = arith.constant 0 : index
    %get3A_81 = arith.constant 0 : index
    %get3A_82 = vector.load %arg16[%get3A_80, %get3A_81] : memref<128x128xf32, #tpu.memory_space<vmem>>, vector<128x128xf32>
    %broadcast_in_dim3A_83 = arith.constant 1.000000e+00 : f32
    %broadcast_in_dim3A_84 = vector.broadcast %broadcast_in_dim3A_83 : f32 to vector<2000x128xf32>
    %dot_general3A_85 = arith.constant dense<0.000000e+00> : vector<128x128xf32>
    %dot_general3A_86 = tpu.matmul %convert_element_type3A_70, %broadcast_in_dim3A_84, %dot_general3A_85 {dimension_numbers = #tpu.dot_dimension_numbers<[0], [0], [1], [1], [0, 1, 1, 1], [], []>, precision = #tpu.contract_precision<fp32>, transpose_lhs_hint = false} : vector<2000x128xf32>, vector<2000x128xf32>, vector<128x128xf32> -> vector<128x128xf32>
    %add3A_87 = arith.addf %get3A_82, %dot_general3A_86 : vector<128x128xf32>
    %swap3A_88 = arith.constant 0 : index
    %swap3A_89 = arith.constant 0 : index
    %swap3A_90 = vector.load %arg16[%swap3A_88, %swap3A_89] : memref<128x128xf32, #tpu.memory_space<vmem>>, vector<128x128xf32>
    tpu.vector_store %arg16[%swap3A_88, %swap3A_89], %add3A_87 {strides = array<i32>} : memref<128x128xf32, #tpu.memory_space<vmem>>, vector<128x128xf32>,
    %eq3A_91 = arith.constant 4 : i32
    %eq3A_92 = arith.cmpi eq, %arg0, %eq3A_91 : i32
    %convert_element_type3A_93 = arith.extui %eq3A_92 : i1 to i32
    %cond3A_94 = arith.constant 0 : i32
    %cond3A_95 = arith.cmpi ne, %convert_element_type3A_93, %cond3A_94 : i32
    scf.if %cond3A_95 {
      %get3A_96 = arith.constant 0 : index
      %get3A_97 = arith.constant 0 : index
      %get3A_98 = vector.load %arg15[%get3A_96, %get3A_97] : memref<128x128xf32, #tpu.memory_space<vmem>>, vector<128x128xf32>
      %get3A_99 = arith.constant 0 : index
      %get3A_100 = arith.constant 0 : index
      %get3A_101 = vector.load %arg16[%get3A_99, %get3A_100] : memref<128x128xf32, #tpu.memory_space<vmem>>, vector<128x128xf32>
      %max3A_102 = arith.constant 1.000000e+00 : f32
      %max3A_103 = vector.broadcast %max3A_102 : f32 to vector<128x128xf32>
      %max3A_104 = arith.maximumf %get3A_101, %max3A_103 : vector<128x128xf32>
      %div3A_105 = arith.divf %get3A_98, %max3A_104 : vector<128x128xf32>
      %swap3A_106 = arith.constant 0 : index
      %swap3A_107 = arith.constant 0 : index
      %swap3A_108 = vector.load %arg14[%swap3A_106, %swap3A_107] : memref<128x128xf32, #tpu.memory_space<vmem>>, vector<128x128xf32>
      tpu.vector_store %arg14[%swap3A_106, %swap3A_107], %div3A_105 {strides = array<i32>} : memref<128x128xf32, #tpu.memory_space<vmem>>, vector<128x128xf32>,
      %get3A_109 = arith.constant 0 : index
      %get3A_110 = arith.constant 0 : index
      %get3A_111 = vector.load %arg10[%get3A_109, %get3A_110] : memref<2x128xf32, #tpu.memory_space<vmem>>, vector<2x128xf32>
      %dot_general3A_112 = arith.constant dense<0.000000e+00> : vector<128x2xf32>
      %dot_general3A_113 = tpu.matmul %div3A_105, %get3A_111, %dot_general3A_112 {dimension_numbers = #tpu.dot_dimension_numbers<[1], [1], [0], [0], [0, 0, 1, 0], [], []>, precision = #tpu.contract_precision<fp32>, transpose_lhs_hint = false} : vector<128x128xf32>, vector<2x128xf32>, vector<128x2xf32> -> vector<128x2xf32>
      %get3A_114 = arith.constant 0 : index
      %get3A_115 = arith.constant 0 : index
      %get3A_116 = vector.load %arg11[%get3A_114, %get3A_115] : memref<1x2xf32, #tpu.memory_space<vmem>>, vector<1x2xf32>
      %add3A_117 = vector.broadcast %get3A_116 : vector<1x2xf32> to vector<128x2xf32>
      %add3A_118 = arith.addf %dot_general3A_113, %add3A_117 : vector<128x2xf32>
      %swap3A_119 = arith.constant 0 : index
      %swap3A_120 = arith.constant 0 : index
      %swap3A_121 = vector.load %arg13[%swap3A_119, %swap3A_120] : memref<128x2xf32, #tpu.memory_space<vmem>>, vector<128x2xf32>
      tpu.vector_store %arg13[%swap3A_119, %swap3A_120], %add3A_118 {strides = array<i32>} : memref<128x2xf32, #tpu.memory_space<vmem>>, vector<128x2xf32>,
    } else {
    }
    return
  }
  func.func @transform_0(%arg0: i32) -> (i32, i32, i32) {
    %c0_i32 = arith.constant 0 : i32
    %c0_i32_0 = arith.constant 0 : i32
    %c0_i32_1 = arith.constant 0 : i32
    return %c0_i32, %arg0, %c0_i32_0 : i32, i32, i32
  }
  func.func @transform_1(%arg0: i32) -> (i32, i32) {
    %c0_i32 = arith.constant 0 : i32
    %c0_i32_0 = arith.constant 0 : i32
    return %arg0, %c0_i32 : i32, i32
  }
  func.func @transform_2(%arg0: i32) -> (i32, i32) {
    %c0_i32 = arith.constant 0 : i32
    %c0_i32_0 = arith.constant 0 : i32
    return %arg0, %c0_i32 : i32, i32
  }
  func.func @transform_3(%arg0: i32) -> (i32, i32) {
    %c0_i32 = arith.constant 0 : i32
    %c0_i32_0 = arith.constant 0 : i32
    %c0_i32_1 = arith.constant 0 : i32
    return %c0_i32, %c0_i32_0 : i32, i32
  }
  func.func @transform_4(%arg0: i32) -> (i32, i32) {
    %c0_i32 = arith.constant 0 : i32
    %c0_i32_0 = arith.constant 0 : i32
    %c0_i32_1 = arith.constant 0 : i32
    return %c0_i32, %c0_i32_0 : i32, i32
  }
  func.func @transform_5(%arg0: i32) -> (i32, i32) {
    %c0_i32 = arith.constant 0 : i32
    %c0_i32_0 = arith.constant 0 : i32
    %c0_i32_1 = arith.constant 0 : i32
    return %c0_i32, %c0_i32_0 : i32, i32
  }
  func.func @transform_6(%arg0: i32) -> (i32, i32) {
    %c0_i32 = arith.constant 0 : i32
    %c0_i32_0 = arith.constant 0 : i32
    %c0_i32_1 = arith.constant 0 : i32
    return %c0_i32, %c0_i32_0 : i32, i32
  }
  func.func @transform_7(%arg0: i32) -> (i32, i32) {
    %c0_i32 = arith.constant 0 : i32
    %c0_i32_0 = arith.constant 0 : i32
    %c0_i32_1 = arith.constant 0 : i32
    return %c0_i32, %c0_i32_0 : i32, i32
  }
  func.func @transform_8(%arg0: i32) -> (i32, i32) {
    %c0_i32 = arith.constant 0 : i32
    %c0_i32_0 = arith.constant 0 : i32
    return %arg0, %c0_i32 : i32, i32
  }
  func.func @transform_9(%arg0: i32) -> (i32, i32) {
    %c0_i32 = arith.constant 0 : i32
    %c0_i32_0 = arith.constant 0 : i32
    %c0_i32_1 = arith.constant 0 : i32
    return %c0_i32, %c0_i32_0 : i32, i32
  }
  func.func @transform_10(%arg0: i32) -> (i32, i32) {
    %c0_i32 = arith.constant 0 : i32
    %c0_i32_0 = arith.constant 0 : i32
    %c0_i32_1 = arith.constant 0 : i32
    return %c0_i32, %c0_i32_0 : i32, i32
  }
  func.func @transform_11(%arg0: i32) -> (i32, i32) {
    %c0_i32 = arith.constant 0 : i32
    %c0_i32_0 = arith.constant 0 : i32
    return %arg0, %c0_i32 : i32, i32
  }
  func.func @transform_12(%arg0: i32) -> (i32, i32) {
    %c0_i32 = arith.constant 0 : i32
    %c0_i32_0 = arith.constant 0 : i32
    %c0_i32_1 = arith.constant 0 : i32
    return %c0_i32, %c0_i32_0 : i32, i32
  }
  func.func @transform_13(%arg0: i32) -> (i32, i32) {
    %c0_i32 = arith.constant 0 : i32
    %c0_i32_0 = arith.constant 0 : i32
    %c0_i32_1 = arith.constant 0 : i32
    return %c0_i32, %c0_i32_0 : i32, i32
  }
}

</mosaic_0001>

<sc_bundles>
// kernel: kernel.11.cloned.1.call-start
scs
__scs_entry_jumppad:
0x0: {  	(pc) =	sbr.rel $0x88, $3  }
0x1: {  	(tag) =	ssettag $0x0;
	lr =	simm.s32 $0x1  }
0x2: {  	[smem:$0x3F8D] =	sst lr;
	_ =	strace $0xD0000000  }
0x3: {  	_ = 	snop  }
0x4: {  	_ = 	snop  }
0x5: {  	_ = 	snop  }
0x6: {  	_ = 	snop  }
0x7: {  	_ = 	snop  }
__scs_overlays_trampoline_lowered:
0x8: {  	[smem:$0x3F9C] =	sst s0  }
0x9: {  	[smem:$0x3F9D] =	sst s1  }
0xa: {  	[smem:$0x3F9E] =	sst s2  }
0xb: {  	[smem:$0x3F9F] =	sst s3  }
0xc: {  	[smem:$0x3FA0] =	sst s4  }
0xd: {  	[smem:$0x3FA1] =	sst s5  }
0xe: {  	[smem:$0x3FA2] =	sst s6  }
0xf: {  	[smem:$0x3FA3] =	sst s7  }
0x10: {  	[smem:$0x3FA4] =	sst s8  }
0x11: {  	[smem:$0x3FA5] =	sst s9;
	s0 =	simm.s32 @!p0 $0x0  }
0x12: {  	s1 =	sld [smem:$0x3F8B];
	s0 =	simm.s32 @p0 $0x1  }
0x13: {  	[smem:$0x3FA6] =	sst s0;
	s0 =	simm.s32 @!p1 $0x0  }
0x14: {  	s2 =	sld [smem:$0x3F8A];
	s0 =	simm.s32 @p1 $0x1  }
0x15: {  	[smem:$0x3FA7] =	sst s0;
	s0 =	simm.s32 @!p2 $0x0  }
0x16: {  	s3 =	sld [smem:$0x3FDB];
	s0 =	simm.s32 @p2 $0x1  }
0x17: {  	s4 =	simm.s32 $0x1BF5;
	[smem:$0x3FA9] =	sst s0  }
0x18: {  	s0 =	sld [smem:$0x3F8C];
	_ =	swait.ge [sflag:s4], $0x0  }
0x19: {  	s7 =	sld [smem:$0x3F8D]  }
0x1a: {  	s8 =	sadd.s32 $0xFFFFE003, lr  }
0x1b: {  	s9 =	sadd.s32 $0xFFFFFEF7, lr;
	s5 =	simm.s32 $0xFFFFFFFF;
	p2 =	slt.u32 s8, $0xFFFFF086  }
0x1c: {  	p1 =	slt.u32 s9, $0xF7A;
	s5 =	simm.s32 @!p2 $0x0  }
0x1d: {  	s5 =	simm.s32 @p1 $0x1;
	p0 =	seq.s32 s7, s2  }
0x1e: {  	s7 =	smul.u32 @!p0 $0xF7A, s2;
	p2 =	seq.s32 @!p0 s5, $0x0  }
0x1f: {  	s9 =	smul.u32 $0xF7A, s1;
	s8 =	simm.s32 @!p0 $0x1BF5;
	p2 =	por !p2, p0  }
0x20: {  	[sflag:s8] =	ssyncset.s32 @!p0 $0xFFFFF086;
	s6 =	sadd.s32 @!p0 s3, s7;
	s7 =	simm.s32 @!p0 $0x108  }
0x21: {  	s3 =	sadd.s32 s3, s9;
	s6 =	sadd.s32 @!p0 $0x88, s6;
	s7 =	simm.s32 @p2 $0x1082  }
0x22: {  	[simem:s7], [sflag:s8] =	dma.local @!p0 [hbm:s6], $0xF7A  }
0x23: {  	s9 =	sor.u32 $0xD0000000, s2;
	s6 =	simm.s32 $0x108;
	_ =	swait.ge @!p0 [sflag:s8], $0x0  }
0x24: {  	s3 =	sadd.s32 $0x88, s3;
	s6 =	simm.s32 @!p1 $0x1082;
	[sflag:s4] =	ssyncset.s32 $0xFFFFF086  }
0x25: {  	[simem:s6], [sflag:s4] =	dma.local [hbm:s3], $0xF7A  }
0x26: {  	[smem:$0x3F8D] =	sst s1;
	(tag) =	ssettag s2;
	_ =	strace s9  }
0x27: {  	s1 =	sld [smem:$0x3F9D]  }
0x28: {  	s2 =	sld [smem:$0x3F9E]  }
0x29: {  	s4 =	sld [smem:$0x3FA0]  }
0x2a: {  	p0 =	seq.s32 s5, $0x0;
	s5 =	sld [smem:$0x3FA1]  }
0x2b: {  	s6 =	sld [smem:$0x3FA2]  }
0x2c: {  	s7 =	sld [smem:$0x3FA3]  }
0x2d: {  	s3 =	simm.s32 $0x108;
	s8 =	sld [smem:$0x3FA4]  }
0x2e: {  	s3 =	simm.s32 @!p0 $0x1082;
	s9 =	sld [smem:$0x3FA5]  }
0x2f: {  	lr =	sadd.s32 s0, s3;
	s0 =	sld [smem:$0x3F9C]  }
0x30: {  	s3 =	sld [smem:$0x3F9F]  }
0x31: {  	[smem:$0x3FA8] =	sst s10  }
0x32: {  	s10 =	sld [smem:$0x3FA6];
	_ =	sdelay $0x3  }
0x33: {  	p0 =	seq.s32 s10, $0x1;
	s10 =	sld [smem:$0x3FA8];
	_ =	sdelay $0x3  }
0x34: {  	[smem:$0x3FA8] =	sst s10  }
0x35: {  	s10 =	sld [smem:$0x3FA7];
	_ =	sdelay $0x3  }
0x36: {  	p1 =	seq.s32 s10, $0x1;
	s10 =	sld [smem:$0x3FA8];
	_ =	sdelay $0x3  }
0x37: {  	[smem:$0x3FA8] =	sst s10  }
0x38: {  	s10 =	sld [smem:$0x3FA9]  }
0x39: {  	_ = 	snop;
	(pc) =	sbr.ind lr, $3  }
0x3a: {  	_ = 	snop  }
0x3b: {  	_ = 	snop  }
0x3c: {  	p2 =	seq.s32 s10, $0x1;
	s10 =	sld [smem:$0x3FA8]  }
0x3d: {  	_ =	shalt  }
0x3e: {  	_ =	shalt  }
0x3f: {  	_ =	shalt  }
0x40: {  	_ =	shalt  }
0x41: {  	_ =	shalt  }
0x42: {  	_ =	shalt  }
0x43: {  	_ =	shalt  }
0x44: {  	_ =	shalt  }
0x45: {  	_ =	shalt  }
0x46: {  	_ =	shalt  }
0x47: {  	_ =	shalt  }
0x48: {  	_ =	shalt  }
0x49: {  	_ =	shalt  }
0x4a: {  	_ =	shalt  }
0x4b: {  	_ =	shalt  }
0x4c: {  	_ =	shalt  }
0x4d: {  	_ =	shalt  }
0x4e: {  	_ =	shalt  }
0x4f: {  	_ =	shalt  }
0x50: {  	_ =	shalt  }
0x51: {  	_ =	shalt  }
0x52: {  	_ =	shalt  }
0x53: {  	_ =	shalt  }
0x54: {  	_ =	shalt  }
0x55: {  	_ =	shalt  }
0x56: {  	_ =	shalt  }
0x57: {  	_ =	shalt  }
0x58: {  	_ =	shalt  }
0x59: {  	_ =	shalt  }
0x5a: {  	_ =	shalt  }
0x5b: {  	_ =	shalt  }
0x5c: {  	_ =	shalt  }
0x5d: {  	_ =	shalt  }
0x5e: {  	_ =	shalt  }
0x5f: {  	_ =	shalt  }
0x60: {  	_ =	shalt  }
0x61: {  	_ =	shalt  }
0x62: {  	_ =	shalt  }
0x63: {  	_ =	shalt  }
0x64: {  	_ =	shalt  }
0x65: {  	_ =	shalt  }
0x66: {  	_ =	shalt  }
0x67: {  	_ =	shalt  }
0x68: {  	_ =	shalt  }
0x69: {  	_ =	shalt  }
0x6a: {  	_ =	shalt  }
0x6b: {  	_ =	shalt  }
0x6c: {  	_ =	shalt  }
0x6d: {  	_ =	shalt  }
0x6e: {  	_ =	shalt  }
0x6f: {  	_ =	shalt  }
0x70: {  	_ =	shalt  }
0x71: {  	_ =	shalt  }
0x72: {  	_ =	shalt  }
0x73: {  	_ =	shalt  }
0x74: {  	_ =	shalt  }
0x75: {  	_ =	shalt  }
0x76: {  	_ =	shalt  }
0x77: {  	_ =	shalt  }
0x78: {  	_ =	shalt  }
0x79: {  	_ =	shalt  }
0x7a: {  	_ =	shalt  }
0x7b: {  	_ =	shalt  }
0x7c: {  	_ =	shalt  }
0x7d: {  	_ =	shalt  }
0x7e: {  	_ =	shalt  }
0x7f: {  	_ =	shalt  }
0x80: {  	_ =	shalt  }
0x81: {  	_ =	shalt  }
0x82: {  	_ =	shalt  }
0x83: {  	_ =	shalt  }
0x84: {  	_ =	shalt  }
0x85: {  	_ =	shalt  }
0x86: {  	_ =	shalt  }
0x87: {  	_ =	shalt  }
.Lfunc_end0:
.L_simem_size_0:
called_computation.1_lowered:
.L_overlay_start_0:
0x88: {  	s2 =	sld [smem:$0x3FD9]  }
0x89: {  	s3 =	sld [smem:$0x3FFE];
	_ =	sdelay $0x1  }
0x8a: {  	s1 =	srdreg.scid  }
0x8b: {  	s0 =	sand.u32 $0x1, s1  }
0x8c: {  	s14 =	sshll.u32 s0, $0xA;
	s2 =	sadd.s32 s3, s2  }
0x8d: {  	s2 =	sadd.s32 s2, s14  }
0x8e: {  	[smem:$0x3FB4] =	sst s2  }
0x8f: {  	_ = 	snop  }
0x90: {  	s2 =	sld [smem:$0x3FD0];
	_ =	sdelay $0x2  }
0x91: {  	s15 =	simm.s32 $0xA;
	s4 =	simm.s32 $0x10  }
0x92: {  	[smem:s4], [sflag:s15] =	dma.local [hbm:s2], $0x1  }
0x93: {  	_ =	swait.eq [sflag:s15], $0x1  }
0x94: {  	[sflag:s15] =	ssyncset.done $0x0  }
0x95: {  	[sflag:s15] =	ssyncadd.s32 $0xFFFFFFFF  }
0x96: {  	s16 =	sld [smem:$0x11];
	(tm) =	ssettm $0x1  }
0x97: {  	s17 =	sld [smem:$0x3FFB];
	_ =	sdelay $0x3  }
0x98: {  	_ =	strace s17  }
0x99: {  	s3 =	sld [smem:$0x3FFC];
	_ =	sdelay $0x3  }
0x9a: {  	_ =	strace s3  }
0x9b: {  	s3 =	sld [smem:$0x3FFD];
	_ =	sdelay $0x3  }
0x9c: {  	_ =	strace s3  }
0x9d: {  	_ =	strace $0x8FFFFFFF  }
0x9e: {  	s18 =	sld [smem:$0x3FDB];
	_ =	sdelay $0x1  }
0x9f: {  	s19 =	simm.s32 $_scs_section_size  }
0xa0: {  	s5 =	simm.s32 $_size__tile_overlayer_lowered;
	s6 =	simm.s32 $_tile_overlayer_lowered  }
0xa1: {  	s22 =	simm.s32 $0x1BFF;
	s21 =	sshll.u32 s6, $0x1;
	s3 =	sadd.s32 s19, s18  }
0xa2: {  	s7 =	simm.s32 $0x0;
	s20 =	sshll.u32 s5, $0x1;
	s5 =	sadd.s32 s21, s3  }
0xa3: {  	[timem:s7], [sflag:s22] =	dma.local [hbm:s5], s20  }
0xa4: {  	_ =	swait.ge [sflag:s22], s20  }
0xa5: {  	s4 =	ssub.s32 $0x0, s20;
	[sflag:s22] =	ssyncset.done $0x0  }
0xa6: {  	[sflag:s22] =	ssyncadd.s32 s4;
	_ =	sdelay $0x1  }
0xa7: {  	s23 =	simm.s32 $0x1B8B  }
0xa8: {  	_ =	swait.ge [sflag:s23], $0x1  }
0xa9: {  	[sflag:s23] =	ssyncset.done $0x0  }
0xaa: {  	s25 =	simm.s32 $0x1B8E;
	s24 =	sld [smem:$0x3FFE];
	[sflag:s23] =	ssyncadd.s32 $0xFFFFFFFF  }
0xab: {  	s26 =	simm.s32 $execute0_lowered;
	[smem:$0x3FD2] =	sst s25  }
0xac: {  	s5 =	sshll.u32 s26, $0x1;
	_ =	strace $0x80000049;
	[dreg:$0x1] =	wrdreg $0xFFFFFFFF  }
0xad: {  	s28 =	simm.s32 $_size_execute0_lowered;
	s3 =	sadd.s32 s3, s5;
	[dreg:$0x0] =	wrdreg $0x0  }
0xae: {  	s5 =	sshll.u32 s28, $0x1;
	[dreg:$0x2] =	wrdreg s3  }
0xaf: {  	[dreg:$0x3] =	wrdreg s5  }
0xb0: {  	[dreg:$0x4] =	wrdreg $0xC0  }
0xb1: {  	_ =	task [dreg:s7], $0x5FFFF  }
0xb2: {  	[dreg:$0x1] =	wrdreg $0xFFFFFFFF  }
0xb3: {  	[dreg:$0x0] =	wrdreg $0x60  }
0xb4: {  	[dreg:$0x2] =	wrdreg s16  }
0xb5: {  	[dreg:$0x3] =	wrdreg s24  }
0xb6: {  	[dreg:$0x4] =	wrdreg $0xC6200  }
0xb7: {  	[dreg:$0x5] =	wrdreg $0x9  }
0xb8: {  	_ =	task.clear_ibuf [dreg:s7], $0x6FFFF;
	_ =	strace $0x90000049  }
0xb9: {  	s29 =	simm.s32 $0x9;
	_ =	strace $0x8000004B  }
0xba: {  	_ =	swait.ge [sflag:s29], $0x1  }
0xbb: {  	[sflag:s29] =	ssyncadd.s32 $0xFFFFFFFF  }
0xbc: {  	_ =	strace $0x9000004B  }
0xbd: {  	_ =	sfence  }
0xbe: {  	s30 =	sld [smem:$0x0];
	_ =	sdelay $0x2  }
0xbf: {  	s31 =	sshll.u32 s1, $0xD;
	s1 =	sshrl.u32 s1, $0x2  }
0xc0: {  	s3 =	sand.u32 $0x4000, s31;
	s1 =	sadd.s32 s1, s30  }
0xc1: {  	s0 =	sor.u32 s3, s0;
	s1 =	sshll.u32 s1, $0x11  }
0xc2: {  	s0 =	sor.u32 s1, s0  }
0xc3: {  	s0 =	sadd.s32 $0x8F2B, s0  }
0xc4: {  	[sflag:s0] =	ssyncadd.remote.s32 $0x1  }
0xc5: {  	_ =	sfence.sel $0xFFFF  }
0xc6: {  	[dreg:$0x0] =	wrdreg $0xFFFFFFFF;
	(pc) =	sbr.abs _section_cstart, $3  }
0xc7: {  	[dreg:$0x1] =	wrdreg $0xFFFFFFFF  }
0xc8: {  	_ =	task.clear_ibuf [dreg:s7], $0x2FFFF;
	_ =	strace $0x9FFFFFFF  }
0xc9: {  	(tm) =	ssettm $0x7FFFFFFF  }
tec
execute0_lowered:
.L_overlay_start_1:
0x0: {  	(tag) =	ssettag $0x1  }
0x1: {  	s1 =	rddreg [dreg:$0x0]  }
0x2: {  	s6 =	rddreg [dreg:$0x1]  }
0x3: {  	s2 =	srdreg.scid;
	s0 =	stileid.u32  }
0x4: {  	s3 =	rddreg [dreg:$0x2];
	s4 =	simm.s32 $0x0;
	s17 =	simm.s32 $0x7850  }
0x5: {  	s18 =	simm.s32 $0x2800;
	s19 =	simm.s32 $0x3;
	s20 =	simm.s32 $0x5000  }
0x6: {  	s21 =	simm.s32 $0x6;
	s22 =	simm.s32 $0x4;
	s23 =	simm.s32 $0x5  }
0x7: {  	s24 =	simm.s32 $0x2;
	s25 =	simm.s32 $0x1;
	s26 =	simm.s32 $0x0  }
0x8: {  	s7 =	sand.u32 $0x1, s2;
	s5 =	sshll.u32 s0, $0x1;
	s10 =	smul.u32 $0x2700, s0  }
0x9: {  	[smem:$0x7FF] =	sst s4;
	s12 =	smul.u32 $0x4E000, s0;
	s13 =	sadd.s32 $0x1A400, s6  }
0xa: {  	s30 =	sshll.u32 s0, $0x6;
	s16 =	sadd.s32 $0x138000, s3;
	p0 =	sne.s32 s0, $0xF  }
0xb: {  	s5 =	sor.u32 s7, s5;
	s9 =	ssub.s32 $0x2, s7;
	s28 =	smul.u32 $0x27100, s7  }
0xc: {  	_ =	strace $0x8000004A;
	s14 =	smul.u32 $0x138800, s7;
	s11 =	sshrl.u32 s9, $0x1  }
0xd: {  	s5 =	smul.u32 $0x4E2, s5;
	s29 =	sshrl.u32 s12, $0x2;
	s11 =	ssub.s32 s9, s11  }
0xe: {  	s15 =	sadd.s32 s29, s3;
	s9 =	sadd.s32 s10, s28;
	s31 =	sshrl.u32 s14, $0x3  }
.Ltmp0:
0xf: {  	s14 =	sshrl.u32 @!p0 s16, $0x3;
	s16 =	simm.s32 $0x50;
	(pc) =	sbr.rel .LBB2_1-.Ltmp0, $4  }
0x10: {  	s8 =	sadd.s32 s5, s6;
	s5 =	sadd.s32 $0x17C00, s6;
	s6 =	sor.u32 $0x1C07, s30  }
0x11: {  	s9 =	sadd.s32 s13, s9;
	s10 =	sadd.s32 s13, s31;
	s11 =	smax.u32 s11, $0x1  }
0x12: {  	s12 =	sshrl.u32 s15, $0x3;
	s13 =	simm.s32 $0x7;
	s15 =	simm.s32 $0x7800  }
0x13: {  	s7 =	sadd.s32 $0xDE00, s8;
	s8 =	sadd.s32 $0x4000, s8;
	s10 =	sadd.s32 $0x27000, s10  }
.LBB2_8:
0x14: {  	_ =	swait.ge [sflag:s21], $0x2800  }
0x15: {  	[sflag:s21] =	ssyncset.done $0x0  }
0x16: {  	[sflag:s21] =	ssyncadd.s32 $0xFFFFD800  }
0x17: {  	_ =	swait.ge [sflag:s22], $0x2800  }
0x18: {  	[sflag:s22] =	ssyncset.done $0x0  }
0x19: {  	[sflag:s22] =	ssyncadd.s32 $0xFFFFD800  }
0x1a: {  	_ =	swait.ge [sflag:s23], $0x2800  }
0x1b: {  	[sflag:s23] =	ssyncset.done $0x0  }
0x1c: {  	[sflag:s23] =	ssyncadd.s32 $0xFFFFD800  }
0x1d: {  	[bflag:$0x0] =	sbarrier.arrive $0xFFFF  }
0x1e: {  	[hbm:s9], [sflag:s6] =	dma.local [spmem:s12], $0x2700  }
0x1f: {  	s26 =	sadd.s32 $0x1, s26;
	_ =	swait.ge [sflag:s13], $0x2700  }
0x20: {  	p1 =	sne.s32 s26, s11;
	[sflag:s13] =	ssyncset.done $0x0  }
.Ltmp1:
0x21: {  	s2 =	simm.s32 @!p0 $0x7;
	[sflag:s13] =	ssyncadd.s32 $0xFFFFD900;
	(pc) =	sbr.rel @!p1 .LBB2_9-.Ltmp1, $4  }
0x22: {  	[hbm:s10], [sflag:s6] =	dma.local @!p0 [spmem:s14], $0x100  }
0x23: {  	_ =	swait.ge @!p0 [sflag:s2], $0x100  }
0x24: {  	[sflag:s2] =	ssyncset.done @!p0 $0x0  }
0x25: {  	[sflag:s2] =	ssyncadd.s32 @!p0 $0xFFFFFF00  }
.LBB2_1:
0x26: {  	[spmem:s12], [sflag:s6] =	dma.local [hbm:s5], $0x2700  }
0x27: {  	_ =	swait.ge [sflag:s13], $0x2700  }
0x28: {  	[sflag:s13] =	ssyncset.done $0x0  }
0x29: {  	s28 =	simm.s32 @!p0 $0x7;
	[sflag:s13] =	ssyncadd.s32 $0xFFFFD900  }
0x2a: {  	[spmem:s14], [sflag:s6] =	dma.local @!p0 [hbm:s5], $0x100  }
0x2b: {  	_ =	swait.ge @!p0 [sflag:s28], $0x100  }
0x2c: {  	[sflag:s28] =	ssyncset.done @!p0 $0x0  }
0x2d: {  	[sflag:s28] =	ssyncadd.s32 @!p0 $0xFFFFFF00  }
0x2e: {  	[bflag:$0x0] =	sbarrier.arrive $0xFFFF  }
0x2f: {  	[tilespmem:s15], [sflag:$0x7] =	stream.linear.gather [hbm4b:s7+s4], $0x2710, $0x38;
	[tilespmem:$0x1FEA0] =	vst v63  }
0x30: {  	_ =	swait.ge [sflag:s13], $0x2710  }
0x31: {  	[sflag:s13] =	ssyncset.done $0x0  }
0x32: {  	s28 =	simm.s32 $0x9F10;
	[sflag:s13] =	ssyncadd.s32 $0xFFFFD8F0  }
0x33: {  	[tilespmem:s28], [sflag:$0x7] =	stream.linear.gather [hbm4b:s8+s4], $0x2710, $0x38;
	[tilespmem:$0x1FEA0] =	vst v63  }
0x34: {  	_ =	swait.ge [sflag:s13], $0x2710  }
.Ltmp2:
0x35: {  	[sflag:s13] =	ssyncset.done $0x0;
	(pc) =	sbr.rel .LBB2_2-.Ltmp2, $4  }
0x36: {  	[sflag:s13] =	ssyncadd.s32 $0xFFFFD8F0  }
0x37: {  	[tilespmem:s4], [sflag:$0x1] =	stream.indirect.gather [hbm4b:s1+s16], $0x80, s15, s16, $0xb8;
	[tilespmem:$0x1FEA0] =	vst v63  }
0x38: {  	s29 =	simm.s32 $0x78A0;
	s30 =	simm.s32 $0x0  }
0x39: {  	[tilespmem:s18], [sflag:$0x2] =	stream.indirect.gather [hbm4b:s1+s16], $0x80, s17, s16, $0xb8;
	[tilespmem:$0x1FEA0] =	vst v63  }
.LBB2_6:
0x3a: {  	p1 =	sgt.u32 s30, $0x7A  }
0x3b: {  	s2 =	simm.s32 @!p1 $0x5  }
0x3c: {  	_ =	swait.ge @!p1 [sflag:s2], $0x2800  }
0x3d: {  	[sflag:s2] =	ssyncset.done @!p1 $0x0  }
0x3e: {  	s31 =	simm.s32 @!p1 $0x2800;
	[sflag:s2] =	ssyncadd.s32 @!p1 $0xFFFFD800;
	s2 =	simm.s32 @!p1 $0x50  }
0x3f: {  	[tilespmem:s31], [sflag:$0x2] =	stream.indirect.gather @!p1 [hbm4b:s1+s2], $0x80, s29, s2, $0xb8;
	[tilespmem:$0x1FEA0] =	vst v63  }
0x40: {  	_ =	swait.ge [sflag:s19], $0x2800  }
0x41: {  	[sflag:s19] =	ssyncset.done $0x0  }
0x42: {  	[sflag:s19] =	ssyncadd.s32 $0xFFFFD800  }
0x43: {  	[spmem:s3] =	stream.indirect.scatter.add.f32 [tilespmem:s20], [sflag:$0x6], $0x80, s28, s16, $0xb8;
	[tilespmem:$0x1FEA0] =	vst v63  }
.LBB2_7:
0x44: {  	s30 =	sadd.s32 $0x1, s30  }
0x45: {  	p1 =	sne.s32 s30, $0x7D  }
.Ltmp3:
0x46: {  	_ = 	snop;
	(pc) =	sbr.rel @!p1 .LBB2_8-.Ltmp3, $2  }
0x47: {  	_ =	sdelay $0x2  }
0x48: {  	s28 =	sadd.s32 $0x50, s28;
	s29 =	sadd.s32 $0x50, s29  }
.LBB2_2:
0x49: {  	s31 =	smul.u32 $0xAB, s30;
	_ =	sdelay $0x1  }
0x4a: {  	s31 =	sshrl.u32 s31, $0x9  }
0x4b: {  	s31 =	sand.u32 $0x7F, s31  }
0x4c: {  	s31 =	smul.u32 $0x3, s31;
	_ =	sdelay $0x1  }
0x4d: {  	s31 =	ssub.s32 s30, s31  }
0x4e: {  	s31 =	sand.u32 $0xFF, s31  }
0x4f: {  	p1 =	seq.s32 s31, $0x2  }
.Ltmp4:
0x50: {  	_ = 	snop;
	(pc) =	sbr.rel @p1 .LBB2_6-.Ltmp4, $1  }
0x51: {  	_ =	sdelay $0x3  }
0x52: {  	p1 =	seq.s32 s31, $0x1  }
.Ltmp5:
0x53: {  	_ = 	snop;
	(pc) =	sbr.rel @!p1 .LBB2_4-.Ltmp5, $1  }
0x54: {  	_ =	sdelay $0x3  }
0x55: {  	p1 =	sgt.u32 s30, $0x7A  }
0x56: {  	s2 =	simm.s32 @!p1 $0x4  }
0x57: {  	_ =	swait.ge @!p1 [sflag:s2], $0x2800  }
0x58: {  	[sflag:s2] =	ssyncset.done @!p1 $0x0  }
0x59: {  	s31 =	simm.s32 @!p1 $0x0;
	[sflag:s2] =	ssyncadd.s32 @!p1 $0xFFFFD800;
	s2 =	simm.s32 @!p1 $0x50  }
0x5a: {  	[tilespmem:s31], [sflag:$0x1] =	stream.indirect.gather @!p1 [hbm4b:s1+s2], $0x80, s29, s2, $0xb8;
	[tilespmem:$0x1FEA0] =	vst v63  }
.Ltmp6:
0x5b: {  	_ = 	snop;
	(pc) =	sbr.rel .LBB2_7-.Ltmp6, $4  }
0x5c: {  	_ =	swait.ge [sflag:s24], $0x2800  }
0x5d: {  	[sflag:s24] =	ssyncset.done $0x0  }
0x5e: {  	[sflag:s24] =	ssyncadd.s32 $0xFFFFD800  }
0x5f: {  	[spmem:s3] =	stream.indirect.scatter.add.f32 [tilespmem:s18], [sflag:$0x5], $0x80, s28, s16, $0xb8;
	[tilespmem:$0x1FEA0] =	vst v63  }
.LBB2_4:
0x60: {  	p1 =	sgt.u32 s30, $0x7A  }
0x61: {  	p2 =	seq.s32 @!p1 s30, $0x0  }
0x62: {  	p2 =	por p2, p1  }
0x63: {  	s31 =	simm.s32 @!p2 $0x6  }
0x64: {  	_ =	swait.ge @!p2 [sflag:s31], $0x2800  }
0x65: {  	[sflag:s31] =	ssyncset.done @!p2 $0x0  }
0x66: {  	s2 =	simm.s32 @!p1 $0x5000;
	[sflag:s31] =	ssyncadd.s32 @!p2 $0xFFFFD800;
	s31 =	simm.s32 @!p1 $0x50  }
0x67: {  	[tilespmem:s2], [sflag:$0x3] =	stream.indirect.gather @!p1 [hbm4b:s1+s31], $0x80, s29, s31, $0xb8;
	[tilespmem:$0x1FEA0] =	vst v63  }
.Ltmp7:
0x68: {  	_ = 	snop;
	(pc) =	sbr.rel .LBB2_7-.Ltmp7, $4  }
0x69: {  	_ =	swait.ge [sflag:s25], $0x2800  }
0x6a: {  	[sflag:s25] =	ssyncset.done $0x0  }
0x6b: {  	[sflag:s25] =	ssyncadd.s32 $0xFFFFD800  }
0x6c: {  	[spmem:s3] =	stream.indirect.scatter.add.f32 [tilespmem:s4], [sflag:$0x4], $0x80, s28, s16, $0xb8;
	[tilespmem:$0x1FEA0] =	vst v63  }
.LBB2_9:
0x6d: {  	_ =	sfence.sel $0x180000  }
0x6e: {  	[bflag:$0x0] =	sbarrier.arrive $0xFFFF  }
0x6f: {  	_ =	strace $0x9000004A  }
0x70: {  	[bflag:$0x2] =	sbarrier.arrive $0xFFFF  }
0x71: {  	p0 =	sne.s32 s0, $0x0;
	s0 =	rddreg [dreg:$0x3]  }
0x72: {  	s0 =	sadd.s32 @!p0 $0x100000, s0  }
0x73: {  	[sflag:s0] =	ssyncadd.tile.s32 @!p0 $0x1;
	_ =	shalt  }
.Lfunc_end2:
_tile_overlayer_lowered:
.L_overlay_start_2:
0x74: {  	(tag) =	ssettag $0x2  }
0x75: {  	s0 =	rddreg [dreg:$0x0];
	s2 =	stileid.u32  }
0x76: {  	s1 =	rddreg [dreg:$0x1];
	p0 =	sne.s32 s2, $0x0  }
0x77: {  	s3 =	rddreg [dreg:$0x2];
	[bflag:$0x3] =	sbarrier.arrive $0xFFFF;
	s2 =	simm.s32 @!p0 $0x1C07  }
0x78: {  	[timem:s3], [sflag:s2] =	dma.local @!p0 [hbm:s0], s1  }
0x79: {  	s0 =	simm.s32 @!p0 $0x7  }
0x7a: {  	_ =	swait.ge @!p0 [sflag:s0], s1  }
0x7b: {  	s1 =	ssub.s32 @!p0 $0x0, s1;
	[sflag:s0] =	ssyncset.done @!p0 $0x0  }
0x7c: {  	[sflag:s0] =	ssyncadd.s32 @!p0 s1  }
0x7d: {  	[bflag:$0x3] =	sbarrier.arrive $0xFFFF  }
0x7e: {  	_ =	shalt  }

// kernel: kernel.14.cloned.1.call-start
scs
__scs_entry_jumppad:
0x0: {  	(pc) =	sbr.rel $0x88, $3  }
0x1: {  	(tag) =	ssettag $0x0;
	lr =	simm.s32 $0x1  }
0x2: {  	[smem:$0x3F8D] =	sst lr;
	_ =	strace $0xD0000000  }
0x3: {  	_ = 	snop  }
0x4: {  	_ = 	snop  }
0x5: {  	_ = 	snop  }
0x6: {  	_ = 	snop  }
0x7: {  	_ = 	snop  }
__scs_overlays_trampoline_lowered:
0x8: {  	[smem:$0x3F9C] =	sst s0  }
0x9: {  	[smem:$0x3F9D] =	sst s1  }
0xa: {  	[smem:$0x3F9E] =	sst s2  }
0xb: {  	[smem:$0x3F9F] =	sst s3  }
0xc: {  	[smem:$0x3FA0] =	sst s4  }
0xd: {  	[smem:$0x3FA1] =	sst s5  }
0xe: {  	[smem:$0x3FA2] =	sst s6  }
0xf: {  	[smem:$0x3FA3] =	sst s7  }
0x10: {  	[smem:$0x3FA4] =	sst s8  }
0x11: {  	[smem:$0x3FA5] =	sst s9;
	s0 =	simm.s32 @!p0 $0x0  }
0x12: {  	s1 =	sld [smem:$0x3F8B];
	s0 =	simm.s32 @p0 $0x1  }
0x13: {  	[smem:$0x3FA6] =	sst s0;
	s0 =	simm.s32 @!p1 $0x0  }
0x14: {  	s2 =	sld [smem:$0x3F8A];
	s0 =	simm.s32 @p1 $0x1  }
0x15: {  	[smem:$0x3FA7] =	sst s0;
	s0 =	simm.s32 @!p2 $0x0  }
0x16: {  	s3 =	sld [smem:$0x3FDB];
	s0 =	simm.s32 @p2 $0x1  }
0x17: {  	s4 =	simm.s32 $0x1BF5;
	[smem:$0x3FA9] =	sst s0  }
0x18: {  	s0 =	sld [smem:$0x3F8C];
	_ =	swait.ge [sflag:s4], $0x0  }
0x19: {  	s7 =	sld [smem:$0x3F8D]  }
0x1a: {  	s8 =	sadd.s32 $0xFFFFE003, lr  }
0x1b: {  	s9 =	sadd.s32 $0xFFFFFEF7, lr;
	s5 =	simm.s32 $0xFFFFFFFF;
	p2 =	slt.u32 s8, $0xFFFFF086  }
0x1c: {  	p1 =	slt.u32 s9, $0xF7A;
	s5 =	simm.s32 @!p2 $0x0  }
0x1d: {  	s5 =	simm.s32 @p1 $0x1;
	p0 =	seq.s32 s7, s2  }
0x1e: {  	s7 =	smul.u32 @!p0 $0xF7A, s2;
	p2 =	seq.s32 @!p0 s5, $0x0  }
0x1f: {  	s9 =	smul.u32 $0xF7A, s1;
	s8 =	simm.s32 @!p0 $0x1BF5;
	p2 =	por !p2, p0  }
0x20: {  	[sflag:s8] =	ssyncset.s32 @!p0 $0xFFFFF086;
	s6 =	sadd.s32 @!p0 s3, s7;
	s7 =	simm.s32 @!p0 $0x108  }
0x21: {  	s3 =	sadd.s32 s3, s9;
	s6 =	sadd.s32 @!p0 $0x88, s6;
	s7 =	simm.s32 @p2 $0x1082  }
0x22: {  	[simem:s7], [sflag:s8] =	dma.local @!p0 [hbm:s6], $0xF7A  }
0x23: {  	s9 =	sor.u32 $0xD0000000, s2;
	s6 =	simm.s32 $0x108;
	_ =	swait.ge @!p0 [sflag:s8], $0x0  }
0x24: {  	s3 =	sadd.s32 $0x88, s3;
	s6 =	simm.s32 @!p1 $0x1082;
	[sflag:s4] =	ssyncset.s32 $0xFFFFF086  }
0x25: {  	[simem:s6], [sflag:s4] =	dma.local [hbm:s3], $0xF7A  }
0x26: {  	[smem:$0x3F8D] =	sst s1;
	(tag) =	ssettag s2;
	_ =	strace s9  }
0x27: {  	s1 =	sld [smem:$0x3F9D]  }
0x28: {  	s2 =	sld [smem:$0x3F9E]  }
0x29: {  	s4 =	sld [smem:$0x3FA0]  }
0x2a: {  	p0 =	seq.s32 s5, $0x0;
	s5 =	sld [smem:$0x3FA1]  }
0x2b: {  	s6 =	sld [smem:$0x3FA2]  }
0x2c: {  	s7 =	sld [smem:$0x3FA3]  }
0x2d: {  	s3 =	simm.s32 $0x108;
	s8 =	sld [smem:$0x3FA4]  }
0x2e: {  	s3 =	simm.s32 @!p0 $0x1082;
	s9 =	sld [smem:$0x3FA5]  }
0x2f: {  	lr =	sadd.s32 s0, s3;
	s0 =	sld [smem:$0x3F9C]  }
0x30: {  	s3 =	sld [smem:$0x3F9F]  }
0x31: {  	[smem:$0x3FA8] =	sst s10  }
0x32: {  	s10 =	sld [smem:$0x3FA6];
	_ =	sdelay $0x3  }
0x33: {  	p0 =	seq.s32 s10, $0x1;
	s10 =	sld [smem:$0x3FA8];
	_ =	sdelay $0x3  }
0x34: {  	[smem:$0x3FA8] =	sst s10  }
0x35: {  	s10 =	sld [smem:$0x3FA7];
	_ =	sdelay $0x3  }
0x36: {  	p1 =	seq.s32 s10, $0x1;
	s10 =	sld [smem:$0x3FA8];
	_ =	sdelay $0x3  }
0x37: {  	[smem:$0x3FA8] =	sst s10  }
0x38: {  	s10 =	sld [smem:$0x3FA9]  }
0x39: {  	_ = 	snop;
	(pc) =	sbr.ind lr, $3  }
0x3a: {  	_ = 	snop  }
0x3b: {  	_ = 	snop  }
0x3c: {  	p2 =	seq.s32 s10, $0x1;
	s10 =	sld [smem:$0x3FA8]  }
0x3d: {  	_ =	shalt  }
0x3e: {  	_ =	shalt  }
0x3f: {  	_ =	shalt  }
0x40: {  	_ =	shalt  }
0x41: {  	_ =	shalt  }
0x42: {  	_ =	shalt  }
0x43: {  	_ =	shalt  }
0x44: {  	_ =	shalt  }
0x45: {  	_ =	shalt  }
0x46: {  	_ =	shalt  }
0x47: {  	_ =	shalt  }
0x48: {  	_ =	shalt  }
0x49: {  	_ =	shalt  }
0x4a: {  	_ =	shalt  }
0x4b: {  	_ =	shalt  }
0x4c: {  	_ =	shalt  }
0x4d: {  	_ =	shalt  }
0x4e: {  	_ =	shalt  }
0x4f: {  	_ =	shalt  }
0x50: {  	_ =	shalt  }
0x51: {  	_ =	shalt  }
0x52: {  	_ =	shalt  }
0x53: {  	_ =	shalt  }
0x54: {  	_ =	shalt  }
0x55: {  	_ =	shalt  }
0x56: {  	_ =	shalt  }
0x57: {  	_ =	shalt  }
0x58: {  	_ =	shalt  }
0x59: {  	_ =	shalt  }
0x5a: {  	_ =	shalt  }
0x5b: {  	_ =	shalt  }
0x5c: {  	_ =	shalt  }
0x5d: {  	_ =	shalt  }
0x5e: {  	_ =	shalt  }
0x5f: {  	_ =	shalt  }
0x60: {  	_ =	shalt  }
0x61: {  	_ =	shalt  }
0x62: {  	_ =	shalt  }
0x63: {  	_ =	shalt  }
0x64: {  	_ =	shalt  }
0x65: {  	_ =	shalt  }
0x66: {  	_ =	shalt  }
0x67: {  	_ =	shalt  }
0x68: {  	_ =	shalt  }
0x69: {  	_ =	shalt  }
0x6a: {  	_ =	shalt  }
0x6b: {  	_ =	shalt  }
0x6c: {  	_ =	shalt  }
0x6d: {  	_ =	shalt  }
0x6e: {  	_ =	shalt  }
0x6f: {  	_ =	shalt  }
0x70: {  	_ =	shalt  }
0x71: {  	_ =	shalt  }
0x72: {  	_ =	shalt  }
0x73: {  	_ =	shalt  }
0x74: {  	_ =	shalt  }
0x75: {  	_ =	shalt  }
0x76: {  	_ =	shalt  }
0x77: {  	_ =	shalt  }
0x78: {  	_ =	shalt  }
0x79: {  	_ =	shalt  }
0x7a: {  	_ =	shalt  }
0x7b: {  	_ =	shalt  }
0x7c: {  	_ =	shalt  }
0x7d: {  	_ =	shalt  }
0x7e: {  	_ =	shalt  }
0x7f: {  	_ =	shalt  }
0x80: {  	_ =	shalt  }
0x81: {  	_ =	shalt  }
0x82: {  	_ =	shalt  }
0x83: {  	_ =	shalt  }
0x84: {  	_ =	shalt  }
0x85: {  	_ =	shalt  }
0x86: {  	_ =	shalt  }
0x87: {  	_ =	shalt  }
.Lfunc_end0:
.L_simem_size_0:
called_computation.2_lowered:
.L_overlay_start_0:
0x88: {  	s2 =	sld [smem:$0x3FD9]  }
0x89: {  	s3 =	sld [smem:$0x3FFE];
	_ =	sdelay $0x1  }
0x8a: {  	s1 =	srdreg.scid  }
0x8b: {  	s0 =	sand.u32 $0x1, s1  }
0x8c: {  	s14 =	sshll.u32 s0, $0xA;
	s2 =	sadd.s32 s3, s2  }
0x8d: {  	s2 =	sadd.s32 s2, s14  }
0x8e: {  	[smem:$0x3FB4] =	sst s2  }
0x8f: {  	_ = 	snop  }
0x90: {  	s2 =	sld [smem:$0x3FD0];
	_ =	sdelay $0x2  }
0x91: {  	s15 =	simm.s32 $0xA;
	s4 =	simm.s32 $0x10  }
0x92: {  	[smem:s4], [sflag:s15] =	dma.local [hbm:s2], $0x1  }
0x93: {  	_ =	swait.eq [sflag:s15], $0x1  }
0x94: {  	[sflag:s15] =	ssyncset.done $0x0  }
0x95: {  	[sflag:s15] =	ssyncadd.s32 $0xFFFFFFFF  }
0x96: {  	s16 =	sld [smem:$0x11];
	(tm) =	ssettm $0x1  }
0x97: {  	s17 =	sld [smem:$0x3FFB];
	_ =	sdelay $0x3  }
0x98: {  	_ =	strace s17  }
0x99: {  	s3 =	sld [smem:$0x3FFC];
	_ =	sdelay $0x3  }
0x9a: {  	_ =	strace s3  }
0x9b: {  	s3 =	sld [smem:$0x3FFD];
	_ =	sdelay $0x3  }
0x9c: {  	_ =	strace s3  }
0x9d: {  	_ =	strace $0x8FFFFFFF  }
0x9e: {  	s18 =	sld [smem:$0x3FDB];
	_ =	sdelay $0x1  }
0x9f: {  	s19 =	simm.s32 $_scs_section_size  }
0xa0: {  	s5 =	simm.s32 $_size__tile_overlayer_lowered;
	s6 =	simm.s32 $_tile_overlayer_lowered  }
0xa1: {  	s22 =	simm.s32 $0x1BFF;
	s21 =	sshll.u32 s6, $0x1;
	s3 =	sadd.s32 s19, s18  }
0xa2: {  	s7 =	simm.s32 $0x0;
	s20 =	sshll.u32 s5, $0x1;
	s5 =	sadd.s32 s21, s3  }
0xa3: {  	[timem:s7], [sflag:s22] =	dma.local [hbm:s5], s20  }
0xa4: {  	_ =	swait.ge [sflag:s22], s20  }
0xa5: {  	s4 =	ssub.s32 $0x0, s20;
	[sflag:s22] =	ssyncset.done $0x0  }
0xa6: {  	[sflag:s22] =	ssyncadd.s32 s4;
	_ =	sdelay $0x1  }
0xa7: {  	s23 =	simm.s32 $0x1B8B  }
0xa8: {  	_ =	swait.ge [sflag:s23], $0x1  }
0xa9: {  	[sflag:s23] =	ssyncset.done $0x0  }
0xaa: {  	s25 =	simm.s32 $0x1B8E;
	s24 =	sld [smem:$0x3FFE];
	[sflag:s23] =	ssyncadd.s32 $0xFFFFFFFF  }
0xab: {  	s26 =	simm.s32 $execute0_lowered;
	[smem:$0x3FD2] =	sst s25  }
0xac: {  	s5 =	sshll.u32 s26, $0x1;
	_ =	strace $0x8000004C;
	[dreg:$0x1] =	wrdreg $0xFFFFFFFF  }
0xad: {  	s28 =	simm.s32 $_size_execute0_lowered;
	s3 =	sadd.s32 s3, s5;
	[dreg:$0x0] =	wrdreg $0x0  }
0xae: {  	s5 =	sshll.u32 s28, $0x1;
	[dreg:$0x2] =	wrdreg s3  }
0xaf: {  	[dreg:$0x3] =	wrdreg s5  }
0xb0: {  	[dreg:$0x4] =	wrdreg $0xC0  }
0xb1: {  	_ =	task [dreg:s7], $0x5FFFF  }
0xb2: {  	[dreg:$0x1] =	wrdreg $0xFFFFFFFF  }
0xb3: {  	[dreg:$0x0] =	wrdreg $0x60  }
0xb4: {  	[dreg:$0x2] =	wrdreg s16  }
0xb5: {  	[dreg:$0x3] =	wrdreg s24  }
0xb6: {  	[dreg:$0x4] =	wrdreg $0xC6200  }
0xb7: {  	[dreg:$0x5] =	wrdreg $0x9  }
0xb8: {  	_ =	task.clear_ibuf [dreg:s7], $0x6FFFF;
	_ =	strace $0x9000004C  }
0xb9: {  	s29 =	simm.s32 $0x9;
	_ =	strace $0x8000004E  }
0xba: {  	_ =	swait.ge [sflag:s29], $0x1  }
0xbb: {  	[sflag:s29] =	ssyncadd.s32 $0xFFFFFFFF  }
0xbc: {  	_ =	strace $0x9000004E  }
0xbd: {  	_ =	sfence  }
0xbe: {  	s30 =	sld [smem:$0x0];
	_ =	sdelay $0x2  }
0xbf: {  	s31 =	sshll.u32 s1, $0xD;
	s1 =	sshrl.u32 s1, $0x2  }
0xc0: {  	s3 =	sand.u32 $0x4000, s31;
	s1 =	sadd.s32 s1, s30  }
0xc1: {  	s0 =	sor.u32 s3, s0;
	s1 =	sshll.u32 s1, $0x11  }
0xc2: {  	s0 =	sor.u32 s1, s0  }
0xc3: {  	s0 =	sadd.s32 $0x8F2B, s0  }
0xc4: {  	[sflag:s0] =	ssyncadd.remote.s32 $0x1  }
0xc5: {  	_ =	sfence.sel $0xFFFF  }
0xc6: {  	[dreg:$0x0] =	wrdreg $0xFFFFFFFF;
	(pc) =	sbr.abs _section_cstart, $3  }
0xc7: {  	[dreg:$0x1] =	wrdreg $0xFFFFFFFF  }
0xc8: {  	_ =	task.clear_ibuf [dreg:s7], $0x2FFFF;
	_ =	strace $0x9FFFFFFF  }
0xc9: {  	(tm) =	ssettm $0x7FFFFFFF  }
tec
execute0_lowered:
.L_overlay_start_1:
0x0: {  	(tag) =	ssettag $0x1  }
0x1: {  	s1 =	rddreg [dreg:$0x0]  }
0x2: {  	s6 =	rddreg [dreg:$0x1]  }
0x3: {  	s2 =	srdreg.scid;
	s0 =	stileid.u32  }
0x4: {  	s3 =	rddreg [dreg:$0x2];
	s4 =	simm.s32 $0x0;
	s17 =	simm.s32 $0x7850  }
0x5: {  	s18 =	simm.s32 $0x2800;
	s19 =	simm.s32 $0x3;
	s20 =	simm.s32 $0x5000  }
0x6: {  	s21 =	simm.s32 $0x6;
	s22 =	simm.s32 $0x4;
	s23 =	simm.s32 $0x5  }
0x7: {  	s24 =	simm.s32 $0x2;
	s25 =	simm.s32 $0x1;
	s26 =	simm.s32 $0x0  }
0x8: {  	s7 =	sand.u32 $0x1, s2;
	s5 =	sshll.u32 s0, $0x1;
	s10 =	smul.u32 $0x2700, s0  }
0x9: {  	[smem:$0x7FF] =	sst s4;
	s12 =	smul.u32 $0x4E000, s0;
	s13 =	sadd.s32 $0x1A400, s6  }
0xa: {  	s30 =	sshll.u32 s0, $0x6;
	s16 =	sadd.s32 $0x138000, s3;
	p0 =	sne.s32 s0, $0xF  }
0xb: {  	s5 =	sor.u32 s7, s5;
	s9 =	ssub.s32 $0x2, s7;
	s28 =	smul.u32 $0x27100, s7  }
0xc: {  	_ =	strace $0x8000004D;
	s14 =	smul.u32 $0x138800, s7;
	s11 =	sshrl.u32 s9, $0x1  }
0xd: {  	s5 =	smul.u32 $0x4E2, s5;
	s29 =	sshrl.u32 s12, $0x2;
	s11 =	ssub.s32 s9, s11  }
0xe: {  	s15 =	sadd.s32 s29, s3;
	s9 =	sadd.s32 s10, s28;
	s31 =	sshrl.u32 s14, $0x3  }
.Ltmp0:
0xf: {  	s14 =	sshrl.u32 @!p0 s16, $0x3;
	s16 =	simm.s32 $0x50;
	(pc) =	sbr.rel .LBB2_1-.Ltmp0, $4  }
0x10: {  	s8 =	sadd.s32 s5, s6;
	s5 =	sadd.s32 $0x17C00, s6;
	s6 =	sor.u32 $0x1C07, s30  }
0x11: {  	s9 =	sadd.s32 s13, s9;
	s10 =	sadd.s32 s13, s31;
	s11 =	smax.u32 s11, $0x1  }
0x12: {  	s12 =	sshrl.u32 s15, $0x3;
	s13 =	simm.s32 $0x7;
	s15 =	simm.s32 $0x7800  }
0x13: {  	s7 =	sadd.s32 $0xDE00, s8;
	s8 =	sadd.s32 $0x4000, s8;
	s10 =	sadd.s32 $0x27000, s10  }
.LBB2_8:
0x14: {  	_ =	swait.ge [sflag:s21], $0x2800  }
0x15: {  	[sflag:s21] =	ssyncset.done $0x0  }
0x16: {  	[sflag:s21] =	ssyncadd.s32 $0xFFFFD800  }
0x17: {  	_ =	swait.ge [sflag:s22], $0x2800  }
0x18: {  	[sflag:s22] =	ssyncset.done $0x0  }
0x19: {  	[sflag:s22] =	ssyncadd.s32 $0xFFFFD800  }
0x1a: {  	_ =	swait.ge [sflag:s23], $0x2800  }
0x1b: {  	[sflag:s23] =	ssyncset.done $0x0  }
0x1c: {  	[sflag:s23] =	ssyncadd.s32 $0xFFFFD800  }
0x1d: {  	[bflag:$0x0] =	sbarrier.arrive $0xFFFF  }
0x1e: {  	[hbm:s9], [sflag:s6] =	dma.local [spmem:s12], $0x2700  }
0x1f: {  	s26 =	sadd.s32 $0x1, s26;
	_ =	swait.ge [sflag:s13], $0x2700  }
0x20: {  	p1 =	sne.s32 s26, s11;
	[sflag:s13] =	ssyncset.done $0x0  }
.Ltmp1:
0x21: {  	s2 =	simm.s32 @!p0 $0x7;
	[sflag:s13] =	ssyncadd.s32 $0xFFFFD900;
	(pc) =	sbr.rel @!p1 .LBB2_9-.Ltmp1, $4  }
0x22: {  	[hbm:s10], [sflag:s6] =	dma.local @!p0 [spmem:s14], $0x100  }
0x23: {  	_ =	swait.ge @!p0 [sflag:s2], $0x100  }
0x24: {  	[sflag:s2] =	ssyncset.done @!p0 $0x0  }
0x25: {  	[sflag:s2] =	ssyncadd.s32 @!p0 $0xFFFFFF00  }
.LBB2_1:
0x26: {  	[spmem:s12], [sflag:s6] =	dma.local [hbm:s5], $0x2700  }
0x27: {  	_ =	swait.ge [sflag:s13], $0x2700  }
0x28: {  	[sflag:s13] =	ssyncset.done $0x0  }
0x29: {  	s28 =	simm.s32 @!p0 $0x7;
	[sflag:s13] =	ssyncadd.s32 $0xFFFFD900  }
0x2a: {  	[spmem:s14], [sflag:s6] =	dma.local @!p0 [hbm:s5], $0x100  }
0x2b: {  	_ =	swait.ge @!p0 [sflag:s28], $0x100  }
0x2c: {  	[sflag:s28] =	ssyncset.done @!p0 $0x0  }
0x2d: {  	[sflag:s28] =	ssyncadd.s32 @!p0 $0xFFFFFF00  }
0x2e: {  	[bflag:$0x0] =	sbarrier.arrive $0xFFFF  }
0x2f: {  	[tilespmem:s15], [sflag:$0x7] =	stream.linear.gather [hbm4b:s7+s4], $0x2710, $0x38;
	[tilespmem:$0x1FEA0] =	vst v63  }
0x30: {  	_ =	swait.ge [sflag:s13], $0x2710  }
0x31: {  	[sflag:s13] =	ssyncset.done $0x0  }
0x32: {  	s28 =	simm.s32 $0x9F10;
	[sflag:s13] =	ssyncadd.s32 $0xFFFFD8F0  }
0x33: {  	[tilespmem:s28], [sflag:$0x7] =	stream.linear.gather [hbm4b:s8+s4], $0x2710, $0x38;
	[tilespmem:$0x1FEA0] =	vst v63  }
0x34: {  	_ =	swait.ge [sflag:s13], $0x2710  }
.Ltmp2:
0x35: {  	[sflag:s13] =	ssyncset.done $0x0;
	(pc) =	sbr.rel .LBB2_2-.Ltmp2, $4  }
0x36: {  	[sflag:s13] =	ssyncadd.s32 $0xFFFFD8F0  }
0x37: {  	[tilespmem:s4], [sflag:$0x1] =	stream.indirect.gather [hbm4b:s1+s16], $0x80, s15, s16, $0xb8;
	[tilespmem:$0x1FEA0] =	vst v63  }
0x38: {  	s29 =	simm.s32 $0x78A0;
	s30 =	simm.s32 $0x0  }
0x39: {  	[tilespmem:s18], [sflag:$0x2] =	stream.indirect.gather [hbm4b:s1+s16], $0x80, s17, s16, $0xb8;
	[tilespmem:$0x1FEA0] =	vst v63  }
.LBB2_6:
0x3a: {  	p1 =	sgt.u32 s30, $0x7A  }
0x3b: {  	s2 =	simm.s32 @!p1 $0x5  }
0x3c: {  	_ =	swait.ge @!p1 [sflag:s2], $0x2800  }
0x3d: {  	[sflag:s2] =	ssyncset.done @!p1 $0x0  }
0x3e: {  	s31 =	simm.s32 @!p1 $0x2800;
	[sflag:s2] =	ssyncadd.s32 @!p1 $0xFFFFD800;
	s2 =	simm.s32 @!p1 $0x50  }
0x3f: {  	[tilespmem:s31], [sflag:$0x2] =	stream.indirect.gather @!p1 [hbm4b:s1+s2], $0x80, s29, s2, $0xb8;
	[tilespmem:$0x1FEA0] =	vst v63  }
0x40: {  	_ =	swait.ge [sflag:s19], $0x2800  }
0x41: {  	[sflag:s19] =	ssyncset.done $0x0  }
0x42: {  	[sflag:s19] =	ssyncadd.s32 $0xFFFFD800  }
0x43: {  	[spmem:s3] =	stream.indirect.scatter.add.f32 [tilespmem:s20], [sflag:$0x6], $0x80, s28, s16, $0xb8;
	[tilespmem:$0x1FEA0] =	vst v63  }
.LBB2_7:
0x44: {  	s30 =	sadd.s32 $0x1, s30  }
0x45: {  	p1 =	sne.s32 s30, $0x7D  }
.Ltmp3:
0x46: {  	_ = 	snop;
	(pc) =	sbr.rel @!p1 .LBB2_8-.Ltmp3, $2  }
0x47: {  	_ =	sdelay $0x2  }
0x48: {  	s28 =	sadd.s32 $0x50, s28;
	s29 =	sadd.s32 $0x50, s29  }
.LBB2_2:
0x49: {  	s31 =	smul.u32 $0xAB, s30;
	_ =	sdelay $0x1  }
0x4a: {  	s31 =	sshrl.u32 s31, $0x9  }
0x4b: {  	s31 =	sand.u32 $0x7F, s31  }
0x4c: {  	s31 =	smul.u32 $0x3, s31;
	_ =	sdelay $0x1  }
0x4d: {  	s31 =	ssub.s32 s30, s31  }
0x4e: {  	s31 =	sand.u32 $0xFF, s31  }
0x4f: {  	p1 =	seq.s32 s31, $0x2  }
.Ltmp4:
0x50: {  	_ = 	snop;
	(pc) =	sbr.rel @p1 .LBB2_6-.Ltmp4, $1  }
0x51: {  	_ =	sdelay $0x3  }
0x52: {  	p1 =	seq.s32 s31, $0x1  }
.Ltmp5:
0x53: {  	_ = 	snop;
	(pc) =	sbr.rel @!p1 .LBB2_4-.Ltmp5, $1  }
0x54: {  	_ =	sdelay $0x3  }
0x55: {  	p1 =	sgt.u32 s30, $0x7A  }
0x56: {  	s2 =	simm.s32 @!p1 $0x4  }
0x57: {  	_ =	swait.ge @!p1 [sflag:s2], $0x2800  }
0x58: {  	[sflag:s2] =	ssyncset.done @!p1 $0x0  }
0x59: {  	s31 =	simm.s32 @!p1 $0x0;
	[sflag:s2] =	ssyncadd.s32 @!p1 $0xFFFFD800;
	s2 =	simm.s32 @!p1 $0x50  }
0x5a: {  	[tilespmem:s31], [sflag:$0x1] =	stream.indirect.gather @!p1 [hbm4b:s1+s2], $0x80, s29, s2, $0xb8;
	[tilespmem:$0x1FEA0] =	vst v63  }
.Ltmp6:
0x5b: {  	_ = 	snop;
	(pc) =	sbr.rel .LBB2_7-.Ltmp6, $4  }
0x5c: {  	_ =	swait.ge [sflag:s24], $0x2800  }
0x5d: {  	[sflag:s24] =	ssyncset.done $0x0  }
0x5e: {  	[sflag:s24] =	ssyncadd.s32 $0xFFFFD800  }
0x5f: {  	[spmem:s3] =	stream.indirect.scatter.add.f32 [tilespmem:s18], [sflag:$0x5], $0x80, s28, s16, $0xb8;
	[tilespmem:$0x1FEA0] =	vst v63  }
.LBB2_4:
0x60: {  	p1 =	sgt.u32 s30, $0x7A  }
0x61: {  	p2 =	seq.s32 @!p1 s30, $0x0  }
0x62: {  	p2 =	por p2, p1  }
0x63: {  	s31 =	simm.s32 @!p2 $0x6  }
0x64: {  	_ =	swait.ge @!p2 [sflag:s31], $0x2800  }
0x65: {  	[sflag:s31] =	ssyncset.done @!p2 $0x0  }
0x66: {  	s2 =	simm.s32 @!p1 $0x5000;
	[sflag:s31] =	ssyncadd.s32 @!p2 $0xFFFFD800;
	s31 =	simm.s32 @!p1 $0x50  }
0x67: {  	[tilespmem:s2], [sflag:$0x3] =	stream.indirect.gather @!p1 [hbm4b:s1+s31], $0x80, s29, s31, $0xb8;
	[tilespmem:$0x1FEA0] =	vst v63  }
.Ltmp7:
0x68: {  	_ = 	snop;
	(pc) =	sbr.rel .LBB2_7-.Ltmp7, $4  }
0x69: {  	_ =	swait.ge [sflag:s25], $0x2800  }
0x6a: {  	[sflag:s25] =	ssyncset.done $0x0  }
0x6b: {  	[sflag:s25] =	ssyncadd.s32 $0xFFFFD800  }
0x6c: {  	[spmem:s3] =	stream.indirect.scatter.add.f32 [tilespmem:s4], [sflag:$0x4], $0x80, s28, s16, $0xb8;
	[tilespmem:$0x1FEA0] =	vst v63  }
.LBB2_9:
0x6d: {  	_ =	sfence.sel $0x180000  }
0x6e: {  	[bflag:$0x0] =	sbarrier.arrive $0xFFFF  }
0x6f: {  	_ =	strace $0x9000004D  }
0x70: {  	[bflag:$0x2] =	sbarrier.arrive $0xFFFF  }
0x71: {  	p0 =	sne.s32 s0, $0x0;
	s0 =	rddreg [dreg:$0x3]  }
0x72: {  	s0 =	sadd.s32 @!p0 $0x100000, s0  }
0x73: {  	[sflag:s0] =	ssyncadd.tile.s32 @!p0 $0x1;
	_ =	shalt  }
.Lfunc_end2:
_tile_overlayer_lowered:
.L_overlay_start_2:
0x74: {  	(tag) =	ssettag $0x2  }
0x75: {  	s0 =	rddreg [dreg:$0x0];
	s2 =	stileid.u32  }
0x76: {  	s1 =	rddreg [dreg:$0x1];
	p0 =	sne.s32 s2, $0x0  }
0x77: {  	s3 =	rddreg [dreg:$0x2];
	[bflag:$0x3] =	sbarrier.arrive $0xFFFF;
	s2 =	simm.s32 @!p0 $0x1C07  }
0x78: {  	[timem:s3], [sflag:s2] =	dma.local @!p0 [hbm:s0], s1  }
0x79: {  	s0 =	simm.s32 @!p0 $0x7  }
0x7a: {  	_ =	swait.ge @!p0 [sflag:s0], s1  }
0x7b: {  	s1 =	ssub.s32 @!p0 $0x0, s1;
	[sflag:s0] =	ssyncset.done @!p0 $0x0  }
0x7c: {  	[sflag:s0] =	ssyncadd.s32 @!p0 s1  }
0x7d: {  	[bflag:$0x3] =	sbarrier.arrive $0xFFFF  }
0x7e: {  	_ =	shalt  }

// kernel: kernel.8.cloned.1.call-start
scs
__scs_entry_jumppad:
0x0: {  	(pc) =	sbr.rel $0x88, $3  }
0x1: {  	(tag) =	ssettag $0x0;
	lr =	simm.s32 $0x1  }
0x2: {  	[smem:$0x3F8D] =	sst lr;
	_ =	strace $0xD0000000  }
0x3: {  	_ = 	snop  }
0x4: {  	_ = 	snop  }
0x5: {  	_ = 	snop  }
0x6: {  	_ = 	snop  }
0x7: {  	_ = 	snop  }
__scs_overlays_trampoline_lowered:
0x8: {  	[smem:$0x3F9C] =	sst s0  }
0x9: {  	[smem:$0x3F9D] =	sst s1  }
0xa: {  	[smem:$0x3F9E] =	sst s2  }
0xb: {  	[smem:$0x3F9F] =	sst s3  }
0xc: {  	[smem:$0x3FA0] =	sst s4  }
0xd: {  	[smem:$0x3FA1] =	sst s5  }
0xe: {  	[smem:$0x3FA2] =	sst s6  }
0xf: {  	[smem:$0x3FA3] =	sst s7  }
0x10: {  	[smem:$0x3FA4] =	sst s8  }
0x11: {  	[smem:$0x3FA5] =	sst s9;
	s0 =	simm.s32 @!p0 $0x0  }
0x12: {  	s1 =	sld [smem:$0x3F8B];
	s0 =	simm.s32 @p0 $0x1  }
0x13: {  	[smem:$0x3FA6] =	sst s0;
	s0 =	simm.s32 @!p1 $0x0  }
0x14: {  	s2 =	sld [smem:$0x3F8A];
	s0 =	simm.s32 @p1 $0x1  }
0x15: {  	[smem:$0x3FA7] =	sst s0;
	s0 =	simm.s32 @!p2 $0x0  }
0x16: {  	s3 =	sld [smem:$0x3FDB];
	s0 =	simm.s32 @p2 $0x1  }
0x17: {  	s4 =	simm.s32 $0x1BF5;
	[smem:$0x3FA9] =	sst s0  }
0x18: {  	s0 =	sld [smem:$0x3F8C];
	_ =	swait.ge [sflag:s4], $0x0  }
0x19: {  	s7 =	sld [smem:$0x3F8D]  }
0x1a: {  	s8 =	sadd.s32 $0xFFFFE003, lr  }
0x1b: {  	s9 =	sadd.s32 $0xFFFFFEF7, lr;
	s5 =	simm.s32 $0xFFFFFFFF;
	p2 =	slt.u32 s8, $0xFFFFF086  }
0x1c: {  	p1 =	slt.u32 s9, $0xF7A;
	s5 =	simm.s32 @!p2 $0x0  }
0x1d: {  	s5 =	simm.s32 @p1 $0x1;
	p0 =	seq.s32 s7, s2  }
0x1e: {  	s7 =	smul.u32 @!p0 $0xF7A, s2;
	p2 =	seq.s32 @!p0 s5, $0x0  }
0x1f: {  	s9 =	smul.u32 $0xF7A, s1;
	s8 =	simm.s32 @!p0 $0x1BF5;
	p2 =	por !p2, p0  }
0x20: {  	[sflag:s8] =	ssyncset.s32 @!p0 $0xFFFFF086;
	s6 =	sadd.s32 @!p0 s3, s7;
	s7 =	simm.s32 @!p0 $0x108  }
0x21: {  	s3 =	sadd.s32 s3, s9;
	s6 =	sadd.s32 @!p0 $0x88, s6;
	s7 =	simm.s32 @p2 $0x1082  }
0x22: {  	[simem:s7], [sflag:s8] =	dma.local @!p0 [hbm:s6], $0xF7A  }
0x23: {  	s9 =	sor.u32 $0xD0000000, s2;
	s6 =	simm.s32 $0x108;
	_ =	swait.ge @!p0 [sflag:s8], $0x0  }
0x24: {  	s3 =	sadd.s32 $0x88, s3;
	s6 =	simm.s32 @!p1 $0x1082;
	[sflag:s4] =	ssyncset.s32 $0xFFFFF086  }
0x25: {  	[simem:s6], [sflag:s4] =	dma.local [hbm:s3], $0xF7A  }
0x26: {  	[smem:$0x3F8D] =	sst s1;
	(tag) =	ssettag s2;
	_ =	strace s9  }
0x27: {  	s1 =	sld [smem:$0x3F9D]  }
0x28: {  	s2 =	sld [smem:$0x3F9E]  }
0x29: {  	s4 =	sld [smem:$0x3FA0]  }
0x2a: {  	p0 =	seq.s32 s5, $0x0;
	s5 =	sld [smem:$0x3FA1]  }
0x2b: {  	s6 =	sld [smem:$0x3FA2]  }
0x2c: {  	s7 =	sld [smem:$0x3FA3]  }
0x2d: {  	s3 =	simm.s32 $0x108;
	s8 =	sld [smem:$0x3FA4]  }
0x2e: {  	s3 =	simm.s32 @!p0 $0x1082;
	s9 =	sld [smem:$0x3FA5]  }
0x2f: {  	lr =	sadd.s32 s0, s3;
	s0 =	sld [smem:$0x3F9C]  }
0x30: {  	s3 =	sld [smem:$0x3F9F]  }
0x31: {  	[smem:$0x3FA8] =	sst s10  }
0x32: {  	s10 =	sld [smem:$0x3FA6];
	_ =	sdelay $0x3  }
0x33: {  	p0 =	seq.s32 s10, $0x1;
	s10 =	sld [smem:$0x3FA8];
	_ =	sdelay $0x3  }
0x34: {  	[smem:$0x3FA8] =	sst s10  }
0x35: {  	s10 =	sld [smem:$0x3FA7];
	_ =	sdelay $0x3  }
0x36: {  	p1 =	seq.s32 s10, $0x1;
	s10 =	sld [smem:$0x3FA8];
	_ =	sdelay $0x3  }
0x37: {  	[smem:$0x3FA8] =	sst s10  }
0x38: {  	s10 =	sld [smem:$0x3FA9]  }
0x39: {  	_ = 	snop;
	(pc) =	sbr.ind lr, $3  }
0x3a: {  	_ = 	snop  }
0x3b: {  	_ = 	snop  }
0x3c: {  	p2 =	seq.s32 s10, $0x1;
	s10 =	sld [smem:$0x3FA8]  }
0x3d: {  	_ =	shalt  }
0x3e: {  	_ =	shalt  }
0x3f: {  	_ =	shalt  }
0x40: {  	_ =	shalt  }
0x41: {  	_ =	shalt  }
0x42: {  	_ =	shalt  }
0x43: {  	_ =	shalt  }
0x44: {  	_ =	shalt  }
0x45: {  	_ =	shalt  }
0x46: {  	_ =	shalt  }
0x47: {  	_ =	shalt  }
0x48: {  	_ =	shalt  }
0x49: {  	_ =	shalt  }
0x4a: {  	_ =	shalt  }
0x4b: {  	_ =	shalt  }
0x4c: {  	_ =	shalt  }
0x4d: {  	_ =	shalt  }
0x4e: {  	_ =	shalt  }
0x4f: {  	_ =	shalt  }
0x50: {  	_ =	shalt  }
0x51: {  	_ =	shalt  }
0x52: {  	_ =	shalt  }
0x53: {  	_ =	shalt  }
0x54: {  	_ =	shalt  }
0x55: {  	_ =	shalt  }
0x56: {  	_ =	shalt  }
0x57: {  	_ =	shalt  }
0x58: {  	_ =	shalt  }
0x59: {  	_ =	shalt  }
0x5a: {  	_ =	shalt  }
0x5b: {  	_ =	shalt  }
0x5c: {  	_ =	shalt  }
0x5d: {  	_ =	shalt  }
0x5e: {  	_ =	shalt  }
0x5f: {  	_ =	shalt  }
0x60: {  	_ =	shalt  }
0x61: {  	_ =	shalt  }
0x62: {  	_ =	shalt  }
0x63: {  	_ =	shalt  }
0x64: {  	_ =	shalt  }
0x65: {  	_ =	shalt  }
0x66: {  	_ =	shalt  }
0x67: {  	_ =	shalt  }
0x68: {  	_ =	shalt  }
0x69: {  	_ =	shalt  }
0x6a: {  	_ =	shalt  }
0x6b: {  	_ =	shalt  }
0x6c: {  	_ =	shalt  }
0x6d: {  	_ =	shalt  }
0x6e: {  	_ =	shalt  }
0x6f: {  	_ =	shalt  }
0x70: {  	_ =	shalt  }
0x71: {  	_ =	shalt  }
0x72: {  	_ =	shalt  }
0x73: {  	_ =	shalt  }
0x74: {  	_ =	shalt  }
0x75: {  	_ =	shalt  }
0x76: {  	_ =	shalt  }
0x77: {  	_ =	shalt  }
0x78: {  	_ =	shalt  }
0x79: {  	_ =	shalt  }
0x7a: {  	_ =	shalt  }
0x7b: {  	_ =	shalt  }
0x7c: {  	_ =	shalt  }
0x7d: {  	_ =	shalt  }
0x7e: {  	_ =	shalt  }
0x7f: {  	_ =	shalt  }
0x80: {  	_ =	shalt  }
0x81: {  	_ =	shalt  }
0x82: {  	_ =	shalt  }
0x83: {  	_ =	shalt  }
0x84: {  	_ =	shalt  }
0x85: {  	_ =	shalt  }
0x86: {  	_ =	shalt  }
0x87: {  	_ =	shalt  }
.Lfunc_end0:
.L_simem_size_0:
called_computation_lowered:
.L_overlay_start_0:
0x88: {  	s2 =	sld [smem:$0x3FD9]  }
0x89: {  	s3 =	sld [smem:$0x3FFE];
	_ =	sdelay $0x1  }
0x8a: {  	s1 =	srdreg.scid  }
0x8b: {  	s0 =	sand.u32 $0x1, s1  }
0x8c: {  	s14 =	sshll.u32 s0, $0xA;
	s2 =	sadd.s32 s3, s2  }
0x8d: {  	s2 =	sadd.s32 s2, s14  }
0x8e: {  	[smem:$0x3FB4] =	sst s2  }
0x8f: {  	_ = 	snop  }
0x90: {  	s2 =	sld [smem:$0x3FD0];
	_ =	sdelay $0x2  }
0x91: {  	s4 =	simm.s32 $0xA;
	s5 =	simm.s32 $0x10;
	s15 =	sld [smem:$0x3FC9]  }
0x92: {  	[smem:s5], [sflag:s4] =	dma.local [hbm:s2], $0x1  }
0x93: {  	_ =	swait.eq [sflag:s4], $0x1  }
0x94: {  	[sflag:s4] =	ssyncset.done $0x0  }
0x95: {  	s16 =	sld [smem:$0x11];
	[sflag:s4] =	ssyncadd.s32 $0xFFFFFFFF  }
0x96: {  	s17 =	sld [smem:$0x12];
	(tm) =	ssettm $0x1  }
0x97: {  	s18 =	sld [smem:$0x3FFB];
	_ =	sdelay $0x3  }
0x98: {  	_ =	strace s18  }
0x99: {  	s5 =	sld [smem:$0x3FFC];
	_ =	sdelay $0x3  }
0x9a: {  	_ =	strace s5  }
0x9b: {  	s5 =	sld [smem:$0x3FFD];
	_ =	sdelay $0x3  }
0x9c: {  	_ =	strace s5  }
0x9d: {  	_ =	strace $0x8FFFFFFF  }
0x9e: {  	s19 =	sld [smem:$0x3FDB];
	_ =	sdelay $0x1  }
0x9f: {  	s6 =	simm.s32 $_scs_section_size  }
0xa0: {  	s7 =	simm.s32 $_size__tile_overlayer_lowered;
	s8 =	simm.s32 $_tile_overlayer_lowered  }
0xa1: {  	s22 =	simm.s32 $0x1BFF;
	s21 =	sshll.u32 s8, $0x1;
	s5 =	sadd.s32 s6, s19  }
0xa2: {  	s9 =	simm.s32 $0x0;
	s20 =	sshll.u32 s7, $0x1;
	s7 =	sadd.s32 s21, s5  }
0xa3: {  	[timem:s9], [sflag:s22] =	dma.local [hbm:s7], s20  }
0xa4: {  	_ =	swait.ge [sflag:s22], s20  }
0xa5: {  	s6 =	ssub.s32 $0x0, s20;
	[sflag:s22] =	ssyncset.done $0x0  }
0xa6: {  	[sflag:s22] =	ssyncadd.s32 s6;
	_ =	sdelay $0x1  }
0xa7: {  	s23 =	simm.s32 $0x1B8B  }
0xa8: {  	_ =	swait.ge [sflag:s23], $0x1  }
0xa9: {  	[sflag:s23] =	ssyncset.done $0x0  }
0xaa: {  	s25 =	simm.s32 $0x1B8E;
	s24 =	sld [smem:$0x3FFE];
	[sflag:s23] =	ssyncadd.s32 $0xFFFFFFFF  }
0xab: {  	s26 =	simm.s32 $execute0_lowered;
	[smem:$0x3FD2] =	sst s25  }
0xac: {  	s7 =	sshll.u32 s26, $0x1;
	_ =	strace $0x80000046;
	[dreg:$0x1] =	wrdreg $0xFFFFFFFF  }
0xad: {  	s28 =	simm.s32 $_size_execute0_lowered;
	s5 =	sadd.s32 s5, s7;
	[dreg:$0x0] =	wrdreg $0x0  }
0xae: {  	s7 =	sshll.u32 s28, $0x1;
	[dreg:$0x2] =	wrdreg s5  }
0xaf: {  	[dreg:$0x3] =	wrdreg s7  }
0xb0: {  	[dreg:$0x4] =	wrdreg $0xC0  }
0xb1: {  	_ =	task [dreg:s9], $0x5FFFF  }
0xb2: {  	[dreg:$0x1] =	wrdreg $0xFFFFFFFF  }
0xb3: {  	[dreg:$0x0] =	wrdreg $0x60  }
0xb4: {  	[dreg:$0x2] =	wrdreg s15  }
0xb5: {  	[dreg:$0x3] =	wrdreg s24  }
0xb6: {  	[dreg:$0x4] =	wrdreg s17  }
0xb7: {  	[dreg:$0x5] =	wrdreg s16  }
0xb8: {  	[dreg:$0x6] =	wrdreg $0x87A00  }
0xb9: {  	[dreg:$0x7] =	wrdreg $0x1C0200  }
0xba: {  	[dreg:$0x8] =	wrdreg $0x9  }
0xbb: {  	_ =	task.clear_ibuf [dreg:s9], $0x9FFFF;
	_ =	strace $0x90000046  }
0xbc: {  	s29 =	simm.s32 $0x9;
	_ =	strace $0x80000048  }
0xbd: {  	_ =	swait.ge [sflag:s29], $0x1  }
0xbe: {  	[sflag:s29] =	ssyncadd.s32 $0xFFFFFFFF  }
0xbf: {  	_ =	strace $0x90000048  }
0xc0: {  	_ =	sfence  }
0xc1: {  	s30 =	sld [smem:$0x0];
	_ =	sdelay $0x2  }
0xc2: {  	s31 =	sshll.u32 s1, $0xD;
	s1 =	sshrl.u32 s1, $0x2  }
0xc3: {  	s3 =	sand.u32 $0x4000, s31;
	s1 =	sadd.s32 s1, s30  }
0xc4: {  	s0 =	sor.u32 s3, s0;
	s1 =	sshll.u32 s1, $0x11  }
0xc5: {  	s0 =	sor.u32 s1, s0  }
0xc6: {  	s0 =	sadd.s32 $0x8F2B, s0  }
0xc7: {  	[sflag:s0] =	ssyncadd.remote.s32 $0x1  }
0xc8: {  	_ =	sfence.sel $0xFFFF  }
0xc9: {  	[dreg:$0x0] =	wrdreg $0xFFFFFFFF;
	(pc) =	sbr.abs _section_cstart, $3  }
0xca: {  	[dreg:$0x1] =	wrdreg $0xFFFFFFFF  }
0xcb: {  	_ =	task.clear_ibuf [dreg:s9], $0x2FFFF;
	_ =	strace $0x9FFFFFFF  }
0xcc: {  	(tm) =	ssettm $0x7FFFFFFF  }
0xcd: {  	_ =	shalt  }
tec
execute0_lowered:
.L_overlay_start_1:
0x0: {  	(tag) =	ssettag $0x1  }
0x1: {  	s1 =	rddreg [dreg:$0x0]  }
0x2: {  	s0 =	rddreg [dreg:$0x1]  }
0x3: {  	s4 =	rddreg [dreg:$0x4]  }
0x4: {  	s5 =	rddreg [dreg:$0x5]  }
0x5: {  	s7 =	simm.s32 $0x0;
	s2 =	srdreg.scid;
	s14 =	stileid.u32  }
0x6: {  	s28 =	simm.s32 $0x50;
	[smem:$0x7FF] =	sst s7;
	s3 =	sadd.s32 $0xDE00, s0  }
0x7: {  	s2 =	sand.u32 $0x1, s2;
	s6 =	sshll.u32 s14, $0x1;
	s9 =	sadd.s32 $0x4000, s0  }
0x8: {  	s8 =	smul.u32 $0x270, s14;
	s10 =	sadd.s32 $0x17C00, s0;
	s12 =	sadd.s32 $0x1A400, s0  }
0x9: {  	s23 =	smul.u32 $0x4E000, s14;
	s20 =	sadd.s32 $0x68600, s0;
	s18 =	sshll.u32 s14, $0x6  }
0xa: {  	s19 =	smul.u32 $0x9C00, s14;
	p0 =	sne.s32 s14, $0xF;
	s14 =	simm.s32 $0x5  }
0xb: {  	_ =	strace $0x80000047;
	s6 =	sor.u32 s2, s6;
	s16 =	smul.u32 $0x2710, s2  }
0xc: {  	[dreg:$0x7] =	wrdreg s10;
	s22 =	ssub.s32 $0x2, s2;
	s2 =	smul.u32 $0x138800, s2  }
0xd: {  	s11 =	smul.u32 $0x2710, s6;
	s13 =	sshrl.u32 s22, $0x1;
	s17 =	sshrl.u32 s23, $0x2  }
0xe: {  	s6 =	smul.u32 $0x4E2, s6;
	s10 =	ssub.s32 s22, s13;
	s0 =	sadd.s32 s17, s4  }
0xf: {  	s22 =	sor.u32 $0x1C08, s18;
	s23 =	sadd.s32 s8, s16;
	s21 =	sshrl.u32 s2, $0x3  }
0x10: {  	s13 =	simm.s32 $0x1E730;
	s16 =	simm.s32 $0x4;
	s17 =	simm.s32 $0x7  }
0x11: {  	s11 =	sshrl.u32 s11, $0x3;
	s15 =	sadd.s32 s3, s6;
	[dreg:$0x12] =	wrdreg s0  }
0x12: {  	s6 =	sadd.s32 s9, s6;
	[dreg:$0x8] =	wrdreg s15;
	s24 =	sadd.s32 $0xFA, s11  }
0x13: {  	s18 =	simm.s32 $0x1EC30;
	[dreg:$0x9] =	wrdreg s6;
	s25 =	sadd.s32 s3, s24  }
0x14: {  	s26 =	sadd.s32 $0x1F4, s11;
	s6 =	sadd.s32 s9, s24;
	[dreg:$0xa] =	wrdreg s25  }
0x15: {  	s30 =	sadd.s32 $0x2EE, s11;
	s29 =	sadd.s32 s3, s26;
	[dreg:$0xb] =	wrdreg s6  }
0x16: {  	s11 =	sadd.s32 $0x3E8, s11;
	s31 =	sadd.s32 s3, s30;
	[dreg:$0xc] =	wrdreg s29  }
0x17: {  	s0 =	sadd.s32 $0x27000, s21;
	s3 =	sadd.s32 s3, s11;
	[dreg:$0xe] =	wrdreg s31  }
0x18: {  	s21 =	simm.s32 $0x1;
	s15 =	sadd.s32 s9, s11;
	[dreg:$0x10] =	wrdreg s3  }
0x19: {  	s24 =	sshrl.u32 s19, $0x2;
	s6 =	sadd.s32 s9, s26;
	[dreg:$0x11] =	wrdreg s15  }
0x1a: {  	s11 =	simm.s32 $0x3;
	s2 =	sadd.s32 s24, s5;
	[dreg:$0xd] =	wrdreg s6  }
0x1b: {  	s19 =	simm.s32 $0x2;
	s26 =	sadd.s32 s12, s0;
	[dreg:$0x13] =	wrdreg s2  }
0x1c: {  	s3 =	sshll.u32 s23, $0x4;
	s0 =	sadd.s32 s20, s0;
	[dreg:$0x15] =	wrdreg s26  }
0x1d: {  	s29 =	smax.u32 s10, $0x1;
	s31 =	sadd.s32 $0x27000, s5;
	[dreg:$0x16] =	wrdreg s0  }
.Ltmp0:
0x1e: {  	s10 =	simm.s32 $0x2800;
	[dreg:$0x17] =	wrdreg s29;
	(pc) =	sbr.rel .LBB2_1-.Ltmp0, $4  }
0x1f: {  	s15 =	simm.s32 $0x6;
	s6 =	sadd.s32 s9, s30;
	[dreg:$0x19] =	wrdreg s31  }
0x20: {  	s25 =	sadd.s32 s12, s3;
	s30 =	sadd.s32 $0x138000, s4;
	[dreg:$0xf] =	wrdreg s6  }
0x21: {  	s0 =	simm.s32 $0x8;
	s12 =	simm.s32 $0x5000;
	[dreg:$0x14] =	wrdreg s25  }
0x22: {  	[dreg:$0x18] =	wrdreg s30;
	s6 =	simm.s32 $0x7800;
	s25 =	simm.s32 $0x0  }
.LBB2_44:
0x23: {  	s25 =	sadd.s32 $0x1, s25;
	s2 =	rddreg [dreg:$0x17]  }
0x24: {  	p1 =	sne.s32 s25, s2  }
.Ltmp1:
0x25: {  	_ = 	snop;
	(pc) =	sbr.rel @!p1 .LBB2_45-.Ltmp1, $1  }
0x26: {  	_ =	sdelay $0x3  }
.LBB2_1:
0x27: {  	s2 =	rddreg [dreg:$0x12]  }
0x28: {  	s30 =	rddreg [dreg:$0x7];
	s26 =	sshrl.u32 s2, $0x3  }
0x29: {  	[spmem:s26], [sflag:s22] =	dma.local [hbm:s30], $0x2700  }
0x2a: {  	_ =	swait.ge [sflag:s0], $0x2700  }
0x2b: {  	[sflag:s0] =	ssyncset.done $0x0  }
0x2c: {  	s31 =	rddreg [dreg:$0x13];
	[sflag:s0] =	ssyncadd.s32 $0xFFFFD900  }
0x2d: {  	s2 =	sshrl.u32 @p0 s31, $0x3;
	s3 =	rddreg [dreg:$0x2]  }
0x2e: {  	[spmem:s2], [sflag:s22] =	dma.local @p0 [hbm:s3], $0x4E0  }
0x2f: {  	s2 =	simm.s32 @p0 $0x8  }
0x30: {  	_ =	swait.ge @p0 [sflag:s2], $0x4E0  }
0x31: {  	[sflag:s2] =	ssyncset.done @p0 $0x0  }
0x32: {  	[sflag:s2] =	ssyncadd.s32 @p0 $0xFFFFFB20  }
0x33: {  	s9 =	simm.s32 @p0 $0x0;
	s29 =	simm.s32 @p0 $0x1E730;
	s24 =	rddreg [dreg:$0x3]  }
0x34: {  	[tilespmem:s29], [sflag:$0x8] =	stream.linear.gather @p0 [hbm4b:s24+s9], $0x500, $0x38;
	[tilespmem:$0x1EF30] =	vst v63  }
0x35: {  	_ =	swait.ge @p0 [sflag:s2], $0x500  }
0x36: {  	[sflag:s2] =	ssyncset.done @p0 $0x0  }
0x37: {  	[sflag:s2] =	ssyncadd.s32 @p0 $0xFFFFFB00;
	s2 =	rddreg [dreg:$0x18]  }
0x38: {  	s29 =	sshrl.u32 @!p0 s2, $0x3;
	s2 =	simm.s32 @!p0 $0x8  }
0x39: {  	[spmem:s29], [sflag:s22] =	dma.local @!p0 [hbm:s30], $0x100  }
0x3a: {  	_ =	swait.ge @!p0 [sflag:s2], $0x100  }
0x3b: {  	[sflag:s2] =	ssyncset.done @!p0 $0x0  }
0x3c: {  	s9 =	sshrl.u32 @!p0 s31, $0x3;
	[sflag:s2] =	ssyncadd.s32 @!p0 $0xFFFFFF00  }
0x3d: {  	[spmem:s9], [sflag:s22] =	dma.local @!p0 [hbm:s3], $0x4E0  }
0x3e: {  	_ =	swait.ge @!p0 [sflag:s2], $0x4E0  }
0x3f: {  	[sflag:s2] =	ssyncset.done @!p0 $0x0  }
0x40: {  	s30 =	simm.s32 @!p0 $0x1E730;
	s9 =	simm.s32 @!p0 $0x0;
	[sflag:s2] =	ssyncadd.s32 @!p0 $0xFFFFFB20  }
0x41: {  	[tilespmem:s30], [sflag:$0x8] =	stream.linear.gather @!p0 [hbm4b:s24+s9], $0x500, $0x38;
	[tilespmem:$0x1EF30] =	vst v63  }
0x42: {  	_ =	swait.ge @!p0 [sflag:s2], $0x500  }
0x43: {  	[sflag:s2] =	ssyncset.done @!p0 $0x0;
	s9 =	rddreg [dreg:$0x19]  }
0x44: {  	[sflag:s2] =	ssyncadd.s32 @!p0 $0xFFFFFB00;
	s9 =	sshrl.u32 @!p0 s9, $0x3  }
0x45: {  	[spmem:s9], [sflag:s22] =	dma.local @!p0 [hbm:s3], $0x20  }
0x46: {  	_ =	swait.ge @!p0 [sflag:s2], $0x20  }
0x47: {  	[sflag:s2] =	ssyncset.done @!p0 $0x0  }
0x48: {  	[sflag:s2] =	ssyncadd.s32 @!p0 $0xFFFFFFE0  }
0x49: {  	[bflag:$0x0] =	sbarrier.arrive $0xFFFF  }
0x4a: {  	s3 =	rddreg [dreg:$0x8]  }
0x4b: {  	[tilespmem:s6], [sflag:$0x8] =	stream.linear.gather [hbm4b:s3+s7], $0x7D0, $0x38;
	[tilespmem:$0x1EF30] =	vst v63  }
0x4c: {  	_ =	swait.ge [sflag:s0], $0x7D0  }
0x4d: {  	[sflag:s0] =	ssyncset.done $0x0  }
0x4e: {  	s30 =	simm.s32 $0x7FD0;
	s9 =	rddreg [dreg:$0x9];
	[sflag:s0] =	ssyncadd.s32 $0xFFFFF830  }
0x4f: {  	[tilespmem:s30], [sflag:$0x8] =	stream.linear.gather [hbm4b:s9+s7], $0x7D0, $0x38;
	[tilespmem:$0x1EF30] =	vst v63  }
0x50: {  	_ =	swait.ge [sflag:s0], $0x7D0  }
.Ltmp2:
0x51: {  	[sflag:s0] =	ssyncset.done $0x0;
	(pc) =	sbr.rel .LBB2_2-.Ltmp2, $4  }
0x52: {  	[sflag:s0] =	ssyncadd.s32 $0xFFFFF830  }
0x53: {  	[tilespmem:s7], [sflag:$0x1] =	stream.indirect.gather [hbm4b:s1+s28], $0x80, s6, s28, $0xb8;
	[tilespmem:$0x1EF30] =	vst v63  }
0x54: {  	s31 =	simm.s32 $0x0;
	s24 =	simm.s32 $0x7850;
	s2 =	simm.s32 $0x78A0  }
0x55: {  	[tilespmem:s10], [sflag:$0x2] =	stream.indirect.gather [hbm4b:s1+s28], $0x80, s24, s28, $0xb8;
	[tilespmem:$0x1EF30] =	vst v63  }
.LBB2_6:
0x56: {  	p1 =	sgt.u32 s31, $0x16  }
0x57: {  	s3 =	simm.s32 @!p1 $0x5  }
0x58: {  	_ =	swait.ge @!p1 [sflag:s3], $0x2800  }
0x59: {  	[sflag:s3] =	ssyncset.done @!p1 $0x0  }
0x5a: {  	s9 =	simm.s32 @!p1 $0x2800;
	[sflag:s3] =	ssyncadd.s32 @!p1 $0xFFFFD800;
	s3 =	simm.s32 @!p1 $0x50  }
0x5b: {  	[tilespmem:s9], [sflag:$0x2] =	stream.indirect.gather @!p1 [hbm4b:s1+s3], $0x80, s2, s3, $0xb8;
	[tilespmem:$0x1EF30] =	vst v63  }
0x5c: {  	_ =	swait.ge [sflag:s11], $0x2800  }
0x5d: {  	[sflag:s11] =	ssyncset.done $0x0  }
0x5e: {  	s9 =	smov.u32 s30;
	[sflag:s11] =	ssyncadd.s32 $0xFFFFD800  }
0x5f: {  	[spmem:s4] =	stream.indirect.scatter.add.f32 [tilespmem:s12], [sflag:$0x6], $0x80, s30, s28, $0xb8;
	[tilespmem:$0x1EF30] =	vst v63  }
.LBB2_7:
0x60: {  	s31 =	sadd.s32 $0x1, s31  }
0x61: {  	p1 =	sne.s32 s31, $0x19  }
.Ltmp3:
0x62: {  	_ = 	snop;
	(pc) =	sbr.rel @!p1 .LBB2_8-.Ltmp3, $3  }
0x63: {  	_ =	sdelay $0x1  }
0x64: {  	[spmem:s5] =	stream.indirect.scatter.add.f32 [tilespmem:s13], [sflag:$0x7], $0x10, s9, s28, $0xb8;
	[tilespmem:$0x1EF30] =	vst v63  }
0x65: {  	s30 =	sadd.s32 $0x50, s30;
	s2 =	sadd.s32 $0x50, s2  }
.LBB2_2:
0x66: {  	s9 =	smul.u32 $0xAB, s31;
	_ =	sdelay $0x1  }
0x67: {  	s9 =	sshrl.u32 s9, $0x9  }
0x68: {  	s9 =	sand.u32 $0x7F, s9  }
0x69: {  	s9 =	smul.u32 $0x3, s9;
	_ =	sdelay $0x1  }
0x6a: {  	s9 =	ssub.s32 s31, s9  }
0x6b: {  	s9 =	sand.u32 $0xFF, s9  }
0x6c: {  	p1 =	seq.s32 s9, $0x2  }
.Ltmp4:
0x6d: {  	_ = 	snop;
	(pc) =	sbr.rel @p1 .LBB2_6-.Ltmp4, $1  }
0x6e: {  	_ =	sdelay $0x3  }
0x6f: {  	p2 =	seq.s32 s9, $0x1  }
.Ltmp5:
0x70: {  	_ = 	snop;
	(pc) =	sbr.rel @!p2 .LBB2_4-.Ltmp5, $2  }
0x71: {  	_ =	sdelay $0x2  }
0x72: {  	p1 =	slt.u32 s31, $0x17  }
0x73: {  	s3 =	simm.s32 @p1 $0x4  }
0x74: {  	_ =	swait.ge @p1 [sflag:s3], $0x2800  }
0x75: {  	s9 =	simm.s32 @p1 $0x50;
	[sflag:s3] =	ssyncset.done @p1 $0x0  }
0x76: {  	s24 =	simm.s32 @p1 $0x0;
	[sflag:s3] =	ssyncadd.s32 @p1 $0xFFFFD800;
	s3 =	smul.u32 @p1 $0x140, s31  }
0x77: {  	[tilespmem:s24], [sflag:$0x1] =	stream.indirect.gather @p1 [hbm4b:s1+s9], $0x80, s2, s9, $0xb8;
	[tilespmem:$0x1EF30] =	vst v63  }
0x78: {  	s9 =	smul.u32 @!p1 $0x140, s31  }
.Ltmp6:
0x79: {  	_ =	swait.ge [sflag:s19], $0x2800;
	(pc) =	sbr.rel .LBB2_7-.Ltmp6, $4  }
0x7a: {  	[sflag:s19] =	ssyncset.done $0x0;
	s9 =	smov.u32 @p1 s3  }
0x7b: {  	[sflag:s19] =	ssyncadd.s32 $0xFFFFD800;
	s3 =	sshra.s32 s9, $0x2  }
0x7c: {  	[spmem:s4] =	stream.indirect.scatter.add.f32 [tilespmem:s10], [sflag:$0x5], $0x80, s30, s28, $0xb8;
	[tilespmem:$0x1EF30] =	vst v63  }
0x7d: {  	s9 =	sadd.s32 $0x7FD0, s3  }
.LBB2_4:
0x7e: {  	p2 =	seq.s32 @p1 s31, $0x0  }
0x7f: {  	p2 =	por p2, !p1  }
0x80: {  	s9 =	simm.s32 @!p2 $0x6  }
0x81: {  	_ =	swait.ge @!p2 [sflag:s9], $0x2800  }
0x82: {  	s24 =	simm.s32 @p1 $0x50;
	[sflag:s9] =	ssyncset.done @!p2 $0x0  }
0x83: {  	s3 =	simm.s32 @p1 $0x5000;
	[sflag:s9] =	ssyncadd.s32 @!p2 $0xFFFFD800;
	s9 =	smul.u32 @p1 $0x140, s31  }
0x84: {  	[tilespmem:s3], [sflag:$0x3] =	stream.indirect.gather @p1 [hbm4b:s1+s24], $0x80, s2, s24, $0xb8;
	[tilespmem:$0x1EF30] =	vst v63  }
0x85: {  	s3 =	smul.u32 @!p1 $0x140, s31  }
.Ltmp7:
0x86: {  	_ =	swait.ge [sflag:s21], $0x2800;
	(pc) =	sbr.rel .LBB2_7-.Ltmp7, $4  }
0x87: {  	[sflag:s21] =	ssyncset.done $0x0;
	s3 =	smov.u32 @p1 s9  }
0x88: {  	[sflag:s21] =	ssyncadd.s32 $0xFFFFD800;
	s3 =	sshra.s32 s3, $0x2  }
0x89: {  	[spmem:s4] =	stream.indirect.scatter.add.f32 [tilespmem:s7], [sflag:$0x4], $0x80, s30, s28, $0xb8;
	[tilespmem:$0x1EF30] =	vst v63  }
0x8a: {  	s9 =	sadd.s32 $0x7FD0, s3  }
.LBB2_8:
0x8b: {  	_ =	swait.ge [sflag:s14], $0x2800  }
0x8c: {  	[sflag:s14] =	ssyncset.done $0x0  }
0x8d: {  	[sflag:s14] =	ssyncadd.s32 $0xFFFFD800  }
0x8e: {  	_ =	swait.ge [sflag:s15], $0x2800  }
0x8f: {  	[sflag:s15] =	ssyncset.done $0x0  }
0x90: {  	[sflag:s15] =	ssyncadd.s32 $0xFFFFD800  }
0x91: {  	_ =	swait.ge [sflag:s16], $0x2800  }
0x92: {  	[sflag:s16] =	ssyncset.done $0x0  }
0x93: {  	[sflag:s16] =	ssyncadd.s32 $0xFFFFD800  }
0x94: {  	_ =	swait.ge [sflag:s17], $0x500  }
0x95: {  	[sflag:s17] =	ssyncset.done $0x0  }
0x96: {  	[sflag:s17] =	ssyncadd.s32 $0xFFFFFB00  }
0x97: {  	_ =	swait.ge [sflag:s17], $0x500  }
0x98: {  	[sflag:s17] =	ssyncset.done $0x0  }
0x99: {  	[sflag:s17] =	ssyncadd.s32 $0xFFFFFB00  }
0x9a: {  	_ =	swait.ge [sflag:s17], $0x500  }
0x9b: {  	[sflag:s17] =	ssyncset.done $0x0  }
0x9c: {  	[sflag:s17] =	ssyncadd.s32 $0xFFFFFB00  }
0x9d: {  	_ =	swait.ge [sflag:s17], $0x500  }
0x9e: {  	[sflag:s17] =	ssyncset.done $0x0  }
0x9f: {  	[sflag:s17] =	ssyncadd.s32 $0xFFFFFB00  }
0xa0: {  	_ =	swait.ge [sflag:s17], $0x500  }
0xa1: {  	[sflag:s17] =	ssyncset.done $0x0  }
0xa2: {  	[sflag:s17] =	ssyncadd.s32 $0xFFFFFB00  }
0xa3: {  	_ =	swait.ge [sflag:s17], $0x500  }
0xa4: {  	[sflag:s17] =	ssyncset.done $0x0  }
0xa5: {  	[sflag:s17] =	ssyncadd.s32 $0xFFFFFB00  }
0xa6: {  	_ =	swait.ge [sflag:s17], $0x500  }
0xa7: {  	[sflag:s17] =	ssyncset.done $0x0  }
0xa8: {  	[sflag:s17] =	ssyncadd.s32 $0xFFFFFB00  }
0xa9: {  	_ =	swait.ge [sflag:s17], $0x500  }
0xaa: {  	[sflag:s17] =	ssyncset.done $0x0  }
0xab: {  	[sflag:s17] =	ssyncadd.s32 $0xFFFFFB00  }
0xac: {  	_ =	swait.ge [sflag:s17], $0x500  }
0xad: {  	[sflag:s17] =	ssyncset.done $0x0  }
0xae: {  	[sflag:s17] =	ssyncadd.s32 $0xFFFFFB00  }
0xaf: {  	_ =	swait.ge [sflag:s17], $0x500  }
0xb0: {  	[sflag:s17] =	ssyncset.done $0x0  }
0xb1: {  	[sflag:s17] =	ssyncadd.s32 $0xFFFFFB00  }
0xb2: {  	_ =	swait.ge [sflag:s17], $0x500  }
0xb3: {  	[sflag:s17] =	ssyncset.done $0x0  }
0xb4: {  	[sflag:s17] =	ssyncadd.s32 $0xFFFFFB00  }
0xb5: {  	_ =	swait.ge [sflag:s17], $0x500  }
0xb6: {  	[sflag:s17] =	ssyncset.done $0x0  }
0xb7: {  	[sflag:s17] =	ssyncadd.s32 $0xFFFFFB00  }
0xb8: {  	_ =	swait.ge [sflag:s17], $0x500  }
0xb9: {  	[sflag:s17] =	ssyncset.done $0x0  }
0xba: {  	[sflag:s17] =	ssyncadd.s32 $0xFFFFFB00  }
0xbb: {  	_ =	swait.ge [sflag:s17], $0x500  }
0xbc: {  	[sflag:s17] =	ssyncset.done $0x0  }
0xbd: {  	[sflag:s17] =	ssyncadd.s32 $0xFFFFFB00  }
0xbe: {  	_ =	swait.ge [sflag:s17], $0x500  }
0xbf: {  	[sflag:s17] =	ssyncset.done $0x0  }
0xc0: {  	[sflag:s17] =	ssyncadd.s32 $0xFFFFFB00  }
0xc1: {  	_ =	swait.ge [sflag:s17], $0x500  }
0xc2: {  	[sflag:s17] =	ssyncset.done $0x0  }
0xc3: {  	[sflag:s17] =	ssyncadd.s32 $0xFFFFFB00  }
0xc4: {  	_ =	swait.ge [sflag:s17], $0x500  }
0xc5: {  	[sflag:s17] =	ssyncset.done $0x0  }
0xc6: {  	[sflag:s17] =	ssyncadd.s32 $0xFFFFFB00  }
0xc7: {  	_ =	swait.ge [sflag:s17], $0x500  }
0xc8: {  	[sflag:s17] =	ssyncset.done $0x0  }
0xc9: {  	[sflag:s17] =	ssyncadd.s32 $0xFFFFFB00  }
0xca: {  	_ =	swait.ge [sflag:s17], $0x500  }
0xcb: {  	[sflag:s17] =	ssyncset.done $0x0  }
0xcc: {  	[sflag:s17] =	ssyncadd.s32 $0xFFFFFB00  }
0xcd: {  	_ =	swait.ge [sflag:s17], $0x500  }
0xce: {  	[sflag:s17] =	ssyncset.done $0x0  }
0xcf: {  	[sflag:s17] =	ssyncadd.s32 $0xFFFFFB00  }
0xd0: {  	_ =	swait.ge [sflag:s17], $0x500  }
0xd1: {  	[sflag:s17] =	ssyncset.done $0x0  }
0xd2: {  	[sflag:s17] =	ssyncadd.s32 $0xFFFFFB00  }
0xd3: {  	_ =	swait.ge [sflag:s17], $0x500  }
0xd4: {  	[sflag:s17] =	ssyncset.done $0x0  }
0xd5: {  	[sflag:s17] =	ssyncadd.s32 $0xFFFFFB00  }
0xd6: {  	_ =	swait.ge [sflag:s17], $0x500  }
0xd7: {  	[sflag:s17] =	ssyncset.done $0x0  }
0xd8: {  	[sflag:s17] =	ssyncadd.s32 $0xFFFFFB00  }
0xd9: {  	_ =	swait.ge [sflag:s17], $0x500  }
0xda: {  	[sflag:s17] =	ssyncset.done $0x0  }
0xdb: {  	[sflag:s17] =	ssyncadd.s32 $0xFFFFFB00  }
0xdc: {  	_ =	swait.ge [sflag:s17], $0x500  }
0xdd: {  	[sflag:s17] =	ssyncset.done $0x0  }
0xde: {  	s30 =	simm.s32 $0x0;
	s2 =	rddreg [dreg:$0xa];
	[sflag:s17] =	ssyncadd.s32 $0xFFFFFB00  }
0xdf: {  	[tilespmem:s6], [sflag:$0x8] =	stream.linear.gather [hbm4b:s2+s30], $0x7D0, $0x38;
	[tilespmem:$0x1EF30] =	vst v63  }
0xe0: {  	_ =	swait.ge [sflag:s0], $0x7D0  }
0xe1: {  	[sflag:s0] =	ssyncset.done $0x0  }
0xe2: {  	s2 =	simm.s32 $0x7FD0;
	s3 =	rddreg [dreg:$0xb];
	[sflag:s0] =	ssyncadd.s32 $0xFFFFF830  }
0xe3: {  	[tilespmem:s2], [sflag:$0x8] =	stream.linear.gather [hbm4b:s3+s30], $0x7D0, $0x38;
	[tilespmem:$0x1EF30] =	vst v63  }
0xe4: {  	_ =	swait.ge [sflag:s0], $0x7D0  }
.Ltmp8:
0xe5: {  	[sflag:s0] =	ssyncset.done $0x0;
	(pc) =	sbr.rel .LBB2_9-.Ltmp8, $4  }
0xe6: {  	[sflag:s0] =	ssyncadd.s32 $0xFFFFF830  }
0xe7: {  	[tilespmem:s30], [sflag:$0x1] =	stream.indirect.gather [hbm4b:s1+s28], $0x80, s6, s28, $0xb8;
	[tilespmem:$0x1EF30] =	vst v63  }
0xe8: {  	s24 =	simm.s32 $0x7850;
	s31 =	simm.s32 $0x78A0  }
0xe9: {  	[tilespmem:s10], [sflag:$0x2] =	stream.indirect.gather [hbm4b:s1+s28], $0x80, s24, s28, $0xb8;
	[tilespmem:$0x1EF30] =	vst v63  }
.LBB2_13:
0xea: {  	p1 =	sgt.u32 s30, $0x16  }
0xeb: {  	s3 =	simm.s32 @!p1 $0x5  }
0xec: {  	_ =	swait.ge @!p1 [sflag:s3], $0x2800  }
0xed: {  	[sflag:s3] =	ssyncset.done @!p1 $0x0  }
0xee: {  	s9 =	simm.s32 @!p1 $0x2800;
	[sflag:s3] =	ssyncadd.s32 @!p1 $0xFFFFD800;
	s3 =	simm.s32 @!p1 $0x50  }
0xef: {  	[tilespmem:s9], [sflag:$0x2] =	stream.indirect.gather @!p1 [hbm4b:s1+s3], $0x80, s31, s3, $0xb8;
	[tilespmem:$0x1EF30] =	vst v63  }
0xf0: {  	_ =	swait.ge [sflag:s11], $0x2800  }
0xf1: {  	[sflag:s11] =	ssyncset.done $0x0  }
0xf2: {  	s9 =	smov.u32 s2;
	[sflag:s11] =	ssyncadd.s32 $0xFFFFD800  }
0xf3: {  	[spmem:s4] =	stream.indirect.scatter.add.f32 [tilespmem:s12], [sflag:$0x6], $0x80, s2, s28, $0xb8;
	[tilespmem:$0x1EF30] =	vst v63  }
.LBB2_14:
0xf4: {  	s30 =	sadd.s32 $0x1, s30  }
0xf5: {  	p1 =	sne.s32 s30, $0x19  }
.Ltmp9:
0xf6: {  	_ = 	snop;
	(pc) =	sbr.rel @!p1 .LBB2_15-.Ltmp9, $3  }
0xf7: {  	_ =	sdelay $0x1  }
0xf8: {  	[spmem:s5] =	stream.indirect.scatter.add.f32 [tilespmem:s13], [sflag:$0x7], $0x10, s9, s28, $0xb8;
	[tilespmem:$0x1EF30] =	vst v63  }
0xf9: {  	s2 =	sadd.s32 $0x50, s2;
	s31 =	sadd.s32 $0x50, s31  }
.LBB2_9:
0xfa: {  	s3 =	smul.u32 $0xAB, s30;
	_ =	sdelay $0x1  }
0xfb: {  	s3 =	sshrl.u32 s3, $0x9  }
0xfc: {  	s3 =	sand.u32 $0x7F, s3  }
0xfd: {  	s3 =	smul.u32 $0x3, s3;
	_ =	sdelay $0x1  }
0xfe: {  	s3 =	ssub.s32 s30, s3  }
0xff: {  	s9 =	sand.u32 $0xFF, s3  }
0x100: {  	p1 =	seq.s32 s9, $0x2  }
.Ltmp10:
0x101: {  	_ = 	snop;
	(pc) =	sbr.rel @p1 .LBB2_13-.Ltmp10, $1  }
0x102: {  	_ =	sdelay $0x3  }
0x103: {  	p2 =	seq.s32 s9, $0x1  }
.Ltmp11:
0x104: {  	_ = 	snop;
	(pc) =	sbr.rel @!p2 .LBB2_11-.Ltmp11, $2  }
0x105: {  	_ =	sdelay $0x2  }
0x106: {  	p1 =	slt.u32 s30, $0x17  }
0x107: {  	s3 =	simm.s32 @p1 $0x4  }
0x108: {  	_ =	swait.ge @p1 [sflag:s3], $0x2800  }
0x109: {  	s9 =	simm.s32 @p1 $0x50;
	[sflag:s3] =	ssyncset.done @p1 $0x0  }
0x10a: {  	s24 =	simm.s32 @p1 $0x0;
	[sflag:s3] =	ssyncadd.s32 @p1 $0xFFFFD800;
	s3 =	smul.u32 @p1 $0x140, s30  }
0x10b: {  	[tilespmem:s24], [sflag:$0x1] =	stream.indirect.gather @p1 [hbm4b:s1+s9], $0x80, s31, s9, $0xb8;
	[tilespmem:$0x1EF30] =	vst v63  }
0x10c: {  	s9 =	smul.u32 @!p1 $0x140, s30  }
.Ltmp12:
0x10d: {  	_ =	swait.ge [sflag:s19], $0x2800;
	(pc) =	sbr.rel .LBB2_14-.Ltmp12, $4  }
0x10e: {  	[sflag:s19] =	ssyncset.done $0x0;
	s9 =	smov.u32 @p1 s3  }
0x10f: {  	[sflag:s19] =	ssyncadd.s32 $0xFFFFD800;
	s3 =	sshra.s32 s9, $0x2  }
0x110: {  	[spmem:s4] =	stream.indirect.scatter.add.f32 [tilespmem:s10], [sflag:$0x5], $0x80, s2, s28, $0xb8;
	[tilespmem:$0x1EF30] =	vst v63  }
0x111: {  	s9 =	sadd.s32 $0x7FD0, s3  }
.LBB2_11:
0x112: {  	p2 =	seq.s32 @p1 s30, $0x0  }
0x113: {  	p2 =	por p2, !p1  }
0x114: {  	s3 =	simm.s32 @!p2 $0x6  }
0x115: {  	_ =	swait.ge @!p2 [sflag:s3], $0x2800  }
0x116: {  	s9 =	simm.s32 @p1 $0x50;
	[sflag:s3] =	ssyncset.done @!p2 $0x0  }
0x117: {  	s24 =	simm.s32 @p1 $0x5000;
	[sflag:s3] =	ssyncadd.s32 @!p2 $0xFFFFD800;
	s3 =	smul.u32 @p1 $0x140, s30  }
0x118: {  	[tilespmem:s24], [sflag:$0x3] =	stream.indirect.gather @p1 [hbm4b:s1+s9], $0x80, s31, s9, $0xb8;
	[tilespmem:$0x1EF30] =	vst v63  }
0x119: {  	s9 =	smul.u32 @!p1 $0x140, s30  }
.Ltmp13:
0x11a: {  	_ =	swait.ge [sflag:s21], $0x2800;
	(pc) =	sbr.rel .LBB2_14-.Ltmp13, $4  }
0x11b: {  	[sflag:s21] =	ssyncset.done $0x0;
	s9 =	smov.u32 @p1 s3  }
0x11c: {  	[sflag:s21] =	ssyncadd.s32 $0xFFFFD800;
	s3 =	sshra.s32 s9, $0x2  }
0x11d: {  	[spmem:s4] =	stream.indirect.scatter.add.f32 [tilespmem:s7], [sflag:$0x4], $0x80, s2, s28, $0xb8;
	[tilespmem:$0x1EF30] =	vst v63  }
0x11e: {  	s9 =	sadd.s32 $0x7FD0, s3  }
.LBB2_15:
0x11f: {  	_ =	swait.ge [sflag:s14], $0x2800  }
0x120: {  	[sflag:s14] =	ssyncset.done $0x0  }
0x121: {  	[sflag:s14] =	ssyncadd.s32 $0xFFFFD800  }
0x122: {  	_ =	swait.ge [sflag:s15], $0x2800  }
0x123: {  	[sflag:s15] =	ssyncset.done $0x0  }
0x124: {  	[sflag:s15] =	ssyncadd.s32 $0xFFFFD800  }
0x125: {  	_ =	swait.ge [sflag:s16], $0x2800  }
0x126: {  	[sflag:s16] =	ssyncset.done $0x0  }
0x127: {  	[sflag:s16] =	ssyncadd.s32 $0xFFFFD800  }
0x128: {  	_ =	swait.ge [sflag:s17], $0x500  }
0x129: {  	[sflag:s17] =	ssyncset.done $0x0  }
0x12a: {  	[sflag:s17] =	ssyncadd.s32 $0xFFFFFB00  }
0x12b: {  	_ =	swait.ge [sflag:s17], $0x500  }
0x12c: {  	[sflag:s17] =	ssyncset.done $0x0  }
0x12d: {  	[sflag:s17] =	ssyncadd.s32 $0xFFFFFB00  }
0x12e: {  	_ =	swait.ge [sflag:s17], $0x500  }
0x12f: {  	[sflag:s17] =	ssyncset.done $0x0  }
0x130: {  	[sflag:s17] =	ssyncadd.s32 $0xFFFFFB00  }
0x131: {  	_ =	swait.ge [sflag:s17], $0x500  }
0x132: {  	[sflag:s17] =	ssyncset.done $0x0  }
0x133: {  	[sflag:s17] =	ssyncadd.s32 $0xFFFFFB00  }
0x134: {  	_ =	swait.ge [sflag:s17], $0x500  }
0x135: {  	[sflag:s17] =	ssyncset.done $0x0  }
0x136: {  	[sflag:s17] =	ssyncadd.s32 $0xFFFFFB00  }
0x137: {  	_ =	swait.ge [sflag:s17], $0x500  }
0x138: {  	[sflag:s17] =	ssyncset.done $0x0  }
0x139: {  	[sflag:s17] =	ssyncadd.s32 $0xFFFFFB00  }
0x13a: {  	_ =	swait.ge [sflag:s17], $0x500  }
0x13b: {  	[sflag:s17] =	ssyncset.done $0x0  }
0x13c: {  	[sflag:s17] =	ssyncadd.s32 $0xFFFFFB00  }
0x13d: {  	_ =	swait.ge [sflag:s17], $0x500  }
0x13e: {  	[sflag:s17] =	ssyncset.done $0x0  }
0x13f: {  	[sflag:s17] =	ssyncadd.s32 $0xFFFFFB00  }
0x140: {  	_ =	swait.ge [sflag:s17], $0x500  }
0x141: {  	[sflag:s17] =	ssyncset.done $0x0  }
0x142: {  	[sflag:s17] =	ssyncadd.s32 $0xFFFFFB00  }
0x143: {  	_ =	swait.ge [sflag:s17], $0x500  }
0x144: {  	[sflag:s17] =	ssyncset.done $0x0  }
0x145: {  	[sflag:s17] =	ssyncadd.s32 $0xFFFFFB00  }
0x146: {  	_ =	swait.ge [sflag:s17], $0x500  }
0x147: {  	[sflag:s17] =	ssyncset.done $0x0  }
0x148: {  	[sflag:s17] =	ssyncadd.s32 $0xFFFFFB00  }
0x149: {  	_ =	swait.ge [sflag:s17], $0x500  }
0x14a: {  	[sflag:s17] =	ssyncset.done $0x0  }
0x14b: {  	[sflag:s17] =	ssyncadd.s32 $0xFFFFFB00  }
0x14c: {  	_ =	swait.ge [sflag:s17], $0x500  }
0x14d: {  	[sflag:s17] =	ssyncset.done $0x0  }
0x14e: {  	[sflag:s17] =	ssyncadd.s32 $0xFFFFFB00  }
0x14f: {  	_ =	swait.ge [sflag:s17], $0x500  }
0x150: {  	[sflag:s17] =	ssyncset.done $0x0  }
0x151: {  	[sflag:s17] =	ssyncadd.s32 $0xFFFFFB00  }
0x152: {  	_ =	swait.ge [sflag:s17], $0x500  }
0x153: {  	[sflag:s17] =	ssyncset.done $0x0  }
0x154: {  	[sflag:s17] =	ssyncadd.s32 $0xFFFFFB00  }
0x155: {  	_ =	swait.ge [sflag:s17], $0x500  }
0x156: {  	[sflag:s17] =	ssyncset.done $0x0  }
0x157: {  	[sflag:s17] =	ssyncadd.s32 $0xFFFFFB00  }
0x158: {  	_ =	swait.ge [sflag:s17], $0x500  }
0x159: {  	[sflag:s17] =	ssyncset.done $0x0  }
0x15a: {  	[sflag:s17] =	ssyncadd.s32 $0xFFFFFB00  }
0x15b: {  	_ =	swait.ge [sflag:s17], $0x500  }
0x15c: {  	[sflag:s17] =	ssyncset.done $0x0  }
0x15d: {  	[sflag:s17] =	ssyncadd.s32 $0xFFFFFB00  }
0x15e: {  	_ =	swait.ge [sflag:s17], $0x500  }
0x15f: {  	[sflag:s17] =	ssyncset.done $0x0  }
0x160: {  	[sflag:s17] =	ssyncadd.s32 $0xFFFFFB00  }
0x161: {  	_ =	swait.ge [sflag:s17], $0x500  }
0x162: {  	[sflag:s17] =	ssyncset.done $0x0  }
0x163: {  	[sflag:s17] =	ssyncadd.s32 $0xFFFFFB00  }
0x164: {  	_ =	swait.ge [sflag:s17], $0x500  }
0x165: {  	[sflag:s17] =	ssyncset.done $0x0  }
0x166: {  	[sflag:s17] =	ssyncadd.s32 $0xFFFFFB00  }
0x167: {  	_ =	swait.ge [sflag:s17], $0x500  }
0x168: {  	[sflag:s17] =	ssyncset.done $0x0  }
0x169: {  	[sflag:s17] =	ssyncadd.s32 $0xFFFFFB00  }
0x16a: {  	_ =	swait.ge [sflag:s17], $0x500  }
0x16b: {  	[sflag:s17] =	ssyncset.done $0x0  }
0x16c: {  	[sflag:s17] =	ssyncadd.s32 $0xFFFFFB00  }
0x16d: {  	_ =	swait.ge [sflag:s17], $0x500  }
0x16e: {  	[sflag:s17] =	ssyncset.done $0x0  }
0x16f: {  	[sflag:s17] =	ssyncadd.s32 $0xFFFFFB00  }
0x170: {  	_ =	swait.ge [sflag:s17], $0x500  }
0x171: {  	[sflag:s17] =	ssyncset.done $0x0  }
0x172: {  	s30 =	simm.s32 $0x0;
	s2 =	rddreg [dreg:$0xc];
	[sflag:s17] =	ssyncadd.s32 $0xFFFFFB00  }
0x173: {  	[tilespmem:s6], [sflag:$0x8] =	stream.linear.gather [hbm4b:s2+s30], $0x7D0, $0x38;
	[tilespmem:$0x1EF30] =	vst v63  }
0x174: {  	_ =	swait.ge [sflag:s0], $0x7D0  }
0x175: {  	[sflag:s0] =	ssyncset.done $0x0  }
0x176: {  	s2 =	simm.s32 $0x7FD0;
	s3 =	rddreg [dreg:$0xd];
	[sflag:s0] =	ssyncadd.s32 $0xFFFFF830  }
0x177: {  	[tilespmem:s2], [sflag:$0x8] =	stream.linear.gather [hbm4b:s3+s30], $0x7D0, $0x38;
	[tilespmem:$0x1EF30] =	vst v63  }
0x178: {  	_ =	swait.ge [sflag:s0], $0x7D0  }
.Ltmp14:
0x179: {  	[sflag:s0] =	ssyncset.done $0x0;
	(pc) =	sbr.rel .LBB2_16-.Ltmp14, $4  }
0x17a: {  	[sflag:s0] =	ssyncadd.s32 $0xFFFFF830  }
0x17b: {  	[tilespmem:s30], [sflag:$0x1] =	stream.indirect.gather [hbm4b:s1+s28], $0x80, s6, s28, $0xb8;
	[tilespmem:$0x1EF30] =	vst v63  }
0x17c: {  	s24 =	simm.s32 $0x7850;
	s31 =	simm.s32 $0x78A0  }
0x17d: {  	[tilespmem:s10], [sflag:$0x2] =	stream.indirect.gather [hbm4b:s1+s28], $0x80, s24, s28, $0xb8;
	[tilespmem:$0x1EF30] =	vst v63  }
.LBB2_20:
0x17e: {  	p1 =	sgt.u32 s30, $0x16  }
0x17f: {  	s3 =	simm.s32 @!p1 $0x5  }
0x180: {  	_ =	swait.ge @!p1 [sflag:s3], $0x2800  }
0x181: {  	[sflag:s3] =	ssyncset.done @!p1 $0x0  }
0x182: {  	s9 =	simm.s32 @!p1 $0x2800;
	[sflag:s3] =	ssyncadd.s32 @!p1 $0xFFFFD800;
	s3 =	simm.s32 @!p1 $0x50  }
0x183: {  	[tilespmem:s9], [sflag:$0x2] =	stream.indirect.gather @!p1 [hbm4b:s1+s3], $0x80, s31, s3, $0xb8;
	[tilespmem:$0x1EF30] =	vst v63  }
0x184: {  	_ =	swait.ge [sflag:s11], $0x2800  }
0x185: {  	[sflag:s11] =	ssyncset.done $0x0  }
0x186: {  	s9 =	smov.u32 s2;
	[sflag:s11] =	ssyncadd.s32 $0xFFFFD800  }
0x187: {  	[spmem:s4] =	stream.indirect.scatter.add.f32 [tilespmem:s12], [sflag:$0x6], $0x80, s2, s28, $0xb8;
	[tilespmem:$0x1EF30] =	vst v63  }
.LBB2_21:
0x188: {  	s30 =	sadd.s32 $0x1, s30  }
0x189: {  	p1 =	sne.s32 s30, $0x19  }
.Ltmp15:
0x18a: {  	_ = 	snop;
	(pc) =	sbr.rel @!p1 .LBB2_22-.Ltmp15, $3  }
0x18b: {  	_ =	sdelay $0x1  }
0x18c: {  	[spmem:s5] =	stream.indirect.scatter.add.f32 [tilespmem:s13], [sflag:$0x7], $0x10, s9, s28, $0xb8;
	[tilespmem:$0x1EF30] =	vst v63  }
0x18d: {  	s2 =	sadd.s32 $0x50, s2;
	s31 =	sadd.s32 $0x50, s31  }
.LBB2_16:
0x18e: {  	s3 =	smul.u32 $0xAB, s30;
	_ =	sdelay $0x1  }
0x18f: {  	s3 =	sshrl.u32 s3, $0x9  }
0x190: {  	s3 =	sand.u32 $0x7F, s3  }
0x191: {  	s3 =	smul.u32 $0x3, s3;
	_ =	sdelay $0x1  }
0x192: {  	s3 =	ssub.s32 s30, s3  }
0x193: {  	s9 =	sand.u32 $0xFF, s3  }
0x194: {  	p1 =	seq.s32 s9, $0x2  }
.Ltmp16:
0x195: {  	_ = 	snop;
	(pc) =	sbr.rel @p1 .LBB2_20-.Ltmp16, $1  }
0x196: {  	_ =	sdelay $0x3  }
0x197: {  	p2 =	seq.s32 s9, $0x1  }
.Ltmp17:
0x198: {  	_ = 	snop;
	(pc) =	sbr.rel @!p2 .LBB2_18-.Ltmp17, $2  }
0x199: {  	_ =	sdelay $0x2  }
0x19a: {  	p1 =	slt.u32 s30, $0x17  }
0x19b: {  	s3 =	simm.s32 @p1 $0x4  }
0x19c: {  	_ =	swait.ge @p1 [sflag:s3], $0x2800  }
0x19d: {  	s9 =	simm.s32 @p1 $0x50;
	[sflag:s3] =	ssyncset.done @p1 $0x0  }
0x19e: {  	s24 =	simm.s32 @p1 $0x0;
	[sflag:s3] =	ssyncadd.s32 @p1 $0xFFFFD800;
	s3 =	smul.u32 @p1 $0x140, s30  }
0x19f: {  	[tilespmem:s24], [sflag:$0x1] =	stream.indirect.gather @p1 [hbm4b:s1+s9], $0x80, s31, s9, $0xb8;
	[tilespmem:$0x1EF30] =	vst v63  }
0x1a0: {  	s9 =	smul.u32 @!p1 $0x140, s30  }
.Ltmp18:
0x1a1: {  	_ =	swait.ge [sflag:s19], $0x2800;
	(pc) =	sbr.rel .LBB2_21-.Ltmp18, $4  }
0x1a2: {  	[sflag:s19] =	ssyncset.done $0x0;
	s9 =	smov.u32 @p1 s3  }
0x1a3: {  	[sflag:s19] =	ssyncadd.s32 $0xFFFFD800;
	s3 =	sshra.s32 s9, $0x2  }
0x1a4: {  	[spmem:s4] =	stream.indirect.scatter.add.f32 [tilespmem:s10], [sflag:$0x5], $0x80, s2, s28, $0xb8;
	[tilespmem:$0x1EF30] =	vst v63  }
0x1a5: {  	s9 =	sadd.s32 $0x7FD0, s3  }
.LBB2_18:
0x1a6: {  	p2 =	seq.s32 @p1 s30, $0x0  }
0x1a7: {  	p2 =	por p2, !p1  }
0x1a8: {  	s3 =	simm.s32 @!p2 $0x6  }
0x1a9: {  	_ =	swait.ge @!p2 [sflag:s3], $0x2800  }
0x1aa: {  	s9 =	simm.s32 @p1 $0x50;
	[sflag:s3] =	ssyncset.done @!p2 $0x0  }
0x1ab: {  	s24 =	simm.s32 @p1 $0x5000;
	[sflag:s3] =	ssyncadd.s32 @!p2 $0xFFFFD800;
	s3 =	smul.u32 @p1 $0x140, s30  }
0x1ac: {  	[tilespmem:s24], [sflag:$0x3] =	stream.indirect.gather @p1 [hbm4b:s1+s9], $0x80, s31, s9, $0xb8;
	[tilespmem:$0x1EF30] =	vst v63  }
0x1ad: {  	s9 =	smul.u32 @!p1 $0x140, s30  }
.Ltmp19:
0x1ae: {  	_ =	swait.ge [sflag:s21], $0x2800;
	(pc) =	sbr.rel .LBB2_21-.Ltmp19, $4  }
0x1af: {  	[sflag:s21] =	ssyncset.done $0x0;
	s9 =	smov.u32 @p1 s3  }
0x1b0: {  	[sflag:s21] =	ssyncadd.s32 $0xFFFFD800;
	s3 =	sshra.s32 s9, $0x2  }
0x1b1: {  	[spmem:s4] =	stream.indirect.scatter.add.f32 [tilespmem:s7], [sflag:$0x4], $0x80, s2, s28, $0xb8;
	[tilespmem:$0x1EF30] =	vst v63  }
0x1b2: {  	s9 =	sadd.s32 $0x7FD0, s3  }
.LBB2_22:
0x1b3: {  	_ =	swait.ge [sflag:s14], $0x2800  }
0x1b4: {  	[sflag:s14] =	ssyncset.done $0x0  }
0x1b5: {  	[sflag:s14] =	ssyncadd.s32 $0xFFFFD800  }
0x1b6: {  	_ =	swait.ge [sflag:s15], $0x2800  }
0x1b7: {  	[sflag:s15] =	ssyncset.done $0x0  }
0x1b8: {  	[sflag:s15] =	ssyncadd.s32 $0xFFFFD800  }
0x1b9: {  	_ =	swait.ge [sflag:s16], $0x2800  }
0x1ba: {  	[sflag:s16] =	ssyncset.done $0x0  }
0x1bb: {  	[sflag:s16] =	ssyncadd.s32 $0xFFFFD800  }
0x1bc: {  	_ =	swait.ge [sflag:s17], $0x500  }
0x1bd: {  	[sflag:s17] =	ssyncset.done $0x0  }
0x1be: {  	[sflag:s17] =	ssyncadd.s32 $0xFFFFFB00  }
0x1bf: {  	_ =	swait.ge [sflag:s17], $0x500  }
0x1c0: {  	[sflag:s17] =	ssyncset.done $0x0  }
0x1c1: {  	[sflag:s17] =	ssyncadd.s32 $0xFFFFFB00  }
0x1c2: {  	_ =	swait.ge [sflag:s17], $0x500  }
0x1c3: {  	[sflag:s17] =	ssyncset.done $0x0  }
0x1c4: {  	[sflag:s17] =	ssyncadd.s32 $0xFFFFFB00  }
0x1c5: {  	_ =	swait.ge [sflag:s17], $0x500  }
0x1c6: {  	[sflag:s17] =	ssyncset.done $0x0  }
0x1c7: {  	[sflag:s17] =	ssyncadd.s32 $0xFFFFFB00  }
0x1c8: {  	_ =	swait.ge [sflag:s17], $0x500  }
0x1c9: {  	[sflag:s17] =	ssyncset.done $0x0  }
0x1ca: {  	[sflag:s17] =	ssyncadd.s32 $0xFFFFFB00  }
0x1cb: {  	_ =	swait.ge [sflag:s17], $0x500  }
0x1cc: {  	[sflag:s17] =	ssyncset.done $0x0  }
0x1cd: {  	[sflag:s17] =	ssyncadd.s32 $0xFFFFFB00  }
0x1ce: {  	_ =	swait.ge [sflag:s17], $0x500  }
0x1cf: {  	[sflag:s17] =	ssyncset.done $0x0  }
0x1d0: {  	[sflag:s17] =	ssyncadd.s32 $0xFFFFFB00  }
0x1d1: {  	_ =	swait.ge [sflag:s17], $0x500  }
0x1d2: {  	[sflag:s17] =	ssyncset.done $0x0  }
0x1d3: {  	[sflag:s17] =	ssyncadd.s32 $0xFFFFFB00  }
0x1d4: {  	_ =	swait.ge [sflag:s17], $0x500  }
0x1d5: {  	[sflag:s17] =	ssyncset.done $0x0  }
0x1d6: {  	[sflag:s17] =	ssyncadd.s32 $0xFFFFFB00  }
0x1d7: {  	_ =	swait.ge [sflag:s17], $0x500  }
0x1d8: {  	[sflag:s17] =	ssyncset.done $0x0  }
0x1d9: {  	[sflag:s17] =	ssyncadd.s32 $0xFFFFFB00  }
0x1da: {  	_ =	swait.ge [sflag:s17], $0x500  }
0x1db: {  	[sflag:s17] =	ssyncset.done $0x0  }
0x1dc: {  	[sflag:s17] =	ssyncadd.s32 $0xFFFFFB00  }
0x1dd: {  	_ =	swait.ge [sflag:s17], $0x500  }
0x1de: {  	[sflag:s17] =	ssyncset.done $0x0  }
0x1df: {  	[sflag:s17] =	ssyncadd.s32 $0xFFFFFB00  }
0x1e0: {  	_ =	swait.ge [sflag:s17], $0x500  }
0x1e1: {  	[sflag:s17] =	ssyncset.done $0x0  }
0x1e2: {  	[sflag:s17] =	ssyncadd.s32 $0xFFFFFB00  }
0x1e3: {  	_ =	swait.ge [sflag:s17], $0x500  }
0x1e4: {  	[sflag:s17] =	ssyncset.done $0x0  }
0x1e5: {  	[sflag:s17] =	ssyncadd.s32 $0xFFFFFB00  }
0x1e6: {  	_ =	swait.ge [sflag:s17], $0x500  }
0x1e7: {  	[sflag:s17] =	ssyncset.done $0x0  }
0x1e8: {  	[sflag:s17] =	ssyncadd.s32 $0xFFFFFB00  }
0x1e9: {  	_ =	swait.ge [sflag:s17], $0x500  }
0x1ea: {  	[sflag:s17] =	ssyncset.done $0x0  }
0x1eb: {  	[sflag:s17] =	ssyncadd.s32 $0xFFFFFB00  }
0x1ec: {  	_ =	swait.ge [sflag:s17], $0x500  }
0x1ed: {  	[sflag:s17] =	ssyncset.done $0x0  }
0x1ee: {  	[sflag:s17] =	ssyncadd.s32 $0xFFFFFB00  }
0x1ef: {  	_ =	swait.ge [sflag:s17], $0x500  }
0x1f0: {  	[sflag:s17] =	ssyncset.done $0x0  }
0x1f1: {  	[sflag:s17] =	ssyncadd.s32 $0xFFFFFB00  }
0x1f2: {  	_ =	swait.ge [sflag:s17], $0x500  }
0x1f3: {  	[sflag:s17] =	ssyncset.done $0x0  }
0x1f4: {  	[sflag:s17] =	ssyncadd.s32 $0xFFFFFB00  }
0x1f5: {  	_ =	swait.ge [sflag:s17], $0x500  }
0x1f6: {  	[sflag:s17] =	ssyncset.done $0x0  }
0x1f7: {  	[sflag:s17] =	ssyncadd.s32 $0xFFFFFB00  }
0x1f8: {  	_ =	swait.ge [sflag:s17], $0x500  }
0x1f9: {  	[sflag:s17] =	ssyncset.done $0x0  }
0x1fa: {  	[sflag:s17] =	ssyncadd.s32 $0xFFFFFB00  }
0x1fb: {  	_ =	swait.ge [sflag:s17], $0x500  }
0x1fc: {  	[sflag:s17] =	ssyncset.done $0x0  }
0x1fd: {  	[sflag:s17] =	ssyncadd.s32 $0xFFFFFB00  }
0x1fe: {  	_ =	swait.ge [sflag:s17], $0x500  }
0x1ff: {  	[sflag:s17] =	ssyncset.done $0x0  }
0x200: {  	[sflag:s17] =	ssyncadd.s32 $0xFFFFFB00  }
0x201: {  	_ =	swait.ge [sflag:s17], $0x500  }
0x202: {  	[sflag:s17] =	ssyncset.done $0x0  }
0x203: {  	[sflag:s17] =	ssyncadd.s32 $0xFFFFFB00  }
0x204: {  	_ =	swait.ge [sflag:s17], $0x500  }
0x205: {  	[sflag:s17] =	ssyncset.done $0x0  }
0x206: {  	s30 =	simm.s32 $0x0;
	s2 =	rddreg [dreg:$0xe];
	[sflag:s17] =	ssyncadd.s32 $0xFFFFFB00  }
0x207: {  	[tilespmem:s6], [sflag:$0x8] =	stream.linear.gather [hbm4b:s2+s30], $0x7D0, $0x38;
	[tilespmem:$0x1EF30] =	vst v63  }
0x208: {  	_ =	swait.ge [sflag:s0], $0x7D0  }
0x209: {  	[sflag:s0] =	ssyncset.done $0x0  }
0x20a: {  	s2 =	simm.s32 $0x7FD0;
	s3 =	rddreg [dreg:$0xf];
	[sflag:s0] =	ssyncadd.s32 $0xFFFFF830  }
0x20b: {  	[tilespmem:s2], [sflag:$0x8] =	stream.linear.gather [hbm4b:s3+s30], $0x7D0, $0x38;
	[tilespmem:$0x1EF30] =	vst v63  }
0x20c: {  	_ =	swait.ge [sflag:s0], $0x7D0  }
.Ltmp20:
0x20d: {  	[sflag:s0] =	ssyncset.done $0x0;
	(pc) =	sbr.rel .LBB2_23-.Ltmp20, $4  }
0x20e: {  	[sflag:s0] =	ssyncadd.s32 $0xFFFFF830  }
0x20f: {  	[tilespmem:s30], [sflag:$0x1] =	stream.indirect.gather [hbm4b:s1+s28], $0x80, s6, s28, $0xb8;
	[tilespmem:$0x1EF30] =	vst v63  }
0x210: {  	s24 =	simm.s32 $0x7850;
	s31 =	simm.s32 $0x78A0  }
0x211: {  	[tilespmem:s10], [sflag:$0x2] =	stream.indirect.gather [hbm4b:s1+s28], $0x80, s24, s28, $0xb8;
	[tilespmem:$0x1EF30] =	vst v63  }
.LBB2_27:
0x212: {  	p1 =	sgt.u32 s30, $0x16  }
0x213: {  	s3 =	simm.s32 @!p1 $0x5  }
0x214: {  	_ =	swait.ge @!p1 [sflag:s3], $0x2800  }
0x215: {  	[sflag:s3] =	ssyncset.done @!p1 $0x0  }
0x216: {  	s9 =	simm.s32 @!p1 $0x2800;
	[sflag:s3] =	ssyncadd.s32 @!p1 $0xFFFFD800;
	s3 =	simm.s32 @!p1 $0x50  }
0x217: {  	[tilespmem:s9], [sflag:$0x2] =	stream.indirect.gather @!p1 [hbm4b:s1+s3], $0x80, s31, s3, $0xb8;
	[tilespmem:$0x1EF30] =	vst v63  }
0x218: {  	_ =	swait.ge [sflag:s11], $0x2800  }
0x219: {  	[sflag:s11] =	ssyncset.done $0x0  }
0x21a: {  	s9 =	smov.u32 s2;
	[sflag:s11] =	ssyncadd.s32 $0xFFFFD800  }
0x21b: {  	[spmem:s4] =	stream.indirect.scatter.add.f32 [tilespmem:s12], [sflag:$0x6], $0x80, s2, s28, $0xb8;
	[tilespmem:$0x1EF30] =	vst v63  }
.LBB2_28:
0x21c: {  	s30 =	sadd.s32 $0x1, s30  }
0x21d: {  	p1 =	sne.s32 s30, $0x19  }
.Ltmp21:
0x21e: {  	_ = 	snop;
	(pc) =	sbr.rel @!p1 .LBB2_29-.Ltmp21, $3  }
0x21f: {  	_ =	sdelay $0x1  }
0x220: {  	[spmem:s5] =	stream.indirect.scatter.add.f32 [tilespmem:s13], [sflag:$0x7], $0x10, s9, s28, $0xb8;
	[tilespmem:$0x1EF30] =	vst v63  }
0x221: {  	s2 =	sadd.s32 $0x50, s2;
	s31 =	sadd.s32 $0x50, s31  }
.LBB2_23:
0x222: {  	s3 =	smul.u32 $0xAB, s30;
	_ =	sdelay $0x1  }
0x223: {  	s3 =	sshrl.u32 s3, $0x9  }
0x224: {  	s3 =	sand.u32 $0x7F, s3  }
0x225: {  	s3 =	smul.u32 $0x3, s3;
	_ =	sdelay $0x1  }
0x226: {  	s3 =	ssub.s32 s30, s3  }
0x227: {  	s9 =	sand.u32 $0xFF, s3  }
0x228: {  	p1 =	seq.s32 s9, $0x2  }
.Ltmp22:
0x229: {  	_ = 	snop;
	(pc) =	sbr.rel @p1 .LBB2_27-.Ltmp22, $1  }
0x22a: {  	_ =	sdelay $0x3  }
0x22b: {  	p2 =	seq.s32 s9, $0x1  }
.Ltmp23:
0x22c: {  	_ = 	snop;
	(pc) =	sbr.rel @!p2 .LBB2_25-.Ltmp23, $2  }
0x22d: {  	_ =	sdelay $0x2  }
0x22e: {  	p1 =	slt.u32 s30, $0x17  }
0x22f: {  	s3 =	simm.s32 @p1 $0x4  }
0x230: {  	_ =	swait.ge @p1 [sflag:s3], $0x2800  }
0x231: {  	s9 =	simm.s32 @p1 $0x50;
	[sflag:s3] =	ssyncset.done @p1 $0x0  }
0x232: {  	s24 =	simm.s32 @p1 $0x0;
	[sflag:s3] =	ssyncadd.s32 @p1 $0xFFFFD800;
	s3 =	smul.u32 @p1 $0x140, s30  }
0x233: {  	[tilespmem:s24], [sflag:$0x1] =	stream.indirect.gather @p1 [hbm4b:s1+s9], $0x80, s31, s9, $0xb8;
	[tilespmem:$0x1EF30] =	vst v63  }
0x234: {  	s9 =	smul.u32 @!p1 $0x140, s30  }
.Ltmp24:
0x235: {  	_ =	swait.ge [sflag:s19], $0x2800;
	(pc) =	sbr.rel .LBB2_28-.Ltmp24, $4  }
0x236: {  	[sflag:s19] =	ssyncset.done $0x0;
	s9 =	smov.u32 @p1 s3  }
0x237: {  	[sflag:s19] =	ssyncadd.s32 $0xFFFFD800;
	s3 =	sshra.s32 s9, $0x2  }
0x238: {  	[spmem:s4] =	stream.indirect.scatter.add.f32 [tilespmem:s10], [sflag:$0x5], $0x80, s2, s28, $0xb8;
	[tilespmem:$0x1EF30] =	vst v63  }
0x239: {  	s9 =	sadd.s32 $0x7FD0, s3  }
.LBB2_25:
0x23a: {  	p2 =	seq.s32 @p1 s30, $0x0  }
0x23b: {  	p2 =	por p2, !p1  }
0x23c: {  	s3 =	simm.s32 @!p2 $0x6  }
0x23d: {  	_ =	swait.ge @!p2 [sflag:s3], $0x2800  }
0x23e: {  	s9 =	simm.s32 @p1 $0x50;
	[sflag:s3] =	ssyncset.done @!p2 $0x0  }
0x23f: {  	s24 =	simm.s32 @p1 $0x5000;
	[sflag:s3] =	ssyncadd.s32 @!p2 $0xFFFFD800;
	s3 =	smul.u32 @p1 $0x140, s30  }
0x240: {  	[tilespmem:s24], [sflag:$0x3] =	stream.indirect.gather @p1 [hbm4b:s1+s9], $0x80, s31, s9, $0xb8;
	[tilespmem:$0x1EF30] =	vst v63  }
0x241: {  	s9 =	smul.u32 @!p1 $0x140, s30  }
.Ltmp25:
0x242: {  	_ =	swait.ge [sflag:s21], $0x2800;
	(pc) =	sbr.rel .LBB2_28-.Ltmp25, $4  }
0x243: {  	[sflag:s21] =	ssyncset.done $0x0;
	s9 =	smov.u32 @p1 s3  }
0x244: {  	[sflag:s21] =	ssyncadd.s32 $0xFFFFD800;
	s3 =	sshra.s32 s9, $0x2  }
0x245: {  	[spmem:s4] =	stream.indirect.scatter.add.f32 [tilespmem:s7], [sflag:$0x4], $0x80, s2, s28, $0xb8;
	[tilespmem:$0x1EF30] =	vst v63  }
0x246: {  	s9 =	sadd.s32 $0x7FD0, s3  }
.LBB2_29:
0x247: {  	_ =	swait.ge [sflag:s14], $0x2800  }
0x248: {  	[sflag:s14] =	ssyncset.done $0x0  }
0x249: {  	[sflag:s14] =	ssyncadd.s32 $0xFFFFD800  }
0x24a: {  	_ =	swait.ge [sflag:s15], $0x2800  }
0x24b: {  	[sflag:s15] =	ssyncset.done $0x0  }
0x24c: {  	[sflag:s15] =	ssyncadd.s32 $0xFFFFD800  }
0x24d: {  	_ =	swait.ge [sflag:s16], $0x2800  }
0x24e: {  	[sflag:s16] =	ssyncset.done $0x0  }
0x24f: {  	[sflag:s16] =	ssyncadd.s32 $0xFFFFD800  }
0x250: {  	_ =	swait.ge [sflag:s17], $0x500  }
0x251: {  	[sflag:s17] =	ssyncset.done $0x0  }
0x252: {  	[sflag:s17] =	ssyncadd.s32 $0xFFFFFB00  }
0x253: {  	_ =	swait.ge [sflag:s17], $0x500  }
0x254: {  	[sflag:s17] =	ssyncset.done $0x0  }
0x255: {  	[sflag:s17] =	ssyncadd.s32 $0xFFFFFB00  }
0x256: {  	_ =	swait.ge [sflag:s17], $0x500  }
0x257: {  	[sflag:s17] =	ssyncset.done $0x0  }
0x258: {  	[sflag:s17] =	ssyncadd.s32 $0xFFFFFB00  }
0x259: {  	_ =	swait.ge [sflag:s17], $0x500  }
0x25a: {  	[sflag:s17] =	ssyncset.done $0x0  }
0x25b: {  	[sflag:s17] =	ssyncadd.s32 $0xFFFFFB00  }
0x25c: {  	_ =	swait.ge [sflag:s17], $0x500  }
0x25d: {  	[sflag:s17] =	ssyncset.done $0x0  }
0x25e: {  	[sflag:s17] =	ssyncadd.s32 $0xFFFFFB00  }
0x25f: {  	_ =	swait.ge [sflag:s17], $0x500  }
0x260: {  	[sflag:s17] =	ssyncset.done $0x0  }
0x261: {  	[sflag:s17] =	ssyncadd.s32 $0xFFFFFB00  }
0x262: {  	_ =	swait.ge [sflag:s17], $0x500  }
0x263: {  	[sflag:s17] =	ssyncset.done $0x0  }
0x264: {  	[sflag:s17] =	ssyncadd.s32 $0xFFFFFB00  }
0x265: {  	_ =	swait.ge [sflag:s17], $0x500  }
0x266: {  	[sflag:s17] =	ssyncset.done $0x0  }
0x267: {  	[sflag:s17] =	ssyncadd.s32 $0xFFFFFB00  }
0x268: {  	_ =	swait.ge [sflag:s17], $0x500  }
0x269: {  	[sflag:s17] =	ssyncset.done $0x0  }
0x26a: {  	[sflag:s17] =	ssyncadd.s32 $0xFFFFFB00  }
0x26b: {  	_ =	swait.ge [sflag:s17], $0x500  }
0x26c: {  	[sflag:s17] =	ssyncset.done $0x0  }
0x26d: {  	[sflag:s17] =	ssyncadd.s32 $0xFFFFFB00  }
0x26e: {  	_ =	swait.ge [sflag:s17], $0x500  }
0x26f: {  	[sflag:s17] =	ssyncset.done $0x0  }
0x270: {  	[sflag:s17] =	ssyncadd.s32 $0xFFFFFB00  }
0x271: {  	_ =	swait.ge [sflag:s17], $0x500  }
0x272: {  	[sflag:s17] =	ssyncset.done $0x0  }
0x273: {  	[sflag:s17] =	ssyncadd.s32 $0xFFFFFB00  }
0x274: {  	_ =	swait.ge [sflag:s17], $0x500  }
0x275: {  	[sflag:s17] =	ssyncset.done $0x0  }
0x276: {  	[sflag:s17] =	ssyncadd.s32 $0xFFFFFB00  }
0x277: {  	_ =	swait.ge [sflag:s17], $0x500  }
0x278: {  	[sflag:s17] =	ssyncset.done $0x0  }
0x279: {  	[sflag:s17] =	ssyncadd.s32 $0xFFFFFB00  }
0x27a: {  	_ =	swait.ge [sflag:s17], $0x500  }
0x27b: {  	[sflag:s17] =	ssyncset.done $0x0  }
0x27c: {  	[sflag:s17] =	ssyncadd.s32 $0xFFFFFB00  }
0x27d: {  	_ =	swait.ge [sflag:s17], $0x500  }
0x27e: {  	[sflag:s17] =	ssyncset.done $0x0  }
0x27f: {  	[sflag:s17] =	ssyncadd.s32 $0xFFFFFB00  }
0x280: {  	_ =	swait.ge [sflag:s17], $0x500  }
0x281: {  	[sflag:s17] =	ssyncset.done $0x0  }
0x282: {  	[sflag:s17] =	ssyncadd.s32 $0xFFFFFB00  }
0x283: {  	_ =	swait.ge [sflag:s17], $0x500  }
0x284: {  	[sflag:s17] =	ssyncset.done $0x0  }
0x285: {  	[sflag:s17] =	ssyncadd.s32 $0xFFFFFB00  }
0x286: {  	_ =	swait.ge [sflag:s17], $0x500  }
0x287: {  	[sflag:s17] =	ssyncset.done $0x0  }
0x288: {  	[sflag:s17] =	ssyncadd.s32 $0xFFFFFB00  }
0x289: {  	_ =	swait.ge [sflag:s17], $0x500  }
0x28a: {  	[sflag:s17] =	ssyncset.done $0x0  }
0x28b: {  	[sflag:s17] =	ssyncadd.s32 $0xFFFFFB00  }
0x28c: {  	_ =	swait.ge [sflag:s17], $0x500  }
0x28d: {  	[sflag:s17] =	ssyncset.done $0x0  }
0x28e: {  	[sflag:s17] =	ssyncadd.s32 $0xFFFFFB00  }
0x28f: {  	_ =	swait.ge [sflag:s17], $0x500  }
0x290: {  	[sflag:s17] =	ssyncset.done $0x0  }
0x291: {  	[sflag:s17] =	ssyncadd.s32 $0xFFFFFB00  }
0x292: {  	_ =	swait.ge [sflag:s17], $0x500  }
0x293: {  	[sflag:s17] =	ssyncset.done $0x0  }
0x294: {  	[sflag:s17] =	ssyncadd.s32 $0xFFFFFB00  }
0x295: {  	_ =	swait.ge [sflag:s17], $0x500  }
0x296: {  	[sflag:s17] =	ssyncset.done $0x0  }
0x297: {  	[sflag:s17] =	ssyncadd.s32 $0xFFFFFB00  }
0x298: {  	_ =	swait.ge [sflag:s17], $0x500  }
0x299: {  	[sflag:s17] =	ssyncset.done $0x0  }
0x29a: {  	s30 =	simm.s32 $0x0;
	s2 =	rddreg [dreg:$0x10];
	[sflag:s17] =	ssyncadd.s32 $0xFFFFFB00  }
0x29b: {  	[tilespmem:s6], [sflag:$0x8] =	stream.linear.gather [hbm4b:s2+s30], $0x7D0, $0x38;
	[tilespmem:$0x1EF30] =	vst v63  }
0x29c: {  	_ =	swait.ge [sflag:s0], $0x7D0  }
0x29d: {  	[sflag:s0] =	ssyncset.done $0x0  }
0x29e: {  	s2 =	simm.s32 $0x7FD0;
	s3 =	rddreg [dreg:$0x11];
	[sflag:s0] =	ssyncadd.s32 $0xFFFFF830  }
0x29f: {  	[tilespmem:s2], [sflag:$0x8] =	stream.linear.gather [hbm4b:s3+s30], $0x7D0, $0x38;
	[tilespmem:$0x1EF30] =	vst v63  }
0x2a0: {  	_ =	swait.ge [sflag:s0], $0x7D0  }
.Ltmp26:
0x2a1: {  	[sflag:s0] =	ssyncset.done $0x0;
	(pc) =	sbr.rel .LBB2_30-.Ltmp26, $4  }
0x2a2: {  	[sflag:s0] =	ssyncadd.s32 $0xFFFFF830  }
0x2a3: {  	[tilespmem:s30], [sflag:$0x1] =	stream.indirect.gather [hbm4b:s1+s28], $0x80, s6, s28, $0xb8;
	[tilespmem:$0x1EF30] =	vst v63  }
0x2a4: {  	s24 =	simm.s32 $0x7850;
	s31 =	simm.s32 $0x78A0  }
0x2a5: {  	[tilespmem:s10], [sflag:$0x2] =	stream.indirect.gather [hbm4b:s1+s28], $0x80, s24, s28, $0xb8;
	[tilespmem:$0x1EF30] =	vst v63  }
.LBB2_34:
0x2a6: {  	p1 =	sgt.u32 s30, $0x16  }
0x2a7: {  	s3 =	simm.s32 @!p1 $0x5  }
0x2a8: {  	_ =	swait.ge @!p1 [sflag:s3], $0x2800  }
0x2a9: {  	[sflag:s3] =	ssyncset.done @!p1 $0x0  }
0x2aa: {  	s9 =	simm.s32 @!p1 $0x2800;
	[sflag:s3] =	ssyncadd.s32 @!p1 $0xFFFFD800;
	s3 =	simm.s32 @!p1 $0x50  }
0x2ab: {  	[tilespmem:s9], [sflag:$0x2] =	stream.indirect.gather @!p1 [hbm4b:s1+s3], $0x80, s31, s3, $0xb8;
	[tilespmem:$0x1EF30] =	vst v63  }
0x2ac: {  	_ =	swait.ge [sflag:s11], $0x2800  }
0x2ad: {  	[sflag:s11] =	ssyncset.done $0x0  }
0x2ae: {  	s9 =	smov.u32 s2;
	[sflag:s11] =	ssyncadd.s32 $0xFFFFD800  }
0x2af: {  	[spmem:s4] =	stream.indirect.scatter.add.f32 [tilespmem:s12], [sflag:$0x6], $0x80, s2, s28, $0xb8;
	[tilespmem:$0x1EF30] =	vst v63  }
.LBB2_35:
0x2b0: {  	s30 =	sadd.s32 $0x1, s30  }
0x2b1: {  	p1 =	sne.s32 s30, $0x19  }
.Ltmp27:
0x2b2: {  	_ = 	snop;
	(pc) =	sbr.rel @!p1 .LBB2_36-.Ltmp27, $3  }
0x2b3: {  	_ =	sdelay $0x1  }
0x2b4: {  	[spmem:s5] =	stream.indirect.scatter.add.f32 [tilespmem:s13], [sflag:$0x7], $0x10, s9, s28, $0xb8;
	[tilespmem:$0x1EF30] =	vst v63  }
0x2b5: {  	s2 =	sadd.s32 $0x50, s2;
	s31 =	sadd.s32 $0x50, s31  }
.LBB2_30:
0x2b6: {  	s3 =	smul.u32 $0xAB, s30;
	_ =	sdelay $0x1  }
0x2b7: {  	s3 =	sshrl.u32 s3, $0x9  }
0x2b8: {  	s3 =	sand.u32 $0x7F, s3  }
0x2b9: {  	s3 =	smul.u32 $0x3, s3;
	_ =	sdelay $0x1  }
0x2ba: {  	s3 =	ssub.s32 s30, s3  }
0x2bb: {  	s9 =	sand.u32 $0xFF, s3  }
0x2bc: {  	p1 =	seq.s32 s9, $0x2  }
.Ltmp28:
0x2bd: {  	_ = 	snop;
	(pc) =	sbr.rel @p1 .LBB2_34-.Ltmp28, $1  }
0x2be: {  	_ =	sdelay $0x3  }
0x2bf: {  	p2 =	seq.s32 s9, $0x1  }
.Ltmp29:
0x2c0: {  	_ = 	snop;
	(pc) =	sbr.rel @!p2 .LBB2_32-.Ltmp29, $2  }
0x2c1: {  	_ =	sdelay $0x2  }
0x2c2: {  	p1 =	slt.u32 s30, $0x17  }
0x2c3: {  	s3 =	simm.s32 @p1 $0x4  }
0x2c4: {  	_ =	swait.ge @p1 [sflag:s3], $0x2800  }
0x2c5: {  	s9 =	simm.s32 @p1 $0x50;
	[sflag:s3] =	ssyncset.done @p1 $0x0  }
0x2c6: {  	s24 =	simm.s32 @p1 $0x0;
	[sflag:s3] =	ssyncadd.s32 @p1 $0xFFFFD800;
	s3 =	smul.u32 @p1 $0x140, s30  }
0x2c7: {  	[tilespmem:s24], [sflag:$0x1] =	stream.indirect.gather @p1 [hbm4b:s1+s9], $0x80, s31, s9, $0xb8;
	[tilespmem:$0x1EF30] =	vst v63  }
0x2c8: {  	s9 =	smul.u32 @!p1 $0x140, s30  }
.Ltmp30:
0x2c9: {  	_ =	swait.ge [sflag:s19], $0x2800;
	(pc) =	sbr.rel .LBB2_35-.Ltmp30, $4  }
0x2ca: {  	[sflag:s19] =	ssyncset.done $0x0;
	s9 =	smov.u32 @p1 s3  }
0x2cb: {  	[sflag:s19] =	ssyncadd.s32 $0xFFFFD800;
	s3 =	sshra.s32 s9, $0x2  }
0x2cc: {  	[spmem:s4] =	stream.indirect.scatter.add.f32 [tilespmem:s10], [sflag:$0x5], $0x80, s2, s28, $0xb8;
	[tilespmem:$0x1EF30] =	vst v63  }
0x2cd: {  	s9 =	sadd.s32 $0x7FD0, s3  }
.LBB2_32:
0x2ce: {  	p2 =	seq.s32 @p1 s30, $0x0  }
0x2cf: {  	p2 =	por p2, !p1  }
0x2d0: {  	s3 =	simm.s32 @!p2 $0x6  }
0x2d1: {  	_ =	swait.ge @!p2 [sflag:s3], $0x2800  }
0x2d2: {  	s9 =	simm.s32 @p1 $0x50;
	[sflag:s3] =	ssyncset.done @!p2 $0x0  }
0x2d3: {  	s24 =	simm.s32 @p1 $0x5000;
	[sflag:s3] =	ssyncadd.s32 @!p2 $0xFFFFD800;
	s3 =	smul.u32 @p1 $0x140, s30  }
0x2d4: {  	[tilespmem:s24], [sflag:$0x3] =	stream.indirect.gather @p1 [hbm4b:s1+s9], $0x80, s31, s9, $0xb8;
	[tilespmem:$0x1EF30] =	vst v63  }
0x2d5: {  	s9 =	smul.u32 @!p1 $0x140, s30  }
.Ltmp31:
0x2d6: {  	_ =	swait.ge [sflag:s21], $0x2800;
	(pc) =	sbr.rel .LBB2_35-.Ltmp31, $4  }
0x2d7: {  	[sflag:s21] =	ssyncset.done $0x0;
	s9 =	smov.u32 @p1 s3  }
0x2d8: {  	[sflag:s21] =	ssyncadd.s32 $0xFFFFD800;
	s3 =	sshra.s32 s9, $0x2  }
0x2d9: {  	[spmem:s4] =	stream.indirect.scatter.add.f32 [tilespmem:s7], [sflag:$0x4], $0x80, s2, s28, $0xb8;
	[tilespmem:$0x1EF30] =	vst v63  }
0x2da: {  	s9 =	sadd.s32 $0x7FD0, s3  }
.LBB2_36:
0x2db: {  	_ =	swait.ge [sflag:s14], $0x2800  }
0x2dc: {  	[sflag:s14] =	ssyncset.done $0x0  }
0x2dd: {  	[sflag:s14] =	ssyncadd.s32 $0xFFFFD800  }
0x2de: {  	_ =	swait.ge [sflag:s15], $0x2800  }
0x2df: {  	[sflag:s15] =	ssyncset.done $0x0  }
0x2e0: {  	[sflag:s15] =	ssyncadd.s32 $0xFFFFD800  }
0x2e1: {  	_ =	swait.ge [sflag:s16], $0x2800  }
0x2e2: {  	[sflag:s16] =	ssyncset.done $0x0  }
0x2e3: {  	[sflag:s16] =	ssyncadd.s32 $0xFFFFD800  }
0x2e4: {  	_ =	swait.ge [sflag:s17], $0x500  }
0x2e5: {  	[sflag:s17] =	ssyncset.done $0x0  }
0x2e6: {  	[sflag:s17] =	ssyncadd.s32 $0xFFFFFB00  }
0x2e7: {  	_ =	swait.ge [sflag:s17], $0x500  }
0x2e8: {  	[sflag:s17] =	ssyncset.done $0x0  }
0x2e9: {  	[sflag:s17] =	ssyncadd.s32 $0xFFFFFB00  }
0x2ea: {  	_ =	swait.ge [sflag:s17], $0x500  }
0x2eb: {  	[sflag:s17] =	ssyncset.done $0x0  }
0x2ec: {  	[sflag:s17] =	ssyncadd.s32 $0xFFFFFB00  }
0x2ed: {  	_ =	swait.ge [sflag:s17], $0x500  }
0x2ee: {  	[sflag:s17] =	ssyncset.done $0x0  }
0x2ef: {  	[sflag:s17] =	ssyncadd.s32 $0xFFFFFB00  }
0x2f0: {  	_ =	swait.ge [sflag:s17], $0x500  }
0x2f1: {  	[sflag:s17] =	ssyncset.done $0x0  }
0x2f2: {  	[sflag:s17] =	ssyncadd.s32 $0xFFFFFB00  }
0x2f3: {  	_ =	swait.ge [sflag:s17], $0x500  }
0x2f4: {  	[sflag:s17] =	ssyncset.done $0x0  }
0x2f5: {  	[sflag:s17] =	ssyncadd.s32 $0xFFFFFB00  }
0x2f6: {  	_ =	swait.ge [sflag:s17], $0x500  }
0x2f7: {  	[sflag:s17] =	ssyncset.done $0x0  }
0x2f8: {  	[sflag:s17] =	ssyncadd.s32 $0xFFFFFB00  }
0x2f9: {  	_ =	swait.ge [sflag:s17], $0x500  }
0x2fa: {  	[sflag:s17] =	ssyncset.done $0x0  }
0x2fb: {  	[sflag:s17] =	ssyncadd.s32 $0xFFFFFB00  }
0x2fc: {  	_ =	swait.ge [sflag:s17], $0x500  }
0x2fd: {  	[sflag:s17] =	ssyncset.done $0x0  }
0x2fe: {  	[sflag:s17] =	ssyncadd.s32 $0xFFFFFB00  }
0x2ff: {  	_ =	swait.ge [sflag:s17], $0x500  }
0x300: {  	[sflag:s17] =	ssyncset.done $0x0  }
0x301: {  	[sflag:s17] =	ssyncadd.s32 $0xFFFFFB00  }
0x302: {  	_ =	swait.ge [sflag:s17], $0x500  }
0x303: {  	[sflag:s17] =	ssyncset.done $0x0  }
0x304: {  	[sflag:s17] =	ssyncadd.s32 $0xFFFFFB00  }
0x305: {  	_ =	swait.ge [sflag:s17], $0x500  }
0x306: {  	[sflag:s17] =	ssyncset.done $0x0  }
0x307: {  	[sflag:s17] =	ssyncadd.s32 $0xFFFFFB00  }
0x308: {  	_ =	swait.ge [sflag:s17], $0x500  }
0x309: {  	[sflag:s17] =	ssyncset.done $0x0  }
0x30a: {  	[sflag:s17] =	ssyncadd.s32 $0xFFFFFB00  }
0x30b: {  	_ =	swait.ge [sflag:s17], $0x500  }
0x30c: {  	[sflag:s17] =	ssyncset.done $0x0  }
0x30d: {  	[sflag:s17] =	ssyncadd.s32 $0xFFFFFB00  }
0x30e: {  	_ =	swait.ge [sflag:s17], $0x500  }
0x30f: {  	[sflag:s17] =	ssyncset.done $0x0  }
0x310: {  	[sflag:s17] =	ssyncadd.s32 $0xFFFFFB00  }
0x311: {  	_ =	swait.ge [sflag:s17], $0x500  }
0x312: {  	[sflag:s17] =	ssyncset.done $0x0  }
0x313: {  	[sflag:s17] =	ssyncadd.s32 $0xFFFFFB00  }
0x314: {  	_ =	swait.ge [sflag:s17], $0x500  }
0x315: {  	[sflag:s17] =	ssyncset.done $0x0  }
0x316: {  	[sflag:s17] =	ssyncadd.s32 $0xFFFFFB00  }
0x317: {  	_ =	swait.ge [sflag:s17], $0x500  }
0x318: {  	[sflag:s17] =	ssyncset.done $0x0  }
0x319: {  	[sflag:s17] =	ssyncadd.s32 $0xFFFFFB00  }
0x31a: {  	_ =	swait.ge [sflag:s17], $0x500  }
0x31b: {  	[sflag:s17] =	ssyncset.done $0x0  }
0x31c: {  	[sflag:s17] =	ssyncadd.s32 $0xFFFFFB00  }
0x31d: {  	_ =	swait.ge [sflag:s17], $0x500  }
0x31e: {  	[sflag:s17] =	ssyncset.done $0x0  }
0x31f: {  	[sflag:s17] =	ssyncadd.s32 $0xFFFFFB00  }
0x320: {  	_ =	swait.ge [sflag:s17], $0x500  }
0x321: {  	[sflag:s17] =	ssyncset.done $0x0  }
0x322: {  	[sflag:s17] =	ssyncadd.s32 $0xFFFFFB00  }
0x323: {  	_ =	swait.ge [sflag:s17], $0x500  }
0x324: {  	[sflag:s17] =	ssyncset.done $0x0  }
0x325: {  	[sflag:s17] =	ssyncadd.s32 $0xFFFFFB00  }
0x326: {  	_ =	swait.ge [sflag:s17], $0x500  }
0x327: {  	[sflag:s17] =	ssyncset.done $0x0  }
0x328: {  	[sflag:s17] =	ssyncadd.s32 $0xFFFFFB00  }
0x329: {  	_ =	swait.ge [sflag:s17], $0x500  }
0x32a: {  	[sflag:s17] =	ssyncset.done $0x0  }
0x32b: {  	[sflag:s17] =	ssyncadd.s32 $0xFFFFFB00  }
0x32c: {  	_ =	swait.ge [sflag:s17], $0x500  }
0x32d: {  	[sflag:s17] =	ssyncset.done $0x0  }
0x32e: {  	[sflag:s17] =	ssyncadd.s32 $0xFFFFFB00  }
0x32f: {  	[bflag:$0x0] =	sbarrier.arrive $0xFFFF  }
0x330: {  	s2 =	rddreg [dreg:$0x14]  }
0x331: {  	[hbm:s2], [sflag:s22] =	dma.local [spmem:s26], $0x2700  }
0x332: {  	_ =	swait.ge [sflag:s0], $0x2700  }
0x333: {  	[sflag:s0] =	ssyncset.done $0x0  }
0x334: {  	s2 =	rddreg [dreg:$0x15];
	[sflag:s0] =	ssyncadd.s32 $0xFFFFD900  }
0x335: {  	[hbm:s2], [sflag:s22] =	dma.local @!p0 [spmem:s29], $0x100  }
0x336: {  	s2 =	simm.s32 @!p0 $0x8  }
0x337: {  	_ =	swait.ge @!p0 [sflag:s2], $0x100  }
0x338: {  	[sflag:s2] =	ssyncset.done @!p0 $0x0  }
0x339: {  	[sflag:s2] =	ssyncadd.s32 @!p0 $0xFFFFFF00;
	s2 =	simm.s32 $0x0  }
.LBB2_37:
0x33a: {  	s26 =	smul.u32 $0x30, s2;
	_ =	sdelay $0x1  }
0x33b: {  	s3 =	sadd.s32 s8, s26  }
0x33c: {  	s3 =	sshll.u32 s3, $0x4  }
0x33d: {  	s3 =	sand.u32 $0x3FFFFFF0, s3  }
0x33e: {  	s3 =	sadd.s32 s3, s5  }
0x33f: {  	[tilespmem:s18], [sflag:$0x8] =	stream.linear.gather [spmem:s3], $0x300, $0x38;
	[tilespmem:$0x1EF30] =	vst v63  }
0x340: {  	_ =	swait.ge [sflag:s0], $0x300  }
0x341: {  	[sflag:s0] =	ssyncset.done $0x0  }
0x342: {  	s24 =	simm.s32 $0x0;
	[sflag:s0] =	ssyncadd.s32 $0xFFFFFD00  }
0x343: {  	v0 =	vld [tilespmem:s24+$0x1EC30];
	_ =	sdelay $0x3  }
0x344: {  	s29 =	simm.s32 $0x40  }
0x345: {  	[tilespmem:s29+$0xFFFFFFC0] =	vst v0  }
0x346: {  	[tilespmem:s29+$0xFFFFFFD0] =	vst v0  }
0x347: {  	[tilespmem:s29+$0xFFFFFFE0] =	vst v0  }
0x348: {  	[tilespmem:s29+$0xFFFFFFF0] =	vst v0  }
0x349: {  	[tilespmem:s29+$0x0] =	vst v0  }
0x34a: {  	[tilespmem:s29+$0x10] =	vst v0  }
0x34b: {  	[tilespmem:s29+$0x20] =	vst v0  }
0x34c: {  	s31 =	simm.s32 $0x10;
	s30 =	simm.s32 $0x80;
	[tilespmem:s29+$0x30] =	vst v0  }
.LBB2_38:
0x34d: {  	p1 =	sne.s32 s30, $0xBC0;
	v0 =	vld [tilespmem:s31+$0x1EC30];
	_ =	sdelay $0x3  }
0x34e: {  	s29 =	sadd.s32 $0x80, s29  }
0x34f: {  	[tilespmem:s29+$0xFFFFFFC0] =	vst v0  }
0x350: {  	[tilespmem:s29+$0xFFFFFFD0] =	vst v0  }
0x351: {  	[tilespmem:s29+$0xFFFFFFE0] =	vst v0  }
.Ltmp32:
0x352: {  	[tilespmem:s29+$0xFFFFFFF0] =	vst v0;
	(pc) =	sbr.rel @p1 .LBB2_38-.Ltmp32, $4  }
0x353: {  	[tilespmem:s29+$0x0] =	vst v0  }
0x354: {  	[tilespmem:s29+$0x10] =	vst v0  }
0x355: {  	[tilespmem:s29+$0x20] =	vst v0  }
0x356: {  	s31 =	sshra.s32 s30, $0x2;
	s30 =	sadd.s32 $0x40, s30;
	[tilespmem:s29+$0x30] =	vst v0  }
0x357: {  	v0 =	vld [tilespmem:s31+$0x1EC30];
	_ =	sdelay $0x3  }
0x358: {  	s3 =	sadd.s32 $0x80, s29  }
0x359: {  	[tilespmem:s3+$0xFFFFFFC0] =	vst v0  }
0x35a: {  	[tilespmem:s3+$0xFFFFFFD0] =	vst v0  }
0x35b: {  	[tilespmem:s3+$0xFFFFFFE0] =	vst v0  }
0x35c: {  	[tilespmem:s3+$0xFFFFFFF0] =	vst v0  }
0x35d: {  	[tilespmem:s3+$0x0] =	vst v0  }
0x35e: {  	s9 =	sadd.s32 s23, s26;
	s2 =	sadd.s32 $0x1, s2;
	[tilespmem:s3+$0x10] =	vst v0  }
0x35f: {  	s9 =	sshll.u32 s9, $0x4;
	p1 =	sne.s32 s2, $0xD;
	[tilespmem:s3+$0x20] =	vst v0  }
.Ltmp33:
0x360: {  	s31 =	sadd.s32 s20, s9;
	[tilespmem:s3+$0x30] =	vst v0;
	(pc) =	sbr.rel @p1 .LBB2_37-.Ltmp33, $4  }
0x361: {  	[hbm4b:s31+s7] =	stream.linear.scatter [tilespmem:s7], [sflag:$0x8], $0x1800, $0x38;
	[tilespmem:$0x1EF30] =	vst v63  }
0x362: {  	_ =	swait.ge [sflag:s0], $0x1800  }
0x363: {  	[sflag:s0] =	ssyncset.done $0x0  }
0x364: {  	[sflag:s0] =	ssyncadd.s32 $0xFFFFE800  }
.Ltmp34:
0x365: {  	(pc) =	sbr.rel @p0 .LBB2_44-.Ltmp34, $1  }
0x366: {  	_ =	sdelay $0x3  }
0x367: {  	s2 =	rddreg [dreg:$0x19]  }
0x368: {  	[tilespmem:s18], [sflag:$0x8] =	stream.linear.gather [spmem:s2], $0x100, $0x38;
	[tilespmem:$0x1EF30] =	vst v63  }
0x369: {  	_ =	swait.ge [sflag:s0], $0x100  }
0x36a: {  	[sflag:s0] =	ssyncset.done $0x0  }
0x36b: {  	s31 =	simm.s32 $0x0;
	[sflag:s0] =	ssyncadd.s32 $0xFFFFFF00  }
0x36c: {  	v0 =	vld [tilespmem:s31+$0x1EC30];
	_ =	sdelay $0x3  }
0x36d: {  	s2 =	simm.s32 $0x40  }
0x36e: {  	[tilespmem:s2+$0xFFFFFFC0] =	vst v0  }
0x36f: {  	[tilespmem:s2+$0xFFFFFFD0] =	vst v0  }
0x370: {  	[tilespmem:s2+$0xFFFFFFE0] =	vst v0  }
0x371: {  	[tilespmem:s2+$0xFFFFFFF0] =	vst v0  }
0x372: {  	[tilespmem:s2+$0x0] =	vst v0  }
0x373: {  	[tilespmem:s2+$0x10] =	vst v0  }
0x374: {  	[tilespmem:s2+$0x20] =	vst v0  }
0x375: {  	s29 =	simm.s32 $0x10;
	s26 =	simm.s32 $0x80;
	[tilespmem:s2+$0x30] =	vst v0  }
.LBB2_42:
0x376: {  	p1 =	sne.s32 s26, $0x3C0;
	v0 =	vld [tilespmem:s29+$0x1EC30];
	_ =	sdelay $0x3  }
0x377: {  	s2 =	sadd.s32 $0x80, s2  }
0x378: {  	[tilespmem:s2+$0xFFFFFFC0] =	vst v0  }
0x379: {  	[tilespmem:s2+$0xFFFFFFD0] =	vst v0  }
0x37a: {  	[tilespmem:s2+$0xFFFFFFE0] =	vst v0  }
.Ltmp35:
0x37b: {  	[tilespmem:s2+$0xFFFFFFF0] =	vst v0;
	(pc) =	sbr.rel @p1 .LBB2_42-.Ltmp35, $4  }
0x37c: {  	[tilespmem:s2+$0x0] =	vst v0  }
0x37d: {  	[tilespmem:s2+$0x10] =	vst v0  }
0x37e: {  	[tilespmem:s2+$0x20] =	vst v0  }
0x37f: {  	s29 =	sshra.s32 s26, $0x2;
	s26 =	sadd.s32 $0x40, s26;
	[tilespmem:s2+$0x30] =	vst v0  }
0x380: {  	v0 =	vld [tilespmem:s29+$0x1EC30];
	_ =	sdelay $0x3  }
0x381: {  	s2 =	sadd.s32 $0x80, s2  }
0x382: {  	[tilespmem:s2+$0xFFFFFFC0] =	vst v0  }
0x383: {  	[tilespmem:s2+$0xFFFFFFD0] =	vst v0  }
0x384: {  	[tilespmem:s2+$0xFFFFFFE0] =	vst v0  }
0x385: {  	[tilespmem:s2+$0xFFFFFFF0] =	vst v0  }
0x386: {  	[tilespmem:s2+$0x0] =	vst v0  }
0x387: {  	[tilespmem:s2+$0x10] =	vst v0  }
0x388: {  	[tilespmem:s2+$0x20] =	vst v0  }
.Ltmp36:
0x389: {  	s31 =	rddreg [dreg:$0x16];
	[tilespmem:s2+$0x30] =	vst v0;
	(pc) =	sbr.rel .LBB2_44-.Ltmp36, $4  }
0x38a: {  	[hbm4b:s31+s7] =	stream.linear.scatter [tilespmem:s7], [sflag:$0x8], $0x800, $0x38;
	[tilespmem:$0x1EF30] =	vst v63  }
0x38b: {  	_ =	swait.ge [sflag:s0], $0x800  }
0x38c: {  	[sflag:s0] =	ssyncset.done $0x0  }
0x38d: {  	[sflag:s0] =	ssyncadd.s32 $0xFFFFF800  }
.LBB2_45:
0x38e: {  	_ =	sfence.sel $0x180000  }
0x38f: {  	[bflag:$0x0] =	sbarrier.arrive $0xFFFF  }
0x390: {  	_ =	strace $0x90000047  }
0x391: {  	s0 =	stileid.u32;
	[bflag:$0x2] =	sbarrier.arrive $0xFFFF  }
0x392: {  	p0 =	sne.s32 s0, $0x0;
	s0 =	rddreg [dreg:$0x6]  }
0x393: {  	s0 =	sadd.s32 @!p0 $0x100000, s0  }
0x394: {  	[sflag:s0] =	ssyncadd.tile.s32 @!p0 $0x1;
	_ =	shalt  }
.Lfunc_end2:
_tile_overlayer_lowered:
.L_overlay_start_2:
0x395: {  	(tag) =	ssettag $0x2  }
0x396: {  	s0 =	rddreg [dreg:$0x0];
	s2 =	stileid.u32  }
0x397: {  	s1 =	rddreg [dreg:$0x1];
	p0 =	sne.s32 s2, $0x0  }
0x398: {  	s3 =	rddreg [dreg:$0x2];
	[bflag:$0x3] =	sbarrier.arrive $0xFFFF;
	s2 =	simm.s32 @!p0 $0x1C08  }
0x399: {  	[timem:s3], [sflag:s2] =	dma.local @!p0 [hbm:s0], s1  }
0x39a: {  	s0 =	simm.s32 @!p0 $0x8  }
0x39b: {  	_ =	swait.ge @!p0 [sflag:s0], s1  }
0x39c: {  	s1 =	ssub.s32 @!p0 $0x0, s1;
	[sflag:s0] =	ssyncset.done @!p0 $0x0  }
0x39d: {  	[sflag:s0] =	ssyncadd.s32 @!p0 s1  }
0x39e: {  	[bflag:$0x3] =	sbarrier.arrive $0xFFFF  }
0x39f: {  	_ =	shalt  }

</sc_bundles>
